<compile_context>
chip_gen: v7x
topology: tpu7x:2x2x1
jax: 0.10.2.dev20260603
libtpu: 0.0.44.dev20260713+nightly
codegen_flags: <defaults>
</compile_context>

<pallas_src>
import functools

import numpy as np
import jax
import jax.numpy as jnp
from jax import lax
from jax.experimental import pallas as pl
from jax.experimental.pallas import tpu as pltpu
from jax.experimental.pallas import tpu_sc as plsc

NC, NS, L = 2, 16, 16
NW = NC * NS
G = 40
NSLOT = 10
KLAG = 5


def _pe_table(seq, d):
    k = np.arange(seq, dtype=np.float32)[:, None]
    i = np.arange(d // 2, dtype=np.float32)[None, :]
    ang = k / np.power(10000.0, 2.0 * i / d).astype(np.float32)
    pe = np.zeros((seq, d), dtype=np.float32)
    pe[:, 0::2] = np.sin(ang)
    pe[:, 1::2] = np.cos(ang)
    return pe


@functools.partial(jax.jit, static_argnames=("seq", "d"))
def _build(tokens, table, pe, *, seq, d):
    n = tokens.size
    ng = n // (NW * G)
    gps = seq // G
    npass = ng // NSLOT
    bs = tokens.shape[0]
    rows_per_w = bs // NW
    idx = tokens.reshape(NW, ng, G)

    @functools.partial(
        pl.kernel,
        out_type=jax.ShapeDtypeStruct((bs, seq, d), jnp.float32),
        mesh=plsc.VectorSubcoreMesh(core_axis_name="c", subcore_axis_name="s"),
        scratch_types=[
            pltpu.VMEM((ng, G), jnp.int32),
            pltpu.VMEM((seq, d), jnp.float32),
            pltpu.VMEM((NSLOT, G, d), jnp.float32),
            [pltpu.SemaphoreType.DMA] * NSLOT,
            [pltpu.SemaphoreType.DMA] * NSLOT,
        ],
    )
    def emb(table_hbm, idx_hbm, pe_hbm, out_hbm, idx_v, pe_v, buf, gsems, ssems):
        wid = lax.axis_index("s") * NC + lax.axis_index("c")
        row0 = wid * rows_per_w
        pltpu.sync_copy(idx_hbm.at[wid], idx_v)
        pltpu.sync_copy(pe_hbm, pe_v)

        def fill_and_gather(s, t):
            pe_base = (s % gps) * G

            @plsc.parallel_loop(0, G, unroll=4)
            def _(r):
                for cc in range(d // L):
                    sl = pl.ds(cc * L, L)
                    buf[s, r, sl] = pe_v[pe_base + r, sl]

            pltpu.async_copy(
                table_hbm.at[idx_v.at[t]], buf.at[s], gsems[s], add=True)

        def retire(sr, tr, row, col):
            pltpu.make_async_copy(
                table_hbm.at[idx_v.at[tr]], buf.at[sr], gsems[sr]).wait()
            pltpu.make_async_copy(
                buf.at[sr], out_hbm.at[row, pl.ds(col, G)], ssems[sr]).start()

        def wait_scatter(s):
            pltpu.make_async_copy(
                buf.at[s], out_hbm.at[0, pl.ds(0, G)], ssems[s]).wait()

        def pass_body(k, carry):
            for s in range(NSLOT):
                t = NSLOT * k + s

                @pl.when(k > 0)
                def _():
                    wait_scatter(s)

                fill_and_gather(s, t)

                sr = (s + NSLOT - KLAG) % NSLOT
                tr = t - KLAG
                if s >= KLAG:
                    row = row0 + 2 * k + (s - KLAG) // gps
                    col = ((s - KLAG) % gps) * G
                    retire(sr, tr, row, col)
                else:
                    row = row0 + 2 * (k - 1) + (s + NSLOT - KLAG) // gps
                    col = ((s + NSLOT - KLAG) % gps) * G

                    @pl.when(k > 0)
                    def _():
                        retire(sr, tr, row, col)
            return carry

        lax.fori_loop(0, npass, pass_body, 0)

        for e in range(KLAG):
            tr = ng - KLAG + e
            s2 = tr % NSLOT
            retire(s2, tr, row0 + tr // gps, (tr % gps) * G)
        for s in range(NSLOT):
            wait_scatter(s)

    return emb(table, idx, pe)


def kernel(tokens, table):
    b, s = tokens.shape
    v, d = table.shape
    assert (b * s) % (NW * G * NSLOT) == 0 and s % G == 0 and d % L == 0
    pe = jnp.asarray(_pe_table(s, d))
    return _build(tokens, table, pe, seq=s, d=d)

# --- scband reference (transcript-rebuilt; emitter-appended) ---
"""Pipeline reference for scband-input-embeddings-50998441672862 (READ-ONLY COPY).

The authoritative reference and input builder live on the scoring server;
editing this copy changes nothing except your own understanding.
"""

import jax, jax.numpy as jnp
import numpy as np

VOCAB = 100000
D_MODEL = 128
BATCH = 1024
SEQ = 200


def _positional_encoding(vocab_size, d_model):
    # Vectorized, mathematically identical to the torch double loop:
    # PE[k, 2i]   = sin(k / 10000**(2i/d))
    # PE[k, 2i+1] = cos(k / 10000**(2i/d))
    k = jnp.arange(vocab_size, dtype=jnp.float32)[:, None]
    i = jnp.arange(d_model // 2, dtype=jnp.float32)[None, :]
    angle = k / jnp.power(10000.0, 2.0 * i / d_model)
    pe = jnp.zeros((vocab_size, d_model), dtype=jnp.float32)
    pe = pe.at[:, 0::2].set(jnp.sin(angle))
    pe = pe.at[:, 1::2].set(jnp.cos(angle))
    return pe


def setup_inputs(seed: int = 0) -> dict:
    key = jax.random.key(seed)
    k_tok, k_w = jax.random.split(key)
    tokens = jax.random.randint(k_tok, (BATCH, SEQ), 0, VOCAB, dtype=jnp.int32)
    # nn.Embedding default init: N(0, 1)
    table = jax.random.normal(k_w, (VOCAB, D_MODEL), dtype=jnp.float32)
    return {"tokens": tokens, "table": table}


def reference(tokens, table):
    # tokens is already 2D, matching the torch branch tokens.dim() == 2
    pe = _positional_encoding(table.shape[0], table.shape[1])
    emb = jnp.take(table, tokens, axis=0)  # [B, L, D]
    return emb + pe[: tokens.shape[1]]  # broadcast [L, D] over batch

if __name__ == "__main__":
    import jax
    _d = setup_inputs()
    print(jax.jit(kernel)(*tuple(_d.values())))

</pallas_src>

<mosaic_0001>
#map = affine_map<(d0, d1) -> (0, 0)>
#map1 = affine_map<(d0, d1) -> (0, 0, 0)>
module attributes {stable_mosaic.version = 14 : i64} {
  func.func @emb(%arg0: i32, %arg1: i32, %arg2: memref<100000x128xf32, #tpu.memory_space<hbm>>, %arg3: memref<32x160x40xi32, #tpu.memory_space<hbm>>, %arg4: memref<200x128xf32, #tpu.memory_space<hbm>>, %arg5: memref<1024x200x128xf32, #tpu.memory_space<hbm>>, %arg6: memref<160x40xi32, #tpu.memory_space<vmem>>, %arg7: memref<200x128xf32, #tpu.memory_space<vmem>>, %arg8: memref<10x40x128xf32, #tpu.memory_space<vmem>>, %arg9: memref<!tpu.dma_semaphore, #tpu.memory_space<semaphore_mem>>, %arg10: memref<!tpu.dma_semaphore, #tpu.memory_space<semaphore_mem>>, %arg11: memref<!tpu.dma_semaphore, #tpu.memory_space<semaphore_mem>>, %arg12: memref<!tpu.dma_semaphore, #tpu.memory_space<semaphore_mem>>, %arg13: memref<!tpu.dma_semaphore, #tpu.memory_space<semaphore_mem>>, %arg14: memref<!tpu.dma_semaphore, #tpu.memory_space<semaphore_mem>>, %arg15: memref<!tpu.dma_semaphore, #tpu.memory_space<semaphore_mem>>, %arg16: memref<!tpu.dma_semaphore, #tpu.memory_space<semaphore_mem>>, %arg17: memref<!tpu.dma_semaphore, #tpu.memory_space<semaphore_mem>>, %arg18: memref<!tpu.dma_semaphore, #tpu.memory_space<semaphore_mem>>, %arg19: memref<!tpu.dma_semaphore, #tpu.memory_space<semaphore_mem>>, %arg20: memref<!tpu.dma_semaphore, #tpu.memory_space<semaphore_mem>>, %arg21: memref<!tpu.dma_semaphore, #tpu.memory_space<semaphore_mem>>, %arg22: memref<!tpu.dma_semaphore, #tpu.memory_space<semaphore_mem>>, %arg23: memref<!tpu.dma_semaphore, #tpu.memory_space<semaphore_mem>>, %arg24: memref<!tpu.dma_semaphore, #tpu.memory_space<semaphore_mem>>, %arg25: memref<!tpu.dma_semaphore, #tpu.memory_space<semaphore_mem>>, %arg26: memref<!tpu.dma_semaphore, #tpu.memory_space<semaphore_mem>>, %arg27: memref<!tpu.dma_semaphore, #tpu.memory_space<semaphore_mem>>, %arg28: memref<!tpu.dma_semaphore, #tpu.memory_space<semaphore_mem>>) attributes {dimension_semantics = [#tpu.dimension_semantics<core_parallel>, #tpu.dimension_semantics<subcore_parallel>], iteration_bounds = array<i64: 2, 16>, scalar_prefetch = 0 : i64, scratch_operands = 23 : i64, tpu.core_type = #tpu.core_type<sc_vector_subcore>, window_params = [{transform_indices = #map}, {transform_indices = #map1}, {transform_indices = #map}, {transform_indices = #map1}]} {
    %mul3A = arith.constant 2 : i32
    %mul3A_0 = arith.muli %arg1, %mul3A : i32
    %add3A = arith.addi %mul3A_0, %arg0 : i32
    %mul3A_1 = arith.constant 32 : i32
    %mul3A_2 = arith.muli %add3A, %mul3A_1 : i32
    "tpu.region"() ({
      %run_scoped3A = tpu.sem_alloc : memref<!tpu.dma_semaphore, #tpu.memory_space<semaphore_mem>>
      %dma_start3A_341 = arith.constant 0 : i32
      %dma_start3A_342 = arith.constant 0 : i32
      %dma_start3A_343 = tpu.memref_slice %arg3[%add3A, %dma_start3A_341, %dma_start3A_342] : memref<32x160x40xi32, #tpu.memory_space<hbm>> -> memref<1x160x40xi32, #tpu.memory_space<hbm>>
      %dma_start3A_344 = tpu.memref_squeeze %dma_start3A_343 : memref<1x160x40xi32, #tpu.memory_space<hbm>> -> memref<160x40xi32, #tpu.memory_space<hbm>>
      %dma_start3A_345 = arith.constant 0 : i32
      %dma_start3A_346 = arith.constant 0 : i32
      %dma_start3A_347 = tpu.memref_slice %arg3[%add3A, %dma_start3A_345, %dma_start3A_346] : memref<32x160x40xi32, #tpu.memory_space<hbm>> -> memref<1x160x40xi32, #tpu.memory_space<hbm>>
      %dma_start3A_348 = tpu.memref_squeeze %dma_start3A_347 : memref<1x160x40xi32, #tpu.memory_space<hbm>> -> memref<160x40xi32, #tpu.memory_space<hbm>>
      tpu.enqueue_dma source(%dma_start3A_348 : memref<160x40xi32, #tpu.memory_space<hbm>>) target(%arg6 : memref<160x40xi32, #tpu.memory_space<vmem>>) target_semaphore(%run_scoped3A : memref<!tpu.dma_semaphore, #tpu.memory_space<semaphore_mem>>)
      %dma_wait3A_349 = arith.constant 0 : i32
      %dma_wait3A_350 = arith.constant 0 : i32
      %dma_wait3A_351 = tpu.memref_slice %arg3[%add3A, %dma_wait3A_349, %dma_wait3A_350] : memref<32x160x40xi32, #tpu.memory_space<hbm>> -> memref<1x160x40xi32, #tpu.memory_space<hbm>>
      %dma_wait3A_352 = tpu.memref_squeeze %dma_wait3A_351 : memref<1x160x40xi32, #tpu.memory_space<hbm>> -> memref<160x40xi32, #tpu.memory_space<hbm>>
      %dma_wait3A_353 = arith.constant 0 : i32
      %dma_wait3A_354 = arith.constant 0 : i32
      %dma_wait3A_355 = tpu.memref_slice %arg3[%add3A, %dma_wait3A_353, %dma_wait3A_354] : memref<32x160x40xi32, #tpu.memory_space<hbm>> -> memref<1x160x40xi32, #tpu.memory_space<hbm>>
      %dma_wait3A_356 = tpu.memref_squeeze %dma_wait3A_355 : memref<1x160x40xi32, #tpu.memory_space<hbm>> -> memref<160x40xi32, #tpu.memory_space<hbm>>
      tpu.wait_dma2 semaphore(%run_scoped3A : memref<!tpu.dma_semaphore, #tpu.memory_space<semaphore_mem>>) src(%dma_wait3A_356 : memref<160x40xi32, #tpu.memory_space<hbm>>) dst(%arg6 : memref<160x40xi32, #tpu.memory_space<vmem>>)
      tpu.yield
    }) : () -> ()
    "tpu.region"() ({
      %run_scoped3A = tpu.sem_alloc : memref<!tpu.dma_semaphore, #tpu.memory_space<semaphore_mem>>
      tpu.enqueue_dma source(%arg4 : memref<200x128xf32, #tpu.memory_space<hbm>>) target(%arg7 : memref<200x128xf32, #tpu.memory_space<vmem>>) target_semaphore(%run_scoped3A : memref<!tpu.dma_semaphore, #tpu.memory_space<semaphore_mem>>)
      tpu.wait_dma2 semaphore(%run_scoped3A : memref<!tpu.dma_semaphore, #tpu.memory_space<semaphore_mem>>) src(%arg4 : memref<200x128xf32, #tpu.memory_space<hbm>>) dst(%arg7 : memref<200x128xf32, #tpu.memory_space<vmem>>)
      tpu.yield
    }) : () -> ()
    %scan3A = arith.constant 0 : i32
    %scan3A_3 = arith.constant 0 : i32
    %scan3A_4 = arith.constant 16 : i32
    %scan3A_5 = arith.addi %scan3A_3, %scan3A_4 : i32
    %scan3A_6 = arith.constant 1 : i32
    scf.for %scan3A_341 = %scan3A_3 to %scan3A_5 step %scan3A_6  : i32 {
      %mul3A_342 = arith.constant 10 : i32
      %mul3A_343 = arith.muli %mul3A_342, %scan3A_341 : i32
      %add3A_344 = arith.constant 0 : i32
      %add3A_345 = arith.addi %mul3A_343, %add3A_344 : i32
      %gt3A = arith.constant 0 : i32
      %gt3A_346 = arith.cmpi sgt, %scan3A_341, %gt3A : i32
      %convert_element_type3A = arith.extui %gt3A_346 : i1 to i32
      %cond3A = arith.constant 0 : i32
      %cond3A_347 = arith.cmpi ne, %convert_element_type3A, %cond3A : i32
      scf.if %cond3A_347 {
        %dma_wait3A_812 = arith.constant 0 : i32
        %dma_wait3A_813 = arith.constant 0 : i32
        %dma_wait3A_814 = arith.constant 0 : i32
        %dma_wait3A_815 = arith.constant 0 : i32
        %dma_wait3A_816 = tpu.memref_slice %arg8[%dma_wait3A_812, %dma_wait3A_814, %dma_wait3A_815] : memref<10x40x128xf32, #tpu.memory_space<vmem>> -> memref<1x40x128xf32, #tpu.memory_space<vmem>>
        %dma_wait3A_817 = tpu.memref_squeeze %dma_wait3A_816 : memref<1x40x128xf32, #tpu.memory_space<vmem>> -> memref<40x128xf32, #tpu.memory_space<vmem>>
        %dma_wait3A_818 = arith.constant 0 : i32
        %dma_wait3A_819 = arith.constant 0 : i32
        %dma_wait3A_820 = tpu.memref_slice %arg5[%dma_wait3A_813, %dma_wait3A_818, %dma_wait3A_819] : memref<1024x200x128xf32, #tpu.memory_space<hbm>> -> memref<1x40x128xf32, #tpu.memory_space<hbm>>
        %dma_wait3A_821 = tpu.memref_squeeze %dma_wait3A_820 : memref<1x40x128xf32, #tpu.memory_space<hbm>> -> memref<40x128xf32, #tpu.memory_space<hbm>>
        %dma_wait3A_822 = arith.constant 0 : i32
        %dma_wait3A_823 = arith.constant 0 : i32
        %dma_wait3A_824 = tpu.memref_slice %arg5[%dma_wait3A_813, %dma_wait3A_822, %dma_wait3A_823] : memref<1024x200x128xf32, #tpu.memory_space<hbm>> -> memref<1x40x128xf32, #tpu.memory_space<hbm>>
        %dma_wait3A_825 = tpu.memref_squeeze %dma_wait3A_824 : memref<1x40x128xf32, #tpu.memory_space<hbm>> -> memref<40x128xf32, #tpu.memory_space<hbm>>
        %dma_wait3A_826 = arith.constant 0 : i32
        %dma_wait3A_827 = arith.constant 0 : i32
        %dma_wait3A_828 = tpu.memref_slice %arg8[%dma_wait3A_812, %dma_wait3A_826, %dma_wait3A_827] : memref<10x40x128xf32, #tpu.memory_space<vmem>> -> memref<1x40x128xf32, #tpu.memory_space<vmem>>
        %dma_wait3A_829 = tpu.memref_squeeze %dma_wait3A_828 : memref<1x40x128xf32, #tpu.memory_space<vmem>> -> memref<40x128xf32, #tpu.memory_space<vmem>>
        tpu.wait_dma2 semaphore(%arg19 : memref<!tpu.dma_semaphore, #tpu.memory_space<semaphore_mem>>) src(%dma_wait3A_829 : memref<40x128xf32, #tpu.memory_space<vmem>>) dst(%dma_wait3A_825 : memref<40x128xf32, #tpu.memory_space<hbm>>)
      } else {
      }
      %parallel_loop3A = arith.constant 0 : i32
      %parallel_loop3A_348 = arith.constant 40 : i32
      %parallel_loop3A_349 = arith.constant 1 : i32
      scf.for %parallel_loop3A_812 = %parallel_loop3A to %parallel_loop3A_348 step %parallel_loop3A_349  : i32 {
        %parallel_loop3A_813 = arith.constant 0 : i32
        %parallel_loop3A_814 = arith.addi %parallel_loop3A_813, %parallel_loop3A_812 : i32
        %parallel_loop3A_815 = arith.index_cast %parallel_loop3A_814 : i32 to index
        %parallel_loop3A_816 = arith.constant 0 : index
        %parallel_loop3A_817 = tpu.vector_load %arg7[%parallel_loop3A_815, %parallel_loop3A_816] {strides = array<i32>} : memref<200x128xf32, #tpu.memory_space<vmem>>, vector<1x16xf32>,
        %parallel_loop3A_818 = vector.shape_cast %parallel_loop3A_817 : vector<1x16xf32> to vector<16xf32>
        %parallel_loop3A_819 = arith.constant 0 : i32
        %parallel_loop3A_820 = arith.index_cast %parallel_loop3A_819 : i32 to index
        %parallel_loop3A_821 = arith.index_cast %parallel_loop3A_812 : i32 to index
        %parallel_loop3A_822 = arith.constant 0 : index
        %parallel_loop3A_823 = tpu.vector_load %arg8[%parallel_loop3A_820, %parallel_loop3A_821, %parallel_loop3A_822] {strides = array<i32>} : memref<10x40x128xf32, #tpu.memory_space<vmem>>, vector<1x1x16xf32>,
        %parallel_loop3A_824 = vector.shape_cast %parallel_loop3A_823 : vector<1x1x16xf32> to vector<16xf32>
        %parallel_loop3A_825 = vector.shape_cast %parallel_loop3A_818 : vector<16xf32> to vector<1x1x16xf32>
        tpu.vector_store %arg8[%parallel_loop3A_820, %parallel_loop3A_821, %parallel_loop3A_822], %parallel_loop3A_825 {strides = array<i32>} : memref<10x40x128xf32, #tpu.memory_space<vmem>>, vector<1x1x16xf32>,
        %parallel_loop3A_826 = arith.constant 0 : i32
        %parallel_loop3A_827 = arith.addi %parallel_loop3A_826, %parallel_loop3A_812 : i32
        %parallel_loop3A_828 = arith.index_cast %parallel_loop3A_827 : i32 to index
        %parallel_loop3A_829 = arith.constant 16 : index
        %parallel_loop3A_830 = tpu.vector_load %arg7[%parallel_loop3A_828, %parallel_loop3A_829] {strides = array<i32>} : memref<200x128xf32, #tpu.memory_space<vmem>>, vector<1x16xf32>,
        %parallel_loop3A_831 = vector.shape_cast %parallel_loop3A_830 : vector<1x16xf32> to vector<16xf32>
        %parallel_loop3A_832 = arith.constant 0 : i32
        %parallel_loop3A_833 = arith.index_cast %parallel_loop3A_832 : i32 to index
        %parallel_loop3A_834 = arith.index_cast %parallel_loop3A_812 : i32 to index
        %parallel_loop3A_835 = arith.constant 16 : index
        %parallel_loop3A_836 = tpu.vector_load %arg8[%parallel_loop3A_833, %parallel_loop3A_834, %parallel_loop3A_835] {strides = array<i32>} : memref<10x40x128xf32, #tpu.memory_space<vmem>>, vector<1x1x16xf32>,
        %parallel_loop3A_837 = vector.shape_cast %parallel_loop3A_836 : vector<1x1x16xf32> to vector<16xf32>
        %parallel_loop3A_838 = vector.shape_cast %parallel_loop3A_831 : vector<16xf32> to vector<1x1x16xf32>
        tpu.vector_store %arg8[%parallel_loop3A_833, %parallel_loop3A_834, %parallel_loop3A_835], %parallel_loop3A_838 {strides = array<i32>} : memref<10x40x128xf32, #tpu.memory_space<vmem>>, vector<1x1x16xf32>,
        %parallel_loop3A_839 = arith.constant 0 : i32
        %parallel_loop3A_840 = arith.addi %parallel_loop3A_839, %parallel_loop3A_812 : i32
        %parallel_loop3A_841 = arith.index_cast %parallel_loop3A_840 : i32 to index
        %parallel_loop3A_842 = arith.constant 32 : index
        %parallel_loop3A_843 = tpu.vector_load %arg7[%parallel_loop3A_841, %parallel_loop3A_842] {strides = array<i32>} : memref<200x128xf32, #tpu.memory_space<vmem>>, vector<1x16xf32>,
        %parallel_loop3A_844 = vector.shape_cast %parallel_loop3A_843 : vector<1x16xf32> to vector<16xf32>
        %parallel_loop3A_845 = arith.constant 0 : i32
        %parallel_loop3A_846 = arith.index_cast %parallel_loop3A_845 : i32 to index
        %parallel_loop3A_847 = arith.index_cast %parallel_loop3A_812 : i32 to index
        %parallel_loop3A_848 = arith.constant 32 : index
        %parallel_loop3A_849 = tpu.vector_load %arg8[%parallel_loop3A_846, %parallel_loop3A_847, %parallel_loop3A_848] {strides = array<i32>} : memref<10x40x128xf32, #tpu.memory_space<vmem>>, vector<1x1x16xf32>,
        %parallel_loop3A_850 = vector.shape_cast %parallel_loop3A_849 : vector<1x1x16xf32> to vector<16xf32>
        %parallel_loop3A_851 = vector.shape_cast %parallel_loop3A_844 : vector<16xf32> to vector<1x1x16xf32>
        tpu.vector_store %arg8[%parallel_loop3A_846, %parallel_loop3A_847, %parallel_loop3A_848], %parallel_loop3A_851 {strides = array<i32>} : memref<10x40x128xf32, #tpu.memory_space<vmem>>, vector<1x1x16xf32>,
        %parallel_loop3A_852 = arith.constant 0 : i32
        %parallel_loop3A_853 = arith.addi %parallel_loop3A_852, %parallel_loop3A_812 : i32
        %parallel_loop3A_854 = arith.index_cast %parallel_loop3A_853 : i32 to index
        %parallel_loop3A_855 = arith.constant 48 : index
        %parallel_loop3A_856 = tpu.vector_load %arg7[%parallel_loop3A_854, %parallel_loop3A_855] {strides = array<i32>} : memref<200x128xf32, #tpu.memory_space<vmem>>, vector<1x16xf32>,
        %parallel_loop3A_857 = vector.shape_cast %parallel_loop3A_856 : vector<1x16xf32> to vector<16xf32>
        %parallel_loop3A_858 = arith.constant 0 : i32
        %parallel_loop3A_859 = arith.index_cast %parallel_loop3A_858 : i32 to index
        %parallel_loop3A_860 = arith.index_cast %parallel_loop3A_812 : i32 to index
        %parallel_loop3A_861 = arith.constant 48 : index
        %parallel_loop3A_862 = tpu.vector_load %arg8[%parallel_loop3A_859, %parallel_loop3A_860, %parallel_loop3A_861] {strides = array<i32>} : memref<10x40x128xf32, #tpu.memory_space<vmem>>, vector<1x1x16xf32>,
        %parallel_loop3A_863 = vector.shape_cast %parallel_loop3A_862 : vector<1x1x16xf32> to vector<16xf32>
        %parallel_loop3A_864 = vector.shape_cast %parallel_loop3A_857 : vector<16xf32> to vector<1x1x16xf32>
        tpu.vector_store %arg8[%parallel_loop3A_859, %parallel_loop3A_860, %parallel_loop3A_861], %parallel_loop3A_864 {strides = array<i32>} : memref<10x40x128xf32, #tpu.memory_space<vmem>>, vector<1x1x16xf32>,
        %parallel_loop3A_865 = arith.constant 0 : i32
        %parallel_loop3A_866 = arith.addi %parallel_loop3A_865, %parallel_loop3A_812 : i32
        %parallel_loop3A_867 = arith.index_cast %parallel_loop3A_866 : i32 to index
        %parallel_loop3A_868 = arith.constant 64 : index
        %parallel_loop3A_869 = tpu.vector_load %arg7[%parallel_loop3A_867, %parallel_loop3A_868] {strides = array<i32>} : memref<200x128xf32, #tpu.memory_space<vmem>>, vector<1x16xf32>,
        %parallel_loop3A_870 = vector.shape_cast %parallel_loop3A_869 : vector<1x16xf32> to vector<16xf32>
        %parallel_loop3A_871 = arith.constant 0 : i32
        %parallel_loop3A_872 = arith.index_cast %parallel_loop3A_871 : i32 to index
        %parallel_loop3A_873 = arith.index_cast %parallel_loop3A_812 : i32 to index
        %parallel_loop3A_874 = arith.constant 64 : index
        %parallel_loop3A_875 = tpu.vector_load %arg8[%parallel_loop3A_872, %parallel_loop3A_873, %parallel_loop3A_874] {strides = array<i32>} : memref<10x40x128xf32, #tpu.memory_space<vmem>>, vector<1x1x16xf32>,
        %parallel_loop3A_876 = vector.shape_cast %parallel_loop3A_875 : vector<1x1x16xf32> to vector<16xf32>
        %parallel_loop3A_877 = vector.shape_cast %parallel_loop3A_870 : vector<16xf32> to vector<1x1x16xf32>
        tpu.vector_store %arg8[%parallel_loop3A_872, %parallel_loop3A_873, %parallel_loop3A_874], %parallel_loop3A_877 {strides = array<i32>} : memref<10x40x128xf32, #tpu.memory_space<vmem>>, vector<1x1x16xf32>,
        %parallel_loop3A_878 = arith.constant 0 : i32
        %parallel_loop3A_879 = arith.addi %parallel_loop3A_878, %parallel_loop3A_812 : i32
        %parallel_loop3A_880 = arith.index_cast %parallel_loop3A_879 : i32 to index
        %parallel_loop3A_881 = arith.constant 80 : index
        %parallel_loop3A_882 = tpu.vector_load %arg7[%parallel_loop3A_880, %parallel_loop3A_881] {strides = array<i32>} : memref<200x128xf32, #tpu.memory_space<vmem>>, vector<1x16xf32>,
        %parallel_loop3A_883 = vector.shape_cast %parallel_loop3A_882 : vector<1x16xf32> to vector<16xf32>
        %parallel_loop3A_884 = arith.constant 0 : i32
        %parallel_loop3A_885 = arith.index_cast %parallel_loop3A_884 : i32 to index
        %parallel_loop3A_886 = arith.index_cast %parallel_loop3A_812 : i32 to index
        %parallel_loop3A_887 = arith.constant 80 : index
        %parallel_loop3A_888 = tpu.vector_load %arg8[%parallel_loop3A_885, %parallel_loop3A_886, %parallel_loop3A_887] {strides = array<i32>} : memref<10x40x128xf32, #tpu.memory_space<vmem>>, vector<1x1x16xf32>,
        %parallel_loop3A_889 = vector.shape_cast %parallel_loop3A_888 : vector<1x1x16xf32> to vector<16xf32>
        %parallel_loop3A_890 = vector.shape_cast %parallel_loop3A_883 : vector<16xf32> to vector<1x1x16xf32>
        tpu.vector_store %arg8[%parallel_loop3A_885, %parallel_loop3A_886, %parallel_loop3A_887], %parallel_loop3A_890 {strides = array<i32>} : memref<10x40x128xf32, #tpu.memory_space<vmem>>, vector<1x1x16xf32>,
        %parallel_loop3A_891 = arith.constant 0 : i32
        %parallel_loop3A_892 = arith.addi %parallel_loop3A_891, %parallel_loop3A_812 : i32
        %parallel_loop3A_893 = arith.index_cast %parallel_loop3A_892 : i32 to index
        %parallel_loop3A_894 = arith.constant 96 : index
        %parallel_loop3A_895 = tpu.vector_load %arg7[%parallel_loop3A_893, %parallel_loop3A_894] {strides = array<i32>} : memref<200x128xf32, #tpu.memory_space<vmem>>, vector<1x16xf32>,
        %parallel_loop3A_896 = vector.shape_cast %parallel_loop3A_895 : vector<1x16xf32> to vector<16xf32>
        %parallel_loop3A_897 = arith.constant 0 : i32
        %parallel_loop3A_898 = arith.index_cast %parallel_loop3A_897 : i32 to index
        %parallel_loop3A_899 = arith.index_cast %parallel_loop3A_812 : i32 to index
        %parallel_loop3A_900 = arith.constant 96 : index
        %parallel_loop3A_901 = tpu.vector_load %arg8[%parallel_loop3A_898, %parallel_loop3A_899, %parallel_loop3A_900] {strides = array<i32>} : memref<10x40x128xf32, #tpu.memory_space<vmem>>, vector<1x1x16xf32>,
        %parallel_loop3A_902 = vector.shape_cast %parallel_loop3A_901 : vector<1x1x16xf32> to vector<16xf32>
        %parallel_loop3A_903 = vector.shape_cast %parallel_loop3A_896 : vector<16xf32> to vector<1x1x16xf32>
        tpu.vector_store %arg8[%parallel_loop3A_898, %parallel_loop3A_899, %parallel_loop3A_900], %parallel_loop3A_903 {strides = array<i32>} : memref<10x40x128xf32, #tpu.memory_space<vmem>>, vector<1x1x16xf32>,
        %parallel_loop3A_904 = arith.constant 0 : i32
        %parallel_loop3A_905 = arith.addi %parallel_loop3A_904, %parallel_loop3A_812 : i32
        %parallel_loop3A_906 = arith.index_cast %parallel_loop3A_905 : i32 to index
        %parallel_loop3A_907 = arith.constant 112 : index
        %parallel_loop3A_908 = tpu.vector_load %arg7[%parallel_loop3A_906, %parallel_loop3A_907] {strides = array<i32>} : memref<200x128xf32, #tpu.memory_space<vmem>>, vector<1x16xf32>,
        %parallel_loop3A_909 = vector.shape_cast %parallel_loop3A_908 : vector<1x16xf32> to vector<16xf32>
        %parallel_loop3A_910 = arith.constant 0 : i32
        %parallel_loop3A_911 = arith.index_cast %parallel_loop3A_910 : i32 to index
        %parallel_loop3A_912 = arith.index_cast %parallel_loop3A_812 : i32 to index
        %parallel_loop3A_913 = arith.constant 112 : index
        %parallel_loop3A_914 = tpu.vector_load %arg8[%parallel_loop3A_911, %parallel_loop3A_912, %parallel_loop3A_913] {strides = array<i32>} : memref<10x40x128xf32, #tpu.memory_space<vmem>>, vector<1x1x16xf32>,
        %parallel_loop3A_915 = vector.shape_cast %parallel_loop3A_914 : vector<1x1x16xf32> to vector<16xf32>
        %parallel_loop3A_916 = vector.shape_cast %parallel_loop3A_909 : vector<16xf32> to vector<1x1x16xf32>
        tpu.vector_store %arg8[%parallel_loop3A_911, %parallel_loop3A_912, %parallel_loop3A_913], %parallel_loop3A_916 {strides = array<i32>} : memref<10x40x128xf32, #tpu.memory_space<vmem>>, vector<1x1x16xf32>,
      } {sc.loop_unroll_factor = 4 : i64, sc.parallel_access}
      %dma_start3A_350 = arith.constant 0 : i32
      %dma_start3A_351 = arith.constant 0 : i32
      %dma_start3A_352 = arith.constant 0 : i32
      %dma_start3A_353 = tpu.memref_slice %arg8[%dma_start3A_350, %dma_start3A_351, %dma_start3A_352] : memref<10x40x128xf32, #tpu.memory_space<vmem>> -> memref<1x40x128xf32, #tpu.memory_space<vmem>>
      %dma_start3A_354 = tpu.memref_squeeze %dma_start3A_353 : memref<1x40x128xf32, #tpu.memory_space<vmem>> -> memref<40x128xf32, #tpu.memory_space<vmem>>
      %dma_start3A_355 = arith.constant 0 : i32
      %dma_start3A_356 = tpu.memref_slice %arg6[%add3A_345, %dma_start3A_355] : memref<160x40xi32, #tpu.memory_space<vmem>> -> memref<1x40xi32, #tpu.memory_space<vmem>>
      %dma_start3A_357 = tpu.memref_squeeze %dma_start3A_356 : memref<1x40xi32, #tpu.memory_space<vmem>> -> memref<40xi32, #tpu.memory_space<vmem>>
      %dma_start3A_358 = arith.constant 0 : i32
      %dma_start3A_359 = arith.constant 0 : i32
      %dma_start3A_360 = tpu.memref_slice %arg2[%dma_start3A_358, %dma_start3A_359] : memref<100000x128xf32, #tpu.memory_space<hbm>> -> memref<100000x128xf32, #tpu.memory_space<hbm>>
      tpu.enqueue_indirect_dma source(%dma_start3A_360 : memref<100000x128xf32, #tpu.memory_space<hbm>>) target(%dma_start3A_354 : memref<40x128xf32, #tpu.memory_space<vmem>>) offsets(%dma_start3A_357 : memref<40xi32, #tpu.memory_space<vmem>>) semaphore(%arg9 : memref<!tpu.dma_semaphore, #tpu.memory_space<semaphore_mem>>) {add = true}
      %sub3A = arith.constant 5 : i32
      %sub3A_361 = arith.subi %add3A_345, %sub3A : i32
      %sub3A_362 = arith.constant 1 : i32
      %sub3A_363 = arith.subi %scan3A_341, %sub3A_362 : i32
      %mul3A_364 = arith.constant 2 : i32
      %mul3A_365 = arith.muli %mul3A_364, %sub3A_363 : i32
      %add3A_366 = arith.addi %mul3A_2, %mul3A_365 : i32
      %add3A_367 = arith.constant 1 : i32
      %add3A_368 = arith.addi %add3A_366, %add3A_367 : i32
      %gt3A_369 = arith.constant 0 : i32
      %gt3A_370 = arith.cmpi sgt, %scan3A_341, %gt3A_369 : i32
      %convert_element_type3A_371 = arith.extui %gt3A_370 : i1 to i32
      %cond3A_372 = arith.constant 0 : i32
      %cond3A_373 = arith.cmpi ne, %convert_element_type3A_371, %cond3A_372 : i32
      scf.if %cond3A_373 {
        %dma_wait3A_812 = arith.constant 5 : i32
        %dma_wait3A_813 = arith.constant 0 : i32
        %dma_wait3A_814 = arith.constant 0 : i32
        %dma_wait3A_815 = tpu.memref_slice %arg8[%dma_wait3A_812, %dma_wait3A_813, %dma_wait3A_814] : memref<10x40x128xf32, #tpu.memory_space<vmem>> -> memref<1x40x128xf32, #tpu.memory_space<vmem>>
        %dma_wait3A_816 = tpu.memref_squeeze %dma_wait3A_815 : memref<1x40x128xf32, #tpu.memory_space<vmem>> -> memref<40x128xf32, #tpu.memory_space<vmem>>
        %dma_wait3A_817 = arith.constant 0 : i32
        %dma_wait3A_818 = tpu.memref_slice %arg6[%sub3A_361, %dma_wait3A_817] : memref<160x40xi32, #tpu.memory_space<vmem>> -> memref<1x40xi32, #tpu.memory_space<vmem>>
        %dma_wait3A_819 = tpu.memref_squeeze %dma_wait3A_818 : memref<1x40xi32, #tpu.memory_space<vmem>> -> memref<40xi32, #tpu.memory_space<vmem>>
        %dma_wait3A_820 = arith.constant 0 : i32
        %dma_wait3A_821 = arith.constant 0 : i32
        %dma_wait3A_822 = tpu.memref_slice %arg2[%dma_wait3A_820, %dma_wait3A_821] : memref<100000x128xf32, #tpu.memory_space<hbm>> -> memref<100000x128xf32, #tpu.memory_space<hbm>>
        tpu.wait_indirect_dma semaphore(%arg14 : memref<!tpu.dma_semaphore, #tpu.memory_space<semaphore_mem>>) src(%dma_wait3A_822 : memref<100000x128xf32, #tpu.memory_space<hbm>>) dst(%dma_wait3A_816 : memref<40x128xf32, #tpu.memory_space<vmem>>)
        %dma_start3A_823 = arith.constant 5 : i32
        %dma_start3A_824 = arith.constant 0 : i32
        %dma_start3A_825 = arith.constant 0 : i32
        %dma_start3A_826 = tpu.memref_slice %arg8[%dma_start3A_823, %dma_start3A_824, %dma_start3A_825] : memref<10x40x128xf32, #tpu.memory_space<vmem>> -> memref<1x40x128xf32, #tpu.memory_space<vmem>>
        %dma_start3A_827 = tpu.memref_squeeze %dma_start3A_826 : memref<1x40x128xf32, #tpu.memory_space<vmem>> -> memref<40x128xf32, #tpu.memory_space<vmem>>
        %dma_start3A_828 = arith.constant 0 : i32
        %dma_start3A_829 = arith.constant 0 : i32
        %dma_start3A_830 = tpu.memref_slice %arg5[%add3A_368, %dma_start3A_828, %dma_start3A_829] : memref<1024x200x128xf32, #tpu.memory_space<hbm>> -> memref<1x40x128xf32, #tpu.memory_space<hbm>>
        %dma_start3A_831 = tpu.memref_squeeze %dma_start3A_830 : memref<1x40x128xf32, #tpu.memory_space<hbm>> -> memref<40x128xf32, #tpu.memory_space<hbm>>
        %dma_start3A_832 = arith.constant 0 : i32
        %dma_start3A_833 = arith.constant 0 : i32
        %dma_start3A_834 = tpu.memref_slice %arg5[%add3A_368, %dma_start3A_832, %dma_start3A_833] : memref<1024x200x128xf32, #tpu.memory_space<hbm>> -> memref<1x40x128xf32, #tpu.memory_space<hbm>>
        %dma_start3A_835 = tpu.memref_squeeze %dma_start3A_834 : memref<1x40x128xf32, #tpu.memory_space<hbm>> -> memref<40x128xf32, #tpu.memory_space<hbm>>
        %dma_start3A_836 = arith.constant 0 : i32
        %dma_start3A_837 = arith.constant 0 : i32
        %dma_start3A_838 = tpu.memref_slice %arg8[%dma_start3A_823, %dma_start3A_836, %dma_start3A_837] : memref<10x40x128xf32, #tpu.memory_space<vmem>> -> memref<1x40x128xf32, #tpu.memory_space<vmem>>
        %dma_start3A_839 = tpu.memref_squeeze %dma_start3A_838 : memref<1x40x128xf32, #tpu.memory_space<vmem>> -> memref<40x128xf32, #tpu.memory_space<vmem>>
        tpu.enqueue_dma source(%dma_start3A_839 : memref<40x128xf32, #tpu.memory_space<vmem>>) target(%dma_start3A_835 : memref<40x128xf32, #tpu.memory_space<hbm>>) target_semaphore(%arg24 : memref<!tpu.dma_semaphore, #tpu.memory_space<semaphore_mem>>)
      } else {
      }
      %mul3A_374 = arith.constant 10 : i32
      %mul3A_375 = arith.muli %mul3A_374, %scan3A_341 : i32
      %add3A_376 = arith.constant 1 : i32
      %add3A_377 = arith.addi %mul3A_375, %add3A_376 : i32
      %gt3A_378 = arith.constant 0 : i32
      %gt3A_379 = arith.cmpi sgt, %scan3A_341, %gt3A_378 : i32
      %convert_element_type3A_380 = arith.extui %gt3A_379 : i1 to i32
      %cond3A_381 = arith.constant 0 : i32
      %cond3A_382 = arith.cmpi ne, %convert_element_type3A_380, %cond3A_381 : i32
      scf.if %cond3A_382 {
        %dma_wait3A_812 = arith.constant 1 : i32
        %dma_wait3A_813 = arith.constant 0 : i32
        %dma_wait3A_814 = arith.constant 0 : i32
        %dma_wait3A_815 = arith.constant 0 : i32
        %dma_wait3A_816 = tpu.memref_slice %arg8[%dma_wait3A_812, %dma_wait3A_814, %dma_wait3A_815] : memref<10x40x128xf32, #tpu.memory_space<vmem>> -> memref<1x40x128xf32, #tpu.memory_space<vmem>>
        %dma_wait3A_817 = tpu.memref_squeeze %dma_wait3A_816 : memref<1x40x128xf32, #tpu.memory_space<vmem>> -> memref<40x128xf32, #tpu.memory_space<vmem>>
        %dma_wait3A_818 = arith.constant 0 : i32
        %dma_wait3A_819 = arith.constant 0 : i32
        %dma_wait3A_820 = tpu.memref_slice %arg5[%dma_wait3A_813, %dma_wait3A_818, %dma_wait3A_819] : memref<1024x200x128xf32, #tpu.memory_space<hbm>> -> memref<1x40x128xf32, #tpu.memory_space<hbm>>
        %dma_wait3A_821 = tpu.memref_squeeze %dma_wait3A_820 : memref<1x40x128xf32, #tpu.memory_space<hbm>> -> memref<40x128xf32, #tpu.memory_space<hbm>>
        %dma_wait3A_822 = arith.constant 0 : i32
        %dma_wait3A_823 = arith.constant 0 : i32
        %dma_wait3A_824 = tpu.memref_slice %arg5[%dma_wait3A_813, %dma_wait3A_822, %dma_wait3A_823] : memref<1024x200x128xf32, #tpu.memory_space<hbm>> -> memref<1x40x128xf32, #tpu.memory_space<hbm>>
        %dma_wait3A_825 = tpu.memref_squeeze %dma_wait3A_824 : memref<1x40x128xf32, #tpu.memory_space<hbm>> -> memref<40x128xf32, #tpu.memory_space<hbm>>
        %dma_wait3A_826 = arith.constant 0 : i32
        %dma_wait3A_827 = arith.constant 0 : i32
        %dma_wait3A_828 = tpu.memref_slice %arg8[%dma_wait3A_812, %dma_wait3A_826, %dma_wait3A_827] : memref<10x40x128xf32, #tpu.memory_space<vmem>> -> memref<1x40x128xf32, #tpu.memory_space<vmem>>
        %dma_wait3A_829 = tpu.memref_squeeze %dma_wait3A_828 : memref<1x40x128xf32, #tpu.memory_space<vmem>> -> memref<40x128xf32, #tpu.memory_space<vmem>>
        tpu.wait_dma2 semaphore(%arg20 : memref<!tpu.dma_semaphore, #tpu.memory_space<semaphore_mem>>) src(%dma_wait3A_829 : memref<40x128xf32, #tpu.memory_space<vmem>>) dst(%dma_wait3A_825 : memref<40x128xf32, #tpu.memory_space<hbm>>)
      } else {
      }
      %parallel_loop3A_383 = arith.constant 0 : i32
      %parallel_loop3A_384 = arith.constant 40 : i32
      %parallel_loop3A_385 = arith.constant 1 : i32
      scf.for %parallel_loop3A_812 = %parallel_loop3A_383 to %parallel_loop3A_384 step %parallel_loop3A_385  : i32 {
        %parallel_loop3A_813 = arith.constant 40 : i32
        %parallel_loop3A_814 = arith.addi %parallel_loop3A_813, %parallel_loop3A_812 : i32
        %parallel_loop3A_815 = arith.index_cast %parallel_loop3A_814 : i32 to index
        %parallel_loop3A_816 = arith.constant 0 : index
        %parallel_loop3A_817 = tpu.vector_load %arg7[%parallel_loop3A_815, %parallel_loop3A_816] {strides = array<i32>} : memref<200x128xf32, #tpu.memory_space<vmem>>, vector<1x16xf32>,
        %parallel_loop3A_818 = vector.shape_cast %parallel_loop3A_817 : vector<1x16xf32> to vector<16xf32>
        %parallel_loop3A_819 = arith.constant 1 : i32
        %parallel_loop3A_820 = arith.index_cast %parallel_loop3A_819 : i32 to index
        %parallel_loop3A_821 = arith.index_cast %parallel_loop3A_812 : i32 to index
        %parallel_loop3A_822 = arith.constant 0 : index
        %parallel_loop3A_823 = tpu.vector_load %arg8[%parallel_loop3A_820, %parallel_loop3A_821, %parallel_loop3A_822] {strides = array<i32>} : memref<10x40x128xf32, #tpu.memory_space<vmem>>, vector<1x1x16xf32>,
        %parallel_loop3A_824 = vector.shape_cast %parallel_loop3A_823 : vector<1x1x16xf32> to vector<16xf32>
        %parallel_loop3A_825 = vector.shape_cast %parallel_loop3A_818 : vector<16xf32> to vector<1x1x16xf32>
        tpu.vector_store %arg8[%parallel_loop3A_820, %parallel_loop3A_821, %parallel_loop3A_822], %parallel_loop3A_825 {strides = array<i32>} : memref<10x40x128xf32, #tpu.memory_space<vmem>>, vector<1x1x16xf32>,
        %parallel_loop3A_826 = arith.constant 40 : i32
        %parallel_loop3A_827 = arith.addi %parallel_loop3A_826, %parallel_loop3A_812 : i32
        %parallel_loop3A_828 = arith.index_cast %parallel_loop3A_827 : i32 to index
        %parallel_loop3A_829 = arith.constant 16 : index
        %parallel_loop3A_830 = tpu.vector_load %arg7[%parallel_loop3A_828, %parallel_loop3A_829] {strides = array<i32>} : memref<200x128xf32, #tpu.memory_space<vmem>>, vector<1x16xf32>,
        %parallel_loop3A_831 = vector.shape_cast %parallel_loop3A_830 : vector<1x16xf32> to vector<16xf32>
        %parallel_loop3A_832 = arith.constant 1 : i32
        %parallel_loop3A_833 = arith.index_cast %parallel_loop3A_832 : i32 to index
        %parallel_loop3A_834 = arith.index_cast %parallel_loop3A_812 : i32 to index
        %parallel_loop3A_835 = arith.constant 16 : index
        %parallel_loop3A_836 = tpu.vector_load %arg8[%parallel_loop3A_833, %parallel_loop3A_834, %parallel_loop3A_835] {strides = array<i32>} : memref<10x40x128xf32, #tpu.memory_space<vmem>>, vector<1x1x16xf32>,
        %parallel_loop3A_837 = vector.shape_cast %parallel_loop3A_836 : vector<1x1x16xf32> to vector<16xf32>
        %parallel_loop3A_838 = vector.shape_cast %parallel_loop3A_831 : vector<16xf32> to vector<1x1x16xf32>
        tpu.vector_store %arg8[%parallel_loop3A_833, %parallel_loop3A_834, %parallel_loop3A_835], %parallel_loop3A_838 {strides = array<i32>} : memref<10x40x128xf32, #tpu.memory_space<vmem>>, vector<1x1x16xf32>,
        %parallel_loop3A_839 = arith.constant 40 : i32
        %parallel_loop3A_840 = arith.addi %parallel_loop3A_839, %parallel_loop3A_812 : i32
        %parallel_loop3A_841 = arith.index_cast %parallel_loop3A_840 : i32 to index
        %parallel_loop3A_842 = arith.constant 32 : index
        %parallel_loop3A_843 = tpu.vector_load %arg7[%parallel_loop3A_841, %parallel_loop3A_842] {strides = array<i32>} : memref<200x128xf32, #tpu.memory_space<vmem>>, vector<1x16xf32>,
        %parallel_loop3A_844 = vector.shape_cast %parallel_loop3A_843 : vector<1x16xf32> to vector<16xf32>
        %parallel_loop3A_845 = arith.constant 1 : i32
        %parallel_loop3A_846 = arith.index_cast %parallel_loop3A_845 : i32 to index
        %parallel_loop3A_847 = arith.index_cast %parallel_loop3A_812 : i32 to index
        %parallel_loop3A_848 = arith.constant 32 : index
        %parallel_loop3A_849 = tpu.vector_load %arg8[%parallel_loop3A_846, %parallel_loop3A_847, %parallel_loop3A_848] {strides = array<i32>} : memref<10x40x128xf32, #tpu.memory_space<vmem>>, vector<1x1x16xf32>,
        %parallel_loop3A_850 = vector.shape_cast %parallel_loop3A_849 : vector<1x1x16xf32> to vector<16xf32>
        %parallel_loop3A_851 = vector.shape_cast %parallel_loop3A_844 : vector<16xf32> to vector<1x1x16xf32>
        tpu.vector_store %arg8[%parallel_loop3A_846, %parallel_loop3A_847, %parallel_loop3A_848], %parallel_loop3A_851 {strides = array<i32>} : memref<10x40x128xf32, #tpu.memory_space<vmem>>, vector<1x1x16xf32>,
        %parallel_loop3A_852 = arith.constant 40 : i32
        %parallel_loop3A_853 = arith.addi %parallel_loop3A_852, %parallel_loop3A_812 : i32
        %parallel_loop3A_854 = arith.index_cast %parallel_loop3A_853 : i32 to index
        %parallel_loop3A_855 = arith.constant 48 : index
        %parallel_loop3A_856 = tpu.vector_load %arg7[%parallel_loop3A_854, %parallel_loop3A_855] {strides = array<i32>} : memref<200x128xf32, #tpu.memory_space<vmem>>, vector<1x16xf32>,
        %parallel_loop3A_857 = vector.shape_cast %parallel_loop3A_856 : vector<1x16xf32> to vector<16xf32>
        %parallel_loop3A_858 = arith.constant 1 : i32
        %parallel_loop3A_859 = arith.index_cast %parallel_loop3A_858 : i32 to index
        %parallel_loop3A_860 = arith.index_cast %parallel_loop3A_812 : i32 to index
        %parallel_loop3A_861 = arith.constant 48 : index
        %parallel_loop3A_862 = tpu.vector_load %arg8[%parallel_loop3A_859, %parallel_loop3A_860, %parallel_loop3A_861] {strides = array<i32>} : memref<10x40x128xf32, #tpu.memory_space<vmem>>, vector<1x1x16xf32>,
        %parallel_loop3A_863 = vector.shape_cast %parallel_loop3A_862 : vector<1x1x16xf32> to vector<16xf32>
        %parallel_loop3A_864 = vector.shape_cast %parallel_loop3A_857 : vector<16xf32> to vector<1x1x16xf32>
        tpu.vector_store %arg8[%parallel_loop3A_859, %parallel_loop3A_860, %parallel_loop3A_861], %parallel_loop3A_864 {strides = array<i32>} : memref<10x40x128xf32, #tpu.memory_space<vmem>>, vector<1x1x16xf32>,
        %parallel_loop3A_865 = arith.constant 40 : i32
        %parallel_loop3A_866 = arith.addi %parallel_loop3A_865, %parallel_loop3A_812 : i32
        %parallel_loop3A_867 = arith.index_cast %parallel_loop3A_866 : i32 to index
        %parallel_loop3A_868 = arith.constant 64 : index
        %parallel_loop3A_869 = tpu.vector_load %arg7[%parallel_loop3A_867, %parallel_loop3A_868] {strides = array<i32>} : memref<200x128xf32, #tpu.memory_space<vmem>>, vector<1x16xf32>,
        %parallel_loop3A_870 = vector.shape_cast %parallel_loop3A_869 : vector<1x16xf32> to vector<16xf32>
        %parallel_loop3A_871 = arith.constant 1 : i32
        %parallel_loop3A_872 = arith.index_cast %parallel_loop3A_871 : i32 to index
        %parallel_loop3A_873 = arith.index_cast %parallel_loop3A_812 : i32 to index
        %parallel_loop3A_874 = arith.constant 64 : index
        %parallel_loop3A_875 = tpu.vector_load %arg8[%parallel_loop3A_872, %parallel_loop3A_873, %parallel_loop3A_874] {strides = array<i32>} : memref<10x40x128xf32, #tpu.memory_space<vmem>>, vector<1x1x16xf32>,
        %parallel_loop3A_876 = vector.shape_cast %parallel_loop3A_875 : vector<1x1x16xf32> to vector<16xf32>
        %parallel_loop3A_877 = vector.shape_cast %parallel_loop3A_870 : vector<16xf32> to vector<1x1x16xf32>
        tpu.vector_store %arg8[%parallel_loop3A_872, %parallel_loop3A_873, %parallel_loop3A_874], %parallel_loop3A_877 {strides = array<i32>} : memref<10x40x128xf32, #tpu.memory_space<vmem>>, vector<1x1x16xf32>,
        %parallel_loop3A_878 = arith.constant 40 : i32
        %parallel_loop3A_879 = arith.addi %parallel_loop3A_878, %parallel_loop3A_812 : i32
        %parallel_loop3A_880 = arith.index_cast %parallel_loop3A_879 : i32 to index
        %parallel_loop3A_881 = arith.constant 80 : index
        %parallel_loop3A_882 = tpu.vector_load %arg7[%parallel_loop3A_880, %parallel_loop3A_881] {strides = array<i32>} : memref<200x128xf32, #tpu.memory_space<vmem>>, vector<1x16xf32>,
        %parallel_loop3A_883 = vector.shape_cast %parallel_loop3A_882 : vector<1x16xf32> to vector<16xf32>
        %parallel_loop3A_884 = arith.constant 1 : i32
        %parallel_loop3A_885 = arith.index_cast %parallel_loop3A_884 : i32 to index
        %parallel_loop3A_886 = arith.index_cast %parallel_loop3A_812 : i32 to index
        %parallel_loop3A_887 = arith.constant 80 : index
        %parallel_loop3A_888 = tpu.vector_load %arg8[%parallel_loop3A_885, %parallel_loop3A_886, %parallel_loop3A_887] {strides = array<i32>} : memref<10x40x128xf32, #tpu.memory_space<vmem>>, vector<1x1x16xf32>,
        %parallel_loop3A_889 = vector.shape_cast %parallel_loop3A_888 : vector<1x1x16xf32> to vector<16xf32>
        %parallel_loop3A_890 = vector.shape_cast %parallel_loop3A_883 : vector<16xf32> to vector<1x1x16xf32>
        tpu.vector_store %arg8[%parallel_loop3A_885, %parallel_loop3A_886, %parallel_loop3A_887], %parallel_loop3A_890 {strides = array<i32>} : memref<10x40x128xf32, #tpu.memory_space<vmem>>, vector<1x1x16xf32>,
        %parallel_loop3A_891 = arith.constant 40 : i32
        %parallel_loop3A_892 = arith.addi %parallel_loop3A_891, %parallel_loop3A_812 : i32
        %parallel_loop3A_893 = arith.index_cast %parallel_loop3A_892 : i32 to index
        %parallel_loop3A_894 = arith.constant 96 : index
        %parallel_loop3A_895 = tpu.vector_load %arg7[%parallel_loop3A_893, %parallel_loop3A_894] {strides = array<i32>} : memref<200x128xf32, #tpu.memory_space<vmem>>, vector<1x16xf32>,
        %parallel_loop3A_896 = vector.shape_cast %parallel_loop3A_895 : vector<1x16xf32> to vector<16xf32>
        %parallel_loop3A_897 = arith.constant 1 : i32
        %parallel_loop3A_898 = arith.index_cast %parallel_loop3A_897 : i32 to index
        %parallel_loop3A_899 = arith.index_cast %parallel_loop3A_812 : i32 to index
        %parallel_loop3A_900 = arith.constant 96 : index
        %parallel_loop3A_901 = tpu.vector_load %arg8[%parallel_loop3A_898, %parallel_loop3A_899, %parallel_loop3A_900] {strides = array<i32>} : memref<10x40x128xf32, #tpu.memory_space<vmem>>, vector<1x1x16xf32>,
        %parallel_loop3A_902 = vector.shape_cast %parallel_loop3A_901 : vector<1x1x16xf32> to vector<16xf32>
        %parallel_loop3A_903 = vector.shape_cast %parallel_loop3A_896 : vector<16xf32> to vector<1x1x16xf32>
        tpu.vector_store %arg8[%parallel_loop3A_898, %parallel_loop3A_899, %parallel_loop3A_900], %parallel_loop3A_903 {strides = array<i32>} : memref<10x40x128xf32, #tpu.memory_space<vmem>>, vector<1x1x16xf32>,
        %parallel_loop3A_904 = arith.constant 40 : i32
        %parallel_loop3A_905 = arith.addi %parallel_loop3A_904, %parallel_loop3A_812 : i32
        %parallel_loop3A_906 = arith.index_cast %parallel_loop3A_905 : i32 to index
        %parallel_loop3A_907 = arith.constant 112 : index
        %parallel_loop3A_908 = tpu.vector_load %arg7[%parallel_loop3A_906, %parallel_loop3A_907] {strides = array<i32>} : memref<200x128xf32, #tpu.memory_space<vmem>>, vector<1x16xf32>,
        %parallel_loop3A_909 = vector.shape_cast %parallel_loop3A_908 : vector<1x16xf32> to vector<16xf32>
        %parallel_loop3A_910 = arith.constant 1 : i32
        %parallel_loop3A_911 = arith.index_cast %parallel_loop3A_910 : i32 to index
        %parallel_loop3A_912 = arith.index_cast %parallel_loop3A_812 : i32 to index
        %parallel_loop3A_913 = arith.constant 112 : index
        %parallel_loop3A_914 = tpu.vector_load %arg8[%parallel_loop3A_911, %parallel_loop3A_912, %parallel_loop3A_913] {strides = array<i32>} : memref<10x40x128xf32, #tpu.memory_space<vmem>>, vector<1x1x16xf32>,
        %parallel_loop3A_915 = vector.shape_cast %parallel_loop3A_914 : vector<1x1x16xf32> to vector<16xf32>
        %parallel_loop3A_916 = vector.shape_cast %parallel_loop3A_909 : vector<16xf32> to vector<1x1x16xf32>
        tpu.vector_store %arg8[%parallel_loop3A_911, %parallel_loop3A_912, %parallel_loop3A_913], %parallel_loop3A_916 {strides = array<i32>} : memref<10x40x128xf32, #tpu.memory_space<vmem>>, vector<1x1x16xf32>,
      } {sc.loop_unroll_factor = 4 : i64, sc.parallel_access}
      %dma_start3A_386 = arith.constant 1 : i32
      %dma_start3A_387 = arith.constant 0 : i32
      %dma_start3A_388 = arith.constant 0 : i32
      %dma_start3A_389 = tpu.memref_slice %arg8[%dma_start3A_386, %dma_start3A_387, %dma_start3A_388] : memref<10x40x128xf32, #tpu.memory_space<vmem>> -> memref<1x40x128xf32, #tpu.memory_space<vmem>>
      %dma_start3A_390 = tpu.memref_squeeze %dma_start3A_389 : memref<1x40x128xf32, #tpu.memory_space<vmem>> -> memref<40x128xf32, #tpu.memory_space<vmem>>
      %dma_start3A_391 = arith.constant 0 : i32
      %dma_start3A_392 = tpu.memref_slice %arg6[%add3A_377, %dma_start3A_391] : memref<160x40xi32, #tpu.memory_space<vmem>> -> memref<1x40xi32, #tpu.memory_space<vmem>>
      %dma_start3A_393 = tpu.memref_squeeze %dma_start3A_392 : memref<1x40xi32, #tpu.memory_space<vmem>> -> memref<40xi32, #tpu.memory_space<vmem>>
      %dma_start3A_394 = arith.constant 0 : i32
      %dma_start3A_395 = arith.constant 0 : i32
      %dma_start3A_396 = tpu.memref_slice %arg2[%dma_start3A_394, %dma_start3A_395] : memref<100000x128xf32, #tpu.memory_space<hbm>> -> memref<100000x128xf32, #tpu.memory_space<hbm>>
      tpu.enqueue_indirect_dma source(%dma_start3A_396 : memref<100000x128xf32, #tpu.memory_space<hbm>>) target(%dma_start3A_390 : memref<40x128xf32, #tpu.memory_space<vmem>>) offsets(%dma_start3A_393 : memref<40xi32, #tpu.memory_space<vmem>>) semaphore(%arg10 : memref<!tpu.dma_semaphore, #tpu.memory_space<semaphore_mem>>) {add = true}
      %sub3A_397 = arith.constant 5 : i32
      %sub3A_398 = arith.subi %add3A_377, %sub3A_397 : i32
      %sub3A_399 = arith.constant 1 : i32
      %sub3A_400 = arith.subi %scan3A_341, %sub3A_399 : i32
      %mul3A_401 = arith.constant 2 : i32
      %mul3A_402 = arith.muli %mul3A_401, %sub3A_400 : i32
      %add3A_403 = arith.addi %mul3A_2, %mul3A_402 : i32
      %add3A_404 = arith.constant 1 : i32
      %add3A_405 = arith.addi %add3A_403, %add3A_404 : i32
      %gt3A_406 = arith.constant 0 : i32
      %gt3A_407 = arith.cmpi sgt, %scan3A_341, %gt3A_406 : i32
      %convert_element_type3A_408 = arith.extui %gt3A_407 : i1 to i32
      %cond3A_409 = arith.constant 0 : i32
      %cond3A_410 = arith.cmpi ne, %convert_element_type3A_408, %cond3A_409 : i32
      scf.if %cond3A_410 {
        %dma_wait3A_812 = arith.constant 6 : i32
        %dma_wait3A_813 = arith.constant 0 : i32
        %dma_wait3A_814 = arith.constant 0 : i32
        %dma_wait3A_815 = tpu.memref_slice %arg8[%dma_wait3A_812, %dma_wait3A_813, %dma_wait3A_814] : memref<10x40x128xf32, #tpu.memory_space<vmem>> -> memref<1x40x128xf32, #tpu.memory_space<vmem>>
        %dma_wait3A_816 = tpu.memref_squeeze %dma_wait3A_815 : memref<1x40x128xf32, #tpu.memory_space<vmem>> -> memref<40x128xf32, #tpu.memory_space<vmem>>
        %dma_wait3A_817 = arith.constant 0 : i32
        %dma_wait3A_818 = tpu.memref_slice %arg6[%sub3A_398, %dma_wait3A_817] : memref<160x40xi32, #tpu.memory_space<vmem>> -> memref<1x40xi32, #tpu.memory_space<vmem>>
        %dma_wait3A_819 = tpu.memref_squeeze %dma_wait3A_818 : memref<1x40xi32, #tpu.memory_space<vmem>> -> memref<40xi32, #tpu.memory_space<vmem>>
        %dma_wait3A_820 = arith.constant 0 : i32
        %dma_wait3A_821 = arith.constant 0 : i32
        %dma_wait3A_822 = tpu.memref_slice %arg2[%dma_wait3A_820, %dma_wait3A_821] : memref<100000x128xf32, #tpu.memory_space<hbm>> -> memref<100000x128xf32, #tpu.memory_space<hbm>>
        tpu.wait_indirect_dma semaphore(%arg15 : memref<!tpu.dma_semaphore, #tpu.memory_space<semaphore_mem>>) src(%dma_wait3A_822 : memref<100000x128xf32, #tpu.memory_space<hbm>>) dst(%dma_wait3A_816 : memref<40x128xf32, #tpu.memory_space<vmem>>)
        %dma_start3A_823 = arith.constant 6 : i32
        %dma_start3A_824 = arith.constant 0 : i32
        %dma_start3A_825 = arith.constant 0 : i32
        %dma_start3A_826 = tpu.memref_slice %arg8[%dma_start3A_823, %dma_start3A_824, %dma_start3A_825] : memref<10x40x128xf32, #tpu.memory_space<vmem>> -> memref<1x40x128xf32, #tpu.memory_space<vmem>>
        %dma_start3A_827 = tpu.memref_squeeze %dma_start3A_826 : memref<1x40x128xf32, #tpu.memory_space<vmem>> -> memref<40x128xf32, #tpu.memory_space<vmem>>
        %dma_start3A_828 = arith.constant 40 : i32
        %dma_start3A_829 = arith.constant 0 : i32
        %dma_start3A_830 = tpu.memref_slice %arg5[%add3A_405, %dma_start3A_828, %dma_start3A_829] : memref<1024x200x128xf32, #tpu.memory_space<hbm>> -> memref<1x40x128xf32, #tpu.memory_space<hbm>>
        %dma_start3A_831 = tpu.memref_squeeze %dma_start3A_830 : memref<1x40x128xf32, #tpu.memory_space<hbm>> -> memref<40x128xf32, #tpu.memory_space<hbm>>
        %dma_start3A_832 = arith.constant 40 : i32
        %dma_start3A_833 = arith.constant 0 : i32
        %dma_start3A_834 = tpu.memref_slice %arg5[%add3A_405, %dma_start3A_832, %dma_start3A_833] : memref<1024x200x128xf32, #tpu.memory_space<hbm>> -> memref<1x40x128xf32, #tpu.memory_space<hbm>>
        %dma_start3A_835 = tpu.memref_squeeze %dma_start3A_834 : memref<1x40x128xf32, #tpu.memory_space<hbm>> -> memref<40x128xf32, #tpu.memory_space<hbm>>
        %dma_start3A_836 = arith.constant 0 : i32
        %dma_start3A_837 = arith.constant 0 : i32
        %dma_start3A_838 = tpu.memref_slice %arg8[%dma_start3A_823, %dma_start3A_836, %dma_start3A_837] : memref<10x40x128xf32, #tpu.memory_space<vmem>> -> memref<1x40x128xf32, #tpu.memory_space<vmem>>
        %dma_start3A_839 = tpu.memref_squeeze %dma_start3A_838 : memref<1x40x128xf32, #tpu.memory_space<vmem>> -> memref<40x128xf32, #tpu.memory_space<vmem>>
        tpu.enqueue_dma source(%dma_start3A_839 : memref<40x128xf32, #tpu.memory_space<vmem>>) target(%dma_start3A_835 : memref<40x128xf32, #tpu.memory_space<hbm>>) target_semaphore(%arg25 : memref<!tpu.dma_semaphore, #tpu.memory_space<semaphore_mem>>)
      } else {
      }
      %mul3A_411 = arith.constant 10 : i32
      %mul3A_412 = arith.muli %mul3A_411, %scan3A_341 : i32
      %add3A_413 = arith.constant 2 : i32
      %add3A_414 = arith.addi %mul3A_412, %add3A_413 : i32
      %gt3A_415 = arith.constant 0 : i32
      %gt3A_416 = arith.cmpi sgt, %scan3A_341, %gt3A_415 : i32
      %convert_element_type3A_417 = arith.extui %gt3A_416 : i1 to i32
      %cond3A_418 = arith.constant 0 : i32
      %cond3A_419 = arith.cmpi ne, %convert_element_type3A_417, %cond3A_418 : i32
      scf.if %cond3A_419 {
        %dma_wait3A_812 = arith.constant 2 : i32
        %dma_wait3A_813 = arith.constant 0 : i32
        %dma_wait3A_814 = arith.constant 0 : i32
        %dma_wait3A_815 = arith.constant 0 : i32
        %dma_wait3A_816 = tpu.memref_slice %arg8[%dma_wait3A_812, %dma_wait3A_814, %dma_wait3A_815] : memref<10x40x128xf32, #tpu.memory_space<vmem>> -> memref<1x40x128xf32, #tpu.memory_space<vmem>>
        %dma_wait3A_817 = tpu.memref_squeeze %dma_wait3A_816 : memref<1x40x128xf32, #tpu.memory_space<vmem>> -> memref<40x128xf32, #tpu.memory_space<vmem>>
        %dma_wait3A_818 = arith.constant 0 : i32
        %dma_wait3A_819 = arith.constant 0 : i32
        %dma_wait3A_820 = tpu.memref_slice %arg5[%dma_wait3A_813, %dma_wait3A_818, %dma_wait3A_819] : memref<1024x200x128xf32, #tpu.memory_space<hbm>> -> memref<1x40x128xf32, #tpu.memory_space<hbm>>
        %dma_wait3A_821 = tpu.memref_squeeze %dma_wait3A_820 : memref<1x40x128xf32, #tpu.memory_space<hbm>> -> memref<40x128xf32, #tpu.memory_space<hbm>>
        %dma_wait3A_822 = arith.constant 0 : i32
        %dma_wait3A_823 = arith.constant 0 : i32
        %dma_wait3A_824 = tpu.memref_slice %arg5[%dma_wait3A_813, %dma_wait3A_822, %dma_wait3A_823] : memref<1024x200x128xf32, #tpu.memory_space<hbm>> -> memref<1x40x128xf32, #tpu.memory_space<hbm>>
        %dma_wait3A_825 = tpu.memref_squeeze %dma_wait3A_824 : memref<1x40x128xf32, #tpu.memory_space<hbm>> -> memref<40x128xf32, #tpu.memory_space<hbm>>
        %dma_wait3A_826 = arith.constant 0 : i32
        %dma_wait3A_827 = arith.constant 0 : i32
        %dma_wait3A_828 = tpu.memref_slice %arg8[%dma_wait3A_812, %dma_wait3A_826, %dma_wait3A_827] : memref<10x40x128xf32, #tpu.memory_space<vmem>> -> memref<1x40x128xf32, #tpu.memory_space<vmem>>
        %dma_wait3A_829 = tpu.memref_squeeze %dma_wait3A_828 : memref<1x40x128xf32, #tpu.memory_space<vmem>> -> memref<40x128xf32, #tpu.memory_space<vmem>>
        tpu.wait_dma2 semaphore(%arg21 : memref<!tpu.dma_semaphore, #tpu.memory_space<semaphore_mem>>) src(%dma_wait3A_829 : memref<40x128xf32, #tpu.memory_space<vmem>>) dst(%dma_wait3A_825 : memref<40x128xf32, #tpu.memory_space<hbm>>)
      } else {
      }
      %parallel_loop3A_420 = arith.constant 0 : i32
      %parallel_loop3A_421 = arith.constant 40 : i32
      %parallel_loop3A_422 = arith.constant 1 : i32
      scf.for %parallel_loop3A_812 = %parallel_loop3A_420 to %parallel_loop3A_421 step %parallel_loop3A_422  : i32 {
        %parallel_loop3A_813 = arith.constant 80 : i32
        %parallel_loop3A_814 = arith.addi %parallel_loop3A_813, %parallel_loop3A_812 : i32
        %parallel_loop3A_815 = arith.index_cast %parallel_loop3A_814 : i32 to index
        %parallel_loop3A_816 = arith.constant 0 : index
        %parallel_loop3A_817 = tpu.vector_load %arg7[%parallel_loop3A_815, %parallel_loop3A_816] {strides = array<i32>} : memref<200x128xf32, #tpu.memory_space<vmem>>, vector<1x16xf32>,
        %parallel_loop3A_818 = vector.shape_cast %parallel_loop3A_817 : vector<1x16xf32> to vector<16xf32>
        %parallel_loop3A_819 = arith.constant 2 : i32
        %parallel_loop3A_820 = arith.index_cast %parallel_loop3A_819 : i32 to index
        %parallel_loop3A_821 = arith.index_cast %parallel_loop3A_812 : i32 to index
        %parallel_loop3A_822 = arith.constant 0 : index
        %parallel_loop3A_823 = tpu.vector_load %arg8[%parallel_loop3A_820, %parallel_loop3A_821, %parallel_loop3A_822] {strides = array<i32>} : memref<10x40x128xf32, #tpu.memory_space<vmem>>, vector<1x1x16xf32>,
        %parallel_loop3A_824 = vector.shape_cast %parallel_loop3A_823 : vector<1x1x16xf32> to vector<16xf32>
        %parallel_loop3A_825 = vector.shape_cast %parallel_loop3A_818 : vector<16xf32> to vector<1x1x16xf32>
        tpu.vector_store %arg8[%parallel_loop3A_820, %parallel_loop3A_821, %parallel_loop3A_822], %parallel_loop3A_825 {strides = array<i32>} : memref<10x40x128xf32, #tpu.memory_space<vmem>>, vector<1x1x16xf32>,
        %parallel_loop3A_826 = arith.constant 80 : i32
        %parallel_loop3A_827 = arith.addi %parallel_loop3A_826, %parallel_loop3A_812 : i32
        %parallel_loop3A_828 = arith.index_cast %parallel_loop3A_827 : i32 to index
        %parallel_loop3A_829 = arith.constant 16 : index
        %parallel_loop3A_830 = tpu.vector_load %arg7[%parallel_loop3A_828, %parallel_loop3A_829] {strides = array<i32>} : memref<200x128xf32, #tpu.memory_space<vmem>>, vector<1x16xf32>,
        %parallel_loop3A_831 = vector.shape_cast %parallel_loop3A_830 : vector<1x16xf32> to vector<16xf32>
        %parallel_loop3A_832 = arith.constant 2 : i32
        %parallel_loop3A_833 = arith.index_cast %parallel_loop3A_832 : i32 to index
        %parallel_loop3A_834 = arith.index_cast %parallel_loop3A_812 : i32 to index
        %parallel_loop3A_835 = arith.constant 16 : index
        %parallel_loop3A_836 = tpu.vector_load %arg8[%parallel_loop3A_833, %parallel_loop3A_834, %parallel_loop3A_835] {strides = array<i32>} : memref<10x40x128xf32, #tpu.memory_space<vmem>>, vector<1x1x16xf32>,
        %parallel_loop3A_837 = vector.shape_cast %parallel_loop3A_836 : vector<1x1x16xf32> to vector<16xf32>
        %parallel_loop3A_838 = vector.shape_cast %parallel_loop3A_831 : vector<16xf32> to vector<1x1x16xf32>
        tpu.vector_store %arg8[%parallel_loop3A_833, %parallel_loop3A_834, %parallel_loop3A_835], %parallel_loop3A_838 {strides = array<i32>} : memref<10x40x128xf32, #tpu.memory_space<vmem>>, vector<1x1x16xf32>,
        %parallel_loop3A_839 = arith.constant 80 : i32
        %parallel_loop3A_840 = arith.addi %parallel_loop3A_839, %parallel_loop3A_812 : i32
        %parallel_loop3A_841 = arith.index_cast %parallel_loop3A_840 : i32 to index
        %parallel_loop3A_842 = arith.constant 32 : index
        %parallel_loop3A_843 = tpu.vector_load %arg7[%parallel_loop3A_841, %parallel_loop3A_842] {strides = array<i32>} : memref<200x128xf32, #tpu.memory_space<vmem>>, vector<1x16xf32>,
        %parallel_loop3A_844 = vector.shape_cast %parallel_loop3A_843 : vector<1x16xf32> to vector<16xf32>
        %parallel_loop3A_845 = arith.constant 2 : i32
        %parallel_loop3A_846 = arith.index_cast %parallel_loop3A_845 : i32 to index
        %parallel_loop3A_847 = arith.index_cast %parallel_loop3A_812 : i32 to index
        %parallel_loop3A_848 = arith.constant 32 : index
        %parallel_loop3A_849 = tpu.vector_load %arg8[%parallel_loop3A_846, %parallel_loop3A_847, %parallel_loop3A_848] {strides = array<i32>} : memref<10x40x128xf32, #tpu.memory_space<vmem>>, vector<1x1x16xf32>,
        %parallel_loop3A_850 = vector.shape_cast %parallel_loop3A_849 : vector<1x1x16xf32> to vector<16xf32>
        %parallel_loop3A_851 = vector.shape_cast %parallel_loop3A_844 : vector<16xf32> to vector<1x1x16xf32>
        tpu.vector_store %arg8[%parallel_loop3A_846, %parallel_loop3A_847, %parallel_loop3A_848], %parallel_loop3A_851 {strides = array<i32>} : memref<10x40x128xf32, #tpu.memory_space<vmem>>, vector<1x1x16xf32>,
        %parallel_loop3A_852 = arith.constant 80 : i32
        %parallel_loop3A_853 = arith.addi %parallel_loop3A_852, %parallel_loop3A_812 : i32
        %parallel_loop3A_854 = arith.index_cast %parallel_loop3A_853 : i32 to index
        %parallel_loop3A_855 = arith.constant 48 : index
        %parallel_loop3A_856 = tpu.vector_load %arg7[%parallel_loop3A_854, %parallel_loop3A_855] {strides = array<i32>} : memref<200x128xf32, #tpu.memory_space<vmem>>, vector<1x16xf32>,
        %parallel_loop3A_857 = vector.shape_cast %parallel_loop3A_856 : vector<1x16xf32> to vector<16xf32>
        %parallel_loop3A_858 = arith.constant 2 : i32
        %parallel_loop3A_859 = arith.index_cast %parallel_loop3A_858 : i32 to index
        %parallel_loop3A_860 = arith.index_cast %parallel_loop3A_812 : i32 to index
        %parallel_loop3A_861 = arith.constant 48 : index
        %parallel_loop3A_862 = tpu.vector_load %arg8[%parallel_loop3A_859, %parallel_loop3A_860, %parallel_loop3A_861] {strides = array<i32>} : memref<10x40x128xf32, #tpu.memory_space<vmem>>, vector<1x1x16xf32>,
        %parallel_loop3A_863 = vector.shape_cast %parallel_loop3A_862 : vector<1x1x16xf32> to vector<16xf32>
        %parallel_loop3A_864 = vector.shape_cast %parallel_loop3A_857 : vector<16xf32> to vector<1x1x16xf32>
        tpu.vector_store %arg8[%parallel_loop3A_859, %parallel_loop3A_860, %parallel_loop3A_861], %parallel_loop3A_864 {strides = array<i32>} : memref<10x40x128xf32, #tpu.memory_space<vmem>>, vector<1x1x16xf32>,
        %parallel_loop3A_865 = arith.constant 80 : i32
        %parallel_loop3A_866 = arith.addi %parallel_loop3A_865, %parallel_loop3A_812 : i32
        %parallel_loop3A_867 = arith.index_cast %parallel_loop3A_866 : i32 to index
        %parallel_loop3A_868 = arith.constant 64 : index
        %parallel_loop3A_869 = tpu.vector_load %arg7[%parallel_loop3A_867, %parallel_loop3A_868] {strides = array<i32>} : memref<200x128xf32, #tpu.memory_space<vmem>>, vector<1x16xf32>,
        %parallel_loop3A_870 = vector.shape_cast %parallel_loop3A_869 : vector<1x16xf32> to vector<16xf32>
        %parallel_loop3A_871 = arith.constant 2 : i32
        %parallel_loop3A_872 = arith.index_cast %parallel_loop3A_871 : i32 to index
        %parallel_loop3A_873 = arith.index_cast %parallel_loop3A_812 : i32 to index
        %parallel_loop3A_874 = arith.constant 64 : index
        %parallel_loop3A_875 = tpu.vector_load %arg8[%parallel_loop3A_872, %parallel_loop3A_873, %parallel_loop3A_874] {strides = array<i32>} : memref<10x40x128xf32, #tpu.memory_space<vmem>>, vector<1x1x16xf32>,
        %parallel_loop3A_876 = vector.shape_cast %parallel_loop3A_875 : vector<1x1x16xf32> to vector<16xf32>
        %parallel_loop3A_877 = vector.shape_cast %parallel_loop3A_870 : vector<16xf32> to vector<1x1x16xf32>
        tpu.vector_store %arg8[%parallel_loop3A_872, %parallel_loop3A_873, %parallel_loop3A_874], %parallel_loop3A_877 {strides = array<i32>} : memref<10x40x128xf32, #tpu.memory_space<vmem>>, vector<1x1x16xf32>,
        %parallel_loop3A_878 = arith.constant 80 : i32
        %parallel_loop3A_879 = arith.addi %parallel_loop3A_878, %parallel_loop3A_812 : i32
        %parallel_loop3A_880 = arith.index_cast %parallel_loop3A_879 : i32 to index
        %parallel_loop3A_881 = arith.constant 80 : index
        %parallel_loop3A_882 = tpu.vector_load %arg7[%parallel_loop3A_880, %parallel_loop3A_881] {strides = array<i32>} : memref<200x128xf32, #tpu.memory_space<vmem>>, vector<1x16xf32>,
        %parallel_loop3A_883 = vector.shape_cast %parallel_loop3A_882 : vector<1x16xf32> to vector<16xf32>
        %parallel_loop3A_884 = arith.constant 2 : i32
        %parallel_loop3A_885 = arith.index_cast %parallel_loop3A_884 : i32 to index
        %parallel_loop3A_886 = arith.index_cast %parallel_loop3A_812 : i32 to index
        %parallel_loop3A_887 = arith.constant 80 : index
        %parallel_loop3A_888 = tpu.vector_load %arg8[%parallel_loop3A_885, %parallel_loop3A_886, %parallel_loop3A_887] {strides = array<i32>} : memref<10x40x128xf32, #tpu.memory_space<vmem>>, vector<1x1x16xf32>,
        %parallel_loop3A_889 = vector.shape_cast %parallel_loop3A_888 : vector<1x1x16xf32> to vector<16xf32>
        %parallel_loop3A_890 = vector.shape_cast %parallel_loop3A_883 : vector<16xf32> to vector<1x1x16xf32>
        tpu.vector_store %arg8[%parallel_loop3A_885, %parallel_loop3A_886, %parallel_loop3A_887], %parallel_loop3A_890 {strides = array<i32>} : memref<10x40x128xf32, #tpu.memory_space<vmem>>, vector<1x1x16xf32>,
        %parallel_loop3A_891 = arith.constant 80 : i32
        %parallel_loop3A_892 = arith.addi %parallel_loop3A_891, %parallel_loop3A_812 : i32
        %parallel_loop3A_893 = arith.index_cast %parallel_loop3A_892 : i32 to index
        %parallel_loop3A_894 = arith.constant 96 : index
        %parallel_loop3A_895 = tpu.vector_load %arg7[%parallel_loop3A_893, %parallel_loop3A_894] {strides = array<i32>} : memref<200x128xf32, #tpu.memory_space<vmem>>, vector<1x16xf32>,
        %parallel_loop3A_896 = vector.shape_cast %parallel_loop3A_895 : vector<1x16xf32> to vector<16xf32>
        %parallel_loop3A_897 = arith.constant 2 : i32
        %parallel_loop3A_898 = arith.index_cast %parallel_loop3A_897 : i32 to index
        %parallel_loop3A_899 = arith.index_cast %parallel_loop3A_812 : i32 to index
        %parallel_loop3A_900 = arith.constant 96 : index
        %parallel_loop3A_901 = tpu.vector_load %arg8[%parallel_loop3A_898, %parallel_loop3A_899, %parallel_loop3A_900] {strides = array<i32>} : memref<10x40x128xf32, #tpu.memory_space<vmem>>, vector<1x1x16xf32>,
        %parallel_loop3A_902 = vector.shape_cast %parallel_loop3A_901 : vector<1x1x16xf32> to vector<16xf32>
        %parallel_loop3A_903 = vector.shape_cast %parallel_loop3A_896 : vector<16xf32> to vector<1x1x16xf32>
        tpu.vector_store %arg8[%parallel_loop3A_898, %parallel_loop3A_899, %parallel_loop3A_900], %parallel_loop3A_903 {strides = array<i32>} : memref<10x40x128xf32, #tpu.memory_space<vmem>>, vector<1x1x16xf32>,
        %parallel_loop3A_904 = arith.constant 80 : i32
        %parallel_loop3A_905 = arith.addi %parallel_loop3A_904, %parallel_loop3A_812 : i32
        %parallel_loop3A_906 = arith.index_cast %parallel_loop3A_905 : i32 to index
        %parallel_loop3A_907 = arith.constant 112 : index
        %parallel_loop3A_908 = tpu.vector_load %arg7[%parallel_loop3A_906, %parallel_loop3A_907] {strides = array<i32>} : memref<200x128xf32, #tpu.memory_space<vmem>>, vector<1x16xf32>,
        %parallel_loop3A_909 = vector.shape_cast %parallel_loop3A_908 : vector<1x16xf32> to vector<16xf32>
        %parallel_loop3A_910 = arith.constant 2 : i32
        %parallel_loop3A_911 = arith.index_cast %parallel_loop3A_910 : i32 to index
        %parallel_loop3A_912 = arith.index_cast %parallel_loop3A_812 : i32 to index
        %parallel_loop3A_913 = arith.constant 112 : index
        %parallel_loop3A_914 = tpu.vector_load %arg8[%parallel_loop3A_911, %parallel_loop3A_912, %parallel_loop3A_913] {strides = array<i32>} : memref<10x40x128xf32, #tpu.memory_space<vmem>>, vector<1x1x16xf32>,
        %parallel_loop3A_915 = vector.shape_cast %parallel_loop3A_914 : vector<1x1x16xf32> to vector<16xf32>
        %parallel_loop3A_916 = vector.shape_cast %parallel_loop3A_909 : vector<16xf32> to vector<1x1x16xf32>
        tpu.vector_store %arg8[%parallel_loop3A_911, %parallel_loop3A_912, %parallel_loop3A_913], %parallel_loop3A_916 {strides = array<i32>} : memref<10x40x128xf32, #tpu.memory_space<vmem>>, vector<1x1x16xf32>,
      } {sc.loop_unroll_factor = 4 : i64, sc.parallel_access}
      %dma_start3A_423 = arith.constant 2 : i32
      %dma_start3A_424 = arith.constant 0 : i32
      %dma_start3A_425 = arith.constant 0 : i32
      %dma_start3A_426 = tpu.memref_slice %arg8[%dma_start3A_423, %dma_start3A_424, %dma_start3A_425] : memref<10x40x128xf32, #tpu.memory_space<vmem>> -> memref<1x40x128xf32, #tpu.memory_space<vmem>>
      %dma_start3A_427 = tpu.memref_squeeze %dma_start3A_426 : memref<1x40x128xf32, #tpu.memory_space<vmem>> -> memref<40x128xf32, #tpu.memory_space<vmem>>
      %dma_start3A_428 = arith.constant 0 : i32
      %dma_start3A_429 = tpu.memref_slice %arg6[%add3A_414, %dma_start3A_428] : memref<160x40xi32, #tpu.memory_space<vmem>> -> memref<1x40xi32, #tpu.memory_space<vmem>>
      %dma_start3A_430 = tpu.memref_squeeze %dma_start3A_429 : memref<1x40xi32, #tpu.memory_space<vmem>> -> memref<40xi32, #tpu.memory_space<vmem>>
      %dma_start3A_431 = arith.constant 0 : i32
      %dma_start3A_432 = arith.constant 0 : i32
      %dma_start3A_433 = tpu.memref_slice %arg2[%dma_start3A_431, %dma_start3A_432] : memref<100000x128xf32, #tpu.memory_space<hbm>> -> memref<100000x128xf32, #tpu.memory_space<hbm>>
      tpu.enqueue_indirect_dma source(%dma_start3A_433 : memref<100000x128xf32, #tpu.memory_space<hbm>>) target(%dma_start3A_427 : memref<40x128xf32, #tpu.memory_space<vmem>>) offsets(%dma_start3A_430 : memref<40xi32, #tpu.memory_space<vmem>>) semaphore(%arg11 : memref<!tpu.dma_semaphore, #tpu.memory_space<semaphore_mem>>) {add = true}
      %sub3A_434 = arith.constant 5 : i32
      %sub3A_435 = arith.subi %add3A_414, %sub3A_434 : i32
      %sub3A_436 = arith.constant 1 : i32
      %sub3A_437 = arith.subi %scan3A_341, %sub3A_436 : i32
      %mul3A_438 = arith.constant 2 : i32
      %mul3A_439 = arith.muli %mul3A_438, %sub3A_437 : i32
      %add3A_440 = arith.addi %mul3A_2, %mul3A_439 : i32
      %add3A_441 = arith.constant 1 : i32
      %add3A_442 = arith.addi %add3A_440, %add3A_441 : i32
      %gt3A_443 = arith.constant 0 : i32
      %gt3A_444 = arith.cmpi sgt, %scan3A_341, %gt3A_443 : i32
      %convert_element_type3A_445 = arith.extui %gt3A_444 : i1 to i32
      %cond3A_446 = arith.constant 0 : i32
      %cond3A_447 = arith.cmpi ne, %convert_element_type3A_445, %cond3A_446 : i32
      scf.if %cond3A_447 {
        %dma_wait3A_812 = arith.constant 7 : i32
        %dma_wait3A_813 = arith.constant 0 : i32
        %dma_wait3A_814 = arith.constant 0 : i32
        %dma_wait3A_815 = tpu.memref_slice %arg8[%dma_wait3A_812, %dma_wait3A_813, %dma_wait3A_814] : memref<10x40x128xf32, #tpu.memory_space<vmem>> -> memref<1x40x128xf32, #tpu.memory_space<vmem>>
        %dma_wait3A_816 = tpu.memref_squeeze %dma_wait3A_815 : memref<1x40x128xf32, #tpu.memory_space<vmem>> -> memref<40x128xf32, #tpu.memory_space<vmem>>
        %dma_wait3A_817 = arith.constant 0 : i32
        %dma_wait3A_818 = tpu.memref_slice %arg6[%sub3A_435, %dma_wait3A_817] : memref<160x40xi32, #tpu.memory_space<vmem>> -> memref<1x40xi32, #tpu.memory_space<vmem>>
        %dma_wait3A_819 = tpu.memref_squeeze %dma_wait3A_818 : memref<1x40xi32, #tpu.memory_space<vmem>> -> memref<40xi32, #tpu.memory_space<vmem>>
        %dma_wait3A_820 = arith.constant 0 : i32
        %dma_wait3A_821 = arith.constant 0 : i32
        %dma_wait3A_822 = tpu.memref_slice %arg2[%dma_wait3A_820, %dma_wait3A_821] : memref<100000x128xf32, #tpu.memory_space<hbm>> -> memref<100000x128xf32, #tpu.memory_space<hbm>>
        tpu.wait_indirect_dma semaphore(%arg16 : memref<!tpu.dma_semaphore, #tpu.memory_space<semaphore_mem>>) src(%dma_wait3A_822 : memref<100000x128xf32, #tpu.memory_space<hbm>>) dst(%dma_wait3A_816 : memref<40x128xf32, #tpu.memory_space<vmem>>)
        %dma_start3A_823 = arith.constant 7 : i32
        %dma_start3A_824 = arith.constant 0 : i32
        %dma_start3A_825 = arith.constant 0 : i32
        %dma_start3A_826 = tpu.memref_slice %arg8[%dma_start3A_823, %dma_start3A_824, %dma_start3A_825] : memref<10x40x128xf32, #tpu.memory_space<vmem>> -> memref<1x40x128xf32, #tpu.memory_space<vmem>>
        %dma_start3A_827 = tpu.memref_squeeze %dma_start3A_826 : memref<1x40x128xf32, #tpu.memory_space<vmem>> -> memref<40x128xf32, #tpu.memory_space<vmem>>
        %dma_start3A_828 = arith.constant 80 : i32
        %dma_start3A_829 = arith.constant 0 : i32
        %dma_start3A_830 = tpu.memref_slice %arg5[%add3A_442, %dma_start3A_828, %dma_start3A_829] : memref<1024x200x128xf32, #tpu.memory_space<hbm>> -> memref<1x40x128xf32, #tpu.memory_space<hbm>>
        %dma_start3A_831 = tpu.memref_squeeze %dma_start3A_830 : memref<1x40x128xf32, #tpu.memory_space<hbm>> -> memref<40x128xf32, #tpu.memory_space<hbm>>
        %dma_start3A_832 = arith.constant 80 : i32
        %dma_start3A_833 = arith.constant 0 : i32
        %dma_start3A_834 = tpu.memref_slice %arg5[%add3A_442, %dma_start3A_832, %dma_start3A_833] : memref<1024x200x128xf32, #tpu.memory_space<hbm>> -> memref<1x40x128xf32, #tpu.memory_space<hbm>>
        %dma_start3A_835 = tpu.memref_squeeze %dma_start3A_834 : memref<1x40x128xf32, #tpu.memory_space<hbm>> -> memref<40x128xf32, #tpu.memory_space<hbm>>
        %dma_start3A_836 = arith.constant 0 : i32
        %dma_start3A_837 = arith.constant 0 : i32
        %dma_start3A_838 = tpu.memref_slice %arg8[%dma_start3A_823, %dma_start3A_836, %dma_start3A_837] : memref<10x40x128xf32, #tpu.memory_space<vmem>> -> memref<1x40x128xf32, #tpu.memory_space<vmem>>
        %dma_start3A_839 = tpu.memref_squeeze %dma_start3A_838 : memref<1x40x128xf32, #tpu.memory_space<vmem>> -> memref<40x128xf32, #tpu.memory_space<vmem>>
        tpu.enqueue_dma source(%dma_start3A_839 : memref<40x128xf32, #tpu.memory_space<vmem>>) target(%dma_start3A_835 : memref<40x128xf32, #tpu.memory_space<hbm>>) target_semaphore(%arg26 : memref<!tpu.dma_semaphore, #tpu.memory_space<semaphore_mem>>)
      } else {
      }
      %mul3A_448 = arith.constant 10 : i32
      %mul3A_449 = arith.muli %mul3A_448, %scan3A_341 : i32
      %add3A_450 = arith.constant 3 : i32
      %add3A_451 = arith.addi %mul3A_449, %add3A_450 : i32
      %gt3A_452 = arith.constant 0 : i32
      %gt3A_453 = arith.cmpi sgt, %scan3A_341, %gt3A_452 : i32
      %convert_element_type3A_454 = arith.extui %gt3A_453 : i1 to i32
      %cond3A_455 = arith.constant 0 : i32
      %cond3A_456 = arith.cmpi ne, %convert_element_type3A_454, %cond3A_455 : i32
      scf.if %cond3A_456 {
        %dma_wait3A_812 = arith.constant 3 : i32
        %dma_wait3A_813 = arith.constant 0 : i32
        %dma_wait3A_814 = arith.constant 0 : i32
        %dma_wait3A_815 = arith.constant 0 : i32
        %dma_wait3A_816 = tpu.memref_slice %arg8[%dma_wait3A_812, %dma_wait3A_814, %dma_wait3A_815] : memref<10x40x128xf32, #tpu.memory_space<vmem>> -> memref<1x40x128xf32, #tpu.memory_space<vmem>>
        %dma_wait3A_817 = tpu.memref_squeeze %dma_wait3A_816 : memref<1x40x128xf32, #tpu.memory_space<vmem>> -> memref<40x128xf32, #tpu.memory_space<vmem>>
        %dma_wait3A_818 = arith.constant 0 : i32
        %dma_wait3A_819 = arith.constant 0 : i32
        %dma_wait3A_820 = tpu.memref_slice %arg5[%dma_wait3A_813, %dma_wait3A_818, %dma_wait3A_819] : memref<1024x200x128xf32, #tpu.memory_space<hbm>> -> memref<1x40x128xf32, #tpu.memory_space<hbm>>
        %dma_wait3A_821 = tpu.memref_squeeze %dma_wait3A_820 : memref<1x40x128xf32, #tpu.memory_space<hbm>> -> memref<40x128xf32, #tpu.memory_space<hbm>>
        %dma_wait3A_822 = arith.constant 0 : i32
        %dma_wait3A_823 = arith.constant 0 : i32
        %dma_wait3A_824 = tpu.memref_slice %arg5[%dma_wait3A_813, %dma_wait3A_822, %dma_wait3A_823] : memref<1024x200x128xf32, #tpu.memory_space<hbm>> -> memref<1x40x128xf32, #tpu.memory_space<hbm>>
        %dma_wait3A_825 = tpu.memref_squeeze %dma_wait3A_824 : memref<1x40x128xf32, #tpu.memory_space<hbm>> -> memref<40x128xf32, #tpu.memory_space<hbm>>
        %dma_wait3A_826 = arith.constant 0 : i32
        %dma_wait3A_827 = arith.constant 0 : i32
        %dma_wait3A_828 = tpu.memref_slice %arg8[%dma_wait3A_812, %dma_wait3A_826, %dma_wait3A_827] : memref<10x40x128xf32, #tpu.memory_space<vmem>> -> memref<1x40x128xf32, #tpu.memory_space<vmem>>
        %dma_wait3A_829 = tpu.memref_squeeze %dma_wait3A_828 : memref<1x40x128xf32, #tpu.memory_space<vmem>> -> memref<40x128xf32, #tpu.memory_space<vmem>>
        tpu.wait_dma2 semaphore(%arg22 : memref<!tpu.dma_semaphore, #tpu.memory_space<semaphore_mem>>) src(%dma_wait3A_829 : memref<40x128xf32, #tpu.memory_space<vmem>>) dst(%dma_wait3A_825 : memref<40x128xf32, #tpu.memory_space<hbm>>)
      } else {
      }
      %parallel_loop3A_457 = arith.constant 0 : i32
      %parallel_loop3A_458 = arith.constant 40 : i32
      %parallel_loop3A_459 = arith.constant 1 : i32
      scf.for %parallel_loop3A_812 = %parallel_loop3A_457 to %parallel_loop3A_458 step %parallel_loop3A_459  : i32 {
        %parallel_loop3A_813 = arith.constant 120 : i32
        %parallel_loop3A_814 = arith.addi %parallel_loop3A_813, %parallel_loop3A_812 : i32
        %parallel_loop3A_815 = arith.index_cast %parallel_loop3A_814 : i32 to index
        %parallel_loop3A_816 = arith.constant 0 : index
        %parallel_loop3A_817 = tpu.vector_load %arg7[%parallel_loop3A_815, %parallel_loop3A_816] {strides = array<i32>} : memref<200x128xf32, #tpu.memory_space<vmem>>, vector<1x16xf32>,
        %parallel_loop3A_818 = vector.shape_cast %parallel_loop3A_817 : vector<1x16xf32> to vector<16xf32>
        %parallel_loop3A_819 = arith.constant 3 : i32
        %parallel_loop3A_820 = arith.index_cast %parallel_loop3A_819 : i32 to index
        %parallel_loop3A_821 = arith.index_cast %parallel_loop3A_812 : i32 to index
        %parallel_loop3A_822 = arith.constant 0 : index
        %parallel_loop3A_823 = tpu.vector_load %arg8[%parallel_loop3A_820, %parallel_loop3A_821, %parallel_loop3A_822] {strides = array<i32>} : memref<10x40x128xf32, #tpu.memory_space<vmem>>, vector<1x1x16xf32>,
        %parallel_loop3A_824 = vector.shape_cast %parallel_loop3A_823 : vector<1x1x16xf32> to vector<16xf32>
        %parallel_loop3A_825 = vector.shape_cast %parallel_loop3A_818 : vector<16xf32> to vector<1x1x16xf32>
        tpu.vector_store %arg8[%parallel_loop3A_820, %parallel_loop3A_821, %parallel_loop3A_822], %parallel_loop3A_825 {strides = array<i32>} : memref<10x40x128xf32, #tpu.memory_space<vmem>>, vector<1x1x16xf32>,
        %parallel_loop3A_826 = arith.constant 120 : i32
        %parallel_loop3A_827 = arith.addi %parallel_loop3A_826, %parallel_loop3A_812 : i32
        %parallel_loop3A_828 = arith.index_cast %parallel_loop3A_827 : i32 to index
        %parallel_loop3A_829 = arith.constant 16 : index
        %parallel_loop3A_830 = tpu.vector_load %arg7[%parallel_loop3A_828, %parallel_loop3A_829] {strides = array<i32>} : memref<200x128xf32, #tpu.memory_space<vmem>>, vector<1x16xf32>,
        %parallel_loop3A_831 = vector.shape_cast %parallel_loop3A_830 : vector<1x16xf32> to vector<16xf32>
        %parallel_loop3A_832 = arith.constant 3 : i32
        %parallel_loop3A_833 = arith.index_cast %parallel_loop3A_832 : i32 to index
        %parallel_loop3A_834 = arith.index_cast %parallel_loop3A_812 : i32 to index
        %parallel_loop3A_835 = arith.constant 16 : index
        %parallel_loop3A_836 = tpu.vector_load %arg8[%parallel_loop3A_833, %parallel_loop3A_834, %parallel_loop3A_835] {strides = array<i32>} : memref<10x40x128xf32, #tpu.memory_space<vmem>>, vector<1x1x16xf32>,
        %parallel_loop3A_837 = vector.shape_cast %parallel_loop3A_836 : vector<1x1x16xf32> to vector<16xf32>
        %parallel_loop3A_838 = vector.shape_cast %parallel_loop3A_831 : vector<16xf32> to vector<1x1x16xf32>
        tpu.vector_store %arg8[%parallel_loop3A_833, %parallel_loop3A_834, %parallel_loop3A_835], %parallel_loop3A_838 {strides = array<i32>} : memref<10x40x128xf32, #tpu.memory_space<vmem>>, vector<1x1x16xf32>,
        %parallel_loop3A_839 = arith.constant 120 : i32
        %parallel_loop3A_840 = arith.addi %parallel_loop3A_839, %parallel_loop3A_812 : i32
        %parallel_loop3A_841 = arith.index_cast %parallel_loop3A_840 : i32 to index
        %parallel_loop3A_842 = arith.constant 32 : index
        %parallel_loop3A_843 = tpu.vector_load %arg7[%parallel_loop3A_841, %parallel_loop3A_842] {strides = array<i32>} : memref<200x128xf32, #tpu.memory_space<vmem>>, vector<1x16xf32>,
        %parallel_loop3A_844 = vector.shape_cast %parallel_loop3A_843 : vector<1x16xf32> to vector<16xf32>
        %parallel_loop3A_845 = arith.constant 3 : i32
        %parallel_loop3A_846 = arith.index_cast %parallel_loop3A_845 : i32 to index
        %parallel_loop3A_847 = arith.index_cast %parallel_loop3A_812 : i32 to index
        %parallel_loop3A_848 = arith.constant 32 : index
        %parallel_loop3A_849 = tpu.vector_load %arg8[%parallel_loop3A_846, %parallel_loop3A_847, %parallel_loop3A_848] {strides = array<i32>} : memref<10x40x128xf32, #tpu.memory_space<vmem>>, vector<1x1x16xf32>,
        %parallel_loop3A_850 = vector.shape_cast %parallel_loop3A_849 : vector<1x1x16xf32> to vector<16xf32>
        %parallel_loop3A_851 = vector.shape_cast %parallel_loop3A_844 : vector<16xf32> to vector<1x1x16xf32>
        tpu.vector_store %arg8[%parallel_loop3A_846, %parallel_loop3A_847, %parallel_loop3A_848], %parallel_loop3A_851 {strides = array<i32>} : memref<10x40x128xf32, #tpu.memory_space<vmem>>, vector<1x1x16xf32>,
        %parallel_loop3A_852 = arith.constant 120 : i32
        %parallel_loop3A_853 = arith.addi %parallel_loop3A_852, %parallel_loop3A_812 : i32
        %parallel_loop3A_854 = arith.index_cast %parallel_loop3A_853 : i32 to index
        %parallel_loop3A_855 = arith.constant 48 : index
        %parallel_loop3A_856 = tpu.vector_load %arg7[%parallel_loop3A_854, %parallel_loop3A_855] {strides = array<i32>} : memref<200x128xf32, #tpu.memory_space<vmem>>, vector<1x16xf32>,
        %parallel_loop3A_857 = vector.shape_cast %parallel_loop3A_856 : vector<1x16xf32> to vector<16xf32>
        %parallel_loop3A_858 = arith.constant 3 : i32
        %parallel_loop3A_859 = arith.index_cast %parallel_loop3A_858 : i32 to index
        %parallel_loop3A_860 = arith.index_cast %parallel_loop3A_812 : i32 to index
        %parallel_loop3A_861 = arith.constant 48 : index
        %parallel_loop3A_862 = tpu.vector_load %arg8[%parallel_loop3A_859, %parallel_loop3A_860, %parallel_loop3A_861] {strides = array<i32>} : memref<10x40x128xf32, #tpu.memory_space<vmem>>, vector<1x1x16xf32>,
        %parallel_loop3A_863 = vector.shape_cast %parallel_loop3A_862 : vector<1x1x16xf32> to vector<16xf32>
        %parallel_loop3A_864 = vector.shape_cast %parallel_loop3A_857 : vector<16xf32> to vector<1x1x16xf32>
        tpu.vector_store %arg8[%parallel_loop3A_859, %parallel_loop3A_860, %parallel_loop3A_861], %parallel_loop3A_864 {strides = array<i32>} : memref<10x40x128xf32, #tpu.memory_space<vmem>>, vector<1x1x16xf32>,
        %parallel_loop3A_865 = arith.constant 120 : i32
        %parallel_loop3A_866 = arith.addi %parallel_loop3A_865, %parallel_loop3A_812 : i32
        %parallel_loop3A_867 = arith.index_cast %parallel_loop3A_866 : i32 to index
        %parallel_loop3A_868 = arith.constant 64 : index
        %parallel_loop3A_869 = tpu.vector_load %arg7[%parallel_loop3A_867, %parallel_loop3A_868] {strides = array<i32>} : memref<200x128xf32, #tpu.memory_space<vmem>>, vector<1x16xf32>,
        %parallel_loop3A_870 = vector.shape_cast %parallel_loop3A_869 : vector<1x16xf32> to vector<16xf32>
        %parallel_loop3A_871 = arith.constant 3 : i32
        %parallel_loop3A_872 = arith.index_cast %parallel_loop3A_871 : i32 to index
        %parallel_loop3A_873 = arith.index_cast %parallel_loop3A_812 : i32 to index
        %parallel_loop3A_874 = arith.constant 64 : index
        %parallel_loop3A_875 = tpu.vector_load %arg8[%parallel_loop3A_872, %parallel_loop3A_873, %parallel_loop3A_874] {strides = array<i32>} : memref<10x40x128xf32, #tpu.memory_space<vmem>>, vector<1x1x16xf32>,
        %parallel_loop3A_876 = vector.shape_cast %parallel_loop3A_875 : vector<1x1x16xf32> to vector<16xf32>
        %parallel_loop3A_877 = vector.shape_cast %parallel_loop3A_870 : vector<16xf32> to vector<1x1x16xf32>
        tpu.vector_store %arg8[%parallel_loop3A_872, %parallel_loop3A_873, %parallel_loop3A_874], %parallel_loop3A_877 {strides = array<i32>} : memref<10x40x128xf32, #tpu.memory_space<vmem>>, vector<1x1x16xf32>,
        %parallel_loop3A_878 = arith.constant 120 : i32
        %parallel_loop3A_879 = arith.addi %parallel_loop3A_878, %parallel_loop3A_812 : i32
        %parallel_loop3A_880 = arith.index_cast %parallel_loop3A_879 : i32 to index
        %parallel_loop3A_881 = arith.constant 80 : index
        %parallel_loop3A_882 = tpu.vector_load %arg7[%parallel_loop3A_880, %parallel_loop3A_881] {strides = array<i32>} : memref<200x128xf32, #tpu.memory_space<vmem>>, vector<1x16xf32>,
        %parallel_loop3A_883 = vector.shape_cast %parallel_loop3A_882 : vector<1x16xf32> to vector<16xf32>
        %parallel_loop3A_884 = arith.constant 3 : i32
        %parallel_loop3A_885 = arith.index_cast %parallel_loop3A_884 : i32 to index
        %parallel_loop3A_886 = arith.index_cast %parallel_loop3A_812 : i32 to index
        %parallel_loop3A_887 = arith.constant 80 : index
        %parallel_loop3A_888 = tpu.vector_load %arg8[%parallel_loop3A_885, %parallel_loop3A_886, %parallel_loop3A_887] {strides = array<i32>} : memref<10x40x128xf32, #tpu.memory_space<vmem>>, vector<1x1x16xf32>,
        %parallel_loop3A_889 = vector.shape_cast %parallel_loop3A_888 : vector<1x1x16xf32> to vector<16xf32>
        %parallel_loop3A_890 = vector.shape_cast %parallel_loop3A_883 : vector<16xf32> to vector<1x1x16xf32>
        tpu.vector_store %arg8[%parallel_loop3A_885, %parallel_loop3A_886, %parallel_loop3A_887], %parallel_loop3A_890 {strides = array<i32>} : memref<10x40x128xf32, #tpu.memory_space<vmem>>, vector<1x1x16xf32>,
        %parallel_loop3A_891 = arith.constant 120 : i32
        %parallel_loop3A_892 = arith.addi %parallel_loop3A_891, %parallel_loop3A_812 : i32
        %parallel_loop3A_893 = arith.index_cast %parallel_loop3A_892 : i32 to index
        %parallel_loop3A_894 = arith.constant 96 : index
        %parallel_loop3A_895 = tpu.vector_load %arg7[%parallel_loop3A_893, %parallel_loop3A_894] {strides = array<i32>} : memref<200x128xf32, #tpu.memory_space<vmem>>, vector<1x16xf32>,
        %parallel_loop3A_896 = vector.shape_cast %parallel_loop3A_895 : vector<1x16xf32> to vector<16xf32>
        %parallel_loop3A_897 = arith.constant 3 : i32
        %parallel_loop3A_898 = arith.index_cast %parallel_loop3A_897 : i32 to index
        %parallel_loop3A_899 = arith.index_cast %parallel_loop3A_812 : i32 to index
        %parallel_loop3A_900 = arith.constant 96 : index
        %parallel_loop3A_901 = tpu.vector_load %arg8[%parallel_loop3A_898, %parallel_loop3A_899, %parallel_loop3A_900] {strides = array<i32>} : memref<10x40x128xf32, #tpu.memory_space<vmem>>, vector<1x1x16xf32>,
        %parallel_loop3A_902 = vector.shape_cast %parallel_loop3A_901 : vector<1x1x16xf32> to vector<16xf32>
        %parallel_loop3A_903 = vector.shape_cast %parallel_loop3A_896 : vector<16xf32> to vector<1x1x16xf32>
        tpu.vector_store %arg8[%parallel_loop3A_898, %parallel_loop3A_899, %parallel_loop3A_900], %parallel_loop3A_903 {strides = array<i32>} : memref<10x40x128xf32, #tpu.memory_space<vmem>>, vector<1x1x16xf32>,
        %parallel_loop3A_904 = arith.constant 120 : i32
        %parallel_loop3A_905 = arith.addi %parallel_loop3A_904, %parallel_loop3A_812 : i32
        %parallel_loop3A_906 = arith.index_cast %parallel_loop3A_905 : i32 to index
        %parallel_loop3A_907 = arith.constant 112 : index
        %parallel_loop3A_908 = tpu.vector_load %arg7[%parallel_loop3A_906, %parallel_loop3A_907] {strides = array<i32>} : memref<200x128xf32, #tpu.memory_space<vmem>>, vector<1x16xf32>,
        %parallel_loop3A_909 = vector.shape_cast %parallel_loop3A_908 : vector<1x16xf32> to vector<16xf32>
        %parallel_loop3A_910 = arith.constant 3 : i32
        %parallel_loop3A_911 = arith.index_cast %parallel_loop3A_910 : i32 to index
        %parallel_loop3A_912 = arith.index_cast %parallel_loop3A_812 : i32 to index
        %parallel_loop3A_913 = arith.constant 112 : index
        %parallel_loop3A_914 = tpu.vector_load %arg8[%parallel_loop3A_911, %parallel_loop3A_912, %parallel_loop3A_913] {strides = array<i32>} : memref<10x40x128xf32, #tpu.memory_space<vmem>>, vector<1x1x16xf32>,
        %parallel_loop3A_915 = vector.shape_cast %parallel_loop3A_914 : vector<1x1x16xf32> to vector<16xf32>
        %parallel_loop3A_916 = vector.shape_cast %parallel_loop3A_909 : vector<16xf32> to vector<1x1x16xf32>
        tpu.vector_store %arg8[%parallel_loop3A_911, %parallel_loop3A_912, %parallel_loop3A_913], %parallel_loop3A_916 {strides = array<i32>} : memref<10x40x128xf32, #tpu.memory_space<vmem>>, vector<1x1x16xf32>,
      } {sc.loop_unroll_factor = 4 : i64, sc.parallel_access}
      %dma_start3A_460 = arith.constant 3 : i32
      %dma_start3A_461 = arith.constant 0 : i32
      %dma_start3A_462 = arith.constant 0 : i32
      %dma_start3A_463 = tpu.memref_slice %arg8[%dma_start3A_460, %dma_start3A_461, %dma_start3A_462] : memref<10x40x128xf32, #tpu.memory_space<vmem>> -> memref<1x40x128xf32, #tpu.memory_space<vmem>>
      %dma_start3A_464 = tpu.memref_squeeze %dma_start3A_463 : memref<1x40x128xf32, #tpu.memory_space<vmem>> -> memref<40x128xf32, #tpu.memory_space<vmem>>
      %dma_start3A_465 = arith.constant 0 : i32
      %dma_start3A_466 = tpu.memref_slice %arg6[%add3A_451, %dma_start3A_465] : memref<160x40xi32, #tpu.memory_space<vmem>> -> memref<1x40xi32, #tpu.memory_space<vmem>>
      %dma_start3A_467 = tpu.memref_squeeze %dma_start3A_466 : memref<1x40xi32, #tpu.memory_space<vmem>> -> memref<40xi32, #tpu.memory_space<vmem>>
      %dma_start3A_468 = arith.constant 0 : i32
      %dma_start3A_469 = arith.constant 0 : i32
      %dma_start3A_470 = tpu.memref_slice %arg2[%dma_start3A_468, %dma_start3A_469] : memref<100000x128xf32, #tpu.memory_space<hbm>> -> memref<100000x128xf32, #tpu.memory_space<hbm>>
      tpu.enqueue_indirect_dma source(%dma_start3A_470 : memref<100000x128xf32, #tpu.memory_space<hbm>>) target(%dma_start3A_464 : memref<40x128xf32, #tpu.memory_space<vmem>>) offsets(%dma_start3A_467 : memref<40xi32, #tpu.memory_space<vmem>>) semaphore(%arg12 : memref<!tpu.dma_semaphore, #tpu.memory_space<semaphore_mem>>) {add = true}
      %sub3A_471 = arith.constant 5 : i32
      %sub3A_472 = arith.subi %add3A_451, %sub3A_471 : i32
      %sub3A_473 = arith.constant 1 : i32
      %sub3A_474 = arith.subi %scan3A_341, %sub3A_473 : i32
      %mul3A_475 = arith.constant 2 : i32
      %mul3A_476 = arith.muli %mul3A_475, %sub3A_474 : i32
      %add3A_477 = arith.addi %mul3A_2, %mul3A_476 : i32
      %add3A_478 = arith.constant 1 : i32
      %add3A_479 = arith.addi %add3A_477, %add3A_478 : i32
      %gt3A_480 = arith.constant 0 : i32
      %gt3A_481 = arith.cmpi sgt, %scan3A_341, %gt3A_480 : i32
      %convert_element_type3A_482 = arith.extui %gt3A_481 : i1 to i32
      %cond3A_483 = arith.constant 0 : i32
      %cond3A_484 = arith.cmpi ne, %convert_element_type3A_482, %cond3A_483 : i32
      scf.if %cond3A_484 {
        %dma_wait3A_812 = arith.constant 8 : i32
        %dma_wait3A_813 = arith.constant 0 : i32
        %dma_wait3A_814 = arith.constant 0 : i32
        %dma_wait3A_815 = tpu.memref_slice %arg8[%dma_wait3A_812, %dma_wait3A_813, %dma_wait3A_814] : memref<10x40x128xf32, #tpu.memory_space<vmem>> -> memref<1x40x128xf32, #tpu.memory_space<vmem>>
        %dma_wait3A_816 = tpu.memref_squeeze %dma_wait3A_815 : memref<1x40x128xf32, #tpu.memory_space<vmem>> -> memref<40x128xf32, #tpu.memory_space<vmem>>
        %dma_wait3A_817 = arith.constant 0 : i32
        %dma_wait3A_818 = tpu.memref_slice %arg6[%sub3A_472, %dma_wait3A_817] : memref<160x40xi32, #tpu.memory_space<vmem>> -> memref<1x40xi32, #tpu.memory_space<vmem>>
        %dma_wait3A_819 = tpu.memref_squeeze %dma_wait3A_818 : memref<1x40xi32, #tpu.memory_space<vmem>> -> memref<40xi32, #tpu.memory_space<vmem>>
        %dma_wait3A_820 = arith.constant 0 : i32
        %dma_wait3A_821 = arith.constant 0 : i32
        %dma_wait3A_822 = tpu.memref_slice %arg2[%dma_wait3A_820, %dma_wait3A_821] : memref<100000x128xf32, #tpu.memory_space<hbm>> -> memref<100000x128xf32, #tpu.memory_space<hbm>>
        tpu.wait_indirect_dma semaphore(%arg17 : memref<!tpu.dma_semaphore, #tpu.memory_space<semaphore_mem>>) src(%dma_wait3A_822 : memref<100000x128xf32, #tpu.memory_space<hbm>>) dst(%dma_wait3A_816 : memref<40x128xf32, #tpu.memory_space<vmem>>)
        %dma_start3A_823 = arith.constant 8 : i32
        %dma_start3A_824 = arith.constant 0 : i32
        %dma_start3A_825 = arith.constant 0 : i32
        %dma_start3A_826 = tpu.memref_slice %arg8[%dma_start3A_823, %dma_start3A_824, %dma_start3A_825] : memref<10x40x128xf32, #tpu.memory_space<vmem>> -> memref<1x40x128xf32, #tpu.memory_space<vmem>>
        %dma_start3A_827 = tpu.memref_squeeze %dma_start3A_826 : memref<1x40x128xf32, #tpu.memory_space<vmem>> -> memref<40x128xf32, #tpu.memory_space<vmem>>
        %dma_start3A_828 = arith.constant 120 : i32
        %dma_start3A_829 = arith.constant 0 : i32
        %dma_start3A_830 = tpu.memref_slice %arg5[%add3A_479, %dma_start3A_828, %dma_start3A_829] : memref<1024x200x128xf32, #tpu.memory_space<hbm>> -> memref<1x40x128xf32, #tpu.memory_space<hbm>>
        %dma_start3A_831 = tpu.memref_squeeze %dma_start3A_830 : memref<1x40x128xf32, #tpu.memory_space<hbm>> -> memref<40x128xf32, #tpu.memory_space<hbm>>
        %dma_start3A_832 = arith.constant 120 : i32
        %dma_start3A_833 = arith.constant 0 : i32
        %dma_start3A_834 = tpu.memref_slice %arg5[%add3A_479, %dma_start3A_832, %dma_start3A_833] : memref<1024x200x128xf32, #tpu.memory_space<hbm>> -> memref<1x40x128xf32, #tpu.memory_space<hbm>>
        %dma_start3A_835 = tpu.memref_squeeze %dma_start3A_834 : memref<1x40x128xf32, #tpu.memory_space<hbm>> -> memref<40x128xf32, #tpu.memory_space<hbm>>
        %dma_start3A_836 = arith.constant 0 : i32
        %dma_start3A_837 = arith.constant 0 : i32
        %dma_start3A_838 = tpu.memref_slice %arg8[%dma_start3A_823, %dma_start3A_836, %dma_start3A_837] : memref<10x40x128xf32, #tpu.memory_space<vmem>> -> memref<1x40x128xf32, #tpu.memory_space<vmem>>
        %dma_start3A_839 = tpu.memref_squeeze %dma_start3A_838 : memref<1x40x128xf32, #tpu.memory_space<vmem>> -> memref<40x128xf32, #tpu.memory_space<vmem>>
        tpu.enqueue_dma source(%dma_start3A_839 : memref<40x128xf32, #tpu.memory_space<vmem>>) target(%dma_start3A_835 : memref<40x128xf32, #tpu.memory_space<hbm>>) target_semaphore(%arg27 : memref<!tpu.dma_semaphore, #tpu.memory_space<semaphore_mem>>)
      } else {
      }
      %mul3A_485 = arith.constant 10 : i32
      %mul3A_486 = arith.muli %mul3A_485, %scan3A_341 : i32
      %add3A_487 = arith.constant 4 : i32
      %add3A_488 = arith.addi %mul3A_486, %add3A_487 : i32
      %gt3A_489 = arith.constant 0 : i32
      %gt3A_490 = arith.cmpi sgt, %scan3A_341, %gt3A_489 : i32
      %convert_element_type3A_491 = arith.extui %gt3A_490 : i1 to i32
      %cond3A_492 = arith.constant 0 : i32
      %cond3A_493 = arith.cmpi ne, %convert_element_type3A_491, %cond3A_492 : i32
      scf.if %cond3A_493 {
        %dma_wait3A_812 = arith.constant 4 : i32
        %dma_wait3A_813 = arith.constant 0 : i32
        %dma_wait3A_814 = arith.constant 0 : i32
        %dma_wait3A_815 = arith.constant 0 : i32
        %dma_wait3A_816 = tpu.memref_slice %arg8[%dma_wait3A_812, %dma_wait3A_814, %dma_wait3A_815] : memref<10x40x128xf32, #tpu.memory_space<vmem>> -> memref<1x40x128xf32, #tpu.memory_space<vmem>>
        %dma_wait3A_817 = tpu.memref_squeeze %dma_wait3A_816 : memref<1x40x128xf32, #tpu.memory_space<vmem>> -> memref<40x128xf32, #tpu.memory_space<vmem>>
        %dma_wait3A_818 = arith.constant 0 : i32
        %dma_wait3A_819 = arith.constant 0 : i32
        %dma_wait3A_820 = tpu.memref_slice %arg5[%dma_wait3A_813, %dma_wait3A_818, %dma_wait3A_819] : memref<1024x200x128xf32, #tpu.memory_space<hbm>> -> memref<1x40x128xf32, #tpu.memory_space<hbm>>
        %dma_wait3A_821 = tpu.memref_squeeze %dma_wait3A_820 : memref<1x40x128xf32, #tpu.memory_space<hbm>> -> memref<40x128xf32, #tpu.memory_space<hbm>>
        %dma_wait3A_822 = arith.constant 0 : i32
        %dma_wait3A_823 = arith.constant 0 : i32
        %dma_wait3A_824 = tpu.memref_slice %arg5[%dma_wait3A_813, %dma_wait3A_822, %dma_wait3A_823] : memref<1024x200x128xf32, #tpu.memory_space<hbm>> -> memref<1x40x128xf32, #tpu.memory_space<hbm>>
        %dma_wait3A_825 = tpu.memref_squeeze %dma_wait3A_824 : memref<1x40x128xf32, #tpu.memory_space<hbm>> -> memref<40x128xf32, #tpu.memory_space<hbm>>
        %dma_wait3A_826 = arith.constant 0 : i32
        %dma_wait3A_827 = arith.constant 0 : i32
        %dma_wait3A_828 = tpu.memref_slice %arg8[%dma_wait3A_812, %dma_wait3A_826, %dma_wait3A_827] : memref<10x40x128xf32, #tpu.memory_space<vmem>> -> memref<1x40x128xf32, #tpu.memory_space<vmem>>
        %dma_wait3A_829 = tpu.memref_squeeze %dma_wait3A_828 : memref<1x40x128xf32, #tpu.memory_space<vmem>> -> memref<40x128xf32, #tpu.memory_space<vmem>>
        tpu.wait_dma2 semaphore(%arg23 : memref<!tpu.dma_semaphore, #tpu.memory_space<semaphore_mem>>) src(%dma_wait3A_829 : memref<40x128xf32, #tpu.memory_space<vmem>>) dst(%dma_wait3A_825 : memref<40x128xf32, #tpu.memory_space<hbm>>)
      } else {
      }
      %parallel_loop3A_494 = arith.constant 0 : i32
      %parallel_loop3A_495 = arith.constant 40 : i32
      %parallel_loop3A_496 = arith.constant 1 : i32
      scf.for %parallel_loop3A_812 = %parallel_loop3A_494 to %parallel_loop3A_495 step %parallel_loop3A_496  : i32 {
        %parallel_loop3A_813 = arith.constant 160 : i32
        %parallel_loop3A_814 = arith.addi %parallel_loop3A_813, %parallel_loop3A_812 : i32
        %parallel_loop3A_815 = arith.index_cast %parallel_loop3A_814 : i32 to index
        %parallel_loop3A_816 = arith.constant 0 : index
        %parallel_loop3A_817 = tpu.vector_load %arg7[%parallel_loop3A_815, %parallel_loop3A_816] {strides = array<i32>} : memref<200x128xf32, #tpu.memory_space<vmem>>, vector<1x16xf32>,
        %parallel_loop3A_818 = vector.shape_cast %parallel_loop3A_817 : vector<1x16xf32> to vector<16xf32>
        %parallel_loop3A_819 = arith.constant 4 : i32
        %parallel_loop3A_820 = arith.index_cast %parallel_loop3A_819 : i32 to index
        %parallel_loop3A_821 = arith.index_cast %parallel_loop3A_812 : i32 to index
        %parallel_loop3A_822 = arith.constant 0 : index
        %parallel_loop3A_823 = tpu.vector_load %arg8[%parallel_loop3A_820, %parallel_loop3A_821, %parallel_loop3A_822] {strides = array<i32>} : memref<10x40x128xf32, #tpu.memory_space<vmem>>, vector<1x1x16xf32>,
        %parallel_loop3A_824 = vector.shape_cast %parallel_loop3A_823 : vector<1x1x16xf32> to vector<16xf32>
        %parallel_loop3A_825 = vector.shape_cast %parallel_loop3A_818 : vector<16xf32> to vector<1x1x16xf32>
        tpu.vector_store %arg8[%parallel_loop3A_820, %parallel_loop3A_821, %parallel_loop3A_822], %parallel_loop3A_825 {strides = array<i32>} : memref<10x40x128xf32, #tpu.memory_space<vmem>>, vector<1x1x16xf32>,
        %parallel_loop3A_826 = arith.constant 160 : i32
        %parallel_loop3A_827 = arith.addi %parallel_loop3A_826, %parallel_loop3A_812 : i32
        %parallel_loop3A_828 = arith.index_cast %parallel_loop3A_827 : i32 to index
        %parallel_loop3A_829 = arith.constant 16 : index
        %parallel_loop3A_830 = tpu.vector_load %arg7[%parallel_loop3A_828, %parallel_loop3A_829] {strides = array<i32>} : memref<200x128xf32, #tpu.memory_space<vmem>>, vector<1x16xf32>,
        %parallel_loop3A_831 = vector.shape_cast %parallel_loop3A_830 : vector<1x16xf32> to vector<16xf32>
        %parallel_loop3A_832 = arith.constant 4 : i32
        %parallel_loop3A_833 = arith.index_cast %parallel_loop3A_832 : i32 to index
        %parallel_loop3A_834 = arith.index_cast %parallel_loop3A_812 : i32 to index
        %parallel_loop3A_835 = arith.constant 16 : index
        %parallel_loop3A_836 = tpu.vector_load %arg8[%parallel_loop3A_833, %parallel_loop3A_834, %parallel_loop3A_835] {strides = array<i32>} : memref<10x40x128xf32, #tpu.memory_space<vmem>>, vector<1x1x16xf32>,
        %parallel_loop3A_837 = vector.shape_cast %parallel_loop3A_836 : vector<1x1x16xf32> to vector<16xf32>
        %parallel_loop3A_838 = vector.shape_cast %parallel_loop3A_831 : vector<16xf32> to vector<1x1x16xf32>
        tpu.vector_store %arg8[%parallel_loop3A_833, %parallel_loop3A_834, %parallel_loop3A_835], %parallel_loop3A_838 {strides = array<i32>} : memref<10x40x128xf32, #tpu.memory_space<vmem>>, vector<1x1x16xf32>,
        %parallel_loop3A_839 = arith.constant 160 : i32
        %parallel_loop3A_840 = arith.addi %parallel_loop3A_839, %parallel_loop3A_812 : i32
        %parallel_loop3A_841 = arith.index_cast %parallel_loop3A_840 : i32 to index
        %parallel_loop3A_842 = arith.constant 32 : index
        %parallel_loop3A_843 = tpu.vector_load %arg7[%parallel_loop3A_841, %parallel_loop3A_842] {strides = array<i32>} : memref<200x128xf32, #tpu.memory_space<vmem>>, vector<1x16xf32>,
        %parallel_loop3A_844 = vector.shape_cast %parallel_loop3A_843 : vector<1x16xf32> to vector<16xf32>
        %parallel_loop3A_845 = arith.constant 4 : i32
        %parallel_loop3A_846 = arith.index_cast %parallel_loop3A_845 : i32 to index
        %parallel_loop3A_847 = arith.index_cast %parallel_loop3A_812 : i32 to index
        %parallel_loop3A_848 = arith.constant 32 : index
        %parallel_loop3A_849 = tpu.vector_load %arg8[%parallel_loop3A_846, %parallel_loop3A_847, %parallel_loop3A_848] {strides = array<i32>} : memref<10x40x128xf32, #tpu.memory_space<vmem>>, vector<1x1x16xf32>,
        %parallel_loop3A_850 = vector.shape_cast %parallel_loop3A_849 : vector<1x1x16xf32> to vector<16xf32>
        %parallel_loop3A_851 = vector.shape_cast %parallel_loop3A_844 : vector<16xf32> to vector<1x1x16xf32>
        tpu.vector_store %arg8[%parallel_loop3A_846, %parallel_loop3A_847, %parallel_loop3A_848], %parallel_loop3A_851 {strides = array<i32>} : memref<10x40x128xf32, #tpu.memory_space<vmem>>, vector<1x1x16xf32>,
        %parallel_loop3A_852 = arith.constant 160 : i32
        %parallel_loop3A_853 = arith.addi %parallel_loop3A_852, %parallel_loop3A_812 : i32
        %parallel_loop3A_854 = arith.index_cast %parallel_loop3A_853 : i32 to index
        %parallel_loop3A_855 = arith.constant 48 : index
        %parallel_loop3A_856 = tpu.vector_load %arg7[%parallel_loop3A_854, %parallel_loop3A_855] {strides = array<i32>} : memref<200x128xf32, #tpu.memory_space<vmem>>, vector<1x16xf32>,
        %parallel_loop3A_857 = vector.shape_cast %parallel_loop3A_856 : vector<1x16xf32> to vector<16xf32>
        %parallel_loop3A_858 = arith.constant 4 : i32
        %parallel_loop3A_859 = arith.index_cast %parallel_loop3A_858 : i32 to index
        %parallel_loop3A_860 = arith.index_cast %parallel_loop3A_812 : i32 to index
        %parallel_loop3A_861 = arith.constant 48 : index
        %parallel_loop3A_862 = tpu.vector_load %arg8[%parallel_loop3A_859, %parallel_loop3A_860, %parallel_loop3A_861] {strides = array<i32>} : memref<10x40x128xf32, #tpu.memory_space<vmem>>, vector<1x1x16xf32>,
        %parallel_loop3A_863 = vector.shape_cast %parallel_loop3A_862 : vector<1x1x16xf32> to vector<16xf32>
        %parallel_loop3A_864 = vector.shape_cast %parallel_loop3A_857 : vector<16xf32> to vector<1x1x16xf32>
        tpu.vector_store %arg8[%parallel_loop3A_859, %parallel_loop3A_860, %parallel_loop3A_861], %parallel_loop3A_864 {strides = array<i32>} : memref<10x40x128xf32, #tpu.memory_space<vmem>>, vector<1x1x16xf32>,
        %parallel_loop3A_865 = arith.constant 160 : i32
        %parallel_loop3A_866 = arith.addi %parallel_loop3A_865, %parallel_loop3A_812 : i32
        %parallel_loop3A_867 = arith.index_cast %parallel_loop3A_866 : i32 to index
        %parallel_loop3A_868 = arith.constant 64 : index
        %parallel_loop3A_869 = tpu.vector_load %arg7[%parallel_loop3A_867, %parallel_loop3A_868] {strides = array<i32>} : memref<200x128xf32, #tpu.memory_space<vmem>>, vector<1x16xf32>,
        %parallel_loop3A_870 = vector.shape_cast %parallel_loop3A_869 : vector<1x16xf32> to vector<16xf32>
        %parallel_loop3A_871 = arith.constant 4 : i32
        %parallel_loop3A_872 = arith.index_cast %parallel_loop3A_871 : i32 to index
        %parallel_loop3A_873 = arith.index_cast %parallel_loop3A_812 : i32 to index
        %parallel_loop3A_874 = arith.constant 64 : index
        %parallel_loop3A_875 = tpu.vector_load %arg8[%parallel_loop3A_872, %parallel_loop3A_873, %parallel_loop3A_874] {strides = array<i32>} : memref<10x40x128xf32, #tpu.memory_space<vmem>>, vector<1x1x16xf32>,
        %parallel_loop3A_876 = vector.shape_cast %parallel_loop3A_875 : vector<1x1x16xf32> to vector<16xf32>
        %parallel_loop3A_877 = vector.shape_cast %parallel_loop3A_870 : vector<16xf32> to vector<1x1x16xf32>
        tpu.vector_store %arg8[%parallel_loop3A_872, %parallel_loop3A_873, %parallel_loop3A_874], %parallel_loop3A_877 {strides = array<i32>} : memref<10x40x128xf32, #tpu.memory_space<vmem>>, vector<1x1x16xf32>,
        %parallel_loop3A_878 = arith.constant 160 : i32
        %parallel_loop3A_879 = arith.addi %parallel_loop3A_878, %parallel_loop3A_812 : i32
        %parallel_loop3A_880 = arith.index_cast %parallel_loop3A_879 : i32 to index
        %parallel_loop3A_881 = arith.constant 80 : index
        %parallel_loop3A_882 = tpu.vector_load %arg7[%parallel_loop3A_880, %parallel_loop3A_881] {strides = array<i32>} : memref<200x128xf32, #tpu.memory_space<vmem>>, vector<1x16xf32>,
        %parallel_loop3A_883 = vector.shape_cast %parallel_loop3A_882 : vector<1x16xf32> to vector<16xf32>
        %parallel_loop3A_884 = arith.constant 4 : i32
        %parallel_loop3A_885 = arith.index_cast %parallel_loop3A_884 : i32 to index
        %parallel_loop3A_886 = arith.index_cast %parallel_loop3A_812 : i32 to index
        %parallel_loop3A_887 = arith.constant 80 : index
        %parallel_loop3A_888 = tpu.vector_load %arg8[%parallel_loop3A_885, %parallel_loop3A_886, %parallel_loop3A_887] {strides = array<i32>} : memref<10x40x128xf32, #tpu.memory_space<vmem>>, vector<1x1x16xf32>,
        %parallel_loop3A_889 = vector.shape_cast %parallel_loop3A_888 : vector<1x1x16xf32> to vector<16xf32>
        %parallel_loop3A_890 = vector.shape_cast %parallel_loop3A_883 : vector<16xf32> to vector<1x1x16xf32>
        tpu.vector_store %arg8[%parallel_loop3A_885, %parallel_loop3A_886, %parallel_loop3A_887], %parallel_loop3A_890 {strides = array<i32>} : memref<10x40x128xf32, #tpu.memory_space<vmem>>, vector<1x1x16xf32>,
        %parallel_loop3A_891 = arith.constant 160 : i32
        %parallel_loop3A_892 = arith.addi %parallel_loop3A_891, %parallel_loop3A_812 : i32
        %parallel_loop3A_893 = arith.index_cast %parallel_loop3A_892 : i32 to index
        %parallel_loop3A_894 = arith.constant 96 : index
        %parallel_loop3A_895 = tpu.vector_load %arg7[%parallel_loop3A_893, %parallel_loop3A_894] {strides = array<i32>} : memref<200x128xf32, #tpu.memory_space<vmem>>, vector<1x16xf32>,
        %parallel_loop3A_896 = vector.shape_cast %parallel_loop3A_895 : vector<1x16xf32> to vector<16xf32>
        %parallel_loop3A_897 = arith.constant 4 : i32
        %parallel_loop3A_898 = arith.index_cast %parallel_loop3A_897 : i32 to index
        %parallel_loop3A_899 = arith.index_cast %parallel_loop3A_812 : i32 to index
        %parallel_loop3A_900 = arith.constant 96 : index
        %parallel_loop3A_901 = tpu.vector_load %arg8[%parallel_loop3A_898, %parallel_loop3A_899, %parallel_loop3A_900] {strides = array<i32>} : memref<10x40x128xf32, #tpu.memory_space<vmem>>, vector<1x1x16xf32>,
        %parallel_loop3A_902 = vector.shape_cast %parallel_loop3A_901 : vector<1x1x16xf32> to vector<16xf32>
        %parallel_loop3A_903 = vector.shape_cast %parallel_loop3A_896 : vector<16xf32> to vector<1x1x16xf32>
        tpu.vector_store %arg8[%parallel_loop3A_898, %parallel_loop3A_899, %parallel_loop3A_900], %parallel_loop3A_903 {strides = array<i32>} : memref<10x40x128xf32, #tpu.memory_space<vmem>>, vector<1x1x16xf32>,
        %parallel_loop3A_904 = arith.constant 160 : i32
        %parallel_loop3A_905 = arith.addi %parallel_loop3A_904, %parallel_loop3A_812 : i32
        %parallel_loop3A_906 = arith.index_cast %parallel_loop3A_905 : i32 to index
        %parallel_loop3A_907 = arith.constant 112 : index
        %parallel_loop3A_908 = tpu.vector_load %arg7[%parallel_loop3A_906, %parallel_loop3A_907] {strides = array<i32>} : memref<200x128xf32, #tpu.memory_space<vmem>>, vector<1x16xf32>,
        %parallel_loop3A_909 = vector.shape_cast %parallel_loop3A_908 : vector<1x16xf32> to vector<16xf32>
        %parallel_loop3A_910 = arith.constant 4 : i32
        %parallel_loop3A_911 = arith.index_cast %parallel_loop3A_910 : i32 to index
        %parallel_loop3A_912 = arith.index_cast %parallel_loop3A_812 : i32 to index
        %parallel_loop3A_913 = arith.constant 112 : index
        %parallel_loop3A_914 = tpu.vector_load %arg8[%parallel_loop3A_911, %parallel_loop3A_912, %parallel_loop3A_913] {strides = array<i32>} : memref<10x40x128xf32, #tpu.memory_space<vmem>>, vector<1x1x16xf32>,
        %parallel_loop3A_915 = vector.shape_cast %parallel_loop3A_914 : vector<1x1x16xf32> to vector<16xf32>
        %parallel_loop3A_916 = vector.shape_cast %parallel_loop3A_909 : vector<16xf32> to vector<1x1x16xf32>
        tpu.vector_store %arg8[%parallel_loop3A_911, %parallel_loop3A_912, %parallel_loop3A_913], %parallel_loop3A_916 {strides = array<i32>} : memref<10x40x128xf32, #tpu.memory_space<vmem>>, vector<1x1x16xf32>,
      } {sc.loop_unroll_factor = 4 : i64, sc.parallel_access}
      %dma_start3A_497 = arith.constant 4 : i32
      %dma_start3A_498 = arith.constant 0 : i32
      %dma_start3A_499 = arith.constant 0 : i32
      %dma_start3A_500 = tpu.memref_slice %arg8[%dma_start3A_497, %dma_start3A_498, %dma_start3A_499] : memref<10x40x128xf32, #tpu.memory_space<vmem>> -> memref<1x40x128xf32, #tpu.memory_space<vmem>>
      %dma_start3A_501 = tpu.memref_squeeze %dma_start3A_500 : memref<1x40x128xf32, #tpu.memory_space<vmem>> -> memref<40x128xf32, #tpu.memory_space<vmem>>
      %dma_start3A_502 = arith.constant 0 : i32
      %dma_start3A_503 = tpu.memref_slice %arg6[%add3A_488, %dma_start3A_502] : memref<160x40xi32, #tpu.memory_space<vmem>> -> memref<1x40xi32, #tpu.memory_space<vmem>>
      %dma_start3A_504 = tpu.memref_squeeze %dma_start3A_503 : memref<1x40xi32, #tpu.memory_space<vmem>> -> memref<40xi32, #tpu.memory_space<vmem>>
      %dma_start3A_505 = arith.constant 0 : i32
      %dma_start3A_506 = arith.constant 0 : i32
      %dma_start3A_507 = tpu.memref_slice %arg2[%dma_start3A_505, %dma_start3A_506] : memref<100000x128xf32, #tpu.memory_space<hbm>> -> memref<100000x128xf32, #tpu.memory_space<hbm>>
      tpu.enqueue_indirect_dma source(%dma_start3A_507 : memref<100000x128xf32, #tpu.memory_space<hbm>>) target(%dma_start3A_501 : memref<40x128xf32, #tpu.memory_space<vmem>>) offsets(%dma_start3A_504 : memref<40xi32, #tpu.memory_space<vmem>>) semaphore(%arg13 : memref<!tpu.dma_semaphore, #tpu.memory_space<semaphore_mem>>) {add = true}
      %sub3A_508 = arith.constant 5 : i32
      %sub3A_509 = arith.subi %add3A_488, %sub3A_508 : i32
      %sub3A_510 = arith.constant 1 : i32
      %sub3A_511 = arith.subi %scan3A_341, %sub3A_510 : i32
      %mul3A_512 = arith.constant 2 : i32
      %mul3A_513 = arith.muli %mul3A_512, %sub3A_511 : i32
      %add3A_514 = arith.addi %mul3A_2, %mul3A_513 : i32
      %add3A_515 = arith.constant 1 : i32
      %add3A_516 = arith.addi %add3A_514, %add3A_515 : i32
      %gt3A_517 = arith.constant 0 : i32
      %gt3A_518 = arith.cmpi sgt, %scan3A_341, %gt3A_517 : i32
      %convert_element_type3A_519 = arith.extui %gt3A_518 : i1 to i32
      %cond3A_520 = arith.constant 0 : i32
      %cond3A_521 = arith.cmpi ne, %convert_element_type3A_519, %cond3A_520 : i32
      scf.if %cond3A_521 {
        %dma_wait3A_812 = arith.constant 9 : i32
        %dma_wait3A_813 = arith.constant 0 : i32
        %dma_wait3A_814 = arith.constant 0 : i32
        %dma_wait3A_815 = tpu.memref_slice %arg8[%dma_wait3A_812, %dma_wait3A_813, %dma_wait3A_814] : memref<10x40x128xf32, #tpu.memory_space<vmem>> -> memref<1x40x128xf32, #tpu.memory_space<vmem>>
        %dma_wait3A_816 = tpu.memref_squeeze %dma_wait3A_815 : memref<1x40x128xf32, #tpu.memory_space<vmem>> -> memref<40x128xf32, #tpu.memory_space<vmem>>
        %dma_wait3A_817 = arith.constant 0 : i32
        %dma_wait3A_818 = tpu.memref_slice %arg6[%sub3A_509, %dma_wait3A_817] : memref<160x40xi32, #tpu.memory_space<vmem>> -> memref<1x40xi32, #tpu.memory_space<vmem>>
        %dma_wait3A_819 = tpu.memref_squeeze %dma_wait3A_818 : memref<1x40xi32, #tpu.memory_space<vmem>> -> memref<40xi32, #tpu.memory_space<vmem>>
        %dma_wait3A_820 = arith.constant 0 : i32
        %dma_wait3A_821 = arith.constant 0 : i32
        %dma_wait3A_822 = tpu.memref_slice %arg2[%dma_wait3A_820, %dma_wait3A_821] : memref<100000x128xf32, #tpu.memory_space<hbm>> -> memref<100000x128xf32, #tpu.memory_space<hbm>>
        tpu.wait_indirect_dma semaphore(%arg18 : memref<!tpu.dma_semaphore, #tpu.memory_space<semaphore_mem>>) src(%dma_wait3A_822 : memref<100000x128xf32, #tpu.memory_space<hbm>>) dst(%dma_wait3A_816 : memref<40x128xf32, #tpu.memory_space<vmem>>)
        %dma_start3A_823 = arith.constant 9 : i32
        %dma_start3A_824 = arith.constant 0 : i32
        %dma_start3A_825 = arith.constant 0 : i32
        %dma_start3A_826 = tpu.memref_slice %arg8[%dma_start3A_823, %dma_start3A_824, %dma_start3A_825] : memref<10x40x128xf32, #tpu.memory_space<vmem>> -> memref<1x40x128xf32, #tpu.memory_space<vmem>>
        %dma_start3A_827 = tpu.memref_squeeze %dma_start3A_826 : memref<1x40x128xf32, #tpu.memory_space<vmem>> -> memref<40x128xf32, #tpu.memory_space<vmem>>
        %dma_start3A_828 = arith.constant 160 : i32
        %dma_start3A_829 = arith.constant 0 : i32
        %dma_start3A_830 = tpu.memref_slice %arg5[%add3A_516, %dma_start3A_828, %dma_start3A_829] : memref<1024x200x128xf32, #tpu.memory_space<hbm>> -> memref<1x40x128xf32, #tpu.memory_space<hbm>>
        %dma_start3A_831 = tpu.memref_squeeze %dma_start3A_830 : memref<1x40x128xf32, #tpu.memory_space<hbm>> -> memref<40x128xf32, #tpu.memory_space<hbm>>
        %dma_start3A_832 = arith.constant 160 : i32
        %dma_start3A_833 = arith.constant 0 : i32
        %dma_start3A_834 = tpu.memref_slice %arg5[%add3A_516, %dma_start3A_832, %dma_start3A_833] : memref<1024x200x128xf32, #tpu.memory_space<hbm>> -> memref<1x40x128xf32, #tpu.memory_space<hbm>>
        %dma_start3A_835 = tpu.memref_squeeze %dma_start3A_834 : memref<1x40x128xf32, #tpu.memory_space<hbm>> -> memref<40x128xf32, #tpu.memory_space<hbm>>
        %dma_start3A_836 = arith.constant 0 : i32
        %dma_start3A_837 = arith.constant 0 : i32
        %dma_start3A_838 = tpu.memref_slice %arg8[%dma_start3A_823, %dma_start3A_836, %dma_start3A_837] : memref<10x40x128xf32, #tpu.memory_space<vmem>> -> memref<1x40x128xf32, #tpu.memory_space<vmem>>
        %dma_start3A_839 = tpu.memref_squeeze %dma_start3A_838 : memref<1x40x128xf32, #tpu.memory_space<vmem>> -> memref<40x128xf32, #tpu.memory_space<vmem>>
        tpu.enqueue_dma source(%dma_start3A_839 : memref<40x128xf32, #tpu.memory_space<vmem>>) target(%dma_start3A_835 : memref<40x128xf32, #tpu.memory_space<hbm>>) target_semaphore(%arg28 : memref<!tpu.dma_semaphore, #tpu.memory_space<semaphore_mem>>)
      } else {
      }
      %mul3A_522 = arith.constant 10 : i32
      %mul3A_523 = arith.muli %mul3A_522, %scan3A_341 : i32
      %add3A_524 = arith.constant 5 : i32
      %add3A_525 = arith.addi %mul3A_523, %add3A_524 : i32
      %gt3A_526 = arith.constant 0 : i32
      %gt3A_527 = arith.cmpi sgt, %scan3A_341, %gt3A_526 : i32
      %convert_element_type3A_528 = arith.extui %gt3A_527 : i1 to i32
      %cond3A_529 = arith.constant 0 : i32
      %cond3A_530 = arith.cmpi ne, %convert_element_type3A_528, %cond3A_529 : i32
      scf.if %cond3A_530 {
        %dma_wait3A_812 = arith.constant 5 : i32
        %dma_wait3A_813 = arith.constant 0 : i32
        %dma_wait3A_814 = arith.constant 0 : i32
        %dma_wait3A_815 = arith.constant 0 : i32
        %dma_wait3A_816 = tpu.memref_slice %arg8[%dma_wait3A_812, %dma_wait3A_814, %dma_wait3A_815] : memref<10x40x128xf32, #tpu.memory_space<vmem>> -> memref<1x40x128xf32, #tpu.memory_space<vmem>>
        %dma_wait3A_817 = tpu.memref_squeeze %dma_wait3A_816 : memref<1x40x128xf32, #tpu.memory_space<vmem>> -> memref<40x128xf32, #tpu.memory_space<vmem>>
        %dma_wait3A_818 = arith.constant 0 : i32
        %dma_wait3A_819 = arith.constant 0 : i32
        %dma_wait3A_820 = tpu.memref_slice %arg5[%dma_wait3A_813, %dma_wait3A_818, %dma_wait3A_819] : memref<1024x200x128xf32, #tpu.memory_space<hbm>> -> memref<1x40x128xf32, #tpu.memory_space<hbm>>
        %dma_wait3A_821 = tpu.memref_squeeze %dma_wait3A_820 : memref<1x40x128xf32, #tpu.memory_space<hbm>> -> memref<40x128xf32, #tpu.memory_space<hbm>>
        %dma_wait3A_822 = arith.constant 0 : i32
        %dma_wait3A_823 = arith.constant 0 : i32
        %dma_wait3A_824 = tpu.memref_slice %arg5[%dma_wait3A_813, %dma_wait3A_822, %dma_wait3A_823] : memref<1024x200x128xf32, #tpu.memory_space<hbm>> -> memref<1x40x128xf32, #tpu.memory_space<hbm>>
        %dma_wait3A_825 = tpu.memref_squeeze %dma_wait3A_824 : memref<1x40x128xf32, #tpu.memory_space<hbm>> -> memref<40x128xf32, #tpu.memory_space<hbm>>
        %dma_wait3A_826 = arith.constant 0 : i32
        %dma_wait3A_827 = arith.constant 0 : i32
        %dma_wait3A_828 = tpu.memref_slice %arg8[%dma_wait3A_812, %dma_wait3A_826, %dma_wait3A_827] : memref<10x40x128xf32, #tpu.memory_space<vmem>> -> memref<1x40x128xf32, #tpu.memory_space<vmem>>
        %dma_wait3A_829 = tpu.memref_squeeze %dma_wait3A_828 : memref<1x40x128xf32, #tpu.memory_space<vmem>> -> memref<40x128xf32, #tpu.memory_space<vmem>>
        tpu.wait_dma2 semaphore(%arg24 : memref<!tpu.dma_semaphore, #tpu.memory_space<semaphore_mem>>) src(%dma_wait3A_829 : memref<40x128xf32, #tpu.memory_space<vmem>>) dst(%dma_wait3A_825 : memref<40x128xf32, #tpu.memory_space<hbm>>)
      } else {
      }
      %parallel_loop3A_531 = arith.constant 0 : i32
      %parallel_loop3A_532 = arith.constant 40 : i32
      %parallel_loop3A_533 = arith.constant 1 : i32
      scf.for %parallel_loop3A_812 = %parallel_loop3A_531 to %parallel_loop3A_532 step %parallel_loop3A_533  : i32 {
        %parallel_loop3A_813 = arith.constant 0 : i32
        %parallel_loop3A_814 = arith.addi %parallel_loop3A_813, %parallel_loop3A_812 : i32
        %parallel_loop3A_815 = arith.index_cast %parallel_loop3A_814 : i32 to index
        %parallel_loop3A_816 = arith.constant 0 : index
        %parallel_loop3A_817 = tpu.vector_load %arg7[%parallel_loop3A_815, %parallel_loop3A_816] {strides = array<i32>} : memref<200x128xf32, #tpu.memory_space<vmem>>, vector<1x16xf32>,
        %parallel_loop3A_818 = vector.shape_cast %parallel_loop3A_817 : vector<1x16xf32> to vector<16xf32>
        %parallel_loop3A_819 = arith.constant 5 : i32
        %parallel_loop3A_820 = arith.index_cast %parallel_loop3A_819 : i32 to index
        %parallel_loop3A_821 = arith.index_cast %parallel_loop3A_812 : i32 to index
        %parallel_loop3A_822 = arith.constant 0 : index
        %parallel_loop3A_823 = tpu.vector_load %arg8[%parallel_loop3A_820, %parallel_loop3A_821, %parallel_loop3A_822] {strides = array<i32>} : memref<10x40x128xf32, #tpu.memory_space<vmem>>, vector<1x1x16xf32>,
        %parallel_loop3A_824 = vector.shape_cast %parallel_loop3A_823 : vector<1x1x16xf32> to vector<16xf32>
        %parallel_loop3A_825 = vector.shape_cast %parallel_loop3A_818 : vector<16xf32> to vector<1x1x16xf32>
        tpu.vector_store %arg8[%parallel_loop3A_820, %parallel_loop3A_821, %parallel_loop3A_822], %parallel_loop3A_825 {strides = array<i32>} : memref<10x40x128xf32, #tpu.memory_space<vmem>>, vector<1x1x16xf32>,
        %parallel_loop3A_826 = arith.constant 0 : i32
        %parallel_loop3A_827 = arith.addi %parallel_loop3A_826, %parallel_loop3A_812 : i32
        %parallel_loop3A_828 = arith.index_cast %parallel_loop3A_827 : i32 to index
        %parallel_loop3A_829 = arith.constant 16 : index
        %parallel_loop3A_830 = tpu.vector_load %arg7[%parallel_loop3A_828, %parallel_loop3A_829] {strides = array<i32>} : memref<200x128xf32, #tpu.memory_space<vmem>>, vector<1x16xf32>,
        %parallel_loop3A_831 = vector.shape_cast %parallel_loop3A_830 : vector<1x16xf32> to vector<16xf32>
        %parallel_loop3A_832 = arith.constant 5 : i32
        %parallel_loop3A_833 = arith.index_cast %parallel_loop3A_832 : i32 to index
        %parallel_loop3A_834 = arith.index_cast %parallel_loop3A_812 : i32 to index
        %parallel_loop3A_835 = arith.constant 16 : index
        %parallel_loop3A_836 = tpu.vector_load %arg8[%parallel_loop3A_833, %parallel_loop3A_834, %parallel_loop3A_835] {strides = array<i32>} : memref<10x40x128xf32, #tpu.memory_space<vmem>>, vector<1x1x16xf32>,
        %parallel_loop3A_837 = vector.shape_cast %parallel_loop3A_836 : vector<1x1x16xf32> to vector<16xf32>
        %parallel_loop3A_838 = vector.shape_cast %parallel_loop3A_831 : vector<16xf32> to vector<1x1x16xf32>
        tpu.vector_store %arg8[%parallel_loop3A_833, %parallel_loop3A_834, %parallel_loop3A_835], %parallel_loop3A_838 {strides = array<i32>} : memref<10x40x128xf32, #tpu.memory_space<vmem>>, vector<1x1x16xf32>,
        %parallel_loop3A_839 = arith.constant 0 : i32
        %parallel_loop3A_840 = arith.addi %parallel_loop3A_839, %parallel_loop3A_812 : i32
        %parallel_loop3A_841 = arith.index_cast %parallel_loop3A_840 : i32 to index
        %parallel_loop3A_842 = arith.constant 32 : index
        %parallel_loop3A_843 = tpu.vector_load %arg7[%parallel_loop3A_841, %parallel_loop3A_842] {strides = array<i32>} : memref<200x128xf32, #tpu.memory_space<vmem>>, vector<1x16xf32>,
        %parallel_loop3A_844 = vector.shape_cast %parallel_loop3A_843 : vector<1x16xf32> to vector<16xf32>
        %parallel_loop3A_845 = arith.constant 5 : i32
        %parallel_loop3A_846 = arith.index_cast %parallel_loop3A_845 : i32 to index
        %parallel_loop3A_847 = arith.index_cast %parallel_loop3A_812 : i32 to index
        %parallel_loop3A_848 = arith.constant 32 : index
        %parallel_loop3A_849 = tpu.vector_load %arg8[%parallel_loop3A_846, %parallel_loop3A_847, %parallel_loop3A_848] {strides = array<i32>} : memref<10x40x128xf32, #tpu.memory_space<vmem>>, vector<1x1x16xf32>,
        %parallel_loop3A_850 = vector.shape_cast %parallel_loop3A_849 : vector<1x1x16xf32> to vector<16xf32>
        %parallel_loop3A_851 = vector.shape_cast %parallel_loop3A_844 : vector<16xf32> to vector<1x1x16xf32>
        tpu.vector_store %arg8[%parallel_loop3A_846, %parallel_loop3A_847, %parallel_loop3A_848], %parallel_loop3A_851 {strides = array<i32>} : memref<10x40x128xf32, #tpu.memory_space<vmem>>, vector<1x1x16xf32>,
        %parallel_loop3A_852 = arith.constant 0 : i32
        %parallel_loop3A_853 = arith.addi %parallel_loop3A_852, %parallel_loop3A_812 : i32
        %parallel_loop3A_854 = arith.index_cast %parallel_loop3A_853 : i32 to index
        %parallel_loop3A_855 = arith.constant 48 : index
        %parallel_loop3A_856 = tpu.vector_load %arg7[%parallel_loop3A_854, %parallel_loop3A_855] {strides = array<i32>} : memref<200x128xf32, #tpu.memory_space<vmem>>, vector<1x16xf32>,
        %parallel_loop3A_857 = vector.shape_cast %parallel_loop3A_856 : vector<1x16xf32> to vector<16xf32>
        %parallel_loop3A_858 = arith.constant 5 : i32
        %parallel_loop3A_859 = arith.index_cast %parallel_loop3A_858 : i32 to index
        %parallel_loop3A_860 = arith.index_cast %parallel_loop3A_812 : i32 to index
        %parallel_loop3A_861 = arith.constant 48 : index
        %parallel_loop3A_862 = tpu.vector_load %arg8[%parallel_loop3A_859, %parallel_loop3A_860, %parallel_loop3A_861] {strides = array<i32>} : memref<10x40x128xf32, #tpu.memory_space<vmem>>, vector<1x1x16xf32>,
        %parallel_loop3A_863 = vector.shape_cast %parallel_loop3A_862 : vector<1x1x16xf32> to vector<16xf32>
        %parallel_loop3A_864 = vector.shape_cast %parallel_loop3A_857 : vector<16xf32> to vector<1x1x16xf32>
        tpu.vector_store %arg8[%parallel_loop3A_859, %parallel_loop3A_860, %parallel_loop3A_861], %parallel_loop3A_864 {strides = array<i32>} : memref<10x40x128xf32, #tpu.memory_space<vmem>>, vector<1x1x16xf32>,
        %parallel_loop3A_865 = arith.constant 0 : i32
        %parallel_loop3A_866 = arith.addi %parallel_loop3A_865, %parallel_loop3A_812 : i32
        %parallel_loop3A_867 = arith.index_cast %parallel_loop3A_866 : i32 to index
        %parallel_loop3A_868 = arith.constant 64 : index
        %parallel_loop3A_869 = tpu.vector_load %arg7[%parallel_loop3A_867, %parallel_loop3A_868] {strides = array<i32>} : memref<200x128xf32, #tpu.memory_space<vmem>>, vector<1x16xf32>,
        %parallel_loop3A_870 = vector.shape_cast %parallel_loop3A_869 : vector<1x16xf32> to vector<16xf32>
        %parallel_loop3A_871 = arith.constant 5 : i32
        %parallel_loop3A_872 = arith.index_cast %parallel_loop3A_871 : i32 to index
        %parallel_loop3A_873 = arith.index_cast %parallel_loop3A_812 : i32 to index
        %parallel_loop3A_874 = arith.constant 64 : index
        %parallel_loop3A_875 = tpu.vector_load %arg8[%parallel_loop3A_872, %parallel_loop3A_873, %parallel_loop3A_874] {strides = array<i32>} : memref<10x40x128xf32, #tpu.memory_space<vmem>>, vector<1x1x16xf32>,
        %parallel_loop3A_876 = vector.shape_cast %parallel_loop3A_875 : vector<1x1x16xf32> to vector<16xf32>
        %parallel_loop3A_877 = vector.shape_cast %parallel_loop3A_870 : vector<16xf32> to vector<1x1x16xf32>
        tpu.vector_store %arg8[%parallel_loop3A_872, %parallel_loop3A_873, %parallel_loop3A_874], %parallel_loop3A_877 {strides = array<i32>} : memref<10x40x128xf32, #tpu.memory_space<vmem>>, vector<1x1x16xf32>,
        %parallel_loop3A_878 = arith.constant 0 : i32
        %parallel_loop3A_879 = arith.addi %parallel_loop3A_878, %parallel_loop3A_812 : i32
        %parallel_loop3A_880 = arith.index_cast %parallel_loop3A_879 : i32 to index
        %parallel_loop3A_881 = arith.constant 80 : index
        %parallel_loop3A_882 = tpu.vector_load %arg7[%parallel_loop3A_880, %parallel_loop3A_881] {strides = array<i32>} : memref<200x128xf32, #tpu.memory_space<vmem>>, vector<1x16xf32>,
        %parallel_loop3A_883 = vector.shape_cast %parallel_loop3A_882 : vector<1x16xf32> to vector<16xf32>
        %parallel_loop3A_884 = arith.constant 5 : i32
        %parallel_loop3A_885 = arith.index_cast %parallel_loop3A_884 : i32 to index
        %parallel_loop3A_886 = arith.index_cast %parallel_loop3A_812 : i32 to index
        %parallel_loop3A_887 = arith.constant 80 : index
        %parallel_loop3A_888 = tpu.vector_load %arg8[%parallel_loop3A_885, %parallel_loop3A_886, %parallel_loop3A_887] {strides = array<i32>} : memref<10x40x128xf32, #tpu.memory_space<vmem>>, vector<1x1x16xf32>,
        %parallel_loop3A_889 = vector.shape_cast %parallel_loop3A_888 : vector<1x1x16xf32> to vector<16xf32>
        %parallel_loop3A_890 = vector.shape_cast %parallel_loop3A_883 : vector<16xf32> to vector<1x1x16xf32>
        tpu.vector_store %arg8[%parallel_loop3A_885, %parallel_loop3A_886, %parallel_loop3A_887], %parallel_loop3A_890 {strides = array<i32>} : memref<10x40x128xf32, #tpu.memory_space<vmem>>, vector<1x1x16xf32>,
        %parallel_loop3A_891 = arith.constant 0 : i32
        %parallel_loop3A_892 = arith.addi %parallel_loop3A_891, %parallel_loop3A_812 : i32
        %parallel_loop3A_893 = arith.index_cast %parallel_loop3A_892 : i32 to index
        %parallel_loop3A_894 = arith.constant 96 : index
        %parallel_loop3A_895 = tpu.vector_load %arg7[%parallel_loop3A_893, %parallel_loop3A_894] {strides = array<i32>} : memref<200x128xf32, #tpu.memory_space<vmem>>, vector<1x16xf32>,
        %parallel_loop3A_896 = vector.shape_cast %parallel_loop3A_895 : vector<1x16xf32> to vector<16xf32>
        %parallel_loop3A_897 = arith.constant 5 : i32
        %parallel_loop3A_898 = arith.index_cast %parallel_loop3A_897 : i32 to index
        %parallel_loop3A_899 = arith.index_cast %parallel_loop3A_812 : i32 to index
        %parallel_loop3A_900 = arith.constant 96 : index
        %parallel_loop3A_901 = tpu.vector_load %arg8[%parallel_loop3A_898, %parallel_loop3A_899, %parallel_loop3A_900] {strides = array<i32>} : memref<10x40x128xf32, #tpu.memory_space<vmem>>, vector<1x1x16xf32>,
        %parallel_loop3A_902 = vector.shape_cast %parallel_loop3A_901 : vector<1x1x16xf32> to vector<16xf32>
        %parallel_loop3A_903 = vector.shape_cast %parallel_loop3A_896 : vector<16xf32> to vector<1x1x16xf32>
        tpu.vector_store %arg8[%parallel_loop3A_898, %parallel_loop3A_899, %parallel_loop3A_900], %parallel_loop3A_903 {strides = array<i32>} : memref<10x40x128xf32, #tpu.memory_space<vmem>>, vector<1x1x16xf32>,
        %parallel_loop3A_904 = arith.constant 0 : i32
        %parallel_loop3A_905 = arith.addi %parallel_loop3A_904, %parallel_loop3A_812 : i32
        %parallel_loop3A_906 = arith.index_cast %parallel_loop3A_905 : i32 to index
        %parallel_loop3A_907 = arith.constant 112 : index
        %parallel_loop3A_908 = tpu.vector_load %arg7[%parallel_loop3A_906, %parallel_loop3A_907] {strides = array<i32>} : memref<200x128xf32, #tpu.memory_space<vmem>>, vector<1x16xf32>,
        %parallel_loop3A_909 = vector.shape_cast %parallel_loop3A_908 : vector<1x16xf32> to vector<16xf32>
        %parallel_loop3A_910 = arith.constant 5 : i32
        %parallel_loop3A_911 = arith.index_cast %parallel_loop3A_910 : i32 to index
        %parallel_loop3A_912 = arith.index_cast %parallel_loop3A_812 : i32 to index
        %parallel_loop3A_913 = arith.constant 112 : index
        %parallel_loop3A_914 = tpu.vector_load %arg8[%parallel_loop3A_911, %parallel_loop3A_912, %parallel_loop3A_913] {strides = array<i32>} : memref<10x40x128xf32, #tpu.memory_space<vmem>>, vector<1x1x16xf32>,
        %parallel_loop3A_915 = vector.shape_cast %parallel_loop3A_914 : vector<1x1x16xf32> to vector<16xf32>
        %parallel_loop3A_916 = vector.shape_cast %parallel_loop3A_909 : vector<16xf32> to vector<1x1x16xf32>
        tpu.vector_store %arg8[%parallel_loop3A_911, %parallel_loop3A_912, %parallel_loop3A_913], %parallel_loop3A_916 {strides = array<i32>} : memref<10x40x128xf32, #tpu.memory_space<vmem>>, vector<1x1x16xf32>,
      } {sc.loop_unroll_factor = 4 : i64, sc.parallel_access}
      %dma_start3A_534 = arith.constant 5 : i32
      %dma_start3A_535 = arith.constant 0 : i32
      %dma_start3A_536 = arith.constant 0 : i32
      %dma_start3A_537 = tpu.memref_slice %arg8[%dma_start3A_534, %dma_start3A_535, %dma_start3A_536] : memref<10x40x128xf32, #tpu.memory_space<vmem>> -> memref<1x40x128xf32, #tpu.memory_space<vmem>>
      %dma_start3A_538 = tpu.memref_squeeze %dma_start3A_537 : memref<1x40x128xf32, #tpu.memory_space<vmem>> -> memref<40x128xf32, #tpu.memory_space<vmem>>
      %dma_start3A_539 = arith.constant 0 : i32
      %dma_start3A_540 = tpu.memref_slice %arg6[%add3A_525, %dma_start3A_539] : memref<160x40xi32, #tpu.memory_space<vmem>> -> memref<1x40xi32, #tpu.memory_space<vmem>>
      %dma_start3A_541 = tpu.memref_squeeze %dma_start3A_540 : memref<1x40xi32, #tpu.memory_space<vmem>> -> memref<40xi32, #tpu.memory_space<vmem>>
      %dma_start3A_542 = arith.constant 0 : i32
      %dma_start3A_543 = arith.constant 0 : i32
      %dma_start3A_544 = tpu.memref_slice %arg2[%dma_start3A_542, %dma_start3A_543] : memref<100000x128xf32, #tpu.memory_space<hbm>> -> memref<100000x128xf32, #tpu.memory_space<hbm>>
      tpu.enqueue_indirect_dma source(%dma_start3A_544 : memref<100000x128xf32, #tpu.memory_space<hbm>>) target(%dma_start3A_538 : memref<40x128xf32, #tpu.memory_space<vmem>>) offsets(%dma_start3A_541 : memref<40xi32, #tpu.memory_space<vmem>>) semaphore(%arg14 : memref<!tpu.dma_semaphore, #tpu.memory_space<semaphore_mem>>) {add = true}
      %sub3A_545 = arith.constant 5 : i32
      %sub3A_546 = arith.subi %add3A_525, %sub3A_545 : i32
      %mul3A_547 = arith.constant 2 : i32
      %mul3A_548 = arith.muli %mul3A_547, %scan3A_341 : i32
      %add3A_549 = arith.addi %mul3A_2, %mul3A_548 : i32
      %add3A_550 = arith.constant 0 : i32
      %add3A_551 = arith.addi %add3A_549, %add3A_550 : i32
      %dma_wait3A_552 = arith.constant 0 : i32
      %dma_wait3A_553 = arith.constant 0 : i32
      %dma_wait3A_554 = arith.constant 0 : i32
      %dma_wait3A_555 = tpu.memref_slice %arg8[%dma_wait3A_552, %dma_wait3A_553, %dma_wait3A_554] : memref<10x40x128xf32, #tpu.memory_space<vmem>> -> memref<1x40x128xf32, #tpu.memory_space<vmem>>
      %dma_wait3A_556 = tpu.memref_squeeze %dma_wait3A_555 : memref<1x40x128xf32, #tpu.memory_space<vmem>> -> memref<40x128xf32, #tpu.memory_space<vmem>>
      %dma_wait3A_557 = arith.constant 0 : i32
      %dma_wait3A_558 = tpu.memref_slice %arg6[%sub3A_546, %dma_wait3A_557] : memref<160x40xi32, #tpu.memory_space<vmem>> -> memref<1x40xi32, #tpu.memory_space<vmem>>
      %dma_wait3A_559 = tpu.memref_squeeze %dma_wait3A_558 : memref<1x40xi32, #tpu.memory_space<vmem>> -> memref<40xi32, #tpu.memory_space<vmem>>
      %dma_wait3A_560 = arith.constant 0 : i32
      %dma_wait3A_561 = arith.constant 0 : i32
      %dma_wait3A_562 = tpu.memref_slice %arg2[%dma_wait3A_560, %dma_wait3A_561] : memref<100000x128xf32, #tpu.memory_space<hbm>> -> memref<100000x128xf32, #tpu.memory_space<hbm>>
      tpu.wait_indirect_dma semaphore(%arg9 : memref<!tpu.dma_semaphore, #tpu.memory_space<semaphore_mem>>) src(%dma_wait3A_562 : memref<100000x128xf32, #tpu.memory_space<hbm>>) dst(%dma_wait3A_556 : memref<40x128xf32, #tpu.memory_space<vmem>>)
      %dma_start3A_563 = arith.constant 0 : i32
      %dma_start3A_564 = arith.constant 0 : i32
      %dma_start3A_565 = arith.constant 0 : i32
      %dma_start3A_566 = tpu.memref_slice %arg8[%dma_start3A_563, %dma_start3A_564, %dma_start3A_565] : memref<10x40x128xf32, #tpu.memory_space<vmem>> -> memref<1x40x128xf32, #tpu.memory_space<vmem>>
      %dma_start3A_567 = tpu.memref_squeeze %dma_start3A_566 : memref<1x40x128xf32, #tpu.memory_space<vmem>> -> memref<40x128xf32, #tpu.memory_space<vmem>>
      %dma_start3A_568 = arith.constant 0 : i32
      %dma_start3A_569 = arith.constant 0 : i32
      %dma_start3A_570 = tpu.memref_slice %arg5[%add3A_551, %dma_start3A_568, %dma_start3A_569] : memref<1024x200x128xf32, #tpu.memory_space<hbm>> -> memref<1x40x128xf32, #tpu.memory_space<hbm>>
      %dma_start3A_571 = tpu.memref_squeeze %dma_start3A_570 : memref<1x40x128xf32, #tpu.memory_space<hbm>> -> memref<40x128xf32, #tpu.memory_space<hbm>>
      %dma_start3A_572 = arith.constant 0 : i32
      %dma_start3A_573 = arith.constant 0 : i32
      %dma_start3A_574 = tpu.memref_slice %arg5[%add3A_551, %dma_start3A_572, %dma_start3A_573] : memref<1024x200x128xf32, #tpu.memory_space<hbm>> -> memref<1x40x128xf32, #tpu.memory_space<hbm>>
      %dma_start3A_575 = tpu.memref_squeeze %dma_start3A_574 : memref<1x40x128xf32, #tpu.memory_space<hbm>> -> memref<40x128xf32, #tpu.memory_space<hbm>>
      %dma_start3A_576 = arith.constant 0 : i32
      %dma_start3A_577 = arith.constant 0 : i32
      %dma_start3A_578 = tpu.memref_slice %arg8[%dma_start3A_563, %dma_start3A_576, %dma_start3A_577] : memref<10x40x128xf32, #tpu.memory_space<vmem>> -> memref<1x40x128xf32, #tpu.memory_space<vmem>>
      %dma_start3A_579 = tpu.memref_squeeze %dma_start3A_578 : memref<1x40x128xf32, #tpu.memory_space<vmem>> -> memref<40x128xf32, #tpu.memory_space<vmem>>
      tpu.enqueue_dma source(%dma_start3A_579 : memref<40x128xf32, #tpu.memory_space<vmem>>) target(%dma_start3A_575 : memref<40x128xf32, #tpu.memory_space<hbm>>) target_semaphore(%arg19 : memref<!tpu.dma_semaphore, #tpu.memory_space<semaphore_mem>>)
      %mul3A_580 = arith.constant 10 : i32
      %mul3A_581 = arith.muli %mul3A_580, %scan3A_341 : i32
      %add3A_582 = arith.constant 6 : i32
      %add3A_583 = arith.addi %mul3A_581, %add3A_582 : i32
      %gt3A_584 = arith.constant 0 : i32
      %gt3A_585 = arith.cmpi sgt, %scan3A_341, %gt3A_584 : i32
      %convert_element_type3A_586 = arith.extui %gt3A_585 : i1 to i32
      %cond3A_587 = arith.constant 0 : i32
      %cond3A_588 = arith.cmpi ne, %convert_element_type3A_586, %cond3A_587 : i32
      scf.if %cond3A_588 {
        %dma_wait3A_812 = arith.constant 6 : i32
        %dma_wait3A_813 = arith.constant 0 : i32
        %dma_wait3A_814 = arith.constant 0 : i32
        %dma_wait3A_815 = arith.constant 0 : i32
        %dma_wait3A_816 = tpu.memref_slice %arg8[%dma_wait3A_812, %dma_wait3A_814, %dma_wait3A_815] : memref<10x40x128xf32, #tpu.memory_space<vmem>> -> memref<1x40x128xf32, #tpu.memory_space<vmem>>
        %dma_wait3A_817 = tpu.memref_squeeze %dma_wait3A_816 : memref<1x40x128xf32, #tpu.memory_space<vmem>> -> memref<40x128xf32, #tpu.memory_space<vmem>>
        %dma_wait3A_818 = arith.constant 0 : i32
        %dma_wait3A_819 = arith.constant 0 : i32
        %dma_wait3A_820 = tpu.memref_slice %arg5[%dma_wait3A_813, %dma_wait3A_818, %dma_wait3A_819] : memref<1024x200x128xf32, #tpu.memory_space<hbm>> -> memref<1x40x128xf32, #tpu.memory_space<hbm>>
        %dma_wait3A_821 = tpu.memref_squeeze %dma_wait3A_820 : memref<1x40x128xf32, #tpu.memory_space<hbm>> -> memref<40x128xf32, #tpu.memory_space<hbm>>
        %dma_wait3A_822 = arith.constant 0 : i32
        %dma_wait3A_823 = arith.constant 0 : i32
        %dma_wait3A_824 = tpu.memref_slice %arg5[%dma_wait3A_813, %dma_wait3A_822, %dma_wait3A_823] : memref<1024x200x128xf32, #tpu.memory_space<hbm>> -> memref<1x40x128xf32, #tpu.memory_space<hbm>>
        %dma_wait3A_825 = tpu.memref_squeeze %dma_wait3A_824 : memref<1x40x128xf32, #tpu.memory_space<hbm>> -> memref<40x128xf32, #tpu.memory_space<hbm>>
        %dma_wait3A_826 = arith.constant 0 : i32
        %dma_wait3A_827 = arith.constant 0 : i32
        %dma_wait3A_828 = tpu.memref_slice %arg8[%dma_wait3A_812, %dma_wait3A_826, %dma_wait3A_827] : memref<10x40x128xf32, #tpu.memory_space<vmem>> -> memref<1x40x128xf32, #tpu.memory_space<vmem>>
        %dma_wait3A_829 = tpu.memref_squeeze %dma_wait3A_828 : memref<1x40x128xf32, #tpu.memory_space<vmem>> -> memref<40x128xf32, #tpu.memory_space<vmem>>
        tpu.wait_dma2 semaphore(%arg25 : memref<!tpu.dma_semaphore, #tpu.memory_space<semaphore_mem>>) src(%dma_wait3A_829 : memref<40x128xf32, #tpu.memory_space<vmem>>) dst(%dma_wait3A_825 : memref<40x128xf32, #tpu.memory_space<hbm>>)
      } else {
      }
      %parallel_loop3A_589 = arith.constant 0 : i32
      %parallel_loop3A_590 = arith.constant 40 : i32
      %parallel_loop3A_591 = arith.constant 1 : i32
      scf.for %parallel_loop3A_812 = %parallel_loop3A_589 to %parallel_loop3A_590 step %parallel_loop3A_591  : i32 {
        %parallel_loop3A_813 = arith.constant 40 : i32
        %parallel_loop3A_814 = arith.addi %parallel_loop3A_813, %parallel_loop3A_812 : i32
        %parallel_loop3A_815 = arith.index_cast %parallel_loop3A_814 : i32 to index
        %parallel_loop3A_816 = arith.constant 0 : index
        %parallel_loop3A_817 = tpu.vector_load %arg7[%parallel_loop3A_815, %parallel_loop3A_816] {strides = array<i32>} : memref<200x128xf32, #tpu.memory_space<vmem>>, vector<1x16xf32>,
        %parallel_loop3A_818 = vector.shape_cast %parallel_loop3A_817 : vector<1x16xf32> to vector<16xf32>
        %parallel_loop3A_819 = arith.constant 6 : i32
        %parallel_loop3A_820 = arith.index_cast %parallel_loop3A_819 : i32 to index
        %parallel_loop3A_821 = arith.index_cast %parallel_loop3A_812 : i32 to index
        %parallel_loop3A_822 = arith.constant 0 : index
        %parallel_loop3A_823 = tpu.vector_load %arg8[%parallel_loop3A_820, %parallel_loop3A_821, %parallel_loop3A_822] {strides = array<i32>} : memref<10x40x128xf32, #tpu.memory_space<vmem>>, vector<1x1x16xf32>,
        %parallel_loop3A_824 = vector.shape_cast %parallel_loop3A_823 : vector<1x1x16xf32> to vector<16xf32>
        %parallel_loop3A_825 = vector.shape_cast %parallel_loop3A_818 : vector<16xf32> to vector<1x1x16xf32>
        tpu.vector_store %arg8[%parallel_loop3A_820, %parallel_loop3A_821, %parallel_loop3A_822], %parallel_loop3A_825 {strides = array<i32>} : memref<10x40x128xf32, #tpu.memory_space<vmem>>, vector<1x1x16xf32>,
        %parallel_loop3A_826 = arith.constant 40 : i32
        %parallel_loop3A_827 = arith.addi %parallel_loop3A_826, %parallel_loop3A_812 : i32
        %parallel_loop3A_828 = arith.index_cast %parallel_loop3A_827 : i32 to index
        %parallel_loop3A_829 = arith.constant 16 : index
        %parallel_loop3A_830 = tpu.vector_load %arg7[%parallel_loop3A_828, %parallel_loop3A_829] {strides = array<i32>} : memref<200x128xf32, #tpu.memory_space<vmem>>, vector<1x16xf32>,
        %parallel_loop3A_831 = vector.shape_cast %parallel_loop3A_830 : vector<1x16xf32> to vector<16xf32>
        %parallel_loop3A_832 = arith.constant 6 : i32
        %parallel_loop3A_833 = arith.index_cast %parallel_loop3A_832 : i32 to index
        %parallel_loop3A_834 = arith.index_cast %parallel_loop3A_812 : i32 to index
        %parallel_loop3A_835 = arith.constant 16 : index
        %parallel_loop3A_836 = tpu.vector_load %arg8[%parallel_loop3A_833, %parallel_loop3A_834, %parallel_loop3A_835] {strides = array<i32>} : memref<10x40x128xf32, #tpu.memory_space<vmem>>, vector<1x1x16xf32>,
        %parallel_loop3A_837 = vector.shape_cast %parallel_loop3A_836 : vector<1x1x16xf32> to vector<16xf32>
        %parallel_loop3A_838 = vector.shape_cast %parallel_loop3A_831 : vector<16xf32> to vector<1x1x16xf32>
        tpu.vector_store %arg8[%parallel_loop3A_833, %parallel_loop3A_834, %parallel_loop3A_835], %parallel_loop3A_838 {strides = array<i32>} : memref<10x40x128xf32, #tpu.memory_space<vmem>>, vector<1x1x16xf32>,
        %parallel_loop3A_839 = arith.constant 40 : i32
        %parallel_loop3A_840 = arith.addi %parallel_loop3A_839, %parallel_loop3A_812 : i32
        %parallel_loop3A_841 = arith.index_cast %parallel_loop3A_840 : i32 to index
        %parallel_loop3A_842 = arith.constant 32 : index
        %parallel_loop3A_843 = tpu.vector_load %arg7[%parallel_loop3A_841, %parallel_loop3A_842] {strides = array<i32>} : memref<200x128xf32, #tpu.memory_space<vmem>>, vector<1x16xf32>,
        %parallel_loop3A_844 = vector.shape_cast %parallel_loop3A_843 : vector<1x16xf32> to vector<16xf32>
        %parallel_loop3A_845 = arith.constant 6 : i32
        %parallel_loop3A_846 = arith.index_cast %parallel_loop3A_845 : i32 to index
        %parallel_loop3A_847 = arith.index_cast %parallel_loop3A_812 : i32 to index
        %parallel_loop3A_848 = arith.constant 32 : index
        %parallel_loop3A_849 = tpu.vector_load %arg8[%parallel_loop3A_846, %parallel_loop3A_847, %parallel_loop3A_848] {strides = array<i32>} : memref<10x40x128xf32, #tpu.memory_space<vmem>>, vector<1x1x16xf32>,
        %parallel_loop3A_850 = vector.shape_cast %parallel_loop3A_849 : vector<1x1x16xf32> to vector<16xf32>
        %parallel_loop3A_851 = vector.shape_cast %parallel_loop3A_844 : vector<16xf32> to vector<1x1x16xf32>
        tpu.vector_store %arg8[%parallel_loop3A_846, %parallel_loop3A_847, %parallel_loop3A_848], %parallel_loop3A_851 {strides = array<i32>} : memref<10x40x128xf32, #tpu.memory_space<vmem>>, vector<1x1x16xf32>,
        %parallel_loop3A_852 = arith.constant 40 : i32
        %parallel_loop3A_853 = arith.addi %parallel_loop3A_852, %parallel_loop3A_812 : i32
        %parallel_loop3A_854 = arith.index_cast %parallel_loop3A_853 : i32 to index
        %parallel_loop3A_855 = arith.constant 48 : index
        %parallel_loop3A_856 = tpu.vector_load %arg7[%parallel_loop3A_854, %parallel_loop3A_855] {strides = array<i32>} : memref<200x128xf32, #tpu.memory_space<vmem>>, vector<1x16xf32>,
        %parallel_loop3A_857 = vector.shape_cast %parallel_loop3A_856 : vector<1x16xf32> to vector<16xf32>
        %parallel_loop3A_858 = arith.constant 6 : i32
        %parallel_loop3A_859 = arith.index_cast %parallel_loop3A_858 : i32 to index
        %parallel_loop3A_860 = arith.index_cast %parallel_loop3A_812 : i32 to index
        %parallel_loop3A_861 = arith.constant 48 : index
        %parallel_loop3A_862 = tpu.vector_load %arg8[%parallel_loop3A_859, %parallel_loop3A_860, %parallel_loop3A_861] {strides = array<i32>} : memref<10x40x128xf32, #tpu.memory_space<vmem>>, vector<1x1x16xf32>,
        %parallel_loop3A_863 = vector.shape_cast %parallel_loop3A_862 : vector<1x1x16xf32> to vector<16xf32>
        %parallel_loop3A_864 = vector.shape_cast %parallel_loop3A_857 : vector<16xf32> to vector<1x1x16xf32>
        tpu.vector_store %arg8[%parallel_loop3A_859, %parallel_loop3A_860, %parallel_loop3A_861], %parallel_loop3A_864 {strides = array<i32>} : memref<10x40x128xf32, #tpu.memory_space<vmem>>, vector<1x1x16xf32>,
        %parallel_loop3A_865 = arith.constant 40 : i32
        %parallel_loop3A_866 = arith.addi %parallel_loop3A_865, %parallel_loop3A_812 : i32
        %parallel_loop3A_867 = arith.index_cast %parallel_loop3A_866 : i32 to index
        %parallel_loop3A_868 = arith.constant 64 : index
        %parallel_loop3A_869 = tpu.vector_load %arg7[%parallel_loop3A_867, %parallel_loop3A_868] {strides = array<i32>} : memref<200x128xf32, #tpu.memory_space<vmem>>, vector<1x16xf32>,
        %parallel_loop3A_870 = vector.shape_cast %parallel_loop3A_869 : vector<1x16xf32> to vector<16xf32>
        %parallel_loop3A_871 = arith.constant 6 : i32
        %parallel_loop3A_872 = arith.index_cast %parallel_loop3A_871 : i32 to index
        %parallel_loop3A_873 = arith.index_cast %parallel_loop3A_812 : i32 to index
        %parallel_loop3A_874 = arith.constant 64 : index
        %parallel_loop3A_875 = tpu.vector_load %arg8[%parallel_loop3A_872, %parallel_loop3A_873, %parallel_loop3A_874] {strides = array<i32>} : memref<10x40x128xf32, #tpu.memory_space<vmem>>, vector<1x1x16xf32>,
        %parallel_loop3A_876 = vector.shape_cast %parallel_loop3A_875 : vector<1x1x16xf32> to vector<16xf32>
        %parallel_loop3A_877 = vector.shape_cast %parallel_loop3A_870 : vector<16xf32> to vector<1x1x16xf32>
        tpu.vector_store %arg8[%parallel_loop3A_872, %parallel_loop3A_873, %parallel_loop3A_874], %parallel_loop3A_877 {strides = array<i32>} : memref<10x40x128xf32, #tpu.memory_space<vmem>>, vector<1x1x16xf32>,
        %parallel_loop3A_878 = arith.constant 40 : i32
        %parallel_loop3A_879 = arith.addi %parallel_loop3A_878, %parallel_loop3A_812 : i32
        %parallel_loop3A_880 = arith.index_cast %parallel_loop3A_879 : i32 to index
        %parallel_loop3A_881 = arith.constant 80 : index
        %parallel_loop3A_882 = tpu.vector_load %arg7[%parallel_loop3A_880, %parallel_loop3A_881] {strides = array<i32>} : memref<200x128xf32, #tpu.memory_space<vmem>>, vector<1x16xf32>,
        %parallel_loop3A_883 = vector.shape_cast %parallel_loop3A_882 : vector<1x16xf32> to vector<16xf32>
        %parallel_loop3A_884 = arith.constant 6 : i32
        %parallel_loop3A_885 = arith.index_cast %parallel_loop3A_884 : i32 to index
        %parallel_loop3A_886 = arith.index_cast %parallel_loop3A_812 : i32 to index
        %parallel_loop3A_887 = arith.constant 80 : index
        %parallel_loop3A_888 = tpu.vector_load %arg8[%parallel_loop3A_885, %parallel_loop3A_886, %parallel_loop3A_887] {strides = array<i32>} : memref<10x40x128xf32, #tpu.memory_space<vmem>>, vector<1x1x16xf32>,
        %parallel_loop3A_889 = vector.shape_cast %parallel_loop3A_888 : vector<1x1x16xf32> to vector<16xf32>
        %parallel_loop3A_890 = vector.shape_cast %parallel_loop3A_883 : vector<16xf32> to vector<1x1x16xf32>
        tpu.vector_store %arg8[%parallel_loop3A_885, %parallel_loop3A_886, %parallel_loop3A_887], %parallel_loop3A_890 {strides = array<i32>} : memref<10x40x128xf32, #tpu.memory_space<vmem>>, vector<1x1x16xf32>,
        %parallel_loop3A_891 = arith.constant 40 : i32
        %parallel_loop3A_892 = arith.addi %parallel_loop3A_891, %parallel_loop3A_812 : i32
        %parallel_loop3A_893 = arith.index_cast %parallel_loop3A_892 : i32 to index
        %parallel_loop3A_894 = arith.constant 96 : index
        %parallel_loop3A_895 = tpu.vector_load %arg7[%parallel_loop3A_893, %parallel_loop3A_894] {strides = array<i32>} : memref<200x128xf32, #tpu.memory_space<vmem>>, vector<1x16xf32>,
        %parallel_loop3A_896 = vector.shape_cast %parallel_loop3A_895 : vector<1x16xf32> to vector<16xf32>
        %parallel_loop3A_897 = arith.constant 6 : i32
        %parallel_loop3A_898 = arith.index_cast %parallel_loop3A_897 : i32 to index
        %parallel_loop3A_899 = arith.index_cast %parallel_loop3A_812 : i32 to index
        %parallel_loop3A_900 = arith.constant 96 : index
        %parallel_loop3A_901 = tpu.vector_load %arg8[%parallel_loop3A_898, %parallel_loop3A_899, %parallel_loop3A_900] {strides = array<i32>} : memref<10x40x128xf32, #tpu.memory_space<vmem>>, vector<1x1x16xf32>,
        %parallel_loop3A_902 = vector.shape_cast %parallel_loop3A_901 : vector<1x1x16xf32> to vector<16xf32>
        %parallel_loop3A_903 = vector.shape_cast %parallel_loop3A_896 : vector<16xf32> to vector<1x1x16xf32>
        tpu.vector_store %arg8[%parallel_loop3A_898, %parallel_loop3A_899, %parallel_loop3A_900], %parallel_loop3A_903 {strides = array<i32>} : memref<10x40x128xf32, #tpu.memory_space<vmem>>, vector<1x1x16xf32>,
        %parallel_loop3A_904 = arith.constant 40 : i32
        %parallel_loop3A_905 = arith.addi %parallel_loop3A_904, %parallel_loop3A_812 : i32
        %parallel_loop3A_906 = arith.index_cast %parallel_loop3A_905 : i32 to index
        %parallel_loop3A_907 = arith.constant 112 : index
        %parallel_loop3A_908 = tpu.vector_load %arg7[%parallel_loop3A_906, %parallel_loop3A_907] {strides = array<i32>} : memref<200x128xf32, #tpu.memory_space<vmem>>, vector<1x16xf32>,
        %parallel_loop3A_909 = vector.shape_cast %parallel_loop3A_908 : vector<1x16xf32> to vector<16xf32>
        %parallel_loop3A_910 = arith.constant 6 : i32
        %parallel_loop3A_911 = arith.index_cast %parallel_loop3A_910 : i32 to index
        %parallel_loop3A_912 = arith.index_cast %parallel_loop3A_812 : i32 to index
        %parallel_loop3A_913 = arith.constant 112 : index
        %parallel_loop3A_914 = tpu.vector_load %arg8[%parallel_loop3A_911, %parallel_loop3A_912, %parallel_loop3A_913] {strides = array<i32>} : memref<10x40x128xf32, #tpu.memory_space<vmem>>, vector<1x1x16xf32>,
        %parallel_loop3A_915 = vector.shape_cast %parallel_loop3A_914 : vector<1x1x16xf32> to vector<16xf32>
        %parallel_loop3A_916 = vector.shape_cast %parallel_loop3A_909 : vector<16xf32> to vector<1x1x16xf32>
        tpu.vector_store %arg8[%parallel_loop3A_911, %parallel_loop3A_912, %parallel_loop3A_913], %parallel_loop3A_916 {strides = array<i32>} : memref<10x40x128xf32, #tpu.memory_space<vmem>>, vector<1x1x16xf32>,
      } {sc.loop_unroll_factor = 4 : i64, sc.parallel_access}
      %dma_start3A_592 = arith.constant 6 : i32
      %dma_start3A_593 = arith.constant 0 : i32
      %dma_start3A_594 = arith.constant 0 : i32
      %dma_start3A_595 = tpu.memref_slice %arg8[%dma_start3A_592, %dma_start3A_593, %dma_start3A_594] : memref<10x40x128xf32, #tpu.memory_space<vmem>> -> memref<1x40x128xf32, #tpu.memory_space<vmem>>
      %dma_start3A_596 = tpu.memref_squeeze %dma_start3A_595 : memref<1x40x128xf32, #tpu.memory_space<vmem>> -> memref<40x128xf32, #tpu.memory_space<vmem>>
      %dma_start3A_597 = arith.constant 0 : i32
      %dma_start3A_598 = tpu.memref_slice %arg6[%add3A_583, %dma_start3A_597] : memref<160x40xi32, #tpu.memory_space<vmem>> -> memref<1x40xi32, #tpu.memory_space<vmem>>
      %dma_start3A_599 = tpu.memref_squeeze %dma_start3A_598 : memref<1x40xi32, #tpu.memory_space<vmem>> -> memref<40xi32, #tpu.memory_space<vmem>>
      %dma_start3A_600 = arith.constant 0 : i32
      %dma_start3A_601 = arith.constant 0 : i32
      %dma_start3A_602 = tpu.memref_slice %arg2[%dma_start3A_600, %dma_start3A_601] : memref<100000x128xf32, #tpu.memory_space<hbm>> -> memref<100000x128xf32, #tpu.memory_space<hbm>>
      tpu.enqueue_indirect_dma source(%dma_start3A_602 : memref<100000x128xf32, #tpu.memory_space<hbm>>) target(%dma_start3A_596 : memref<40x128xf32, #tpu.memory_space<vmem>>) offsets(%dma_start3A_599 : memref<40xi32, #tpu.memory_space<vmem>>) semaphore(%arg15 : memref<!tpu.dma_semaphore, #tpu.memory_space<semaphore_mem>>) {add = true}
      %sub3A_603 = arith.constant 5 : i32
      %sub3A_604 = arith.subi %add3A_583, %sub3A_603 : i32
      %mul3A_605 = arith.constant 2 : i32
      %mul3A_606 = arith.muli %mul3A_605, %scan3A_341 : i32
      %add3A_607 = arith.addi %mul3A_2, %mul3A_606 : i32
      %add3A_608 = arith.constant 0 : i32
      %add3A_609 = arith.addi %add3A_607, %add3A_608 : i32
      %dma_wait3A_610 = arith.constant 1 : i32
      %dma_wait3A_611 = arith.constant 0 : i32
      %dma_wait3A_612 = arith.constant 0 : i32
      %dma_wait3A_613 = tpu.memref_slice %arg8[%dma_wait3A_610, %dma_wait3A_611, %dma_wait3A_612] : memref<10x40x128xf32, #tpu.memory_space<vmem>> -> memref<1x40x128xf32, #tpu.memory_space<vmem>>
      %dma_wait3A_614 = tpu.memref_squeeze %dma_wait3A_613 : memref<1x40x128xf32, #tpu.memory_space<vmem>> -> memref<40x128xf32, #tpu.memory_space<vmem>>
      %dma_wait3A_615 = arith.constant 0 : i32
      %dma_wait3A_616 = tpu.memref_slice %arg6[%sub3A_604, %dma_wait3A_615] : memref<160x40xi32, #tpu.memory_space<vmem>> -> memref<1x40xi32, #tpu.memory_space<vmem>>
      %dma_wait3A_617 = tpu.memref_squeeze %dma_wait3A_616 : memref<1x40xi32, #tpu.memory_space<vmem>> -> memref<40xi32, #tpu.memory_space<vmem>>
      %dma_wait3A_618 = arith.constant 0 : i32
      %dma_wait3A_619 = arith.constant 0 : i32
      %dma_wait3A_620 = tpu.memref_slice %arg2[%dma_wait3A_618, %dma_wait3A_619] : memref<100000x128xf32, #tpu.memory_space<hbm>> -> memref<100000x128xf32, #tpu.memory_space<hbm>>
      tpu.wait_indirect_dma semaphore(%arg10 : memref<!tpu.dma_semaphore, #tpu.memory_space<semaphore_mem>>) src(%dma_wait3A_620 : memref<100000x128xf32, #tpu.memory_space<hbm>>) dst(%dma_wait3A_614 : memref<40x128xf32, #tpu.memory_space<vmem>>)
      %dma_start3A_621 = arith.constant 1 : i32
      %dma_start3A_622 = arith.constant 0 : i32
      %dma_start3A_623 = arith.constant 0 : i32
      %dma_start3A_624 = tpu.memref_slice %arg8[%dma_start3A_621, %dma_start3A_622, %dma_start3A_623] : memref<10x40x128xf32, #tpu.memory_space<vmem>> -> memref<1x40x128xf32, #tpu.memory_space<vmem>>
      %dma_start3A_625 = tpu.memref_squeeze %dma_start3A_624 : memref<1x40x128xf32, #tpu.memory_space<vmem>> -> memref<40x128xf32, #tpu.memory_space<vmem>>
      %dma_start3A_626 = arith.constant 40 : i32
      %dma_start3A_627 = arith.constant 0 : i32
      %dma_start3A_628 = tpu.memref_slice %arg5[%add3A_609, %dma_start3A_626, %dma_start3A_627] : memref<1024x200x128xf32, #tpu.memory_space<hbm>> -> memref<1x40x128xf32, #tpu.memory_space<hbm>>
      %dma_start3A_629 = tpu.memref_squeeze %dma_start3A_628 : memref<1x40x128xf32, #tpu.memory_space<hbm>> -> memref<40x128xf32, #tpu.memory_space<hbm>>
      %dma_start3A_630 = arith.constant 40 : i32
      %dma_start3A_631 = arith.constant 0 : i32
      %dma_start3A_632 = tpu.memref_slice %arg5[%add3A_609, %dma_start3A_630, %dma_start3A_631] : memref<1024x200x128xf32, #tpu.memory_space<hbm>> -> memref<1x40x128xf32, #tpu.memory_space<hbm>>
      %dma_start3A_633 = tpu.memref_squeeze %dma_start3A_632 : memref<1x40x128xf32, #tpu.memory_space<hbm>> -> memref<40x128xf32, #tpu.memory_space<hbm>>
      %dma_start3A_634 = arith.constant 0 : i32
      %dma_start3A_635 = arith.constant 0 : i32
      %dma_start3A_636 = tpu.memref_slice %arg8[%dma_start3A_621, %dma_start3A_634, %dma_start3A_635] : memref<10x40x128xf32, #tpu.memory_space<vmem>> -> memref<1x40x128xf32, #tpu.memory_space<vmem>>
      %dma_start3A_637 = tpu.memref_squeeze %dma_start3A_636 : memref<1x40x128xf32, #tpu.memory_space<vmem>> -> memref<40x128xf32, #tpu.memory_space<vmem>>
      tpu.enqueue_dma source(%dma_start3A_637 : memref<40x128xf32, #tpu.memory_space<vmem>>) target(%dma_start3A_633 : memref<40x128xf32, #tpu.memory_space<hbm>>) target_semaphore(%arg20 : memref<!tpu.dma_semaphore, #tpu.memory_space<semaphore_mem>>)
      %mul3A_638 = arith.constant 10 : i32
      %mul3A_639 = arith.muli %mul3A_638, %scan3A_341 : i32
      %add3A_640 = arith.constant 7 : i32
      %add3A_641 = arith.addi %mul3A_639, %add3A_640 : i32
      %gt3A_642 = arith.constant 0 : i32
      %gt3A_643 = arith.cmpi sgt, %scan3A_341, %gt3A_642 : i32
      %convert_element_type3A_644 = arith.extui %gt3A_643 : i1 to i32
      %cond3A_645 = arith.constant 0 : i32
      %cond3A_646 = arith.cmpi ne, %convert_element_type3A_644, %cond3A_645 : i32
      scf.if %cond3A_646 {
        %dma_wait3A_812 = arith.constant 7 : i32
        %dma_wait3A_813 = arith.constant 0 : i32
        %dma_wait3A_814 = arith.constant 0 : i32
        %dma_wait3A_815 = arith.constant 0 : i32
        %dma_wait3A_816 = tpu.memref_slice %arg8[%dma_wait3A_812, %dma_wait3A_814, %dma_wait3A_815] : memref<10x40x128xf32, #tpu.memory_space<vmem>> -> memref<1x40x128xf32, #tpu.memory_space<vmem>>
        %dma_wait3A_817 = tpu.memref_squeeze %dma_wait3A_816 : memref<1x40x128xf32, #tpu.memory_space<vmem>> -> memref<40x128xf32, #tpu.memory_space<vmem>>
        %dma_wait3A_818 = arith.constant 0 : i32
        %dma_wait3A_819 = arith.constant 0 : i32
        %dma_wait3A_820 = tpu.memref_slice %arg5[%dma_wait3A_813, %dma_wait3A_818, %dma_wait3A_819] : memref<1024x200x128xf32, #tpu.memory_space<hbm>> -> memref<1x40x128xf32, #tpu.memory_space<hbm>>
        %dma_wait3A_821 = tpu.memref_squeeze %dma_wait3A_820 : memref<1x40x128xf32, #tpu.memory_space<hbm>> -> memref<40x128xf32, #tpu.memory_space<hbm>>
        %dma_wait3A_822 = arith.constant 0 : i32
        %dma_wait3A_823 = arith.constant 0 : i32
        %dma_wait3A_824 = tpu.memref_slice %arg5[%dma_wait3A_813, %dma_wait3A_822, %dma_wait3A_823] : memref<1024x200x128xf32, #tpu.memory_space<hbm>> -> memref<1x40x128xf32, #tpu.memory_space<hbm>>
        %dma_wait3A_825 = tpu.memref_squeeze %dma_wait3A_824 : memref<1x40x128xf32, #tpu.memory_space<hbm>> -> memref<40x128xf32, #tpu.memory_space<hbm>>
        %dma_wait3A_826 = arith.constant 0 : i32
        %dma_wait3A_827 = arith.constant 0 : i32
        %dma_wait3A_828 = tpu.memref_slice %arg8[%dma_wait3A_812, %dma_wait3A_826, %dma_wait3A_827] : memref<10x40x128xf32, #tpu.memory_space<vmem>> -> memref<1x40x128xf32, #tpu.memory_space<vmem>>
        %dma_wait3A_829 = tpu.memref_squeeze %dma_wait3A_828 : memref<1x40x128xf32, #tpu.memory_space<vmem>> -> memref<40x128xf32, #tpu.memory_space<vmem>>
        tpu.wait_dma2 semaphore(%arg26 : memref<!tpu.dma_semaphore, #tpu.memory_space<semaphore_mem>>) src(%dma_wait3A_829 : memref<40x128xf32, #tpu.memory_space<vmem>>) dst(%dma_wait3A_825 : memref<40x128xf32, #tpu.memory_space<hbm>>)
      } else {
      }
      %parallel_loop3A_647 = arith.constant 0 : i32
      %parallel_loop3A_648 = arith.constant 40 : i32
      %parallel_loop3A_649 = arith.constant 1 : i32
      scf.for %parallel_loop3A_812 = %parallel_loop3A_647 to %parallel_loop3A_648 step %parallel_loop3A_649  : i32 {
        %parallel_loop3A_813 = arith.constant 80 : i32
        %parallel_loop3A_814 = arith.addi %parallel_loop3A_813, %parallel_loop3A_812 : i32
        %parallel_loop3A_815 = arith.index_cast %parallel_loop3A_814 : i32 to index
        %parallel_loop3A_816 = arith.constant 0 : index
        %parallel_loop3A_817 = tpu.vector_load %arg7[%parallel_loop3A_815, %parallel_loop3A_816] {strides = array<i32>} : memref<200x128xf32, #tpu.memory_space<vmem>>, vector<1x16xf32>,
        %parallel_loop3A_818 = vector.shape_cast %parallel_loop3A_817 : vector<1x16xf32> to vector<16xf32>
        %parallel_loop3A_819 = arith.constant 7 : i32
        %parallel_loop3A_820 = arith.index_cast %parallel_loop3A_819 : i32 to index
        %parallel_loop3A_821 = arith.index_cast %parallel_loop3A_812 : i32 to index
        %parallel_loop3A_822 = arith.constant 0 : index
        %parallel_loop3A_823 = tpu.vector_load %arg8[%parallel_loop3A_820, %parallel_loop3A_821, %parallel_loop3A_822] {strides = array<i32>} : memref<10x40x128xf32, #tpu.memory_space<vmem>>, vector<1x1x16xf32>,
        %parallel_loop3A_824 = vector.shape_cast %parallel_loop3A_823 : vector<1x1x16xf32> to vector<16xf32>
        %parallel_loop3A_825 = vector.shape_cast %parallel_loop3A_818 : vector<16xf32> to vector<1x1x16xf32>
        tpu.vector_store %arg8[%parallel_loop3A_820, %parallel_loop3A_821, %parallel_loop3A_822], %parallel_loop3A_825 {strides = array<i32>} : memref<10x40x128xf32, #tpu.memory_space<vmem>>, vector<1x1x16xf32>,
        %parallel_loop3A_826 = arith.constant 80 : i32
        %parallel_loop3A_827 = arith.addi %parallel_loop3A_826, %parallel_loop3A_812 : i32
        %parallel_loop3A_828 = arith.index_cast %parallel_loop3A_827 : i32 to index
        %parallel_loop3A_829 = arith.constant 16 : index
        %parallel_loop3A_830 = tpu.vector_load %arg7[%parallel_loop3A_828, %parallel_loop3A_829] {strides = array<i32>} : memref<200x128xf32, #tpu.memory_space<vmem>>, vector<1x16xf32>,
        %parallel_loop3A_831 = vector.shape_cast %parallel_loop3A_830 : vector<1x16xf32> to vector<16xf32>
        %parallel_loop3A_832 = arith.constant 7 : i32
        %parallel_loop3A_833 = arith.index_cast %parallel_loop3A_832 : i32 to index
        %parallel_loop3A_834 = arith.index_cast %parallel_loop3A_812 : i32 to index
        %parallel_loop3A_835 = arith.constant 16 : index
        %parallel_loop3A_836 = tpu.vector_load %arg8[%parallel_loop3A_833, %parallel_loop3A_834, %parallel_loop3A_835] {strides = array<i32>} : memref<10x40x128xf32, #tpu.memory_space<vmem>>, vector<1x1x16xf32>,
        %parallel_loop3A_837 = vector.shape_cast %parallel_loop3A_836 : vector<1x1x16xf32> to vector<16xf32>
        %parallel_loop3A_838 = vector.shape_cast %parallel_loop3A_831 : vector<16xf32> to vector<1x1x16xf32>
        tpu.vector_store %arg8[%parallel_loop3A_833, %parallel_loop3A_834, %parallel_loop3A_835], %parallel_loop3A_838 {strides = array<i32>} : memref<10x40x128xf32, #tpu.memory_space<vmem>>, vector<1x1x16xf32>,
        %parallel_loop3A_839 = arith.constant 80 : i32
        %parallel_loop3A_840 = arith.addi %parallel_loop3A_839, %parallel_loop3A_812 : i32
        %parallel_loop3A_841 = arith.index_cast %parallel_loop3A_840 : i32 to index
        %parallel_loop3A_842 = arith.constant 32 : index
        %parallel_loop3A_843 = tpu.vector_load %arg7[%parallel_loop3A_841, %parallel_loop3A_842] {strides = array<i32>} : memref<200x128xf32, #tpu.memory_space<vmem>>, vector<1x16xf32>,
        %parallel_loop3A_844 = vector.shape_cast %parallel_loop3A_843 : vector<1x16xf32> to vector<16xf32>
        %parallel_loop3A_845 = arith.constant 7 : i32
        %parallel_loop3A_846 = arith.index_cast %parallel_loop3A_845 : i32 to index
        %parallel_loop3A_847 = arith.index_cast %parallel_loop3A_812 : i32 to index
        %parallel_loop3A_848 = arith.constant 32 : index
        %parallel_loop3A_849 = tpu.vector_load %arg8[%parallel_loop3A_846, %parallel_loop3A_847, %parallel_loop3A_848] {strides = array<i32>} : memref<10x40x128xf32, #tpu.memory_space<vmem>>, vector<1x1x16xf32>,
        %parallel_loop3A_850 = vector.shape_cast %parallel_loop3A_849 : vector<1x1x16xf32> to vector<16xf32>
        %parallel_loop3A_851 = vector.shape_cast %parallel_loop3A_844 : vector<16xf32> to vector<1x1x16xf32>
        tpu.vector_store %arg8[%parallel_loop3A_846, %parallel_loop3A_847, %parallel_loop3A_848], %parallel_loop3A_851 {strides = array<i32>} : memref<10x40x128xf32, #tpu.memory_space<vmem>>, vector<1x1x16xf32>,
        %parallel_loop3A_852 = arith.constant 80 : i32
        %parallel_loop3A_853 = arith.addi %parallel_loop3A_852, %parallel_loop3A_812 : i32
        %parallel_loop3A_854 = arith.index_cast %parallel_loop3A_853 : i32 to index
        %parallel_loop3A_855 = arith.constant 48 : index
        %parallel_loop3A_856 = tpu.vector_load %arg7[%parallel_loop3A_854, %parallel_loop3A_855] {strides = array<i32>} : memref<200x128xf32, #tpu.memory_space<vmem>>, vector<1x16xf32>,
        %parallel_loop3A_857 = vector.shape_cast %parallel_loop3A_856 : vector<1x16xf32> to vector<16xf32>
        %parallel_loop3A_858 = arith.constant 7 : i32
        %parallel_loop3A_859 = arith.index_cast %parallel_loop3A_858 : i32 to index
        %parallel_loop3A_860 = arith.index_cast %parallel_loop3A_812 : i32 to index
        %parallel_loop3A_861 = arith.constant 48 : index
        %parallel_loop3A_862 = tpu.vector_load %arg8[%parallel_loop3A_859, %parallel_loop3A_860, %parallel_loop3A_861] {strides = array<i32>} : memref<10x40x128xf32, #tpu.memory_space<vmem>>, vector<1x1x16xf32>,
        %parallel_loop3A_863 = vector.shape_cast %parallel_loop3A_862 : vector<1x1x16xf32> to vector<16xf32>
        %parallel_loop3A_864 = vector.shape_cast %parallel_loop3A_857 : vector<16xf32> to vector<1x1x16xf32>
        tpu.vector_store %arg8[%parallel_loop3A_859, %parallel_loop3A_860, %parallel_loop3A_861], %parallel_loop3A_864 {strides = array<i32>} : memref<10x40x128xf32, #tpu.memory_space<vmem>>, vector<1x1x16xf32>,
        %parallel_loop3A_865 = arith.constant 80 : i32
        %parallel_loop3A_866 = arith.addi %parallel_loop3A_865, %parallel_loop3A_812 : i32
        %parallel_loop3A_867 = arith.index_cast %parallel_loop3A_866 : i32 to index
        %parallel_loop3A_868 = arith.constant 64 : index
        %parallel_loop3A_869 = tpu.vector_load %arg7[%parallel_loop3A_867, %parallel_loop3A_868] {strides = array<i32>} : memref<200x128xf32, #tpu.memory_space<vmem>>, vector<1x16xf32>,
        %parallel_loop3A_870 = vector.shape_cast %parallel_loop3A_869 : vector<1x16xf32> to vector<16xf32>
        %parallel_loop3A_871 = arith.constant 7 : i32
        %parallel_loop3A_872 = arith.index_cast %parallel_loop3A_871 : i32 to index
        %parallel_loop3A_873 = arith.index_cast %parallel_loop3A_812 : i32 to index
        %parallel_loop3A_874 = arith.constant 64 : index
        %parallel_loop3A_875 = tpu.vector_load %arg8[%parallel_loop3A_872, %parallel_loop3A_873, %parallel_loop3A_874] {strides = array<i32>} : memref<10x40x128xf32, #tpu.memory_space<vmem>>, vector<1x1x16xf32>,
        %parallel_loop3A_876 = vector.shape_cast %parallel_loop3A_875 : vector<1x1x16xf32> to vector<16xf32>
        %parallel_loop3A_877 = vector.shape_cast %parallel_loop3A_870 : vector<16xf32> to vector<1x1x16xf32>
        tpu.vector_store %arg8[%parallel_loop3A_872, %parallel_loop3A_873, %parallel_loop3A_874], %parallel_loop3A_877 {strides = array<i32>} : memref<10x40x128xf32, #tpu.memory_space<vmem>>, vector<1x1x16xf32>,
        %parallel_loop3A_878 = arith.constant 80 : i32
        %parallel_loop3A_879 = arith.addi %parallel_loop3A_878, %parallel_loop3A_812 : i32
        %parallel_loop3A_880 = arith.index_cast %parallel_loop3A_879 : i32 to index
        %parallel_loop3A_881 = arith.constant 80 : index
        %parallel_loop3A_882 = tpu.vector_load %arg7[%parallel_loop3A_880, %parallel_loop3A_881] {strides = array<i32>} : memref<200x128xf32, #tpu.memory_space<vmem>>, vector<1x16xf32>,
        %parallel_loop3A_883 = vector.shape_cast %parallel_loop3A_882 : vector<1x16xf32> to vector<16xf32>
        %parallel_loop3A_884 = arith.constant 7 : i32
        %parallel_loop3A_885 = arith.index_cast %parallel_loop3A_884 : i32 to index
        %parallel_loop3A_886 = arith.index_cast %parallel_loop3A_812 : i32 to index
        %parallel_loop3A_887 = arith.constant 80 : index
        %parallel_loop3A_888 = tpu.vector_load %arg8[%parallel_loop3A_885, %parallel_loop3A_886, %parallel_loop3A_887] {strides = array<i32>} : memref<10x40x128xf32, #tpu.memory_space<vmem>>, vector<1x1x16xf32>,
        %parallel_loop3A_889 = vector.shape_cast %parallel_loop3A_888 : vector<1x1x16xf32> to vector<16xf32>
        %parallel_loop3A_890 = vector.shape_cast %parallel_loop3A_883 : vector<16xf32> to vector<1x1x16xf32>
        tpu.vector_store %arg8[%parallel_loop3A_885, %parallel_loop3A_886, %parallel_loop3A_887], %parallel_loop3A_890 {strides = array<i32>} : memref<10x40x128xf32, #tpu.memory_space<vmem>>, vector<1x1x16xf32>,
        %parallel_loop3A_891 = arith.constant 80 : i32
        %parallel_loop3A_892 = arith.addi %parallel_loop3A_891, %parallel_loop3A_812 : i32
        %parallel_loop3A_893 = arith.index_cast %parallel_loop3A_892 : i32 to index
        %parallel_loop3A_894 = arith.constant 96 : index
        %parallel_loop3A_895 = tpu.vector_load %arg7[%parallel_loop3A_893, %parallel_loop3A_894] {strides = array<i32>} : memref<200x128xf32, #tpu.memory_space<vmem>>, vector<1x16xf32>,
        %parallel_loop3A_896 = vector.shape_cast %parallel_loop3A_895 : vector<1x16xf32> to vector<16xf32>
        %parallel_loop3A_897 = arith.constant 7 : i32
        %parallel_loop3A_898 = arith.index_cast %parallel_loop3A_897 : i32 to index
        %parallel_loop3A_899 = arith.index_cast %parallel_loop3A_812 : i32 to index
        %parallel_loop3A_900 = arith.constant 96 : index
        %parallel_loop3A_901 = tpu.vector_load %arg8[%parallel_loop3A_898, %parallel_loop3A_899, %parallel_loop3A_900] {strides = array<i32>} : memref<10x40x128xf32, #tpu.memory_space<vmem>>, vector<1x1x16xf32>,
        %parallel_loop3A_902 = vector.shape_cast %parallel_loop3A_901 : vector<1x1x16xf32> to vector<16xf32>
        %parallel_loop3A_903 = vector.shape_cast %parallel_loop3A_896 : vector<16xf32> to vector<1x1x16xf32>
        tpu.vector_store %arg8[%parallel_loop3A_898, %parallel_loop3A_899, %parallel_loop3A_900], %parallel_loop3A_903 {strides = array<i32>} : memref<10x40x128xf32, #tpu.memory_space<vmem>>, vector<1x1x16xf32>,
        %parallel_loop3A_904 = arith.constant 80 : i32
        %parallel_loop3A_905 = arith.addi %parallel_loop3A_904, %parallel_loop3A_812 : i32
        %parallel_loop3A_906 = arith.index_cast %parallel_loop3A_905 : i32 to index
        %parallel_loop3A_907 = arith.constant 112 : index
        %parallel_loop3A_908 = tpu.vector_load %arg7[%parallel_loop3A_906, %parallel_loop3A_907] {strides = array<i32>} : memref<200x128xf32, #tpu.memory_space<vmem>>, vector<1x16xf32>,
        %parallel_loop3A_909 = vector.shape_cast %parallel_loop3A_908 : vector<1x16xf32> to vector<16xf32>
        %parallel_loop3A_910 = arith.constant 7 : i32
        %parallel_loop3A_911 = arith.index_cast %parallel_loop3A_910 : i32 to index
        %parallel_loop3A_912 = arith.index_cast %parallel_loop3A_812 : i32 to index
        %parallel_loop3A_913 = arith.constant 112 : index
        %parallel_loop3A_914 = tpu.vector_load %arg8[%parallel_loop3A_911, %parallel_loop3A_912, %parallel_loop3A_913] {strides = array<i32>} : memref<10x40x128xf32, #tpu.memory_space<vmem>>, vector<1x1x16xf32>,
        %parallel_loop3A_915 = vector.shape_cast %parallel_loop3A_914 : vector<1x1x16xf32> to vector<16xf32>
        %parallel_loop3A_916 = vector.shape_cast %parallel_loop3A_909 : vector<16xf32> to vector<1x1x16xf32>
        tpu.vector_store %arg8[%parallel_loop3A_911, %parallel_loop3A_912, %parallel_loop3A_913], %parallel_loop3A_916 {strides = array<i32>} : memref<10x40x128xf32, #tpu.memory_space<vmem>>, vector<1x1x16xf32>,
      } {sc.loop_unroll_factor = 4 : i64, sc.parallel_access}
      %dma_start3A_650 = arith.constant 7 : i32
      %dma_start3A_651 = arith.constant 0 : i32
      %dma_start3A_652 = arith.constant 0 : i32
      %dma_start3A_653 = tpu.memref_slice %arg8[%dma_start3A_650, %dma_start3A_651, %dma_start3A_652] : memref<10x40x128xf32, #tpu.memory_space<vmem>> -> memref<1x40x128xf32, #tpu.memory_space<vmem>>
      %dma_start3A_654 = tpu.memref_squeeze %dma_start3A_653 : memref<1x40x128xf32, #tpu.memory_space<vmem>> -> memref<40x128xf32, #tpu.memory_space<vmem>>
      %dma_start3A_655 = arith.constant 0 : i32
      %dma_start3A_656 = tpu.memref_slice %arg6[%add3A_641, %dma_start3A_655] : memref<160x40xi32, #tpu.memory_space<vmem>> -> memref<1x40xi32, #tpu.memory_space<vmem>>
      %dma_start3A_657 = tpu.memref_squeeze %dma_start3A_656 : memref<1x40xi32, #tpu.memory_space<vmem>> -> memref<40xi32, #tpu.memory_space<vmem>>
      %dma_start3A_658 = arith.constant 0 : i32
      %dma_start3A_659 = arith.constant 0 : i32
      %dma_start3A_660 = tpu.memref_slice %arg2[%dma_start3A_658, %dma_start3A_659] : memref<100000x128xf32, #tpu.memory_space<hbm>> -> memref<100000x128xf32, #tpu.memory_space<hbm>>
      tpu.enqueue_indirect_dma source(%dma_start3A_660 : memref<100000x128xf32, #tpu.memory_space<hbm>>) target(%dma_start3A_654 : memref<40x128xf32, #tpu.memory_space<vmem>>) offsets(%dma_start3A_657 : memref<40xi32, #tpu.memory_space<vmem>>) semaphore(%arg16 : memref<!tpu.dma_semaphore, #tpu.memory_space<semaphore_mem>>) {add = true}
      %sub3A_661 = arith.constant 5 : i32
      %sub3A_662 = arith.subi %add3A_641, %sub3A_661 : i32
      %mul3A_663 = arith.constant 2 : i32
      %mul3A_664 = arith.muli %mul3A_663, %scan3A_341 : i32
      %add3A_665 = arith.addi %mul3A_2, %mul3A_664 : i32
      %add3A_666 = arith.constant 0 : i32
      %add3A_667 = arith.addi %add3A_665, %add3A_666 : i32
      %dma_wait3A_668 = arith.constant 2 : i32
      %dma_wait3A_669 = arith.constant 0 : i32
      %dma_wait3A_670 = arith.constant 0 : i32
      %dma_wait3A_671 = tpu.memref_slice %arg8[%dma_wait3A_668, %dma_wait3A_669, %dma_wait3A_670] : memref<10x40x128xf32, #tpu.memory_space<vmem>> -> memref<1x40x128xf32, #tpu.memory_space<vmem>>
      %dma_wait3A_672 = tpu.memref_squeeze %dma_wait3A_671 : memref<1x40x128xf32, #tpu.memory_space<vmem>> -> memref<40x128xf32, #tpu.memory_space<vmem>>
      %dma_wait3A_673 = arith.constant 0 : i32
      %dma_wait3A_674 = tpu.memref_slice %arg6[%sub3A_662, %dma_wait3A_673] : memref<160x40xi32, #tpu.memory_space<vmem>> -> memref<1x40xi32, #tpu.memory_space<vmem>>
      %dma_wait3A_675 = tpu.memref_squeeze %dma_wait3A_674 : memref<1x40xi32, #tpu.memory_space<vmem>> -> memref<40xi32, #tpu.memory_space<vmem>>
      %dma_wait3A_676 = arith.constant 0 : i32
      %dma_wait3A_677 = arith.constant 0 : i32
      %dma_wait3A_678 = tpu.memref_slice %arg2[%dma_wait3A_676, %dma_wait3A_677] : memref<100000x128xf32, #tpu.memory_space<hbm>> -> memref<100000x128xf32, #tpu.memory_space<hbm>>
      tpu.wait_indirect_dma semaphore(%arg11 : memref<!tpu.dma_semaphore, #tpu.memory_space<semaphore_mem>>) src(%dma_wait3A_678 : memref<100000x128xf32, #tpu.memory_space<hbm>>) dst(%dma_wait3A_672 : memref<40x128xf32, #tpu.memory_space<vmem>>)
      %dma_start3A_679 = arith.constant 2 : i32
      %dma_start3A_680 = arith.constant 0 : i32
      %dma_start3A_681 = arith.constant 0 : i32
      %dma_start3A_682 = tpu.memref_slice %arg8[%dma_start3A_679, %dma_start3A_680, %dma_start3A_681] : memref<10x40x128xf32, #tpu.memory_space<vmem>> -> memref<1x40x128xf32, #tpu.memory_space<vmem>>
      %dma_start3A_683 = tpu.memref_squeeze %dma_start3A_682 : memref<1x40x128xf32, #tpu.memory_space<vmem>> -> memref<40x128xf32, #tpu.memory_space<vmem>>
      %dma_start3A_684 = arith.constant 80 : i32
      %dma_start3A_685 = arith.constant 0 : i32
      %dma_start3A_686 = tpu.memref_slice %arg5[%add3A_667, %dma_start3A_684, %dma_start3A_685] : memref<1024x200x128xf32, #tpu.memory_space<hbm>> -> memref<1x40x128xf32, #tpu.memory_space<hbm>>
      %dma_start3A_687 = tpu.memref_squeeze %dma_start3A_686 : memref<1x40x128xf32, #tpu.memory_space<hbm>> -> memref<40x128xf32, #tpu.memory_space<hbm>>
      %dma_start3A_688 = arith.constant 80 : i32
      %dma_start3A_689 = arith.constant 0 : i32
      %dma_start3A_690 = tpu.memref_slice %arg5[%add3A_667, %dma_start3A_688, %dma_start3A_689] : memref<1024x200x128xf32, #tpu.memory_space<hbm>> -> memref<1x40x128xf32, #tpu.memory_space<hbm>>
      %dma_start3A_691 = tpu.memref_squeeze %dma_start3A_690 : memref<1x40x128xf32, #tpu.memory_space<hbm>> -> memref<40x128xf32, #tpu.memory_space<hbm>>
      %dma_start3A_692 = arith.constant 0 : i32
      %dma_start3A_693 = arith.constant 0 : i32
      %dma_start3A_694 = tpu.memref_slice %arg8[%dma_start3A_679, %dma_start3A_692, %dma_start3A_693] : memref<10x40x128xf32, #tpu.memory_space<vmem>> -> memref<1x40x128xf32, #tpu.memory_space<vmem>>
      %dma_start3A_695 = tpu.memref_squeeze %dma_start3A_694 : memref<1x40x128xf32, #tpu.memory_space<vmem>> -> memref<40x128xf32, #tpu.memory_space<vmem>>
      tpu.enqueue_dma source(%dma_start3A_695 : memref<40x128xf32, #tpu.memory_space<vmem>>) target(%dma_start3A_691 : memref<40x128xf32, #tpu.memory_space<hbm>>) target_semaphore(%arg21 : memref<!tpu.dma_semaphore, #tpu.memory_space<semaphore_mem>>)
      %mul3A_696 = arith.constant 10 : i32
      %mul3A_697 = arith.muli %mul3A_696, %scan3A_341 : i32
      %add3A_698 = arith.constant 8 : i32
      %add3A_699 = arith.addi %mul3A_697, %add3A_698 : i32
      %gt3A_700 = arith.constant 0 : i32
      %gt3A_701 = arith.cmpi sgt, %scan3A_341, %gt3A_700 : i32
      %convert_element_type3A_702 = arith.extui %gt3A_701 : i1 to i32
      %cond3A_703 = arith.constant 0 : i32
      %cond3A_704 = arith.cmpi ne, %convert_element_type3A_702, %cond3A_703 : i32
      scf.if %cond3A_704 {
        %dma_wait3A_812 = arith.constant 8 : i32
        %dma_wait3A_813 = arith.constant 0 : i32
        %dma_wait3A_814 = arith.constant 0 : i32
        %dma_wait3A_815 = arith.constant 0 : i32
        %dma_wait3A_816 = tpu.memref_slice %arg8[%dma_wait3A_812, %dma_wait3A_814, %dma_wait3A_815] : memref<10x40x128xf32, #tpu.memory_space<vmem>> -> memref<1x40x128xf32, #tpu.memory_space<vmem>>
        %dma_wait3A_817 = tpu.memref_squeeze %dma_wait3A_816 : memref<1x40x128xf32, #tpu.memory_space<vmem>> -> memref<40x128xf32, #tpu.memory_space<vmem>>
        %dma_wait3A_818 = arith.constant 0 : i32
        %dma_wait3A_819 = arith.constant 0 : i32
        %dma_wait3A_820 = tpu.memref_slice %arg5[%dma_wait3A_813, %dma_wait3A_818, %dma_wait3A_819] : memref<1024x200x128xf32, #tpu.memory_space<hbm>> -> memref<1x40x128xf32, #tpu.memory_space<hbm>>
        %dma_wait3A_821 = tpu.memref_squeeze %dma_wait3A_820 : memref<1x40x128xf32, #tpu.memory_space<hbm>> -> memref<40x128xf32, #tpu.memory_space<hbm>>
        %dma_wait3A_822 = arith.constant 0 : i32
        %dma_wait3A_823 = arith.constant 0 : i32
        %dma_wait3A_824 = tpu.memref_slice %arg5[%dma_wait3A_813, %dma_wait3A_822, %dma_wait3A_823] : memref<1024x200x128xf32, #tpu.memory_space<hbm>> -> memref<1x40x128xf32, #tpu.memory_space<hbm>>
        %dma_wait3A_825 = tpu.memref_squeeze %dma_wait3A_824 : memref<1x40x128xf32, #tpu.memory_space<hbm>> -> memref<40x128xf32, #tpu.memory_space<hbm>>
        %dma_wait3A_826 = arith.constant 0 : i32
        %dma_wait3A_827 = arith.constant 0 : i32
        %dma_wait3A_828 = tpu.memref_slice %arg8[%dma_wait3A_812, %dma_wait3A_826, %dma_wait3A_827] : memref<10x40x128xf32, #tpu.memory_space<vmem>> -> memref<1x40x128xf32, #tpu.memory_space<vmem>>
        %dma_wait3A_829 = tpu.memref_squeeze %dma_wait3A_828 : memref<1x40x128xf32, #tpu.memory_space<vmem>> -> memref<40x128xf32, #tpu.memory_space<vmem>>
        tpu.wait_dma2 semaphore(%arg27 : memref<!tpu.dma_semaphore, #tpu.memory_space<semaphore_mem>>) src(%dma_wait3A_829 : memref<40x128xf32, #tpu.memory_space<vmem>>) dst(%dma_wait3A_825 : memref<40x128xf32, #tpu.memory_space<hbm>>)
      } else {
      }
      %parallel_loop3A_705 = arith.constant 0 : i32
      %parallel_loop3A_706 = arith.constant 40 : i32
      %parallel_loop3A_707 = arith.constant 1 : i32
      scf.for %parallel_loop3A_812 = %parallel_loop3A_705 to %parallel_loop3A_706 step %parallel_loop3A_707  : i32 {
        %parallel_loop3A_813 = arith.constant 120 : i32
        %parallel_loop3A_814 = arith.addi %parallel_loop3A_813, %parallel_loop3A_812 : i32
        %parallel_loop3A_815 = arith.index_cast %parallel_loop3A_814 : i32 to index
        %parallel_loop3A_816 = arith.constant 0 : index
        %parallel_loop3A_817 = tpu.vector_load %arg7[%parallel_loop3A_815, %parallel_loop3A_816] {strides = array<i32>} : memref<200x128xf32, #tpu.memory_space<vmem>>, vector<1x16xf32>,
        %parallel_loop3A_818 = vector.shape_cast %parallel_loop3A_817 : vector<1x16xf32> to vector<16xf32>
        %parallel_loop3A_819 = arith.constant 8 : i32
        %parallel_loop3A_820 = arith.index_cast %parallel_loop3A_819 : i32 to index
        %parallel_loop3A_821 = arith.index_cast %parallel_loop3A_812 : i32 to index
        %parallel_loop3A_822 = arith.constant 0 : index
        %parallel_loop3A_823 = tpu.vector_load %arg8[%parallel_loop3A_820, %parallel_loop3A_821, %parallel_loop3A_822] {strides = array<i32>} : memref<10x40x128xf32, #tpu.memory_space<vmem>>, vector<1x1x16xf32>,
        %parallel_loop3A_824 = vector.shape_cast %parallel_loop3A_823 : vector<1x1x16xf32> to vector<16xf32>
        %parallel_loop3A_825 = vector.shape_cast %parallel_loop3A_818 : vector<16xf32> to vector<1x1x16xf32>
        tpu.vector_store %arg8[%parallel_loop3A_820, %parallel_loop3A_821, %parallel_loop3A_822], %parallel_loop3A_825 {strides = array<i32>} : memref<10x40x128xf32, #tpu.memory_space<vmem>>, vector<1x1x16xf32>,
        %parallel_loop3A_826 = arith.constant 120 : i32
        %parallel_loop3A_827 = arith.addi %parallel_loop3A_826, %parallel_loop3A_812 : i32
        %parallel_loop3A_828 = arith.index_cast %parallel_loop3A_827 : i32 to index
        %parallel_loop3A_829 = arith.constant 16 : index
        %parallel_loop3A_830 = tpu.vector_load %arg7[%parallel_loop3A_828, %parallel_loop3A_829] {strides = array<i32>} : memref<200x128xf32, #tpu.memory_space<vmem>>, vector<1x16xf32>,
        %parallel_loop3A_831 = vector.shape_cast %parallel_loop3A_830 : vector<1x16xf32> to vector<16xf32>
        %parallel_loop3A_832 = arith.constant 8 : i32
        %parallel_loop3A_833 = arith.index_cast %parallel_loop3A_832 : i32 to index
        %parallel_loop3A_834 = arith.index_cast %parallel_loop3A_812 : i32 to index
        %parallel_loop3A_835 = arith.constant 16 : index
        %parallel_loop3A_836 = tpu.vector_load %arg8[%parallel_loop3A_833, %parallel_loop3A_834, %parallel_loop3A_835] {strides = array<i32>} : memref<10x40x128xf32, #tpu.memory_space<vmem>>, vector<1x1x16xf32>,
        %parallel_loop3A_837 = vector.shape_cast %parallel_loop3A_836 : vector<1x1x16xf32> to vector<16xf32>
        %parallel_loop3A_838 = vector.shape_cast %parallel_loop3A_831 : vector<16xf32> to vector<1x1x16xf32>
        tpu.vector_store %arg8[%parallel_loop3A_833, %parallel_loop3A_834, %parallel_loop3A_835], %parallel_loop3A_838 {strides = array<i32>} : memref<10x40x128xf32, #tpu.memory_space<vmem>>, vector<1x1x16xf32>,
        %parallel_loop3A_839 = arith.constant 120 : i32
        %parallel_loop3A_840 = arith.addi %parallel_loop3A_839, %parallel_loop3A_812 : i32
        %parallel_loop3A_841 = arith.index_cast %parallel_loop3A_840 : i32 to index
        %parallel_loop3A_842 = arith.constant 32 : index
        %parallel_loop3A_843 = tpu.vector_load %arg7[%parallel_loop3A_841, %parallel_loop3A_842] {strides = array<i32>} : memref<200x128xf32, #tpu.memory_space<vmem>>, vector<1x16xf32>,
        %parallel_loop3A_844 = vector.shape_cast %parallel_loop3A_843 : vector<1x16xf32> to vector<16xf32>
        %parallel_loop3A_845 = arith.constant 8 : i32
        %parallel_loop3A_846 = arith.index_cast %parallel_loop3A_845 : i32 to index
        %parallel_loop3A_847 = arith.index_cast %parallel_loop3A_812 : i32 to index
        %parallel_loop3A_848 = arith.constant 32 : index
        %parallel_loop3A_849 = tpu.vector_load %arg8[%parallel_loop3A_846, %parallel_loop3A_847, %parallel_loop3A_848] {strides = array<i32>} : memref<10x40x128xf32, #tpu.memory_space<vmem>>, vector<1x1x16xf32>,
        %parallel_loop3A_850 = vector.shape_cast %parallel_loop3A_849 : vector<1x1x16xf32> to vector<16xf32>
        %parallel_loop3A_851 = vector.shape_cast %parallel_loop3A_844 : vector<16xf32> to vector<1x1x16xf32>
        tpu.vector_store %arg8[%parallel_loop3A_846, %parallel_loop3A_847, %parallel_loop3A_848], %parallel_loop3A_851 {strides = array<i32>} : memref<10x40x128xf32, #tpu.memory_space<vmem>>, vector<1x1x16xf32>,
        %parallel_loop3A_852 = arith.constant 120 : i32
        %parallel_loop3A_853 = arith.addi %parallel_loop3A_852, %parallel_loop3A_812 : i32
        %parallel_loop3A_854 = arith.index_cast %parallel_loop3A_853 : i32 to index
        %parallel_loop3A_855 = arith.constant 48 : index
        %parallel_loop3A_856 = tpu.vector_load %arg7[%parallel_loop3A_854, %parallel_loop3A_855] {strides = array<i32>} : memref<200x128xf32, #tpu.memory_space<vmem>>, vector<1x16xf32>,
        %parallel_loop3A_857 = vector.shape_cast %parallel_loop3A_856 : vector<1x16xf32> to vector<16xf32>
        %parallel_loop3A_858 = arith.constant 8 : i32
        %parallel_loop3A_859 = arith.index_cast %parallel_loop3A_858 : i32 to index
        %parallel_loop3A_860 = arith.index_cast %parallel_loop3A_812 : i32 to index
        %parallel_loop3A_861 = arith.constant 48 : index
        %parallel_loop3A_862 = tpu.vector_load %arg8[%parallel_loop3A_859, %parallel_loop3A_860, %parallel_loop3A_861] {strides = array<i32>} : memref<10x40x128xf32, #tpu.memory_space<vmem>>, vector<1x1x16xf32>,
        %parallel_loop3A_863 = vector.shape_cast %parallel_loop3A_862 : vector<1x1x16xf32> to vector<16xf32>
        %parallel_loop3A_864 = vector.shape_cast %parallel_loop3A_857 : vector<16xf32> to vector<1x1x16xf32>
        tpu.vector_store %arg8[%parallel_loop3A_859, %parallel_loop3A_860, %parallel_loop3A_861], %parallel_loop3A_864 {strides = array<i32>} : memref<10x40x128xf32, #tpu.memory_space<vmem>>, vector<1x1x16xf32>,
        %parallel_loop3A_865 = arith.constant 120 : i32
        %parallel_loop3A_866 = arith.addi %parallel_loop3A_865, %parallel_loop3A_812 : i32
        %parallel_loop3A_867 = arith.index_cast %parallel_loop3A_866 : i32 to index
        %parallel_loop3A_868 = arith.constant 64 : index
        %parallel_loop3A_869 = tpu.vector_load %arg7[%parallel_loop3A_867, %parallel_loop3A_868] {strides = array<i32>} : memref<200x128xf32, #tpu.memory_space<vmem>>, vector<1x16xf32>,
        %parallel_loop3A_870 = vector.shape_cast %parallel_loop3A_869 : vector<1x16xf32> to vector<16xf32>
        %parallel_loop3A_871 = arith.constant 8 : i32
        %parallel_loop3A_872 = arith.index_cast %parallel_loop3A_871 : i32 to index
        %parallel_loop3A_873 = arith.index_cast %parallel_loop3A_812 : i32 to index
        %parallel_loop3A_874 = arith.constant 64 : index
        %parallel_loop3A_875 = tpu.vector_load %arg8[%parallel_loop3A_872, %parallel_loop3A_873, %parallel_loop3A_874] {strides = array<i32>} : memref<10x40x128xf32, #tpu.memory_space<vmem>>, vector<1x1x16xf32>,
        %parallel_loop3A_876 = vector.shape_cast %parallel_loop3A_875 : vector<1x1x16xf32> to vector<16xf32>
        %parallel_loop3A_877 = vector.shape_cast %parallel_loop3A_870 : vector<16xf32> to vector<1x1x16xf32>
        tpu.vector_store %arg8[%parallel_loop3A_872, %parallel_loop3A_873, %parallel_loop3A_874], %parallel_loop3A_877 {strides = array<i32>} : memref<10x40x128xf32, #tpu.memory_space<vmem>>, vector<1x1x16xf32>,
        %parallel_loop3A_878 = arith.constant 120 : i32
        %parallel_loop3A_879 = arith.addi %parallel_loop3A_878, %parallel_loop3A_812 : i32
        %parallel_loop3A_880 = arith.index_cast %parallel_loop3A_879 : i32 to index
        %parallel_loop3A_881 = arith.constant 80 : index
        %parallel_loop3A_882 = tpu.vector_load %arg7[%parallel_loop3A_880, %parallel_loop3A_881] {strides = array<i32>} : memref<200x128xf32, #tpu.memory_space<vmem>>, vector<1x16xf32>,
        %parallel_loop3A_883 = vector.shape_cast %parallel_loop3A_882 : vector<1x16xf32> to vector<16xf32>
        %parallel_loop3A_884 = arith.constant 8 : i32
        %parallel_loop3A_885 = arith.index_cast %parallel_loop3A_884 : i32 to index
        %parallel_loop3A_886 = arith.index_cast %parallel_loop3A_812 : i32 to index
        %parallel_loop3A_887 = arith.constant 80 : index
        %parallel_loop3A_888 = tpu.vector_load %arg8[%parallel_loop3A_885, %parallel_loop3A_886, %parallel_loop3A_887] {strides = array<i32>} : memref<10x40x128xf32, #tpu.memory_space<vmem>>, vector<1x1x16xf32>,
        %parallel_loop3A_889 = vector.shape_cast %parallel_loop3A_888 : vector<1x1x16xf32> to vector<16xf32>
        %parallel_loop3A_890 = vector.shape_cast %parallel_loop3A_883 : vector<16xf32> to vector<1x1x16xf32>
        tpu.vector_store %arg8[%parallel_loop3A_885, %parallel_loop3A_886, %parallel_loop3A_887], %parallel_loop3A_890 {strides = array<i32>} : memref<10x40x128xf32, #tpu.memory_space<vmem>>, vector<1x1x16xf32>,
        %parallel_loop3A_891 = arith.constant 120 : i32
        %parallel_loop3A_892 = arith.addi %parallel_loop3A_891, %parallel_loop3A_812 : i32
        %parallel_loop3A_893 = arith.index_cast %parallel_loop3A_892 : i32 to index
        %parallel_loop3A_894 = arith.constant 96 : index
        %parallel_loop3A_895 = tpu.vector_load %arg7[%parallel_loop3A_893, %parallel_loop3A_894] {strides = array<i32>} : memref<200x128xf32, #tpu.memory_space<vmem>>, vector<1x16xf32>,
        %parallel_loop3A_896 = vector.shape_cast %parallel_loop3A_895 : vector<1x16xf32> to vector<16xf32>
        %parallel_loop3A_897 = arith.constant 8 : i32
        %parallel_loop3A_898 = arith.index_cast %parallel_loop3A_897 : i32 to index
        %parallel_loop3A_899 = arith.index_cast %parallel_loop3A_812 : i32 to index
        %parallel_loop3A_900 = arith.constant 96 : index
        %parallel_loop3A_901 = tpu.vector_load %arg8[%parallel_loop3A_898, %parallel_loop3A_899, %parallel_loop3A_900] {strides = array<i32>} : memref<10x40x128xf32, #tpu.memory_space<vmem>>, vector<1x1x16xf32>,
        %parallel_loop3A_902 = vector.shape_cast %parallel_loop3A_901 : vector<1x1x16xf32> to vector<16xf32>
        %parallel_loop3A_903 = vector.shape_cast %parallel_loop3A_896 : vector<16xf32> to vector<1x1x16xf32>
        tpu.vector_store %arg8[%parallel_loop3A_898, %parallel_loop3A_899, %parallel_loop3A_900], %parallel_loop3A_903 {strides = array<i32>} : memref<10x40x128xf32, #tpu.memory_space<vmem>>, vector<1x1x16xf32>,
        %parallel_loop3A_904 = arith.constant 120 : i32
        %parallel_loop3A_905 = arith.addi %parallel_loop3A_904, %parallel_loop3A_812 : i32
        %parallel_loop3A_906 = arith.index_cast %parallel_loop3A_905 : i32 to index
        %parallel_loop3A_907 = arith.constant 112 : index
        %parallel_loop3A_908 = tpu.vector_load %arg7[%parallel_loop3A_906, %parallel_loop3A_907] {strides = array<i32>} : memref<200x128xf32, #tpu.memory_space<vmem>>, vector<1x16xf32>,
        %parallel_loop3A_909 = vector.shape_cast %parallel_loop3A_908 : vector<1x16xf32> to vector<16xf32>
        %parallel_loop3A_910 = arith.constant 8 : i32
        %parallel_loop3A_911 = arith.index_cast %parallel_loop3A_910 : i32 to index
        %parallel_loop3A_912 = arith.index_cast %parallel_loop3A_812 : i32 to index
        %parallel_loop3A_913 = arith.constant 112 : index
        %parallel_loop3A_914 = tpu.vector_load %arg8[%parallel_loop3A_911, %parallel_loop3A_912, %parallel_loop3A_913] {strides = array<i32>} : memref<10x40x128xf32, #tpu.memory_space<vmem>>, vector<1x1x16xf32>,
        %parallel_loop3A_915 = vector.shape_cast %parallel_loop3A_914 : vector<1x1x16xf32> to vector<16xf32>
        %parallel_loop3A_916 = vector.shape_cast %parallel_loop3A_909 : vector<16xf32> to vector<1x1x16xf32>
        tpu.vector_store %arg8[%parallel_loop3A_911, %parallel_loop3A_912, %parallel_loop3A_913], %parallel_loop3A_916 {strides = array<i32>} : memref<10x40x128xf32, #tpu.memory_space<vmem>>, vector<1x1x16xf32>,
      } {sc.loop_unroll_factor = 4 : i64, sc.parallel_access}
      %dma_start3A_708 = arith.constant 8 : i32
      %dma_start3A_709 = arith.constant 0 : i32
      %dma_start3A_710 = arith.constant 0 : i32
      %dma_start3A_711 = tpu.memref_slice %arg8[%dma_start3A_708, %dma_start3A_709, %dma_start3A_710] : memref<10x40x128xf32, #tpu.memory_space<vmem>> -> memref<1x40x128xf32, #tpu.memory_space<vmem>>
      %dma_start3A_712 = tpu.memref_squeeze %dma_start3A_711 : memref<1x40x128xf32, #tpu.memory_space<vmem>> -> memref<40x128xf32, #tpu.memory_space<vmem>>
      %dma_start3A_713 = arith.constant 0 : i32
      %dma_start3A_714 = tpu.memref_slice %arg6[%add3A_699, %dma_start3A_713] : memref<160x40xi32, #tpu.memory_space<vmem>> -> memref<1x40xi32, #tpu.memory_space<vmem>>
      %dma_start3A_715 = tpu.memref_squeeze %dma_start3A_714 : memref<1x40xi32, #tpu.memory_space<vmem>> -> memref<40xi32, #tpu.memory_space<vmem>>
      %dma_start3A_716 = arith.constant 0 : i32
      %dma_start3A_717 = arith.constant 0 : i32
      %dma_start3A_718 = tpu.memref_slice %arg2[%dma_start3A_716, %dma_start3A_717] : memref<100000x128xf32, #tpu.memory_space<hbm>> -> memref<100000x128xf32, #tpu.memory_space<hbm>>
      tpu.enqueue_indirect_dma source(%dma_start3A_718 : memref<100000x128xf32, #tpu.memory_space<hbm>>) target(%dma_start3A_712 : memref<40x128xf32, #tpu.memory_space<vmem>>) offsets(%dma_start3A_715 : memref<40xi32, #tpu.memory_space<vmem>>) semaphore(%arg17 : memref<!tpu.dma_semaphore, #tpu.memory_space<semaphore_mem>>) {add = true}
      %sub3A_719 = arith.constant 5 : i32
      %sub3A_720 = arith.subi %add3A_699, %sub3A_719 : i32
      %mul3A_721 = arith.constant 2 : i32
      %mul3A_722 = arith.muli %mul3A_721, %scan3A_341 : i32
      %add3A_723 = arith.addi %mul3A_2, %mul3A_722 : i32
      %add3A_724 = arith.constant 0 : i32
      %add3A_725 = arith.addi %add3A_723, %add3A_724 : i32
      %dma_wait3A_726 = arith.constant 3 : i32
      %dma_wait3A_727 = arith.constant 0 : i32
      %dma_wait3A_728 = arith.constant 0 : i32
      %dma_wait3A_729 = tpu.memref_slice %arg8[%dma_wait3A_726, %dma_wait3A_727, %dma_wait3A_728] : memref<10x40x128xf32, #tpu.memory_space<vmem>> -> memref<1x40x128xf32, #tpu.memory_space<vmem>>
      %dma_wait3A_730 = tpu.memref_squeeze %dma_wait3A_729 : memref<1x40x128xf32, #tpu.memory_space<vmem>> -> memref<40x128xf32, #tpu.memory_space<vmem>>
      %dma_wait3A_731 = arith.constant 0 : i32
      %dma_wait3A_732 = tpu.memref_slice %arg6[%sub3A_720, %dma_wait3A_731] : memref<160x40xi32, #tpu.memory_space<vmem>> -> memref<1x40xi32, #tpu.memory_space<vmem>>
      %dma_wait3A_733 = tpu.memref_squeeze %dma_wait3A_732 : memref<1x40xi32, #tpu.memory_space<vmem>> -> memref<40xi32, #tpu.memory_space<vmem>>
      %dma_wait3A_734 = arith.constant 0 : i32
      %dma_wait3A_735 = arith.constant 0 : i32
      %dma_wait3A_736 = tpu.memref_slice %arg2[%dma_wait3A_734, %dma_wait3A_735] : memref<100000x128xf32, #tpu.memory_space<hbm>> -> memref<100000x128xf32, #tpu.memory_space<hbm>>
      tpu.wait_indirect_dma semaphore(%arg12 : memref<!tpu.dma_semaphore, #tpu.memory_space<semaphore_mem>>) src(%dma_wait3A_736 : memref<100000x128xf32, #tpu.memory_space<hbm>>) dst(%dma_wait3A_730 : memref<40x128xf32, #tpu.memory_space<vmem>>)
      %dma_start3A_737 = arith.constant 3 : i32
      %dma_start3A_738 = arith.constant 0 : i32
      %dma_start3A_739 = arith.constant 0 : i32
      %dma_start3A_740 = tpu.memref_slice %arg8[%dma_start3A_737, %dma_start3A_738, %dma_start3A_739] : memref<10x40x128xf32, #tpu.memory_space<vmem>> -> memref<1x40x128xf32, #tpu.memory_space<vmem>>
      %dma_start3A_741 = tpu.memref_squeeze %dma_start3A_740 : memref<1x40x128xf32, #tpu.memory_space<vmem>> -> memref<40x128xf32, #tpu.memory_space<vmem>>
      %dma_start3A_742 = arith.constant 120 : i32
      %dma_start3A_743 = arith.constant 0 : i32
      %dma_start3A_744 = tpu.memref_slice %arg5[%add3A_725, %dma_start3A_742, %dma_start3A_743] : memref<1024x200x128xf32, #tpu.memory_space<hbm>> -> memref<1x40x128xf32, #tpu.memory_space<hbm>>
      %dma_start3A_745 = tpu.memref_squeeze %dma_start3A_744 : memref<1x40x128xf32, #tpu.memory_space<hbm>> -> memref<40x128xf32, #tpu.memory_space<hbm>>
      %dma_start3A_746 = arith.constant 120 : i32
      %dma_start3A_747 = arith.constant 0 : i32
      %dma_start3A_748 = tpu.memref_slice %arg5[%add3A_725, %dma_start3A_746, %dma_start3A_747] : memref<1024x200x128xf32, #tpu.memory_space<hbm>> -> memref<1x40x128xf32, #tpu.memory_space<hbm>>
      %dma_start3A_749 = tpu.memref_squeeze %dma_start3A_748 : memref<1x40x128xf32, #tpu.memory_space<hbm>> -> memref<40x128xf32, #tpu.memory_space<hbm>>
      %dma_start3A_750 = arith.constant 0 : i32
      %dma_start3A_751 = arith.constant 0 : i32
      %dma_start3A_752 = tpu.memref_slice %arg8[%dma_start3A_737, %dma_start3A_750, %dma_start3A_751] : memref<10x40x128xf32, #tpu.memory_space<vmem>> -> memref<1x40x128xf32, #tpu.memory_space<vmem>>
      %dma_start3A_753 = tpu.memref_squeeze %dma_start3A_752 : memref<1x40x128xf32, #tpu.memory_space<vmem>> -> memref<40x128xf32, #tpu.memory_space<vmem>>
      tpu.enqueue_dma source(%dma_start3A_753 : memref<40x128xf32, #tpu.memory_space<vmem>>) target(%dma_start3A_749 : memref<40x128xf32, #tpu.memory_space<hbm>>) target_semaphore(%arg22 : memref<!tpu.dma_semaphore, #tpu.memory_space<semaphore_mem>>)
      %mul3A_754 = arith.constant 10 : i32
      %mul3A_755 = arith.muli %mul3A_754, %scan3A_341 : i32
      %add3A_756 = arith.constant 9 : i32
      %add3A_757 = arith.addi %mul3A_755, %add3A_756 : i32
      %gt3A_758 = arith.constant 0 : i32
      %gt3A_759 = arith.cmpi sgt, %scan3A_341, %gt3A_758 : i32
      %convert_element_type3A_760 = arith.extui %gt3A_759 : i1 to i32
      %cond3A_761 = arith.constant 0 : i32
      %cond3A_762 = arith.cmpi ne, %convert_element_type3A_760, %cond3A_761 : i32
      scf.if %cond3A_762 {
        %dma_wait3A_812 = arith.constant 9 : i32
        %dma_wait3A_813 = arith.constant 0 : i32
        %dma_wait3A_814 = arith.constant 0 : i32
        %dma_wait3A_815 = arith.constant 0 : i32
        %dma_wait3A_816 = tpu.memref_slice %arg8[%dma_wait3A_812, %dma_wait3A_814, %dma_wait3A_815] : memref<10x40x128xf32, #tpu.memory_space<vmem>> -> memref<1x40x128xf32, #tpu.memory_space<vmem>>
        %dma_wait3A_817 = tpu.memref_squeeze %dma_wait3A_816 : memref<1x40x128xf32, #tpu.memory_space<vmem>> -> memref<40x128xf32, #tpu.memory_space<vmem>>
        %dma_wait3A_818 = arith.constant 0 : i32
        %dma_wait3A_819 = arith.constant 0 : i32
        %dma_wait3A_820 = tpu.memref_slice %arg5[%dma_wait3A_813, %dma_wait3A_818, %dma_wait3A_819] : memref<1024x200x128xf32, #tpu.memory_space<hbm>> -> memref<1x40x128xf32, #tpu.memory_space<hbm>>
        %dma_wait3A_821 = tpu.memref_squeeze %dma_wait3A_820 : memref<1x40x128xf32, #tpu.memory_space<hbm>> -> memref<40x128xf32, #tpu.memory_space<hbm>>
        %dma_wait3A_822 = arith.constant 0 : i32
        %dma_wait3A_823 = arith.constant 0 : i32
        %dma_wait3A_824 = tpu.memref_slice %arg5[%dma_wait3A_813, %dma_wait3A_822, %dma_wait3A_823] : memref<1024x200x128xf32, #tpu.memory_space<hbm>> -> memref<1x40x128xf32, #tpu.memory_space<hbm>>
        %dma_wait3A_825 = tpu.memref_squeeze %dma_wait3A_824 : memref<1x40x128xf32, #tpu.memory_space<hbm>> -> memref<40x128xf32, #tpu.memory_space<hbm>>
        %dma_wait3A_826 = arith.constant 0 : i32
        %dma_wait3A_827 = arith.constant 0 : i32
        %dma_wait3A_828 = tpu.memref_slice %arg8[%dma_wait3A_812, %dma_wait3A_826, %dma_wait3A_827] : memref<10x40x128xf32, #tpu.memory_space<vmem>> -> memref<1x40x128xf32, #tpu.memory_space<vmem>>
        %dma_wait3A_829 = tpu.memref_squeeze %dma_wait3A_828 : memref<1x40x128xf32, #tpu.memory_space<vmem>> -> memref<40x128xf32, #tpu.memory_space<vmem>>
        tpu.wait_dma2 semaphore(%arg28 : memref<!tpu.dma_semaphore, #tpu.memory_space<semaphore_mem>>) src(%dma_wait3A_829 : memref<40x128xf32, #tpu.memory_space<vmem>>) dst(%dma_wait3A_825 : memref<40x128xf32, #tpu.memory_space<hbm>>)
      } else {
      }
      %parallel_loop3A_763 = arith.constant 0 : i32
      %parallel_loop3A_764 = arith.constant 40 : i32
      %parallel_loop3A_765 = arith.constant 1 : i32
      scf.for %parallel_loop3A_812 = %parallel_loop3A_763 to %parallel_loop3A_764 step %parallel_loop3A_765  : i32 {
        %parallel_loop3A_813 = arith.constant 160 : i32
        %parallel_loop3A_814 = arith.addi %parallel_loop3A_813, %parallel_loop3A_812 : i32
        %parallel_loop3A_815 = arith.index_cast %parallel_loop3A_814 : i32 to index
        %parallel_loop3A_816 = arith.constant 0 : index
        %parallel_loop3A_817 = tpu.vector_load %arg7[%parallel_loop3A_815, %parallel_loop3A_816] {strides = array<i32>} : memref<200x128xf32, #tpu.memory_space<vmem>>, vector<1x16xf32>,
        %parallel_loop3A_818 = vector.shape_cast %parallel_loop3A_817 : vector<1x16xf32> to vector<16xf32>
        %parallel_loop3A_819 = arith.constant 9 : i32
        %parallel_loop3A_820 = arith.index_cast %parallel_loop3A_819 : i32 to index
        %parallel_loop3A_821 = arith.index_cast %parallel_loop3A_812 : i32 to index
        %parallel_loop3A_822 = arith.constant 0 : index
        %parallel_loop3A_823 = tpu.vector_load %arg8[%parallel_loop3A_820, %parallel_loop3A_821, %parallel_loop3A_822] {strides = array<i32>} : memref<10x40x128xf32, #tpu.memory_space<vmem>>, vector<1x1x16xf32>,
        %parallel_loop3A_824 = vector.shape_cast %parallel_loop3A_823 : vector<1x1x16xf32> to vector<16xf32>
        %parallel_loop3A_825 = vector.shape_cast %parallel_loop3A_818 : vector<16xf32> to vector<1x1x16xf32>
        tpu.vector_store %arg8[%parallel_loop3A_820, %parallel_loop3A_821, %parallel_loop3A_822], %parallel_loop3A_825 {strides = array<i32>} : memref<10x40x128xf32, #tpu.memory_space<vmem>>, vector<1x1x16xf32>,
        %parallel_loop3A_826 = arith.constant 160 : i32
        %parallel_loop3A_827 = arith.addi %parallel_loop3A_826, %parallel_loop3A_812 : i32
        %parallel_loop3A_828 = arith.index_cast %parallel_loop3A_827 : i32 to index
        %parallel_loop3A_829 = arith.constant 16 : index
        %parallel_loop3A_830 = tpu.vector_load %arg7[%parallel_loop3A_828, %parallel_loop3A_829] {strides = array<i32>} : memref<200x128xf32, #tpu.memory_space<vmem>>, vector<1x16xf32>,
        %parallel_loop3A_831 = vector.shape_cast %parallel_loop3A_830 : vector<1x16xf32> to vector<16xf32>
        %parallel_loop3A_832 = arith.constant 9 : i32
        %parallel_loop3A_833 = arith.index_cast %parallel_loop3A_832 : i32 to index
        %parallel_loop3A_834 = arith.index_cast %parallel_loop3A_812 : i32 to index
        %parallel_loop3A_835 = arith.constant 16 : index
        %parallel_loop3A_836 = tpu.vector_load %arg8[%parallel_loop3A_833, %parallel_loop3A_834, %parallel_loop3A_835] {strides = array<i32>} : memref<10x40x128xf32, #tpu.memory_space<vmem>>, vector<1x1x16xf32>,
        %parallel_loop3A_837 = vector.shape_cast %parallel_loop3A_836 : vector<1x1x16xf32> to vector<16xf32>
        %parallel_loop3A_838 = vector.shape_cast %parallel_loop3A_831 : vector<16xf32> to vector<1x1x16xf32>
        tpu.vector_store %arg8[%parallel_loop3A_833, %parallel_loop3A_834, %parallel_loop3A_835], %parallel_loop3A_838 {strides = array<i32>} : memref<10x40x128xf32, #tpu.memory_space<vmem>>, vector<1x1x16xf32>,
        %parallel_loop3A_839 = arith.constant 160 : i32
        %parallel_loop3A_840 = arith.addi %parallel_loop3A_839, %parallel_loop3A_812 : i32
        %parallel_loop3A_841 = arith.index_cast %parallel_loop3A_840 : i32 to index
        %parallel_loop3A_842 = arith.constant 32 : index
        %parallel_loop3A_843 = tpu.vector_load %arg7[%parallel_loop3A_841, %parallel_loop3A_842] {strides = array<i32>} : memref<200x128xf32, #tpu.memory_space<vmem>>, vector<1x16xf32>,
        %parallel_loop3A_844 = vector.shape_cast %parallel_loop3A_843 : vector<1x16xf32> to vector<16xf32>
        %parallel_loop3A_845 = arith.constant 9 : i32
        %parallel_loop3A_846 = arith.index_cast %parallel_loop3A_845 : i32 to index
        %parallel_loop3A_847 = arith.index_cast %parallel_loop3A_812 : i32 to index
        %parallel_loop3A_848 = arith.constant 32 : index
        %parallel_loop3A_849 = tpu.vector_load %arg8[%parallel_loop3A_846, %parallel_loop3A_847, %parallel_loop3A_848] {strides = array<i32>} : memref<10x40x128xf32, #tpu.memory_space<vmem>>, vector<1x1x16xf32>,
        %parallel_loop3A_850 = vector.shape_cast %parallel_loop3A_849 : vector<1x1x16xf32> to vector<16xf32>
        %parallel_loop3A_851 = vector.shape_cast %parallel_loop3A_844 : vector<16xf32> to vector<1x1x16xf32>
        tpu.vector_store %arg8[%parallel_loop3A_846, %parallel_loop3A_847, %parallel_loop3A_848], %parallel_loop3A_851 {strides = array<i32>} : memref<10x40x128xf32, #tpu.memory_space<vmem>>, vector<1x1x16xf32>,
        %parallel_loop3A_852 = arith.constant 160 : i32
        %parallel_loop3A_853 = arith.addi %parallel_loop3A_852, %parallel_loop3A_812 : i32
        %parallel_loop3A_854 = arith.index_cast %parallel_loop3A_853 : i32 to index
        %parallel_loop3A_855 = arith.constant 48 : index
        %parallel_loop3A_856 = tpu.vector_load %arg7[%parallel_loop3A_854, %parallel_loop3A_855] {strides = array<i32>} : memref<200x128xf32, #tpu.memory_space<vmem>>, vector<1x16xf32>,
        %parallel_loop3A_857 = vector.shape_cast %parallel_loop3A_856 : vector<1x16xf32> to vector<16xf32>
        %parallel_loop3A_858 = arith.constant 9 : i32
        %parallel_loop3A_859 = arith.index_cast %parallel_loop3A_858 : i32 to index
        %parallel_loop3A_860 = arith.index_cast %parallel_loop3A_812 : i32 to index
        %parallel_loop3A_861 = arith.constant 48 : index
        %parallel_loop3A_862 = tpu.vector_load %arg8[%parallel_loop3A_859, %parallel_loop3A_860, %parallel_loop3A_861] {strides = array<i32>} : memref<10x40x128xf32, #tpu.memory_space<vmem>>, vector<1x1x16xf32>,
        %parallel_loop3A_863 = vector.shape_cast %parallel_loop3A_862 : vector<1x1x16xf32> to vector<16xf32>
        %parallel_loop3A_864 = vector.shape_cast %parallel_loop3A_857 : vector<16xf32> to vector<1x1x16xf32>
        tpu.vector_store %arg8[%parallel_loop3A_859, %parallel_loop3A_860, %parallel_loop3A_861], %parallel_loop3A_864 {strides = array<i32>} : memref<10x40x128xf32, #tpu.memory_space<vmem>>, vector<1x1x16xf32>,
        %parallel_loop3A_865 = arith.constant 160 : i32
        %parallel_loop3A_866 = arith.addi %parallel_loop3A_865, %parallel_loop3A_812 : i32
        %parallel_loop3A_867 = arith.index_cast %parallel_loop3A_866 : i32 to index
        %parallel_loop3A_868 = arith.constant 64 : index
        %parallel_loop3A_869 = tpu.vector_load %arg7[%parallel_loop3A_867, %parallel_loop3A_868] {strides = array<i32>} : memref<200x128xf32, #tpu.memory_space<vmem>>, vector<1x16xf32>,
        %parallel_loop3A_870 = vector.shape_cast %parallel_loop3A_869 : vector<1x16xf32> to vector<16xf32>
        %parallel_loop3A_871 = arith.constant 9 : i32
        %parallel_loop3A_872 = arith.index_cast %parallel_loop3A_871 : i32 to index
        %parallel_loop3A_873 = arith.index_cast %parallel_loop3A_812 : i32 to index
        %parallel_loop3A_874 = arith.constant 64 : index
        %parallel_loop3A_875 = tpu.vector_load %arg8[%parallel_loop3A_872, %parallel_loop3A_873, %parallel_loop3A_874] {strides = array<i32>} : memref<10x40x128xf32, #tpu.memory_space<vmem>>, vector<1x1x16xf32>,
        %parallel_loop3A_876 = vector.shape_cast %parallel_loop3A_875 : vector<1x1x16xf32> to vector<16xf32>
        %parallel_loop3A_877 = vector.shape_cast %parallel_loop3A_870 : vector<16xf32> to vector<1x1x16xf32>
        tpu.vector_store %arg8[%parallel_loop3A_872, %parallel_loop3A_873, %parallel_loop3A_874], %parallel_loop3A_877 {strides = array<i32>} : memref<10x40x128xf32, #tpu.memory_space<vmem>>, vector<1x1x16xf32>,
        %parallel_loop3A_878 = arith.constant 160 : i32
        %parallel_loop3A_879 = arith.addi %parallel_loop3A_878, %parallel_loop3A_812 : i32
        %parallel_loop3A_880 = arith.index_cast %parallel_loop3A_879 : i32 to index
        %parallel_loop3A_881 = arith.constant 80 : index
        %parallel_loop3A_882 = tpu.vector_load %arg7[%parallel_loop3A_880, %parallel_loop3A_881] {strides = array<i32>} : memref<200x128xf32, #tpu.memory_space<vmem>>, vector<1x16xf32>,
        %parallel_loop3A_883 = vector.shape_cast %parallel_loop3A_882 : vector<1x16xf32> to vector<16xf32>
        %parallel_loop3A_884 = arith.constant 9 : i32
        %parallel_loop3A_885 = arith.index_cast %parallel_loop3A_884 : i32 to index
        %parallel_loop3A_886 = arith.index_cast %parallel_loop3A_812 : i32 to index
        %parallel_loop3A_887 = arith.constant 80 : index
        %parallel_loop3A_888 = tpu.vector_load %arg8[%parallel_loop3A_885, %parallel_loop3A_886, %parallel_loop3A_887] {strides = array<i32>} : memref<10x40x128xf32, #tpu.memory_space<vmem>>, vector<1x1x16xf32>,
        %parallel_loop3A_889 = vector.shape_cast %parallel_loop3A_888 : vector<1x1x16xf32> to vector<16xf32>
        %parallel_loop3A_890 = vector.shape_cast %parallel_loop3A_883 : vector<16xf32> to vector<1x1x16xf32>
        tpu.vector_store %arg8[%parallel_loop3A_885, %parallel_loop3A_886, %parallel_loop3A_887], %parallel_loop3A_890 {strides = array<i32>} : memref<10x40x128xf32, #tpu.memory_space<vmem>>, vector<1x1x16xf32>,
        %parallel_loop3A_891 = arith.constant 160 : i32
        %parallel_loop3A_892 = arith.addi %parallel_loop3A_891, %parallel_loop3A_812 : i32
        %parallel_loop3A_893 = arith.index_cast %parallel_loop3A_892 : i32 to index
        %parallel_loop3A_894 = arith.constant 96 : index
        %parallel_loop3A_895 = tpu.vector_load %arg7[%parallel_loop3A_893, %parallel_loop3A_894] {strides = array<i32>} : memref<200x128xf32, #tpu.memory_space<vmem>>, vector<1x16xf32>,
        %parallel_loop3A_896 = vector.shape_cast %parallel_loop3A_895 : vector<1x16xf32> to vector<16xf32>
        %parallel_loop3A_897 = arith.constant 9 : i32
        %parallel_loop3A_898 = arith.index_cast %parallel_loop3A_897 : i32 to index
        %parallel_loop3A_899 = arith.index_cast %parallel_loop3A_812 : i32 to index
        %parallel_loop3A_900 = arith.constant 96 : index
        %parallel_loop3A_901 = tpu.vector_load %arg8[%parallel_loop3A_898, %parallel_loop3A_899, %parallel_loop3A_900] {strides = array<i32>} : memref<10x40x128xf32, #tpu.memory_space<vmem>>, vector<1x1x16xf32>,
        %parallel_loop3A_902 = vector.shape_cast %parallel_loop3A_901 : vector<1x1x16xf32> to vector<16xf32>
        %parallel_loop3A_903 = vector.shape_cast %parallel_loop3A_896 : vector<16xf32> to vector<1x1x16xf32>
        tpu.vector_store %arg8[%parallel_loop3A_898, %parallel_loop3A_899, %parallel_loop3A_900], %parallel_loop3A_903 {strides = array<i32>} : memref<10x40x128xf32, #tpu.memory_space<vmem>>, vector<1x1x16xf32>,
        %parallel_loop3A_904 = arith.constant 160 : i32
        %parallel_loop3A_905 = arith.addi %parallel_loop3A_904, %parallel_loop3A_812 : i32
        %parallel_loop3A_906 = arith.index_cast %parallel_loop3A_905 : i32 to index
        %parallel_loop3A_907 = arith.constant 112 : index
        %parallel_loop3A_908 = tpu.vector_load %arg7[%parallel_loop3A_906, %parallel_loop3A_907] {strides = array<i32>} : memref<200x128xf32, #tpu.memory_space<vmem>>, vector<1x16xf32>,
        %parallel_loop3A_909 = vector.shape_cast %parallel_loop3A_908 : vector<1x16xf32> to vector<16xf32>
        %parallel_loop3A_910 = arith.constant 9 : i32
        %parallel_loop3A_911 = arith.index_cast %parallel_loop3A_910 : i32 to index
        %parallel_loop3A_912 = arith.index_cast %parallel_loop3A_812 : i32 to index
        %parallel_loop3A_913 = arith.constant 112 : index
        %parallel_loop3A_914 = tpu.vector_load %arg8[%parallel_loop3A_911, %parallel_loop3A_912, %parallel_loop3A_913] {strides = array<i32>} : memref<10x40x128xf32, #tpu.memory_space<vmem>>, vector<1x1x16xf32>,
        %parallel_loop3A_915 = vector.shape_cast %parallel_loop3A_914 : vector<1x1x16xf32> to vector<16xf32>
        %parallel_loop3A_916 = vector.shape_cast %parallel_loop3A_909 : vector<16xf32> to vector<1x1x16xf32>
        tpu.vector_store %arg8[%parallel_loop3A_911, %parallel_loop3A_912, %parallel_loop3A_913], %parallel_loop3A_916 {strides = array<i32>} : memref<10x40x128xf32, #tpu.memory_space<vmem>>, vector<1x1x16xf32>,
      } {sc.loop_unroll_factor = 4 : i64, sc.parallel_access}
      %dma_start3A_766 = arith.constant 9 : i32
      %dma_start3A_767 = arith.constant 0 : i32
      %dma_start3A_768 = arith.constant 0 : i32
      %dma_start3A_769 = tpu.memref_slice %arg8[%dma_start3A_766, %dma_start3A_767, %dma_start3A_768] : memref<10x40x128xf32, #tpu.memory_space<vmem>> -> memref<1x40x128xf32, #tpu.memory_space<vmem>>
      %dma_start3A_770 = tpu.memref_squeeze %dma_start3A_769 : memref<1x40x128xf32, #tpu.memory_space<vmem>> -> memref<40x128xf32, #tpu.memory_space<vmem>>
      %dma_start3A_771 = arith.constant 0 : i32
      %dma_start3A_772 = tpu.memref_slice %arg6[%add3A_757, %dma_start3A_771] : memref<160x40xi32, #tpu.memory_space<vmem>> -> memref<1x40xi32, #tpu.memory_space<vmem>>
      %dma_start3A_773 = tpu.memref_squeeze %dma_start3A_772 : memref<1x40xi32, #tpu.memory_space<vmem>> -> memref<40xi32, #tpu.memory_space<vmem>>
      %dma_start3A_774 = arith.constant 0 : i32
      %dma_start3A_775 = arith.constant 0 : i32
      %dma_start3A_776 = tpu.memref_slice %arg2[%dma_start3A_774, %dma_start3A_775] : memref<100000x128xf32, #tpu.memory_space<hbm>> -> memref<100000x128xf32, #tpu.memory_space<hbm>>
      tpu.enqueue_indirect_dma source(%dma_start3A_776 : memref<100000x128xf32, #tpu.memory_space<hbm>>) target(%dma_start3A_770 : memref<40x128xf32, #tpu.memory_space<vmem>>) offsets(%dma_start3A_773 : memref<40xi32, #tpu.memory_space<vmem>>) semaphore(%arg18 : memref<!tpu.dma_semaphore, #tpu.memory_space<semaphore_mem>>) {add = true}
      %sub3A_777 = arith.constant 5 : i32
      %sub3A_778 = arith.subi %add3A_757, %sub3A_777 : i32
      %mul3A_779 = arith.constant 2 : i32
      %mul3A_780 = arith.muli %mul3A_779, %scan3A_341 : i32
      %add3A_781 = arith.addi %mul3A_2, %mul3A_780 : i32
      %add3A_782 = arith.constant 0 : i32
      %add3A_783 = arith.addi %add3A_781, %add3A_782 : i32
      %dma_wait3A_784 = arith.constant 4 : i32
      %dma_wait3A_785 = arith.constant 0 : i32
      %dma_wait3A_786 = arith.constant 0 : i32
      %dma_wait3A_787 = tpu.memref_slice %arg8[%dma_wait3A_784, %dma_wait3A_785, %dma_wait3A_786] : memref<10x40x128xf32, #tpu.memory_space<vmem>> -> memref<1x40x128xf32, #tpu.memory_space<vmem>>
      %dma_wait3A_788 = tpu.memref_squeeze %dma_wait3A_787 : memref<1x40x128xf32, #tpu.memory_space<vmem>> -> memref<40x128xf32, #tpu.memory_space<vmem>>
      %dma_wait3A_789 = arith.constant 0 : i32
      %dma_wait3A_790 = tpu.memref_slice %arg6[%sub3A_778, %dma_wait3A_789] : memref<160x40xi32, #tpu.memory_space<vmem>> -> memref<1x40xi32, #tpu.memory_space<vmem>>
      %dma_wait3A_791 = tpu.memref_squeeze %dma_wait3A_790 : memref<1x40xi32, #tpu.memory_space<vmem>> -> memref<40xi32, #tpu.memory_space<vmem>>
      %dma_wait3A_792 = arith.constant 0 : i32
      %dma_wait3A_793 = arith.constant 0 : i32
      %dma_wait3A_794 = tpu.memref_slice %arg2[%dma_wait3A_792, %dma_wait3A_793] : memref<100000x128xf32, #tpu.memory_space<hbm>> -> memref<100000x128xf32, #tpu.memory_space<hbm>>
      tpu.wait_indirect_dma semaphore(%arg13 : memref<!tpu.dma_semaphore, #tpu.memory_space<semaphore_mem>>) src(%dma_wait3A_794 : memref<100000x128xf32, #tpu.memory_space<hbm>>) dst(%dma_wait3A_788 : memref<40x128xf32, #tpu.memory_space<vmem>>)
      %dma_start3A_795 = arith.constant 4 : i32
      %dma_start3A_796 = arith.constant 0 : i32
      %dma_start3A_797 = arith.constant 0 : i32
      %dma_start3A_798 = tpu.memref_slice %arg8[%dma_start3A_795, %dma_start3A_796, %dma_start3A_797] : memref<10x40x128xf32, #tpu.memory_space<vmem>> -> memref<1x40x128xf32, #tpu.memory_space<vmem>>
      %dma_start3A_799 = tpu.memref_squeeze %dma_start3A_798 : memref<1x40x128xf32, #tpu.memory_space<vmem>> -> memref<40x128xf32, #tpu.memory_space<vmem>>
      %dma_start3A_800 = arith.constant 160 : i32
      %dma_start3A_801 = arith.constant 0 : i32
      %dma_start3A_802 = tpu.memref_slice %arg5[%add3A_783, %dma_start3A_800, %dma_start3A_801] : memref<1024x200x128xf32, #tpu.memory_space<hbm>> -> memref<1x40x128xf32, #tpu.memory_space<hbm>>
      %dma_start3A_803 = tpu.memref_squeeze %dma_start3A_802 : memref<1x40x128xf32, #tpu.memory_space<hbm>> -> memref<40x128xf32, #tpu.memory_space<hbm>>
      %dma_start3A_804 = arith.constant 160 : i32
      %dma_start3A_805 = arith.constant 0 : i32
      %dma_start3A_806 = tpu.memref_slice %arg5[%add3A_783, %dma_start3A_804, %dma_start3A_805] : memref<1024x200x128xf32, #tpu.memory_space<hbm>> -> memref<1x40x128xf32, #tpu.memory_space<hbm>>
      %dma_start3A_807 = tpu.memref_squeeze %dma_start3A_806 : memref<1x40x128xf32, #tpu.memory_space<hbm>> -> memref<40x128xf32, #tpu.memory_space<hbm>>
      %dma_start3A_808 = arith.constant 0 : i32
      %dma_start3A_809 = arith.constant 0 : i32
      %dma_start3A_810 = tpu.memref_slice %arg8[%dma_start3A_795, %dma_start3A_808, %dma_start3A_809] : memref<10x40x128xf32, #tpu.memory_space<vmem>> -> memref<1x40x128xf32, #tpu.memory_space<vmem>>
      %dma_start3A_811 = tpu.memref_squeeze %dma_start3A_810 : memref<1x40x128xf32, #tpu.memory_space<vmem>> -> memref<40x128xf32, #tpu.memory_space<vmem>>
      tpu.enqueue_dma source(%dma_start3A_811 : memref<40x128xf32, #tpu.memory_space<vmem>>) target(%dma_start3A_807 : memref<40x128xf32, #tpu.memory_space<hbm>>) target_semaphore(%arg23 : memref<!tpu.dma_semaphore, #tpu.memory_space<semaphore_mem>>)
    }
    %scan3A_7 = arith.constant 16 : i32
    %add3A_8 = arith.constant 31 : i32
    %add3A_9 = arith.addi %mul3A_2, %add3A_8 : i32
    %dma_wait3A = arith.constant 155 : i32
    %dma_wait3A_10 = arith.constant 5 : i32
    %dma_wait3A_11 = arith.constant 0 : i32
    %dma_wait3A_12 = arith.constant 0 : i32
    %dma_wait3A_13 = tpu.memref_slice %arg8[%dma_wait3A_10, %dma_wait3A_11, %dma_wait3A_12] : memref<10x40x128xf32, #tpu.memory_space<vmem>> -> memref<1x40x128xf32, #tpu.memory_space<vmem>>
    %dma_wait3A_14 = tpu.memref_squeeze %dma_wait3A_13 : memref<1x40x128xf32, #tpu.memory_space<vmem>> -> memref<40x128xf32, #tpu.memory_space<vmem>>
    %dma_wait3A_15 = arith.constant 0 : i32
    %dma_wait3A_16 = tpu.memref_slice %arg6[%dma_wait3A, %dma_wait3A_15] : memref<160x40xi32, #tpu.memory_space<vmem>> -> memref<1x40xi32, #tpu.memory_space<vmem>>
    %dma_wait3A_17 = tpu.memref_squeeze %dma_wait3A_16 : memref<1x40xi32, #tpu.memory_space<vmem>> -> memref<40xi32, #tpu.memory_space<vmem>>
    %dma_wait3A_18 = arith.constant 0 : i32
    %dma_wait3A_19 = arith.constant 0 : i32
    %dma_wait3A_20 = tpu.memref_slice %arg2[%dma_wait3A_18, %dma_wait3A_19] : memref<100000x128xf32, #tpu.memory_space<hbm>> -> memref<100000x128xf32, #tpu.memory_space<hbm>>
    tpu.wait_indirect_dma semaphore(%arg14 : memref<!tpu.dma_semaphore, #tpu.memory_space<semaphore_mem>>) src(%dma_wait3A_20 : memref<100000x128xf32, #tpu.memory_space<hbm>>) dst(%dma_wait3A_14 : memref<40x128xf32, #tpu.memory_space<vmem>>)
    %dma_start3A = arith.constant 5 : i32
    %dma_start3A_21 = arith.constant 0 : i32
    %dma_start3A_22 = arith.constant 0 : i32
    %dma_start3A_23 = tpu.memref_slice %arg8[%dma_start3A, %dma_start3A_21, %dma_start3A_22] : memref<10x40x128xf32, #tpu.memory_space<vmem>> -> memref<1x40x128xf32, #tpu.memory_space<vmem>>
    %dma_start3A_24 = tpu.memref_squeeze %dma_start3A_23 : memref<1x40x128xf32, #tpu.memory_space<vmem>> -> memref<40x128xf32, #tpu.memory_space<vmem>>
    %dma_start3A_25 = arith.constant 0 : i32
    %dma_start3A_26 = arith.constant 0 : i32
    %dma_start3A_27 = tpu.memref_slice %arg5[%add3A_9, %dma_start3A_25, %dma_start3A_26] : memref<1024x200x128xf32, #tpu.memory_space<hbm>> -> memref<1x40x128xf32, #tpu.memory_space<hbm>>
    %dma_start3A_28 = tpu.memref_squeeze %dma_start3A_27 : memref<1x40x128xf32, #tpu.memory_space<hbm>> -> memref<40x128xf32, #tpu.memory_space<hbm>>
    %dma_start3A_29 = arith.constant 0 : i32
    %dma_start3A_30 = arith.constant 0 : i32
    %dma_start3A_31 = tpu.memref_slice %arg5[%add3A_9, %dma_start3A_29, %dma_start3A_30] : memref<1024x200x128xf32, #tpu.memory_space<hbm>> -> memref<1x40x128xf32, #tpu.memory_space<hbm>>
    %dma_start3A_32 = tpu.memref_squeeze %dma_start3A_31 : memref<1x40x128xf32, #tpu.memory_space<hbm>> -> memref<40x128xf32, #tpu.memory_space<hbm>>
    %dma_start3A_33 = arith.constant 0 : i32
    %dma_start3A_34 = arith.constant 0 : i32
    %dma_start3A_35 = tpu.memref_slice %arg8[%dma_start3A, %dma_start3A_33, %dma_start3A_34] : memref<10x40x128xf32, #tpu.memory_space<vmem>> -> memref<1x40x128xf32, #tpu.memory_space<vmem>>
    %dma_start3A_36 = tpu.memref_squeeze %dma_start3A_35 : memref<1x40x128xf32, #tpu.memory_space<vmem>> -> memref<40x128xf32, #tpu.memory_space<vmem>>
    tpu.enqueue_dma source(%dma_start3A_36 : memref<40x128xf32, #tpu.memory_space<vmem>>) target(%dma_start3A_32 : memref<40x128xf32, #tpu.memory_space<hbm>>) target_semaphore(%arg24 : memref<!tpu.dma_semaphore, #tpu.memory_space<semaphore_mem>>)
    %add3A_37 = arith.constant 31 : i32
    %add3A_38 = arith.addi %mul3A_2, %add3A_37 : i32
    %dma_wait3A_39 = arith.constant 156 : i32
    %dma_wait3A_40 = arith.constant 6 : i32
    %dma_wait3A_41 = arith.constant 0 : i32
    %dma_wait3A_42 = arith.constant 0 : i32
    %dma_wait3A_43 = tpu.memref_slice %arg8[%dma_wait3A_40, %dma_wait3A_41, %dma_wait3A_42] : memref<10x40x128xf32, #tpu.memory_space<vmem>> -> memref<1x40x128xf32, #tpu.memory_space<vmem>>
    %dma_wait3A_44 = tpu.memref_squeeze %dma_wait3A_43 : memref<1x40x128xf32, #tpu.memory_space<vmem>> -> memref<40x128xf32, #tpu.memory_space<vmem>>
    %dma_wait3A_45 = arith.constant 0 : i32
    %dma_wait3A_46 = tpu.memref_slice %arg6[%dma_wait3A_39, %dma_wait3A_45] : memref<160x40xi32, #tpu.memory_space<vmem>> -> memref<1x40xi32, #tpu.memory_space<vmem>>
    %dma_wait3A_47 = tpu.memref_squeeze %dma_wait3A_46 : memref<1x40xi32, #tpu.memory_space<vmem>> -> memref<40xi32, #tpu.memory_space<vmem>>
    %dma_wait3A_48 = arith.constant 0 : i32
    %dma_wait3A_49 = arith.constant 0 : i32
    %dma_wait3A_50 = tpu.memref_slice %arg2[%dma_wait3A_48, %dma_wait3A_49] : memref<100000x128xf32, #tpu.memory_space<hbm>> -> memref<100000x128xf32, #tpu.memory_space<hbm>>
    tpu.wait_indirect_dma semaphore(%arg15 : memref<!tpu.dma_semaphore, #tpu.memory_space<semaphore_mem>>) src(%dma_wait3A_50 : memref<100000x128xf32, #tpu.memory_space<hbm>>) dst(%dma_wait3A_44 : memref<40x128xf32, #tpu.memory_space<vmem>>)
    %dma_start3A_51 = arith.constant 6 : i32
    %dma_start3A_52 = arith.constant 0 : i32
    %dma_start3A_53 = arith.constant 0 : i32
    %dma_start3A_54 = tpu.memref_slice %arg8[%dma_start3A_51, %dma_start3A_52, %dma_start3A_53] : memref<10x40x128xf32, #tpu.memory_space<vmem>> -> memref<1x40x128xf32, #tpu.memory_space<vmem>>
    %dma_start3A_55 = tpu.memref_squeeze %dma_start3A_54 : memref<1x40x128xf32, #tpu.memory_space<vmem>> -> memref<40x128xf32, #tpu.memory_space<vmem>>
    %dma_start3A_56 = arith.constant 40 : i32
    %dma_start3A_57 = arith.constant 0 : i32
    %dma_start3A_58 = tpu.memref_slice %arg5[%add3A_38, %dma_start3A_56, %dma_start3A_57] : memref<1024x200x128xf32, #tpu.memory_space<hbm>> -> memref<1x40x128xf32, #tpu.memory_space<hbm>>
    %dma_start3A_59 = tpu.memref_squeeze %dma_start3A_58 : memref<1x40x128xf32, #tpu.memory_space<hbm>> -> memref<40x128xf32, #tpu.memory_space<hbm>>
    %dma_start3A_60 = arith.constant 40 : i32
    %dma_start3A_61 = arith.constant 0 : i32
    %dma_start3A_62 = tpu.memref_slice %arg5[%add3A_38, %dma_start3A_60, %dma_start3A_61] : memref<1024x200x128xf32, #tpu.memory_space<hbm>> -> memref<1x40x128xf32, #tpu.memory_space<hbm>>
    %dma_start3A_63 = tpu.memref_squeeze %dma_start3A_62 : memref<1x40x128xf32, #tpu.memory_space<hbm>> -> memref<40x128xf32, #tpu.memory_space<hbm>>
    %dma_start3A_64 = arith.constant 0 : i32
    %dma_start3A_65 = arith.constant 0 : i32
    %dma_start3A_66 = tpu.memref_slice %arg8[%dma_start3A_51, %dma_start3A_64, %dma_start3A_65] : memref<10x40x128xf32, #tpu.memory_space<vmem>> -> memref<1x40x128xf32, #tpu.memory_space<vmem>>
    %dma_start3A_67 = tpu.memref_squeeze %dma_start3A_66 : memref<1x40x128xf32, #tpu.memory_space<vmem>> -> memref<40x128xf32, #tpu.memory_space<vmem>>
    tpu.enqueue_dma source(%dma_start3A_67 : memref<40x128xf32, #tpu.memory_space<vmem>>) target(%dma_start3A_63 : memref<40x128xf32, #tpu.memory_space<hbm>>) target_semaphore(%arg25 : memref<!tpu.dma_semaphore, #tpu.memory_space<semaphore_mem>>)
    %add3A_68 = arith.constant 31 : i32
    %add3A_69 = arith.addi %mul3A_2, %add3A_68 : i32
    %dma_wait3A_70 = arith.constant 157 : i32
    %dma_wait3A_71 = arith.constant 7 : i32
    %dma_wait3A_72 = arith.constant 0 : i32
    %dma_wait3A_73 = arith.constant 0 : i32
    %dma_wait3A_74 = tpu.memref_slice %arg8[%dma_wait3A_71, %dma_wait3A_72, %dma_wait3A_73] : memref<10x40x128xf32, #tpu.memory_space<vmem>> -> memref<1x40x128xf32, #tpu.memory_space<vmem>>
    %dma_wait3A_75 = tpu.memref_squeeze %dma_wait3A_74 : memref<1x40x128xf32, #tpu.memory_space<vmem>> -> memref<40x128xf32, #tpu.memory_space<vmem>>
    %dma_wait3A_76 = arith.constant 0 : i32
    %dma_wait3A_77 = tpu.memref_slice %arg6[%dma_wait3A_70, %dma_wait3A_76] : memref<160x40xi32, #tpu.memory_space<vmem>> -> memref<1x40xi32, #tpu.memory_space<vmem>>
    %dma_wait3A_78 = tpu.memref_squeeze %dma_wait3A_77 : memref<1x40xi32, #tpu.memory_space<vmem>> -> memref<40xi32, #tpu.memory_space<vmem>>
    %dma_wait3A_79 = arith.constant 0 : i32
    %dma_wait3A_80 = arith.constant 0 : i32
    %dma_wait3A_81 = tpu.memref_slice %arg2[%dma_wait3A_79, %dma_wait3A_80] : memref<100000x128xf32, #tpu.memory_space<hbm>> -> memref<100000x128xf32, #tpu.memory_space<hbm>>
    tpu.wait_indirect_dma semaphore(%arg16 : memref<!tpu.dma_semaphore, #tpu.memory_space<semaphore_mem>>) src(%dma_wait3A_81 : memref<100000x128xf32, #tpu.memory_space<hbm>>) dst(%dma_wait3A_75 : memref<40x128xf32, #tpu.memory_space<vmem>>)
    %dma_start3A_82 = arith.constant 7 : i32
    %dma_start3A_83 = arith.constant 0 : i32
    %dma_start3A_84 = arith.constant 0 : i32
    %dma_start3A_85 = tpu.memref_slice %arg8[%dma_start3A_82, %dma_start3A_83, %dma_start3A_84] : memref<10x40x128xf32, #tpu.memory_space<vmem>> -> memref<1x40x128xf32, #tpu.memory_space<vmem>>
    %dma_start3A_86 = tpu.memref_squeeze %dma_start3A_85 : memref<1x40x128xf32, #tpu.memory_space<vmem>> -> memref<40x128xf32, #tpu.memory_space<vmem>>
    %dma_start3A_87 = arith.constant 80 : i32
    %dma_start3A_88 = arith.constant 0 : i32
    %dma_start3A_89 = tpu.memref_slice %arg5[%add3A_69, %dma_start3A_87, %dma_start3A_88] : memref<1024x200x128xf32, #tpu.memory_space<hbm>> -> memref<1x40x128xf32, #tpu.memory_space<hbm>>
    %dma_start3A_90 = tpu.memref_squeeze %dma_start3A_89 : memref<1x40x128xf32, #tpu.memory_space<hbm>> -> memref<40x128xf32, #tpu.memory_space<hbm>>
    %dma_start3A_91 = arith.constant 80 : i32
    %dma_start3A_92 = arith.constant 0 : i32
    %dma_start3A_93 = tpu.memref_slice %arg5[%add3A_69, %dma_start3A_91, %dma_start3A_92] : memref<1024x200x128xf32, #tpu.memory_space<hbm>> -> memref<1x40x128xf32, #tpu.memory_space<hbm>>
    %dma_start3A_94 = tpu.memref_squeeze %dma_start3A_93 : memref<1x40x128xf32, #tpu.memory_space<hbm>> -> memref<40x128xf32, #tpu.memory_space<hbm>>
    %dma_start3A_95 = arith.constant 0 : i32
    %dma_start3A_96 = arith.constant 0 : i32
    %dma_start3A_97 = tpu.memref_slice %arg8[%dma_start3A_82, %dma_start3A_95, %dma_start3A_96] : memref<10x40x128xf32, #tpu.memory_space<vmem>> -> memref<1x40x128xf32, #tpu.memory_space<vmem>>
    %dma_start3A_98 = tpu.memref_squeeze %dma_start3A_97 : memref<1x40x128xf32, #tpu.memory_space<vmem>> -> memref<40x128xf32, #tpu.memory_space<vmem>>
    tpu.enqueue_dma source(%dma_start3A_98 : memref<40x128xf32, #tpu.memory_space<vmem>>) target(%dma_start3A_94 : memref<40x128xf32, #tpu.memory_space<hbm>>) target_semaphore(%arg26 : memref<!tpu.dma_semaphore, #tpu.memory_space<semaphore_mem>>)
    %add3A_99 = arith.constant 31 : i32
    %add3A_100 = arith.addi %mul3A_2, %add3A_99 : i32
    %dma_wait3A_101 = arith.constant 158 : i32
    %dma_wait3A_102 = arith.constant 8 : i32
    %dma_wait3A_103 = arith.constant 0 : i32
    %dma_wait3A_104 = arith.constant 0 : i32
    %dma_wait3A_105 = tpu.memref_slice %arg8[%dma_wait3A_102, %dma_wait3A_103, %dma_wait3A_104] : memref<10x40x128xf32, #tpu.memory_space<vmem>> -> memref<1x40x128xf32, #tpu.memory_space<vmem>>
    %dma_wait3A_106 = tpu.memref_squeeze %dma_wait3A_105 : memref<1x40x128xf32, #tpu.memory_space<vmem>> -> memref<40x128xf32, #tpu.memory_space<vmem>>
    %dma_wait3A_107 = arith.constant 0 : i32
    %dma_wait3A_108 = tpu.memref_slice %arg6[%dma_wait3A_101, %dma_wait3A_107] : memref<160x40xi32, #tpu.memory_space<vmem>> -> memref<1x40xi32, #tpu.memory_space<vmem>>
    %dma_wait3A_109 = tpu.memref_squeeze %dma_wait3A_108 : memref<1x40xi32, #tpu.memory_space<vmem>> -> memref<40xi32, #tpu.memory_space<vmem>>
    %dma_wait3A_110 = arith.constant 0 : i32
    %dma_wait3A_111 = arith.constant 0 : i32
    %dma_wait3A_112 = tpu.memref_slice %arg2[%dma_wait3A_110, %dma_wait3A_111] : memref<100000x128xf32, #tpu.memory_space<hbm>> -> memref<100000x128xf32, #tpu.memory_space<hbm>>
    tpu.wait_indirect_dma semaphore(%arg17 : memref<!tpu.dma_semaphore, #tpu.memory_space<semaphore_mem>>) src(%dma_wait3A_112 : memref<100000x128xf32, #tpu.memory_space<hbm>>) dst(%dma_wait3A_106 : memref<40x128xf32, #tpu.memory_space<vmem>>)
    %dma_start3A_113 = arith.constant 8 : i32
    %dma_start3A_114 = arith.constant 0 : i32
    %dma_start3A_115 = arith.constant 0 : i32
    %dma_start3A_116 = tpu.memref_slice %arg8[%dma_start3A_113, %dma_start3A_114, %dma_start3A_115] : memref<10x40x128xf32, #tpu.memory_space<vmem>> -> memref<1x40x128xf32, #tpu.memory_space<vmem>>
    %dma_start3A_117 = tpu.memref_squeeze %dma_start3A_116 : memref<1x40x128xf32, #tpu.memory_space<vmem>> -> memref<40x128xf32, #tpu.memory_space<vmem>>
    %dma_start3A_118 = arith.constant 120 : i32
    %dma_start3A_119 = arith.constant 0 : i32
    %dma_start3A_120 = tpu.memref_slice %arg5[%add3A_100, %dma_start3A_118, %dma_start3A_119] : memref<1024x200x128xf32, #tpu.memory_space<hbm>> -> memref<1x40x128xf32, #tpu.memory_space<hbm>>
    %dma_start3A_121 = tpu.memref_squeeze %dma_start3A_120 : memref<1x40x128xf32, #tpu.memory_space<hbm>> -> memref<40x128xf32, #tpu.memory_space<hbm>>
    %dma_start3A_122 = arith.constant 120 : i32
    %dma_start3A_123 = arith.constant 0 : i32
    %dma_start3A_124 = tpu.memref_slice %arg5[%add3A_100, %dma_start3A_122, %dma_start3A_123] : memref<1024x200x128xf32, #tpu.memory_space<hbm>> -> memref<1x40x128xf32, #tpu.memory_space<hbm>>
    %dma_start3A_125 = tpu.memref_squeeze %dma_start3A_124 : memref<1x40x128xf32, #tpu.memory_space<hbm>> -> memref<40x128xf32, #tpu.memory_space<hbm>>
    %dma_start3A_126 = arith.constant 0 : i32
    %dma_start3A_127 = arith.constant 0 : i32
    %dma_start3A_128 = tpu.memref_slice %arg8[%dma_start3A_113, %dma_start3A_126, %dma_start3A_127] : memref<10x40x128xf32, #tpu.memory_space<vmem>> -> memref<1x40x128xf32, #tpu.memory_space<vmem>>
    %dma_start3A_129 = tpu.memref_squeeze %dma_start3A_128 : memref<1x40x128xf32, #tpu.memory_space<vmem>> -> memref<40x128xf32, #tpu.memory_space<vmem>>
    tpu.enqueue_dma source(%dma_start3A_129 : memref<40x128xf32, #tpu.memory_space<vmem>>) target(%dma_start3A_125 : memref<40x128xf32, #tpu.memory_space<hbm>>) target_semaphore(%arg27 : memref<!tpu.dma_semaphore, #tpu.memory_space<semaphore_mem>>)
    %add3A_130 = arith.constant 31 : i32
    %add3A_131 = arith.addi %mul3A_2, %add3A_130 : i32
    %dma_wait3A_132 = arith.constant 159 : i32
    %dma_wait3A_133 = arith.constant 9 : i32
    %dma_wait3A_134 = arith.constant 0 : i32
    %dma_wait3A_135 = arith.constant 0 : i32
    %dma_wait3A_136 = tpu.memref_slice %arg8[%dma_wait3A_133, %dma_wait3A_134, %dma_wait3A_135] : memref<10x40x128xf32, #tpu.memory_space<vmem>> -> memref<1x40x128xf32, #tpu.memory_space<vmem>>
    %dma_wait3A_137 = tpu.memref_squeeze %dma_wait3A_136 : memref<1x40x128xf32, #tpu.memory_space<vmem>> -> memref<40x128xf32, #tpu.memory_space<vmem>>
    %dma_wait3A_138 = arith.constant 0 : i32
    %dma_wait3A_139 = tpu.memref_slice %arg6[%dma_wait3A_132, %dma_wait3A_138] : memref<160x40xi32, #tpu.memory_space<vmem>> -> memref<1x40xi32, #tpu.memory_space<vmem>>
    %dma_wait3A_140 = tpu.memref_squeeze %dma_wait3A_139 : memref<1x40xi32, #tpu.memory_space<vmem>> -> memref<40xi32, #tpu.memory_space<vmem>>
    %dma_wait3A_141 = arith.constant 0 : i32
    %dma_wait3A_142 = arith.constant 0 : i32
    %dma_wait3A_143 = tpu.memref_slice %arg2[%dma_wait3A_141, %dma_wait3A_142] : memref<100000x128xf32, #tpu.memory_space<hbm>> -> memref<100000x128xf32, #tpu.memory_space<hbm>>
    tpu.wait_indirect_dma semaphore(%arg18 : memref<!tpu.dma_semaphore, #tpu.memory_space<semaphore_mem>>) src(%dma_wait3A_143 : memref<100000x128xf32, #tpu.memory_space<hbm>>) dst(%dma_wait3A_137 : memref<40x128xf32, #tpu.memory_space<vmem>>)
    %dma_start3A_144 = arith.constant 9 : i32
    %dma_start3A_145 = arith.constant 0 : i32
    %dma_start3A_146 = arith.constant 0 : i32
    %dma_start3A_147 = tpu.memref_slice %arg8[%dma_start3A_144, %dma_start3A_145, %dma_start3A_146] : memref<10x40x128xf32, #tpu.memory_space<vmem>> -> memref<1x40x128xf32, #tpu.memory_space<vmem>>
    %dma_start3A_148 = tpu.memref_squeeze %dma_start3A_147 : memref<1x40x128xf32, #tpu.memory_space<vmem>> -> memref<40x128xf32, #tpu.memory_space<vmem>>
    %dma_start3A_149 = arith.constant 160 : i32
    %dma_start3A_150 = arith.constant 0 : i32
    %dma_start3A_151 = tpu.memref_slice %arg5[%add3A_131, %dma_start3A_149, %dma_start3A_150] : memref<1024x200x128xf32, #tpu.memory_space<hbm>> -> memref<1x40x128xf32, #tpu.memory_space<hbm>>
    %dma_start3A_152 = tpu.memref_squeeze %dma_start3A_151 : memref<1x40x128xf32, #tpu.memory_space<hbm>> -> memref<40x128xf32, #tpu.memory_space<hbm>>
    %dma_start3A_153 = arith.constant 160 : i32
    %dma_start3A_154 = arith.constant 0 : i32
    %dma_start3A_155 = tpu.memref_slice %arg5[%add3A_131, %dma_start3A_153, %dma_start3A_154] : memref<1024x200x128xf32, #tpu.memory_space<hbm>> -> memref<1x40x128xf32, #tpu.memory_space<hbm>>
    %dma_start3A_156 = tpu.memref_squeeze %dma_start3A_155 : memref<1x40x128xf32, #tpu.memory_space<hbm>> -> memref<40x128xf32, #tpu.memory_space<hbm>>
    %dma_start3A_157 = arith.constant 0 : i32
    %dma_start3A_158 = arith.constant 0 : i32
    %dma_start3A_159 = tpu.memref_slice %arg8[%dma_start3A_144, %dma_start3A_157, %dma_start3A_158] : memref<10x40x128xf32, #tpu.memory_space<vmem>> -> memref<1x40x128xf32, #tpu.memory_space<vmem>>
    %dma_start3A_160 = tpu.memref_squeeze %dma_start3A_159 : memref<1x40x128xf32, #tpu.memory_space<vmem>> -> memref<40x128xf32, #tpu.memory_space<vmem>>
    tpu.enqueue_dma source(%dma_start3A_160 : memref<40x128xf32, #tpu.memory_space<vmem>>) target(%dma_start3A_156 : memref<40x128xf32, #tpu.memory_space<hbm>>) target_semaphore(%arg28 : memref<!tpu.dma_semaphore, #tpu.memory_space<semaphore_mem>>)
    %dma_wait3A_161 = arith.constant 0 : i32
    %dma_wait3A_162 = arith.constant 0 : i32
    %dma_wait3A_163 = arith.constant 0 : i32
    %dma_wait3A_164 = arith.constant 0 : i32
    %dma_wait3A_165 = tpu.memref_slice %arg8[%dma_wait3A_161, %dma_wait3A_163, %dma_wait3A_164] : memref<10x40x128xf32, #tpu.memory_space<vmem>> -> memref<1x40x128xf32, #tpu.memory_space<vmem>>
    %dma_wait3A_166 = tpu.memref_squeeze %dma_wait3A_165 : memref<1x40x128xf32, #tpu.memory_space<vmem>> -> memref<40x128xf32, #tpu.memory_space<vmem>>
    %dma_wait3A_167 = arith.constant 0 : i32
    %dma_wait3A_168 = arith.constant 0 : i32
    %dma_wait3A_169 = tpu.memref_slice %arg5[%dma_wait3A_162, %dma_wait3A_167, %dma_wait3A_168] : memref<1024x200x128xf32, #tpu.memory_space<hbm>> -> memref<1x40x128xf32, #tpu.memory_space<hbm>>
    %dma_wait3A_170 = tpu.memref_squeeze %dma_wait3A_169 : memref<1x40x128xf32, #tpu.memory_space<hbm>> -> memref<40x128xf32, #tpu.memory_space<hbm>>
    %dma_wait3A_171 = arith.constant 0 : i32
    %dma_wait3A_172 = arith.constant 0 : i32
    %dma_wait3A_173 = tpu.memref_slice %arg5[%dma_wait3A_162, %dma_wait3A_171, %dma_wait3A_172] : memref<1024x200x128xf32, #tpu.memory_space<hbm>> -> memref<1x40x128xf32, #tpu.memory_space<hbm>>
    %dma_wait3A_174 = tpu.memref_squeeze %dma_wait3A_173 : memref<1x40x128xf32, #tpu.memory_space<hbm>> -> memref<40x128xf32, #tpu.memory_space<hbm>>
    %dma_wait3A_175 = arith.constant 0 : i32
    %dma_wait3A_176 = arith.constant 0 : i32
    %dma_wait3A_177 = tpu.memref_slice %arg8[%dma_wait3A_161, %dma_wait3A_175, %dma_wait3A_176] : memref<10x40x128xf32, #tpu.memory_space<vmem>> -> memref<1x40x128xf32, #tpu.memory_space<vmem>>
    %dma_wait3A_178 = tpu.memref_squeeze %dma_wait3A_177 : memref<1x40x128xf32, #tpu.memory_space<vmem>> -> memref<40x128xf32, #tpu.memory_space<vmem>>
    tpu.wait_dma2 semaphore(%arg19 : memref<!tpu.dma_semaphore, #tpu.memory_space<semaphore_mem>>) src(%dma_wait3A_178 : memref<40x128xf32, #tpu.memory_space<vmem>>) dst(%dma_wait3A_174 : memref<40x128xf32, #tpu.memory_space<hbm>>)
    %dma_wait3A_179 = arith.constant 1 : i32
    %dma_wait3A_180 = arith.constant 0 : i32
    %dma_wait3A_181 = arith.constant 0 : i32
    %dma_wait3A_182 = arith.constant 0 : i32
    %dma_wait3A_183 = tpu.memref_slice %arg8[%dma_wait3A_179, %dma_wait3A_181, %dma_wait3A_182] : memref<10x40x128xf32, #tpu.memory_space<vmem>> -> memref<1x40x128xf32, #tpu.memory_space<vmem>>
    %dma_wait3A_184 = tpu.memref_squeeze %dma_wait3A_183 : memref<1x40x128xf32, #tpu.memory_space<vmem>> -> memref<40x128xf32, #tpu.memory_space<vmem>>
    %dma_wait3A_185 = arith.constant 0 : i32
    %dma_wait3A_186 = arith.constant 0 : i32
    %dma_wait3A_187 = tpu.memref_slice %arg5[%dma_wait3A_180, %dma_wait3A_185, %dma_wait3A_186] : memref<1024x200x128xf32, #tpu.memory_space<hbm>> -> memref<1x40x128xf32, #tpu.memory_space<hbm>>
    %dma_wait3A_188 = tpu.memref_squeeze %dma_wait3A_187 : memref<1x40x128xf32, #tpu.memory_space<hbm>> -> memref<40x128xf32, #tpu.memory_space<hbm>>
    %dma_wait3A_189 = arith.constant 0 : i32
    %dma_wait3A_190 = arith.constant 0 : i32
    %dma_wait3A_191 = tpu.memref_slice %arg5[%dma_wait3A_180, %dma_wait3A_189, %dma_wait3A_190] : memref<1024x200x128xf32, #tpu.memory_space<hbm>> -> memref<1x40x128xf32, #tpu.memory_space<hbm>>
    %dma_wait3A_192 = tpu.memref_squeeze %dma_wait3A_191 : memref<1x40x128xf32, #tpu.memory_space<hbm>> -> memref<40x128xf32, #tpu.memory_space<hbm>>
    %dma_wait3A_193 = arith.constant 0 : i32
    %dma_wait3A_194 = arith.constant 0 : i32
    %dma_wait3A_195 = tpu.memref_slice %arg8[%dma_wait3A_179, %dma_wait3A_193, %dma_wait3A_194] : memref<10x40x128xf32, #tpu.memory_space<vmem>> -> memref<1x40x128xf32, #tpu.memory_space<vmem>>
    %dma_wait3A_196 = tpu.memref_squeeze %dma_wait3A_195 : memref<1x40x128xf32, #tpu.memory_space<vmem>> -> memref<40x128xf32, #tpu.memory_space<vmem>>
    tpu.wait_dma2 semaphore(%arg20 : memref<!tpu.dma_semaphore, #tpu.memory_space<semaphore_mem>>) src(%dma_wait3A_196 : memref<40x128xf32, #tpu.memory_space<vmem>>) dst(%dma_wait3A_192 : memref<40x128xf32, #tpu.memory_space<hbm>>)
    %dma_wait3A_197 = arith.constant 2 : i32
    %dma_wait3A_198 = arith.constant 0 : i32
    %dma_wait3A_199 = arith.constant 0 : i32
    %dma_wait3A_200 = arith.constant 0 : i32
    %dma_wait3A_201 = tpu.memref_slice %arg8[%dma_wait3A_197, %dma_wait3A_199, %dma_wait3A_200] : memref<10x40x128xf32, #tpu.memory_space<vmem>> -> memref<1x40x128xf32, #tpu.memory_space<vmem>>
    %dma_wait3A_202 = tpu.memref_squeeze %dma_wait3A_201 : memref<1x40x128xf32, #tpu.memory_space<vmem>> -> memref<40x128xf32, #tpu.memory_space<vmem>>
    %dma_wait3A_203 = arith.constant 0 : i32
    %dma_wait3A_204 = arith.constant 0 : i32
    %dma_wait3A_205 = tpu.memref_slice %arg5[%dma_wait3A_198, %dma_wait3A_203, %dma_wait3A_204] : memref<1024x200x128xf32, #tpu.memory_space<hbm>> -> memref<1x40x128xf32, #tpu.memory_space<hbm>>
    %dma_wait3A_206 = tpu.memref_squeeze %dma_wait3A_205 : memref<1x40x128xf32, #tpu.memory_space<hbm>> -> memref<40x128xf32, #tpu.memory_space<hbm>>
    %dma_wait3A_207 = arith.constant 0 : i32
    %dma_wait3A_208 = arith.constant 0 : i32
    %dma_wait3A_209 = tpu.memref_slice %arg5[%dma_wait3A_198, %dma_wait3A_207, %dma_wait3A_208] : memref<1024x200x128xf32, #tpu.memory_space<hbm>> -> memref<1x40x128xf32, #tpu.memory_space<hbm>>
    %dma_wait3A_210 = tpu.memref_squeeze %dma_wait3A_209 : memref<1x40x128xf32, #tpu.memory_space<hbm>> -> memref<40x128xf32, #tpu.memory_space<hbm>>
    %dma_wait3A_211 = arith.constant 0 : i32
    %dma_wait3A_212 = arith.constant 0 : i32
    %dma_wait3A_213 = tpu.memref_slice %arg8[%dma_wait3A_197, %dma_wait3A_211, %dma_wait3A_212] : memref<10x40x128xf32, #tpu.memory_space<vmem>> -> memref<1x40x128xf32, #tpu.memory_space<vmem>>
    %dma_wait3A_214 = tpu.memref_squeeze %dma_wait3A_213 : memref<1x40x128xf32, #tpu.memory_space<vmem>> -> memref<40x128xf32, #tpu.memory_space<vmem>>
    tpu.wait_dma2 semaphore(%arg21 : memref<!tpu.dma_semaphore, #tpu.memory_space<semaphore_mem>>) src(%dma_wait3A_214 : memref<40x128xf32, #tpu.memory_space<vmem>>) dst(%dma_wait3A_210 : memref<40x128xf32, #tpu.memory_space<hbm>>)
    %dma_wait3A_215 = arith.constant 3 : i32
    %dma_wait3A_216 = arith.constant 0 : i32
    %dma_wait3A_217 = arith.constant 0 : i32
    %dma_wait3A_218 = arith.constant 0 : i32
    %dma_wait3A_219 = tpu.memref_slice %arg8[%dma_wait3A_215, %dma_wait3A_217, %dma_wait3A_218] : memref<10x40x128xf32, #tpu.memory_space<vmem>> -> memref<1x40x128xf32, #tpu.memory_space<vmem>>
    %dma_wait3A_220 = tpu.memref_squeeze %dma_wait3A_219 : memref<1x40x128xf32, #tpu.memory_space<vmem>> -> memref<40x128xf32, #tpu.memory_space<vmem>>
    %dma_wait3A_221 = arith.constant 0 : i32
    %dma_wait3A_222 = arith.constant 0 : i32
    %dma_wait3A_223 = tpu.memref_slice %arg5[%dma_wait3A_216, %dma_wait3A_221, %dma_wait3A_222] : memref<1024x200x128xf32, #tpu.memory_space<hbm>> -> memref<1x40x128xf32, #tpu.memory_space<hbm>>
    %dma_wait3A_224 = tpu.memref_squeeze %dma_wait3A_223 : memref<1x40x128xf32, #tpu.memory_space<hbm>> -> memref<40x128xf32, #tpu.memory_space<hbm>>
    %dma_wait3A_225 = arith.constant 0 : i32
    %dma_wait3A_226 = arith.constant 0 : i32
    %dma_wait3A_227 = tpu.memref_slice %arg5[%dma_wait3A_216, %dma_wait3A_225, %dma_wait3A_226] : memref<1024x200x128xf32, #tpu.memory_space<hbm>> -> memref<1x40x128xf32, #tpu.memory_space<hbm>>
    %dma_wait3A_228 = tpu.memref_squeeze %dma_wait3A_227 : memref<1x40x128xf32, #tpu.memory_space<hbm>> -> memref<40x128xf32, #tpu.memory_space<hbm>>
    %dma_wait3A_229 = arith.constant 0 : i32
    %dma_wait3A_230 = arith.constant 0 : i32
    %dma_wait3A_231 = tpu.memref_slice %arg8[%dma_wait3A_215, %dma_wait3A_229, %dma_wait3A_230] : memref<10x40x128xf32, #tpu.memory_space<vmem>> -> memref<1x40x128xf32, #tpu.memory_space<vmem>>
    %dma_wait3A_232 = tpu.memref_squeeze %dma_wait3A_231 : memref<1x40x128xf32, #tpu.memory_space<vmem>> -> memref<40x128xf32, #tpu.memory_space<vmem>>
    tpu.wait_dma2 semaphore(%arg22 : memref<!tpu.dma_semaphore, #tpu.memory_space<semaphore_mem>>) src(%dma_wait3A_232 : memref<40x128xf32, #tpu.memory_space<vmem>>) dst(%dma_wait3A_228 : memref<40x128xf32, #tpu.memory_space<hbm>>)
    %dma_wait3A_233 = arith.constant 4 : i32
    %dma_wait3A_234 = arith.constant 0 : i32
    %dma_wait3A_235 = arith.constant 0 : i32
    %dma_wait3A_236 = arith.constant 0 : i32
    %dma_wait3A_237 = tpu.memref_slice %arg8[%dma_wait3A_233, %dma_wait3A_235, %dma_wait3A_236] : memref<10x40x128xf32, #tpu.memory_space<vmem>> -> memref<1x40x128xf32, #tpu.memory_space<vmem>>
    %dma_wait3A_238 = tpu.memref_squeeze %dma_wait3A_237 : memref<1x40x128xf32, #tpu.memory_space<vmem>> -> memref<40x128xf32, #tpu.memory_space<vmem>>
    %dma_wait3A_239 = arith.constant 0 : i32
    %dma_wait3A_240 = arith.constant 0 : i32
    %dma_wait3A_241 = tpu.memref_slice %arg5[%dma_wait3A_234, %dma_wait3A_239, %dma_wait3A_240] : memref<1024x200x128xf32, #tpu.memory_space<hbm>> -> memref<1x40x128xf32, #tpu.memory_space<hbm>>
    %dma_wait3A_242 = tpu.memref_squeeze %dma_wait3A_241 : memref<1x40x128xf32, #tpu.memory_space<hbm>> -> memref<40x128xf32, #tpu.memory_space<hbm>>
    %dma_wait3A_243 = arith.constant 0 : i32
    %dma_wait3A_244 = arith.constant 0 : i32
    %dma_wait3A_245 = tpu.memref_slice %arg5[%dma_wait3A_234, %dma_wait3A_243, %dma_wait3A_244] : memref<1024x200x128xf32, #tpu.memory_space<hbm>> -> memref<1x40x128xf32, #tpu.memory_space<hbm>>
    %dma_wait3A_246 = tpu.memref_squeeze %dma_wait3A_245 : memref<1x40x128xf32, #tpu.memory_space<hbm>> -> memref<40x128xf32, #tpu.memory_space<hbm>>
    %dma_wait3A_247 = arith.constant 0 : i32
    %dma_wait3A_248 = arith.constant 0 : i32
    %dma_wait3A_249 = tpu.memref_slice %arg8[%dma_wait3A_233, %dma_wait3A_247, %dma_wait3A_248] : memref<10x40x128xf32, #tpu.memory_space<vmem>> -> memref<1x40x128xf32, #tpu.memory_space<vmem>>
    %dma_wait3A_250 = tpu.memref_squeeze %dma_wait3A_249 : memref<1x40x128xf32, #tpu.memory_space<vmem>> -> memref<40x128xf32, #tpu.memory_space<vmem>>
    tpu.wait_dma2 semaphore(%arg23 : memref<!tpu.dma_semaphore, #tpu.memory_space<semaphore_mem>>) src(%dma_wait3A_250 : memref<40x128xf32, #tpu.memory_space<vmem>>) dst(%dma_wait3A_246 : memref<40x128xf32, #tpu.memory_space<hbm>>)
    %dma_wait3A_251 = arith.constant 5 : i32
    %dma_wait3A_252 = arith.constant 0 : i32
    %dma_wait3A_253 = arith.constant 0 : i32
    %dma_wait3A_254 = arith.constant 0 : i32
    %dma_wait3A_255 = tpu.memref_slice %arg8[%dma_wait3A_251, %dma_wait3A_253, %dma_wait3A_254] : memref<10x40x128xf32, #tpu.memory_space<vmem>> -> memref<1x40x128xf32, #tpu.memory_space<vmem>>
    %dma_wait3A_256 = tpu.memref_squeeze %dma_wait3A_255 : memref<1x40x128xf32, #tpu.memory_space<vmem>> -> memref<40x128xf32, #tpu.memory_space<vmem>>
    %dma_wait3A_257 = arith.constant 0 : i32
    %dma_wait3A_258 = arith.constant 0 : i32
    %dma_wait3A_259 = tpu.memref_slice %arg5[%dma_wait3A_252, %dma_wait3A_257, %dma_wait3A_258] : memref<1024x200x128xf32, #tpu.memory_space<hbm>> -> memref<1x40x128xf32, #tpu.memory_space<hbm>>
    %dma_wait3A_260 = tpu.memref_squeeze %dma_wait3A_259 : memref<1x40x128xf32, #tpu.memory_space<hbm>> -> memref<40x128xf32, #tpu.memory_space<hbm>>
    %dma_wait3A_261 = arith.constant 0 : i32
    %dma_wait3A_262 = arith.constant 0 : i32
    %dma_wait3A_263 = tpu.memref_slice %arg5[%dma_wait3A_252, %dma_wait3A_261, %dma_wait3A_262] : memref<1024x200x128xf32, #tpu.memory_space<hbm>> -> memref<1x40x128xf32, #tpu.memory_space<hbm>>
    %dma_wait3A_264 = tpu.memref_squeeze %dma_wait3A_263 : memref<1x40x128xf32, #tpu.memory_space<hbm>> -> memref<40x128xf32, #tpu.memory_space<hbm>>
    %dma_wait3A_265 = arith.constant 0 : i32
    %dma_wait3A_266 = arith.constant 0 : i32
    %dma_wait3A_267 = tpu.memref_slice %arg8[%dma_wait3A_251, %dma_wait3A_265, %dma_wait3A_266] : memref<10x40x128xf32, #tpu.memory_space<vmem>> -> memref<1x40x128xf32, #tpu.memory_space<vmem>>
    %dma_wait3A_268 = tpu.memref_squeeze %dma_wait3A_267 : memref<1x40x128xf32, #tpu.memory_space<vmem>> -> memref<40x128xf32, #tpu.memory_space<vmem>>
    tpu.wait_dma2 semaphore(%arg24 : memref<!tpu.dma_semaphore, #tpu.memory_space<semaphore_mem>>) src(%dma_wait3A_268 : memref<40x128xf32, #tpu.memory_space<vmem>>) dst(%dma_wait3A_264 : memref<40x128xf32, #tpu.memory_space<hbm>>)
    %dma_wait3A_269 = arith.constant 6 : i32
    %dma_wait3A_270 = arith.constant 0 : i32
    %dma_wait3A_271 = arith.constant 0 : i32
    %dma_wait3A_272 = arith.constant 0 : i32
    %dma_wait3A_273 = tpu.memref_slice %arg8[%dma_wait3A_269, %dma_wait3A_271, %dma_wait3A_272] : memref<10x40x128xf32, #tpu.memory_space<vmem>> -> memref<1x40x128xf32, #tpu.memory_space<vmem>>
    %dma_wait3A_274 = tpu.memref_squeeze %dma_wait3A_273 : memref<1x40x128xf32, #tpu.memory_space<vmem>> -> memref<40x128xf32, #tpu.memory_space<vmem>>
    %dma_wait3A_275 = arith.constant 0 : i32
    %dma_wait3A_276 = arith.constant 0 : i32
    %dma_wait3A_277 = tpu.memref_slice %arg5[%dma_wait3A_270, %dma_wait3A_275, %dma_wait3A_276] : memref<1024x200x128xf32, #tpu.memory_space<hbm>> -> memref<1x40x128xf32, #tpu.memory_space<hbm>>
    %dma_wait3A_278 = tpu.memref_squeeze %dma_wait3A_277 : memref<1x40x128xf32, #tpu.memory_space<hbm>> -> memref<40x128xf32, #tpu.memory_space<hbm>>
    %dma_wait3A_279 = arith.constant 0 : i32
    %dma_wait3A_280 = arith.constant 0 : i32
    %dma_wait3A_281 = tpu.memref_slice %arg5[%dma_wait3A_270, %dma_wait3A_279, %dma_wait3A_280] : memref<1024x200x128xf32, #tpu.memory_space<hbm>> -> memref<1x40x128xf32, #tpu.memory_space<hbm>>
    %dma_wait3A_282 = tpu.memref_squeeze %dma_wait3A_281 : memref<1x40x128xf32, #tpu.memory_space<hbm>> -> memref<40x128xf32, #tpu.memory_space<hbm>>
    %dma_wait3A_283 = arith.constant 0 : i32
    %dma_wait3A_284 = arith.constant 0 : i32
    %dma_wait3A_285 = tpu.memref_slice %arg8[%dma_wait3A_269, %dma_wait3A_283, %dma_wait3A_284] : memref<10x40x128xf32, #tpu.memory_space<vmem>> -> memref<1x40x128xf32, #tpu.memory_space<vmem>>
    %dma_wait3A_286 = tpu.memref_squeeze %dma_wait3A_285 : memref<1x40x128xf32, #tpu.memory_space<vmem>> -> memref<40x128xf32, #tpu.memory_space<vmem>>
    tpu.wait_dma2 semaphore(%arg25 : memref<!tpu.dma_semaphore, #tpu.memory_space<semaphore_mem>>) src(%dma_wait3A_286 : memref<40x128xf32, #tpu.memory_space<vmem>>) dst(%dma_wait3A_282 : memref<40x128xf32, #tpu.memory_space<hbm>>)
    %dma_wait3A_287 = arith.constant 7 : i32
    %dma_wait3A_288 = arith.constant 0 : i32
    %dma_wait3A_289 = arith.constant 0 : i32
    %dma_wait3A_290 = arith.constant 0 : i32
    %dma_wait3A_291 = tpu.memref_slice %arg8[%dma_wait3A_287, %dma_wait3A_289, %dma_wait3A_290] : memref<10x40x128xf32, #tpu.memory_space<vmem>> -> memref<1x40x128xf32, #tpu.memory_space<vmem>>
    %dma_wait3A_292 = tpu.memref_squeeze %dma_wait3A_291 : memref<1x40x128xf32, #tpu.memory_space<vmem>> -> memref<40x128xf32, #tpu.memory_space<vmem>>
    %dma_wait3A_293 = arith.constant 0 : i32
    %dma_wait3A_294 = arith.constant 0 : i32
    %dma_wait3A_295 = tpu.memref_slice %arg5[%dma_wait3A_288, %dma_wait3A_293, %dma_wait3A_294] : memref<1024x200x128xf32, #tpu.memory_space<hbm>> -> memref<1x40x128xf32, #tpu.memory_space<hbm>>
    %dma_wait3A_296 = tpu.memref_squeeze %dma_wait3A_295 : memref<1x40x128xf32, #tpu.memory_space<hbm>> -> memref<40x128xf32, #tpu.memory_space<hbm>>
    %dma_wait3A_297 = arith.constant 0 : i32
    %dma_wait3A_298 = arith.constant 0 : i32
    %dma_wait3A_299 = tpu.memref_slice %arg5[%dma_wait3A_288, %dma_wait3A_297, %dma_wait3A_298] : memref<1024x200x128xf32, #tpu.memory_space<hbm>> -> memref<1x40x128xf32, #tpu.memory_space<hbm>>
    %dma_wait3A_300 = tpu.memref_squeeze %dma_wait3A_299 : memref<1x40x128xf32, #tpu.memory_space<hbm>> -> memref<40x128xf32, #tpu.memory_space<hbm>>
    %dma_wait3A_301 = arith.constant 0 : i32
    %dma_wait3A_302 = arith.constant 0 : i32
    %dma_wait3A_303 = tpu.memref_slice %arg8[%dma_wait3A_287, %dma_wait3A_301, %dma_wait3A_302] : memref<10x40x128xf32, #tpu.memory_space<vmem>> -> memref<1x40x128xf32, #tpu.memory_space<vmem>>
    %dma_wait3A_304 = tpu.memref_squeeze %dma_wait3A_303 : memref<1x40x128xf32, #tpu.memory_space<vmem>> -> memref<40x128xf32, #tpu.memory_space<vmem>>
    tpu.wait_dma2 semaphore(%arg26 : memref<!tpu.dma_semaphore, #tpu.memory_space<semaphore_mem>>) src(%dma_wait3A_304 : memref<40x128xf32, #tpu.memory_space<vmem>>) dst(%dma_wait3A_300 : memref<40x128xf32, #tpu.memory_space<hbm>>)
    %dma_wait3A_305 = arith.constant 8 : i32
    %dma_wait3A_306 = arith.constant 0 : i32
    %dma_wait3A_307 = arith.constant 0 : i32
    %dma_wait3A_308 = arith.constant 0 : i32
    %dma_wait3A_309 = tpu.memref_slice %arg8[%dma_wait3A_305, %dma_wait3A_307, %dma_wait3A_308] : memref<10x40x128xf32, #tpu.memory_space<vmem>> -> memref<1x40x128xf32, #tpu.memory_space<vmem>>
    %dma_wait3A_310 = tpu.memref_squeeze %dma_wait3A_309 : memref<1x40x128xf32, #tpu.memory_space<vmem>> -> memref<40x128xf32, #tpu.memory_space<vmem>>
    %dma_wait3A_311 = arith.constant 0 : i32
    %dma_wait3A_312 = arith.constant 0 : i32
    %dma_wait3A_313 = tpu.memref_slice %arg5[%dma_wait3A_306, %dma_wait3A_311, %dma_wait3A_312] : memref<1024x200x128xf32, #tpu.memory_space<hbm>> -> memref<1x40x128xf32, #tpu.memory_space<hbm>>
    %dma_wait3A_314 = tpu.memref_squeeze %dma_wait3A_313 : memref<1x40x128xf32, #tpu.memory_space<hbm>> -> memref<40x128xf32, #tpu.memory_space<hbm>>
    %dma_wait3A_315 = arith.constant 0 : i32
    %dma_wait3A_316 = arith.constant 0 : i32
    %dma_wait3A_317 = tpu.memref_slice %arg5[%dma_wait3A_306, %dma_wait3A_315, %dma_wait3A_316] : memref<1024x200x128xf32, #tpu.memory_space<hbm>> -> memref<1x40x128xf32, #tpu.memory_space<hbm>>
    %dma_wait3A_318 = tpu.memref_squeeze %dma_wait3A_317 : memref<1x40x128xf32, #tpu.memory_space<hbm>> -> memref<40x128xf32, #tpu.memory_space<hbm>>
    %dma_wait3A_319 = arith.constant 0 : i32
    %dma_wait3A_320 = arith.constant 0 : i32
    %dma_wait3A_321 = tpu.memref_slice %arg8[%dma_wait3A_305, %dma_wait3A_319, %dma_wait3A_320] : memref<10x40x128xf32, #tpu.memory_space<vmem>> -> memref<1x40x128xf32, #tpu.memory_space<vmem>>
    %dma_wait3A_322 = tpu.memref_squeeze %dma_wait3A_321 : memref<1x40x128xf32, #tpu.memory_space<vmem>> -> memref<40x128xf32, #tpu.memory_space<vmem>>
    tpu.wait_dma2 semaphore(%arg27 : memref<!tpu.dma_semaphore, #tpu.memory_space<semaphore_mem>>) src(%dma_wait3A_322 : memref<40x128xf32, #tpu.memory_space<vmem>>) dst(%dma_wait3A_318 : memref<40x128xf32, #tpu.memory_space<hbm>>)
    %dma_wait3A_323 = arith.constant 9 : i32
    %dma_wait3A_324 = arith.constant 0 : i32
    %dma_wait3A_325 = arith.constant 0 : i32
    %dma_wait3A_326 = arith.constant 0 : i32
    %dma_wait3A_327 = tpu.memref_slice %arg8[%dma_wait3A_323, %dma_wait3A_325, %dma_wait3A_326] : memref<10x40x128xf32, #tpu.memory_space<vmem>> -> memref<1x40x128xf32, #tpu.memory_space<vmem>>
    %dma_wait3A_328 = tpu.memref_squeeze %dma_wait3A_327 : memref<1x40x128xf32, #tpu.memory_space<vmem>> -> memref<40x128xf32, #tpu.memory_space<vmem>>
    %dma_wait3A_329 = arith.constant 0 : i32
    %dma_wait3A_330 = arith.constant 0 : i32
    %dma_wait3A_331 = tpu.memref_slice %arg5[%dma_wait3A_324, %dma_wait3A_329, %dma_wait3A_330] : memref<1024x200x128xf32, #tpu.memory_space<hbm>> -> memref<1x40x128xf32, #tpu.memory_space<hbm>>
    %dma_wait3A_332 = tpu.memref_squeeze %dma_wait3A_331 : memref<1x40x128xf32, #tpu.memory_space<hbm>> -> memref<40x128xf32, #tpu.memory_space<hbm>>
    %dma_wait3A_333 = arith.constant 0 : i32
    %dma_wait3A_334 = arith.constant 0 : i32
    %dma_wait3A_335 = tpu.memref_slice %arg5[%dma_wait3A_324, %dma_wait3A_333, %dma_wait3A_334] : memref<1024x200x128xf32, #tpu.memory_space<hbm>> -> memref<1x40x128xf32, #tpu.memory_space<hbm>>
    %dma_wait3A_336 = tpu.memref_squeeze %dma_wait3A_335 : memref<1x40x128xf32, #tpu.memory_space<hbm>> -> memref<40x128xf32, #tpu.memory_space<hbm>>
    %dma_wait3A_337 = arith.constant 0 : i32
    %dma_wait3A_338 = arith.constant 0 : i32
    %dma_wait3A_339 = tpu.memref_slice %arg8[%dma_wait3A_323, %dma_wait3A_337, %dma_wait3A_338] : memref<10x40x128xf32, #tpu.memory_space<vmem>> -> memref<1x40x128xf32, #tpu.memory_space<vmem>>
    %dma_wait3A_340 = tpu.memref_squeeze %dma_wait3A_339 : memref<1x40x128xf32, #tpu.memory_space<vmem>> -> memref<40x128xf32, #tpu.memory_space<vmem>>
    tpu.wait_dma2 semaphore(%arg28 : memref<!tpu.dma_semaphore, #tpu.memory_space<semaphore_mem>>) src(%dma_wait3A_340 : memref<40x128xf32, #tpu.memory_space<vmem>>) dst(%dma_wait3A_336 : memref<40x128xf32, #tpu.memory_space<hbm>>)
    return
  }
}

</mosaic_0001>

<sc_bundles>
// kernel: _build.3.cloned.1.call-start
scs
__scs_entry_jumppad:
0x0: {  	(pc) =	sbr.rel $0x88, $3  }
0x1: {  	(tag) =	ssettag $0x0;
	lr =	simm.s32 $0x1  }
0x2: {  	[smem:$0x3F9E] =	sst lr;
	_ =	strace $0xD0000000  }
0x3: {  	_ = 	snop  }
0x4: {  	_ = 	snop  }
0x5: {  	_ = 	snop  }
0x6: {  	_ = 	snop  }
0x7: {  	_ = 	snop  }
__scs_overlays_trampoline_lowered:
0x8: {  	[smem:$0x3FAD] =	sst s0  }
0x9: {  	[smem:$0x3FAE] =	sst s1  }
0xa: {  	[smem:$0x3FAF] =	sst s2  }
0xb: {  	[smem:$0x3FB0] =	sst s3  }
0xc: {  	[smem:$0x3FB1] =	sst s4  }
0xd: {  	[smem:$0x3FB2] =	sst s5  }
0xe: {  	[smem:$0x3FB3] =	sst s6  }
0xf: {  	[smem:$0x3FB4] =	sst s7  }
0x10: {  	[smem:$0x3FB5] =	sst s8  }
0x11: {  	[smem:$0x3FB6] =	sst s9;
	s0 =	simm.s32 @!p0 $0x0  }
0x12: {  	s1 =	sld [smem:$0x3F9C];
	s0 =	simm.s32 @p0 $0x1  }
0x13: {  	[smem:$0x3FB7] =	sst s0;
	s0 =	simm.s32 @!p1 $0x0  }
0x14: {  	s2 =	sld [smem:$0x3F9B];
	s0 =	simm.s32 @p1 $0x1  }
0x15: {  	[smem:$0x3FB8] =	sst s0;
	s0 =	simm.s32 @!p2 $0x0  }
0x16: {  	s3 =	sld [smem:$0x3FDB];
	s0 =	simm.s32 @p2 $0x1  }
0x17: {  	s4 =	simm.s32 $0x1BF5;
	[smem:$0x3FBA] =	sst s0  }
0x18: {  	s0 =	sld [smem:$0x3F9D];
	_ =	swait.ge [sflag:s4], $0x0  }
0x19: {  	s7 =	sld [smem:$0x3F9E]  }
0x1a: {  	s8 =	sadd.s32 $0xFFFFE003, lr  }
0x1b: {  	s9 =	sadd.s32 $0xFFFFFEF7, lr;
	s5 =	simm.s32 $0xFFFFFFFF;
	p2 =	slt.u32 s8, $0xFFFFF086  }
0x1c: {  	p1 =	slt.u32 s9, $0xF7A;
	s5 =	simm.s32 @!p2 $0x0  }
0x1d: {  	s5 =	simm.s32 @p1 $0x1;
	p0 =	seq.s32 s7, s2  }
0x1e: {  	s7 =	smul.u32 @!p0 $0xF7A, s2;
	p2 =	seq.s32 @!p0 s5, $0x0  }
0x1f: {  	s9 =	smul.u32 $0xF7A, s1;
	s8 =	simm.s32 @!p0 $0x1BF5;
	p2 =	por !p2, p0  }
0x20: {  	[sflag:s8] =	ssyncset.s32 @!p0 $0xFFFFF086;
	s6 =	sadd.s32 @!p0 s3, s7;
	s7 =	simm.s32 @!p0 $0x108  }
0x21: {  	s3 =	sadd.s32 s3, s9;
	s6 =	sadd.s32 @!p0 $0x88, s6;
	s7 =	simm.s32 @p2 $0x1082  }
0x22: {  	[simem:s7], [sflag:s8] =	dma.local @!p0 [hbm:s6], $0xF7A  }
0x23: {  	s9 =	sor.u32 $0xD0000000, s2;
	s6 =	simm.s32 $0x108;
	_ =	swait.ge @!p0 [sflag:s8], $0x0  }
0x24: {  	s3 =	sadd.s32 $0x88, s3;
	s6 =	simm.s32 @!p1 $0x1082;
	[sflag:s4] =	ssyncset.s32 $0xFFFFF086  }
0x25: {  	[simem:s6], [sflag:s4] =	dma.local [hbm:s3], $0xF7A  }
0x26: {  	[smem:$0x3F9E] =	sst s1;
	(tag) =	ssettag s2;
	_ =	strace s9  }
0x27: {  	s1 =	sld [smem:$0x3FAE]  }
0x28: {  	s2 =	sld [smem:$0x3FAF]  }
0x29: {  	s4 =	sld [smem:$0x3FB1]  }
0x2a: {  	p0 =	seq.s32 s5, $0x0;
	s5 =	sld [smem:$0x3FB2]  }
0x2b: {  	s6 =	sld [smem:$0x3FB3]  }
0x2c: {  	s7 =	sld [smem:$0x3FB4]  }
0x2d: {  	s3 =	simm.s32 $0x108;
	s8 =	sld [smem:$0x3FB5]  }
0x2e: {  	s3 =	simm.s32 @!p0 $0x1082;
	s9 =	sld [smem:$0x3FB6]  }
0x2f: {  	lr =	sadd.s32 s0, s3;
	s0 =	sld [smem:$0x3FAD]  }
0x30: {  	s3 =	sld [smem:$0x3FB0]  }
0x31: {  	[smem:$0x3FB9] =	sst s10  }
0x32: {  	s10 =	sld [smem:$0x3FB7];
	_ =	sdelay $0x3  }
0x33: {  	p0 =	seq.s32 s10, $0x1;
	s10 =	sld [smem:$0x3FB9];
	_ =	sdelay $0x3  }
0x34: {  	[smem:$0x3FB9] =	sst s10  }
0x35: {  	s10 =	sld [smem:$0x3FB8];
	_ =	sdelay $0x3  }
0x36: {  	p1 =	seq.s32 s10, $0x1;
	s10 =	sld [smem:$0x3FB9];
	_ =	sdelay $0x3  }
0x37: {  	[smem:$0x3FB9] =	sst s10  }
0x38: {  	s10 =	sld [smem:$0x3FBA]  }
0x39: {  	_ = 	snop;
	(pc) =	sbr.ind lr, $3  }
0x3a: {  	_ = 	snop  }
0x3b: {  	_ = 	snop  }
0x3c: {  	p2 =	seq.s32 s10, $0x1;
	s10 =	sld [smem:$0x3FB9]  }
0x3d: {  	_ =	shalt  }
0x3e: {  	_ =	shalt  }
0x3f: {  	_ =	shalt  }
0x40: {  	_ =	shalt  }
0x41: {  	_ =	shalt  }
0x42: {  	_ =	shalt  }
0x43: {  	_ =	shalt  }
0x44: {  	_ =	shalt  }
0x45: {  	_ =	shalt  }
0x46: {  	_ =	shalt  }
0x47: {  	_ =	shalt  }
0x48: {  	_ =	shalt  }
0x49: {  	_ =	shalt  }
0x4a: {  	_ =	shalt  }
0x4b: {  	_ =	shalt  }
0x4c: {  	_ =	shalt  }
0x4d: {  	_ =	shalt  }
0x4e: {  	_ =	shalt  }
0x4f: {  	_ =	shalt  }
0x50: {  	_ =	shalt  }
0x51: {  	_ =	shalt  }
0x52: {  	_ =	shalt  }
0x53: {  	_ =	shalt  }
0x54: {  	_ =	shalt  }
0x55: {  	_ =	shalt  }
0x56: {  	_ =	shalt  }
0x57: {  	_ =	shalt  }
0x58: {  	_ =	shalt  }
0x59: {  	_ =	shalt  }
0x5a: {  	_ =	shalt  }
0x5b: {  	_ =	shalt  }
0x5c: {  	_ =	shalt  }
0x5d: {  	_ =	shalt  }
0x5e: {  	_ =	shalt  }
0x5f: {  	_ =	shalt  }
0x60: {  	_ =	shalt  }
0x61: {  	_ =	shalt  }
0x62: {  	_ =	shalt  }
0x63: {  	_ =	shalt  }
0x64: {  	_ =	shalt  }
0x65: {  	_ =	shalt  }
0x66: {  	_ =	shalt  }
0x67: {  	_ =	shalt  }
0x68: {  	_ =	shalt  }
0x69: {  	_ =	shalt  }
0x6a: {  	_ =	shalt  }
0x6b: {  	_ =	shalt  }
0x6c: {  	_ =	shalt  }
0x6d: {  	_ =	shalt  }
0x6e: {  	_ =	shalt  }
0x6f: {  	_ =	shalt  }
0x70: {  	_ =	shalt  }
0x71: {  	_ =	shalt  }
0x72: {  	_ =	shalt  }
0x73: {  	_ =	shalt  }
0x74: {  	_ =	shalt  }
0x75: {  	_ =	shalt  }
0x76: {  	_ =	shalt  }
0x77: {  	_ =	shalt  }
0x78: {  	_ =	shalt  }
0x79: {  	_ =	shalt  }
0x7a: {  	_ =	shalt  }
0x7b: {  	_ =	shalt  }
0x7c: {  	_ =	shalt  }
0x7d: {  	_ =	shalt  }
0x7e: {  	_ =	shalt  }
0x7f: {  	_ =	shalt  }
0x80: {  	_ =	shalt  }
0x81: {  	_ =	shalt  }
0x82: {  	_ =	shalt  }
0x83: {  	_ =	shalt  }
0x84: {  	_ =	shalt  }
0x85: {  	_ =	shalt  }
0x86: {  	_ =	shalt  }
0x87: {  	_ =	shalt  }
.Lfunc_end0:
.L_simem_size_0:
called_computation_lowered:
.L_overlay_start_0:
0x88: {  	s2 =	sld [smem:$0x3FD9]  }
0x89: {  	s3 =	sld [smem:$0x3FFE];
	_ =	sdelay $0x1  }
0x8a: {  	s1 =	srdreg.scid  }
0x8b: {  	s0 =	sand.u32 $0x1, s1  }
0x8c: {  	s17 =	sshll.u32 s0, $0xA;
	s2 =	sadd.s32 s3, s2  }
0x8d: {  	s2 =	sadd.s32 s2, s17  }
0x8e: {  	[smem:$0x3FC5] =	sst s2  }
0x8f: {  	_ = 	snop  }
0x90: {  	s2 =	sld [smem:$0x3FC8]  }
0x91: {  	s18 =	sld [smem:$0x3FC7]  }
0x92: {  	s4 =	sld [smem:$0x3FD0];
	(tm) =	ssettm $0x1  }
0x93: {  	s5 =	sld [smem:$0x3FFB];
	_ =	sdelay $0x3  }
0x94: {  	_ =	strace s5  }
0x95: {  	s5 =	sld [smem:$0x3FFC];
	_ =	sdelay $0x3  }
0x96: {  	_ =	strace s5  }
0x97: {  	s5 =	sld [smem:$0x3FFD];
	_ =	sdelay $0x3  }
0x98: {  	_ =	strace s5  }
0x99: {  	_ =	strace $0x8FFFFFFF  }
0x9a: {  	s19 =	sld [smem:$0x3FDB];
	_ =	sdelay $0x1  }
0x9b: {  	s6 =	simm.s32 $_scs_section_size  }
0x9c: {  	s7 =	simm.s32 $_size__tile_overlayer_lowered;
	s8 =	simm.s32 $_tile_overlayer_lowered  }
0x9d: {  	s22 =	simm.s32 $0x1BFF;
	s21 =	sshll.u32 s8, $0x1;
	s5 =	sadd.s32 s6, s19  }
0x9e: {  	s9 =	simm.s32 $0x0;
	s20 =	sshll.u32 s7, $0x1;
	s7 =	sadd.s32 s21, s5  }
0x9f: {  	[timem:s9], [sflag:s22] =	dma.local [hbm:s7], s20  }
0xa0: {  	_ =	swait.ge [sflag:s22], s20  }
0xa1: {  	s6 =	ssub.s32 $0x0, s20;
	[sflag:s22] =	ssyncset.done $0x0  }
0xa2: {  	[sflag:s22] =	ssyncadd.s32 s6;
	_ =	sdelay $0x1  }
0xa3: {  	s23 =	simm.s32 $0x1B8B  }
0xa4: {  	_ =	swait.ge [sflag:s23], $0x1  }
0xa5: {  	[sflag:s23] =	ssyncset.done $0x0  }
0xa6: {  	s25 =	simm.s32 $0x1B8E;
	s24 =	sld [smem:$0x3FFE];
	[sflag:s23] =	ssyncadd.s32 $0xFFFFFFFF  }
0xa7: {  	s26 =	simm.s32 $execute0_lowered;
	[smem:$0x3FD2] =	sst s25  }
0xa8: {  	s7 =	sshll.u32 s26, $0x1;
	_ =	strace $0x80000046;
	[dreg:$0x1] =	wrdreg $0xFFFFFFFF  }
0xa9: {  	s28 =	simm.s32 $_size_execute0_lowered;
	s5 =	sadd.s32 s5, s7;
	[dreg:$0x0] =	wrdreg $0x0  }
0xaa: {  	s7 =	sshll.u32 s28, $0x1;
	[dreg:$0x2] =	wrdreg s5  }
0xab: {  	[dreg:$0x3] =	wrdreg s7  }
0xac: {  	[dreg:$0x4] =	wrdreg $0xC0  }
0xad: {  	_ =	task [dreg:s9], $0x5FFFF  }
0xae: {  	[dreg:$0x1] =	wrdreg $0xFFFFFFFF  }
0xaf: {  	[dreg:$0x0] =	wrdreg $0x60  }
0xb0: {  	[dreg:$0x2] =	wrdreg s2  }
0xb1: {  	[dreg:$0x3] =	wrdreg s24  }
0xb2: {  	[dreg:$0x4] =	wrdreg s18  }
0xb3: {  	[dreg:$0x5] =	wrdreg s4  }
0xb4: {  	[dreg:$0x6] =	wrdreg $0x9  }
0xb5: {  	_ =	task.clear_ibuf [dreg:s9], $0x7FFFF;
	_ =	strace $0x90000046  }
0xb6: {  	s29 =	simm.s32 $0x9;
	_ =	strace $0x80000048  }
0xb7: {  	_ =	swait.ge [sflag:s29], $0x1  }
0xb8: {  	[sflag:s29] =	ssyncadd.s32 $0xFFFFFFFF  }
0xb9: {  	_ =	strace $0x90000048  }
0xba: {  	_ =	sfence  }
0xbb: {  	s30 =	sld [smem:$0x0];
	_ =	sdelay $0x2  }
0xbc: {  	s31 =	sshll.u32 s1, $0xD;
	s1 =	sshrl.u32 s1, $0x2  }
0xbd: {  	s3 =	sand.u32 $0x4000, s31;
	s1 =	sadd.s32 s1, s30  }
0xbe: {  	s0 =	sor.u32 s3, s0;
	s1 =	sshll.u32 s1, $0x11  }
0xbf: {  	s0 =	sor.u32 s1, s0  }
0xc0: {  	s0 =	sadd.s32 $0x8F2B, s0  }
0xc1: {  	[sflag:s0] =	ssyncadd.remote.s32 $0x1  }
0xc2: {  	_ =	sfence.sel $0xFFFF  }
0xc3: {  	[dreg:$0x0] =	wrdreg $0xFFFFFFFF;
	(pc) =	sbr.abs _section_cstart, $3  }
0xc4: {  	[dreg:$0x1] =	wrdreg $0xFFFFFFFF  }
0xc5: {  	_ =	task.clear_ibuf [dreg:s9], $0x2FFFF;
	_ =	strace $0x9FFFFFFF  }
0xc6: {  	(tm) =	ssettm $0x7FFFFFFF  }
0xc7: {  	_ =	shalt  }
tec
execute0_lowered:
.L_overlay_start_1:
0x0: {  	(tag) =	ssettag $0x1  }
0x1: {  	s1 =	rddreg [dreg:$0x0]  }
0x2: {  	s0 =	rddreg [dreg:$0x1]  }
0x3: {  	s2 =	srdreg.scid;
	s3 =	stileid.u32  }
0x4: {  	s4 =	rddreg [dreg:$0x3];
	s5 =	simm.s32 $0x0;
	s17 =	simm.s32 $0x28  }
0x5: {  	s18 =	simm.s32 $0xB400;
	s28 =	simm.s32 $0x14000;
	s29 =	simm.s32 $0x3  }
0x6: {  	s30 =	simm.s32 $0x15400;
	s2 =	sand.u32 $0x1, s2;
	s3 =	sshll.u32 s3, $0x1  }
0x7: {  	s31 =	simm.s32 $0x4;
	s12 =	simm.s32 $0x0;
	s3 =	sor.u32 s2, s3  }
0x8: {  	[smem:$0x7FF] =	sst s5;
	s2 =	ssub.s32 $0x2, s2;
	s6 =	smul.u32 $0xA00, s3  }
0x9: {  	_ =	strace $0x80000047;
	s7 =	smul.u32 $0xC8000, s3;
	s19 =	sshrl.u32 s2, $0x1  }
0xa: {  	s2 =	ssub.s32 s2, s19;
	s19 =	simm.s32 $0xC800;
	s0 =	sadd.s32 s6, s0  }
0xb: {  	s7 =	sshrl.u32 s7, $0x3;
	s6 =	sshll.u32 s3, $0x5;
	s26 =	smax.u32 s2, $0x1  }
0xc: {  	s20 =	sadd.s32 s4, s7;
	s0 =	sadd.s32 $0x400, s0;
	[dreg:$0xb] =	wrdreg s26  }
0xd: {  	s2 =	simm.s32 $0x16800;
	[dreg:$0x5] =	wrdreg s0;
	s21 =	sadd.s32 $0x18380, s20  }
0xe: {  	s8 =	sadd.s32 $0xFFFFFFFF, s6;
	s22 =	sadd.s32 $0x18600, s20;
	[dreg:$0x6] =	wrdreg s21  }
0xf: {  	s26 =	simm.s32 $0x2;
	s23 =	sadd.s32 $0x18880, s20;
	[dreg:$0x7] =	wrdreg s22  }
0x10: {  	s24 =	sadd.s32 $0x18B00, s20;
	s25 =	sadd.s32 $0x18D80, s20;
	[dreg:$0x8] =	wrdreg s23  }
0x11: {  	s20 =	simm.s32 $0xDC00;
	s0 =	simm.s32 $0x5;
	[dreg:$0x9] =	wrdreg s24  }
0x12: {  	[dreg:$0xa] =	wrdreg s25;
	s21 =	simm.s32 $0xF000;
	s22 =	simm.s32 $0x10400  }
0x13: {  	s23 =	simm.s32 $0x11800;
	s24 =	simm.s32 $0x1;
	s25 =	simm.s32 $0x12C00  }
.LBB2_1:
0x14: {  	s3 =	rddreg [dreg:$0x5];
	s7 =	simm.s32 $0x15  }
0x15: {  	[tilespmem:s5], [sflag:$0x15] =	stream.linear.gather [hbm4b:s3+s5], $0x5000, $0x38;
	[tilespmem:$0x17C00] =	vst v63  }
0x16: {  	_ =	swait.ge [sflag:s7], $0x5000  }
0x17: {  	[sflag:s7] =	ssyncset.done $0x0  }
0x18: {  	[sflag:s7] =	ssyncadd.s32 $0xFFFFB000  }
0x19: {  	s9 =	simm.s32 $0x5000;
	s16 =	rddreg [dreg:$0x2]  }
0x1a: {  	[tilespmem:s9], [sflag:$0x15] =	stream.linear.gather [hbm4b:s16+s5], $0x6400, $0x38;
	[tilespmem:$0x17C00] =	vst v63  }
0x1b: {  	_ =	swait.ge [sflag:s7], $0x6400  }
0x1c: {  	[sflag:s7] =	ssyncset.done $0x0  }
0x1d: {  	s13 =	simm.s32 $0x0;
	[sflag:s7] =	ssyncadd.s32 $0xFFFF9C00  }
.LBB2_2:
0x1e: {  	p0 =	seq.s32 s13, $0x0  }
0x1f: {  	s3 =	simm.s32 @!p0 $0xB  }
0x20: {  	_ =	swait.ge @!p0 [sflag:s3], $0x1400  }
0x21: {  	[sflag:s3] =	ssyncset.done @!p0 $0x0  }
0x22: {  	s10 =	simm.s32 $0x5100;
	[sflag:s3] =	ssyncadd.s32 @!p0 $0xFFFFEC00  }
0x23: {  	v0 =	vld [tilespmem:s10+$0x80]  }
0x24: {  	v2 =	vld [tilespmem:s10+$0x0]  }
0x25: {  	v1 =	vld [tilespmem:s10+$0xFFFFFF80]  }
0x26: {  	v3 =	vld [tilespmem:s10+$0xFFFFFF00]  }
0x27: {  	s3 =	simm.s32 $0xB500  }
0x28: {  	[tilespmem:s3+$0x80] =	vst v0  }
0x29: {  	[tilespmem:s3+$0x0] =	vst v2;
	v0 =	vld [tilespmem:s10+$0x90]  }
0x2a: {  	[tilespmem:s3+$0xFFFFFF80] =	vst v1;
	v2 =	vld [tilespmem:s10+$0x10]  }
0x2b: {  	[tilespmem:s3+$0xFFFFFF00] =	vst v3;
	v1 =	vld [tilespmem:s10+$0xFFFFFF90]  }
0x2c: {  	v3 =	vld [tilespmem:s10+$0xFFFFFF10];
	_ =	sdelay $0x1  }
0x2d: {  	[tilespmem:s3+$0x90] =	vst v0  }
0x2e: {  	[tilespmem:s3+$0x10] =	vst v2;
	v0 =	vld [tilespmem:s10+$0xA0]  }
0x2f: {  	[tilespmem:s3+$0xFFFFFF90] =	vst v1;
	v2 =	vld [tilespmem:s10+$0x20]  }
0x30: {  	[tilespmem:s3+$0xFFFFFF10] =	vst v3;
	v1 =	vld [tilespmem:s10+$0xFFFFFFA0]  }
0x31: {  	v3 =	vld [tilespmem:s10+$0xFFFFFF20];
	_ =	sdelay $0x1  }
0x32: {  	[tilespmem:s3+$0xA0] =	vst v0  }
0x33: {  	[tilespmem:s3+$0x20] =	vst v2;
	v0 =	vld [tilespmem:s10+$0xB0]  }
0x34: {  	[tilespmem:s3+$0xFFFFFFA0] =	vst v1;
	v2 =	vld [tilespmem:s10+$0x30]  }
0x35: {  	[tilespmem:s3+$0xFFFFFF20] =	vst v3;
	v1 =	vld [tilespmem:s10+$0xFFFFFFB0]  }
0x36: {  	v3 =	vld [tilespmem:s10+$0xFFFFFF30];
	_ =	sdelay $0x1  }
0x37: {  	[tilespmem:s3+$0xB0] =	vst v0  }
0x38: {  	[tilespmem:s3+$0x30] =	vst v2;
	v0 =	vld [tilespmem:s10+$0xC0]  }
0x39: {  	[tilespmem:s3+$0xFFFFFFB0] =	vst v1;
	v2 =	vld [tilespmem:s10+$0x40]  }
0x3a: {  	[tilespmem:s3+$0xFFFFFF30] =	vst v3;
	v1 =	vld [tilespmem:s10+$0xFFFFFFC0]  }
0x3b: {  	v3 =	vld [tilespmem:s10+$0xFFFFFF40]  }
0x3c: {  	s7 =	simm.s32 $0x5300  }
0x3d: {  	v4 =	vld [tilespmem:s7+$0x80];
	[tilespmem:s3+$0xC0] =	vst v0  }
0x3e: {  	[tilespmem:s3+$0x40] =	vst v2;
	v2 =	vld [tilespmem:s7+$0xFFFFFF80]  }
0x3f: {  	[tilespmem:s3+$0xFFFFFFC0] =	vst v1;
	v0 =	vld [tilespmem:s10+$0xD0]  }
0x40: {  	[tilespmem:s3+$0xFFFFFF40] =	vst v3;
	v3 =	vld [tilespmem:s7+$0x0]  }
0x41: {  	s9 =	simm.s32 $0xB700;
	v1 =	vld [tilespmem:s10+$0xFFFFFFD0]  }
0x42: {  	v5 =	vld [tilespmem:s7+$0xFFFFFF00];
	[tilespmem:s9+$0x80] =	vst v4  }
0x43: {  	[tilespmem:s9+$0xFFFFFF80] =	vst v2;
	v2 =	vld [tilespmem:s7+$0x90]  }
0x44: {  	[tilespmem:s3+$0xD0] =	vst v0;
	v4 =	vld [tilespmem:s7+$0xFFFFFF90]  }
0x45: {  	[tilespmem:s9+$0x0] =	vst v3;
	v0 =	vld [tilespmem:s10+$0xE0]  }
0x46: {  	[tilespmem:s3+$0xFFFFFFD0] =	vst v1;
	v1 =	vld [tilespmem:s10+$0xFFFFFF50]  }
0x47: {  	[tilespmem:s9+$0xFFFFFF00] =	vst v5;
	v3 =	vld [tilespmem:s7+$0x10]  }
0x48: {  	v5 =	vld [tilespmem:s7+$0xFFFFFF10];
	[tilespmem:s9+$0x90] =	vst v2  }
0x49: {  	[tilespmem:s9+$0xFFFFFF90] =	vst v4;
	v2 =	vld [tilespmem:s7+$0xA0]  }
0x4a: {  	[tilespmem:s3+$0xE0] =	vst v0;
	v4 =	vld [tilespmem:s7+$0xFFFFFFA0]  }
0x4b: {  	[tilespmem:s3+$0xFFFFFF50] =	vst v1;
	v0 =	vld [tilespmem:s10+$0xF0]  }
0x4c: {  	v1 =	vld [tilespmem:s10+$0x50];
	[tilespmem:s9+$0x10] =	vst v3  }
0x4d: {  	[tilespmem:s9+$0xFFFFFF10] =	vst v5;
	v3 =	vld [tilespmem:s7+$0x20]  }
0x4e: {  	v5 =	vld [tilespmem:s7+$0xFFFFFF20];
	[tilespmem:s9+$0xA0] =	vst v2  }
0x4f: {  	[tilespmem:s9+$0xFFFFFFA0] =	vst v4;
	v2 =	vld [tilespmem:s7+$0xB0]  }
0x50: {  	[tilespmem:s3+$0xF0] =	vst v0;
	v0 =	vld [tilespmem:s10+$0xFFFFFF60]  }
0x51: {  	[tilespmem:s3+$0x50] =	vst v1;
	v4 =	vld [tilespmem:s7+$0xFFFFFFB0]  }
0x52: {  	v1 =	vld [tilespmem:s10+$0xFFFFFFE0];
	[tilespmem:s9+$0x20] =	vst v3  }
0x53: {  	[tilespmem:s9+$0xFFFFFF20] =	vst v5;
	v3 =	vld [tilespmem:s7+$0x30]  }
0x54: {  	v5 =	vld [tilespmem:s7+$0xFFFFFF30];
	[tilespmem:s9+$0xB0] =	vst v2  }
0x55: {  	[tilespmem:s3+$0xFFFFFF60] =	vst v0;
	v0 =	vld [tilespmem:s10+$0x60]  }
0x56: {  	[tilespmem:s9+$0xFFFFFFB0] =	vst v4;
	v4 =	vld [tilespmem:s7+$0xC0]  }
0x57: {  	[tilespmem:s3+$0xFFFFFFE0] =	vst v1;
	v1 =	vld [tilespmem:s10+$0xFFFFFF70]  }
0x58: {  	[tilespmem:s9+$0x30] =	vst v3;
	v6 =	vld [tilespmem:s7+$0xFFFFFFC0]  }
0x59: {  	[tilespmem:s9+$0xFFFFFF30] =	vst v5;
	v5 =	vld [tilespmem:s7+$0x40]  }
0x5a: {  	v2 =	vld [tilespmem:s7+$0xFFFFFF40];
	[tilespmem:s3+$0x60] =	vst v0  }
0x5b: {  	v0 =	vld [tilespmem:s10+$0xFFFFFFF0];
	[tilespmem:s9+$0xC0] =	vst v4  }
0x5c: {  	[tilespmem:s3+$0xFFFFFF70] =	vst v1;
	v1 =	vld [tilespmem:s10+$0x70]  }
0x5d: {  	[tilespmem:s9+$0xFFFFFFC0] =	vst v6;
	v4 =	vld [tilespmem:s7+$0xD0]  }
0x5e: {  	s11 =	simm.s32 $0x5500;
	s10 =	simm.s32 $0x4;
	[tilespmem:s9+$0x40] =	vst v5;
	v3 =	vld [tilespmem:s7+$0xFFFFFFD0]  }
.LBB2_3:
0x5f: {  	v5 =	vld [tilespmem:s11+$0x80];
	s10 =	sadd.s32 $0x4, s10;
	[tilespmem:s9+$0xFFFFFF40] =	vst v2  }
0x60: {  	v2 =	vld [tilespmem:s11+$0xFFFFFF80];
	p1 =	slt.u32 s10, $0x24;
	[tilespmem:s3+$0xFFFFFFF0] =	vst v0  }
0x61: {  	v0 =	vld [tilespmem:s11+$0x0];
	[tilespmem:s3+$0x70] =	vst v1;
	s3 =	smov.u32 s9  }
0x62: {  	v1 =	vld [tilespmem:s11+$0xFFFFFF00];
	[tilespmem:s9+$0xD0] =	vst v4  }
0x63: {  	s9 =	sadd.s32 $0x200, s9;
	[tilespmem:s3+$0xFFFFFFD0] =	vst v3;
	v3 =	vld [tilespmem:s7+$0xE0]  }
0x64: {  	[tilespmem:s9+$0x80] =	vst v5;
	v4 =	vld [tilespmem:s7+$0xFFFFFF50]  }
0x65: {  	[tilespmem:s9+$0xFFFFFF80] =	vst v2;
	v2 =	vld [tilespmem:s11+$0x90]  }
0x66: {  	v5 =	vld [tilespmem:s11+$0xFFFFFF90];
	[tilespmem:s9+$0x0] =	vst v0  }
0x67: {  	[tilespmem:s9+$0xFFFFFF00] =	vst v1;
	v0 =	vld [tilespmem:s11+$0x10]  }
0x68: {  	v1 =	vld [tilespmem:s11+$0xFFFFFF10];
	[tilespmem:s3+$0xE0] =	vst v3  }
0x69: {  	[tilespmem:s3+$0xFFFFFF50] =	vst v4;
	v3 =	vld [tilespmem:s7+$0xF0]  }
0x6a: {  	[tilespmem:s9+$0x90] =	vst v2;
	v2 =	vld [tilespmem:s7+$0x50]  }
0x6b: {  	[tilespmem:s9+$0xFFFFFF90] =	vst v5;
	v4 =	vld [tilespmem:s11+$0xA0]  }
0x6c: {  	v5 =	vld [tilespmem:s11+$0xFFFFFFA0];
	[tilespmem:s9+$0x10] =	vst v0  }
0x6d: {  	[tilespmem:s9+$0xFFFFFF10] =	vst v1;
	v0 =	vld [tilespmem:s11+$0x20]  }
0x6e: {  	v1 =	vld [tilespmem:s11+$0xFFFFFF20];
	[tilespmem:s3+$0xF0] =	vst v3  }
0x6f: {  	v3 =	vld [tilespmem:s7+$0xFFFFFF60];
	[tilespmem:s3+$0x50] =	vst v2  }
0x70: {  	[tilespmem:s9+$0xA0] =	vst v4;
	v2 =	vld [tilespmem:s7+$0xFFFFFFE0]  }
0x71: {  	[tilespmem:s9+$0xFFFFFFA0] =	vst v5;
	v4 =	vld [tilespmem:s11+$0xB0]  }
0x72: {  	v5 =	vld [tilespmem:s11+$0xFFFFFFB0];
	[tilespmem:s9+$0x20] =	vst v0  }
0x73: {  	[tilespmem:s9+$0xFFFFFF20] =	vst v1;
	v0 =	vld [tilespmem:s11+$0x30]  }
0x74: {  	v1 =	vld [tilespmem:s11+$0xFFFFFF30];
	[tilespmem:s3+$0xFFFFFF60] =	vst v3  }
0x75: {  	[tilespmem:s3+$0xFFFFFFE0] =	vst v2;
	v3 =	vld [tilespmem:s7+$0x60]  }
0x76: {  	[tilespmem:s9+$0xB0] =	vst v4;
	v4 =	vld [tilespmem:s7+$0xFFFFFF70]  }
0x77: {  	[tilespmem:s9+$0xFFFFFFB0] =	vst v5;
	v5 =	vld [tilespmem:s11+$0xC0]  }
0x78: {  	v6 =	vld [tilespmem:s11+$0xFFFFFFC0];
	[tilespmem:s9+$0x30] =	vst v0  }
0x79: {  	[tilespmem:s9+$0xFFFFFF30] =	vst v1;
	v7 =	vld [tilespmem:s11+$0x40]  }
.Ltmp0:
0x7a: {  	v2 =	vld [tilespmem:s11+$0xFFFFFF40];
	[tilespmem:s3+$0x60] =	vst v3;
	(pc) =	sbr.rel @p1 .LBB2_3-.Ltmp0, $4  }
0x7b: {  	[tilespmem:s3+$0xFFFFFF70] =	vst v4;
	v0 =	vld [tilespmem:s7+$0xFFFFFFF0]  }
0x7c: {  	[tilespmem:s9+$0xC0] =	vst v5;
	v1 =	vld [tilespmem:s7+$0x70];
	s7 =	smov.u32 s11  }
0x7d: {  	[tilespmem:s9+$0xFFFFFFC0] =	vst v6;
	v4 =	vld [tilespmem:s11+$0xD0]  }
0x7e: {  	s11 =	sadd.s32 $0x200, s11;
	v3 =	vld [tilespmem:s7+$0xFFFFFFD0];
	[tilespmem:s9+$0x40] =	vst v7  }
0x7f: {  	[tilespmem:s9+$0xFFFFFF40] =	vst v2;
	v5 =	vld [tilespmem:s7+$0x50]  }
0x80: {  	v2 =	vld [tilespmem:s7+$0xFFFFFF50];
	_ =	sdelay $0x1  }
0x81: {  	[tilespmem:s9+$0xD0] =	vst v4  }
0x82: {  	v4 =	vld [tilespmem:s7+$0xE0];
	[tilespmem:s9+$0xFFFFFFD0] =	vst v3  }
0x83: {  	[tilespmem:s9+$0x50] =	vst v5;
	v3 =	vld [tilespmem:s7+$0xFFFFFFE0]  }
0x84: {  	[tilespmem:s9+$0xFFFFFF50] =	vst v2;
	v5 =	vld [tilespmem:s7+$0x60]  }
0x85: {  	v2 =	vld [tilespmem:s7+$0xFFFFFF60]  }
0x86: {  	[tilespmem:s3+$0xFFFFFFF0] =	vst v0  }
0x87: {  	[tilespmem:s9+$0xE0] =	vst v4  }
0x88: {  	v4 =	vld [tilespmem:s7+$0xF0];
	[tilespmem:s9+$0xFFFFFFE0] =	vst v3  }
0x89: {  	[tilespmem:s9+$0x60] =	vst v5;
	v3 =	vld [tilespmem:s7+$0xFFFFFFF0]  }
0x8a: {  	[tilespmem:s9+$0xFFFFFF60] =	vst v2;
	v0 =	vld [tilespmem:s7+$0x70]  }
0x8b: {  	v2 =	vld [tilespmem:s7+$0xFFFFFF70]  }
0x8c: {  	[tilespmem:s3+$0x70] =	vst v1  }
0x8d: {  	[tilespmem:s9+$0xF0] =	vst v4  }
0x8e: {  	s16 =	smul.u32 $0x1400, s13;
	s3 =	sshll.u32 s13, $0x1;
	[tilespmem:s9+$0xFFFFFFF0] =	vst v3  }
0x8f: {  	s7 =	sadd.s32 s3, s8;
	[tilespmem:s9+$0x70] =	vst v0  }
0x90: {  	s14 =	sshra.s32 s16, $0x2;
	s16 =	smul.u32 @!p0 $0x6400, s7;
	[tilespmem:s9+$0xFFFFFF70] =	vst v2;
	s9 =	simm.s32 @!p0 $0x6  }
0x91: {  	[tilespmem:s18], [sflag:$0x1] =	stream.indirect.gather.add.f32 [hbm:s1], $0x80, s14, s17, $0xb8;
	[tilespmem:$0x17C00] =	vst v63  }
0x92: {  	_ =	swait.ge @!p0 [sflag:s9], $0x1400  }
0x93: {  	s10 =	simm.s32 @!p0 $0x11800;
	s7 =	sshrl.u32 @!p0 s16, $0x3;
	[sflag:s9] =	ssyncset.done @!p0 $0x0  }
0x94: {  	s7 =	sadd.s32 @!p0 s4, s7;
	[sflag:s9] =	ssyncadd.s32 @!p0 $0xFFFFEC00;
	s9 =	simm.s32 @!p0 $0x0  }
0x95: {  	[hbm4b:s7+s9] =	stream.linear.scatter @!p0 [tilespmem:s10], [sflag:$0x10], $0x1400, $0x38;
	[tilespmem:$0x17C00] =	vst v63  }
0x96: {  	s7 =	simm.s32 @!p0 $0xC  }
0x97: {  	_ =	swait.ge @!p0 [sflag:s7], $0x1400  }
0x98: {  	[sflag:s7] =	ssyncset.done @!p0 $0x0  }
0x99: {  	s11 =	simm.s32 $0x65F0;
	[sflag:s7] =	ssyncadd.s32 @!p0 $0xFFFFEC00  }
0x9a: {  	v0 =	vld [tilespmem:s11+$0xFFFFFF90]  }
0x9b: {  	v2 =	vld [tilespmem:s11+$0xFFFFFF10]  }
0x9c: {  	v1 =	vld [tilespmem:s11+$0xFFFFFE90]  }
0x9d: {  	v3 =	vld [tilespmem:s11+$0xFFFFFE10]  }
0x9e: {  	s7 =	simm.s32 $0xC9F0  }
0x9f: {  	[tilespmem:s7+$0xFFFFFF90] =	vst v0  }
0xa0: {  	[tilespmem:s7+$0xFFFFFF10] =	vst v2;
	v0 =	vld [tilespmem:s11+$0xFFFFFFA0]  }
0xa1: {  	[tilespmem:s7+$0xFFFFFE90] =	vst v1;
	v2 =	vld [tilespmem:s11+$0xFFFFFF20]  }
0xa2: {  	[tilespmem:s7+$0xFFFFFE10] =	vst v3;
	v1 =	vld [tilespmem:s11+$0xFFFFFEA0]  }
0xa3: {  	v3 =	vld [tilespmem:s11+$0xFFFFFE20];
	_ =	sdelay $0x1  }
0xa4: {  	[tilespmem:s7+$0xFFFFFFA0] =	vst v0  }
0xa5: {  	[tilespmem:s7+$0xFFFFFF20] =	vst v2;
	v0 =	vld [tilespmem:s11+$0xFFFFFFB0]  }
0xa6: {  	[tilespmem:s7+$0xFFFFFEA0] =	vst v1;
	v2 =	vld [tilespmem:s11+$0xFFFFFF30]  }
0xa7: {  	[tilespmem:s7+$0xFFFFFE20] =	vst v3;
	v1 =	vld [tilespmem:s11+$0xFFFFFEB0]  }
0xa8: {  	v3 =	vld [tilespmem:s11+$0xFFFFFE30];
	_ =	sdelay $0x1  }
0xa9: {  	[tilespmem:s7+$0xFFFFFFB0] =	vst v0  }
0xaa: {  	[tilespmem:s7+$0xFFFFFF30] =	vst v2;
	v0 =	vld [tilespmem:s11+$0xFFFFFFC0]  }
0xab: {  	[tilespmem:s7+$0xFFFFFEB0] =	vst v1;
	v2 =	vld [tilespmem:s11+$0xFFFFFF40]  }
0xac: {  	[tilespmem:s7+$0xFFFFFE30] =	vst v3;
	v1 =	vld [tilespmem:s11+$0xFFFFFEC0]  }
0xad: {  	v3 =	vld [tilespmem:s11+$0xFFFFFE40];
	_ =	sdelay $0x1  }
0xae: {  	[tilespmem:s7+$0xFFFFFFC0] =	vst v0  }
0xaf: {  	[tilespmem:s7+$0xFFFFFF40] =	vst v2;
	v0 =	vld [tilespmem:s11+$0xFFFFFFD0]  }
0xb0: {  	[tilespmem:s7+$0xFFFFFEC0] =	vst v1;
	v2 =	vld [tilespmem:s11+$0xFFFFFF50]  }
0xb1: {  	[tilespmem:s7+$0xFFFFFE40] =	vst v3;
	v1 =	vld [tilespmem:s11+$0xFFFFFED0]  }
0xb2: {  	v3 =	vld [tilespmem:s11+$0xFFFFFE50]  }
0xb3: {  	s9 =	simm.s32 $0x67F0  }
0xb4: {  	v4 =	vld [tilespmem:s9+$0xFFFFFF90];
	[tilespmem:s7+$0xFFFFFFD0] =	vst v0  }
0xb5: {  	[tilespmem:s7+$0xFFFFFF50] =	vst v2;
	v2 =	vld [tilespmem:s9+$0xFFFFFE90]  }
0xb6: {  	[tilespmem:s7+$0xFFFFFED0] =	vst v1;
	v0 =	vld [tilespmem:s11+$0xFFFFFFE0]  }
0xb7: {  	[tilespmem:s7+$0xFFFFFE50] =	vst v3;
	v3 =	vld [tilespmem:s9+$0xFFFFFF10]  }
0xb8: {  	s10 =	simm.s32 $0xCBF0;
	v1 =	vld [tilespmem:s11+$0xFFFFFEE0]  }
0xb9: {  	v5 =	vld [tilespmem:s9+$0xFFFFFE10];
	[tilespmem:s10+$0xFFFFFF90] =	vst v4  }
0xba: {  	[tilespmem:s10+$0xFFFFFE90] =	vst v2;
	v2 =	vld [tilespmem:s9+$0xFFFFFFA0]  }
0xbb: {  	[tilespmem:s7+$0xFFFFFFE0] =	vst v0;
	v4 =	vld [tilespmem:s9+$0xFFFFFEA0]  }
0xbc: {  	[tilespmem:s10+$0xFFFFFF10] =	vst v3;
	v0 =	vld [tilespmem:s11+$0xFFFFFFF0]  }
0xbd: {  	[tilespmem:s7+$0xFFFFFEE0] =	vst v1;
	v1 =	vld [tilespmem:s11+$0xFFFFFE60]  }
0xbe: {  	[tilespmem:s10+$0xFFFFFE10] =	vst v5;
	v3 =	vld [tilespmem:s9+$0xFFFFFF20]  }
0xbf: {  	v5 =	vld [tilespmem:s9+$0xFFFFFE20];
	[tilespmem:s10+$0xFFFFFFA0] =	vst v2  }
0xc0: {  	[tilespmem:s10+$0xFFFFFEA0] =	vst v4;
	v2 =	vld [tilespmem:s9+$0xFFFFFFB0]  }
0xc1: {  	[tilespmem:s7+$0xFFFFFFF0] =	vst v0;
	v4 =	vld [tilespmem:s9+$0xFFFFFEB0]  }
0xc2: {  	[tilespmem:s7+$0xFFFFFE60] =	vst v1;
	v0 =	vld [tilespmem:s11+$0x0]  }
0xc3: {  	v1 =	vld [tilespmem:s11+$0xFFFFFF60];
	[tilespmem:s10+$0xFFFFFF20] =	vst v3  }
0xc4: {  	[tilespmem:s10+$0xFFFFFE20] =	vst v5;
	v3 =	vld [tilespmem:s9+$0xFFFFFF30]  }
0xc5: {  	v5 =	vld [tilespmem:s9+$0xFFFFFE30];
	[tilespmem:s10+$0xFFFFFFB0] =	vst v2  }
0xc6: {  	[tilespmem:s10+$0xFFFFFEB0] =	vst v4;
	v2 =	vld [tilespmem:s9+$0xFFFFFFC0]  }
0xc7: {  	[tilespmem:s7+$0x0] =	vst v0;
	v0 =	vld [tilespmem:s11+$0xFFFFFE70]  }
0xc8: {  	[tilespmem:s7+$0xFFFFFF60] =	vst v1;
	v4 =	vld [tilespmem:s9+$0xFFFFFEC0]  }
0xc9: {  	v1 =	vld [tilespmem:s11+$0xFFFFFEF0];
	[tilespmem:s10+$0xFFFFFF30] =	vst v3  }
0xca: {  	[tilespmem:s10+$0xFFFFFE30] =	vst v5;
	v3 =	vld [tilespmem:s9+$0xFFFFFF40]  }
0xcb: {  	v5 =	vld [tilespmem:s9+$0xFFFFFE40];
	[tilespmem:s10+$0xFFFFFFC0] =	vst v2  }
0xcc: {  	[tilespmem:s7+$0xFFFFFE70] =	vst v0;
	v0 =	vld [tilespmem:s11+$0xFFFFFF70]  }
0xcd: {  	[tilespmem:s10+$0xFFFFFEC0] =	vst v4;
	v4 =	vld [tilespmem:s9+$0xFFFFFFD0]  }
0xce: {  	[tilespmem:s7+$0xFFFFFEF0] =	vst v1;
	v1 =	vld [tilespmem:s11+$0xFFFFFE80]  }
0xcf: {  	[tilespmem:s10+$0xFFFFFF40] =	vst v3;
	v6 =	vld [tilespmem:s9+$0xFFFFFED0]  }
0xd0: {  	[tilespmem:s10+$0xFFFFFE40] =	vst v5;
	v5 =	vld [tilespmem:s9+$0xFFFFFF50]  }
0xd1: {  	v2 =	vld [tilespmem:s9+$0xFFFFFE50];
	[tilespmem:s7+$0xFFFFFF70] =	vst v0  }
0xd2: {  	v0 =	vld [tilespmem:s11+$0xFFFFFF00];
	[tilespmem:s10+$0xFFFFFFD0] =	vst v4  }
0xd3: {  	[tilespmem:s7+$0xFFFFFE80] =	vst v1;
	v1 =	vld [tilespmem:s11+$0xFFFFFF80]  }
0xd4: {  	[tilespmem:s10+$0xFFFFFED0] =	vst v6;
	v4 =	vld [tilespmem:s9+$0xFFFFFFE0]  }
0xd5: {  	s15 =	simm.s32 $0x69F0;
	s11 =	simm.s32 $0x4;
	[tilespmem:s10+$0xFFFFFF50] =	vst v5;
	v3 =	vld [tilespmem:s9+$0xFFFFFEE0]  }
.LBB2_5:
0xd6: {  	v5 =	vld [tilespmem:s15+$0xFFFFFF90];
	s11 =	sadd.s32 $0x4, s11;
	[tilespmem:s10+$0xFFFFFE50] =	vst v2  }
0xd7: {  	v2 =	vld [tilespmem:s15+$0xFFFFFE90];
	p1 =	slt.u32 s11, $0x24;
	[tilespmem:s7+$0xFFFFFF00] =	vst v0  }
0xd8: {  	v0 =	vld [tilespmem:s15+$0xFFFFFF10];
	[tilespmem:s7+$0xFFFFFF80] =	vst v1;
	s7 =	smov.u32 s10  }
0xd9: {  	v1 =	vld [tilespmem:s15+$0xFFFFFE10];
	[tilespmem:s10+$0xFFFFFFE0] =	vst v4  }
0xda: {  	s10 =	sadd.s32 $0x200, s10;
	[tilespmem:s7+$0xFFFFFEE0] =	vst v3;
	v3 =	vld [tilespmem:s9+$0xFFFFFFF0]  }
0xdb: {  	[tilespmem:s10+$0xFFFFFF90] =	vst v5;
	v4 =	vld [tilespmem:s9+$0xFFFFFE60]  }
0xdc: {  	[tilespmem:s10+$0xFFFFFE90] =	vst v2;
	v2 =	vld [tilespmem:s15+$0xFFFFFFA0]  }
0xdd: {  	v5 =	vld [tilespmem:s15+$0xFFFFFEA0];
	[tilespmem:s10+$0xFFFFFF10] =	vst v0  }
0xde: {  	[tilespmem:s10+$0xFFFFFE10] =	vst v1;
	v0 =	vld [tilespmem:s15+$0xFFFFFF20]  }
0xdf: {  	v1 =	vld [tilespmem:s15+$0xFFFFFE20];
	[tilespmem:s7+$0xFFFFFFF0] =	vst v3  }
0xe0: {  	[tilespmem:s7+$0xFFFFFE60] =	vst v4;
	v3 =	vld [tilespmem:s9+$0x0]  }
0xe1: {  	[tilespmem:s10+$0xFFFFFFA0] =	vst v2;
	v2 =	vld [tilespmem:s9+$0xFFFFFF60]  }
0xe2: {  	[tilespmem:s10+$0xFFFFFEA0] =	vst v5;
	v4 =	vld [tilespmem:s15+$0xFFFFFFB0]  }
0xe3: {  	v5 =	vld [tilespmem:s15+$0xFFFFFEB0];
	[tilespmem:s10+$0xFFFFFF20] =	vst v0  }
0xe4: {  	[tilespmem:s10+$0xFFFFFE20] =	vst v1;
	v0 =	vld [tilespmem:s15+$0xFFFFFF30]  }
0xe5: {  	v1 =	vld [tilespmem:s15+$0xFFFFFE30];
	[tilespmem:s7+$0x0] =	vst v3  }
0xe6: {  	v3 =	vld [tilespmem:s9+$0xFFFFFE70];
	[tilespmem:s7+$0xFFFFFF60] =	vst v2  }
0xe7: {  	[tilespmem:s10+$0xFFFFFFB0] =	vst v4;
	v2 =	vld [tilespmem:s9+$0xFFFFFEF0]  }
0xe8: {  	[tilespmem:s10+$0xFFFFFEB0] =	vst v5;
	v4 =	vld [tilespmem:s15+$0xFFFFFFC0]  }
0xe9: {  	v5 =	vld [tilespmem:s15+$0xFFFFFEC0];
	[tilespmem:s10+$0xFFFFFF30] =	vst v0  }
0xea: {  	[tilespmem:s10+$0xFFFFFE30] =	vst v1;
	v0 =	vld [tilespmem:s15+$0xFFFFFF40]  }
0xeb: {  	v1 =	vld [tilespmem:s15+$0xFFFFFE40];
	[tilespmem:s7+$0xFFFFFE70] =	vst v3  }
0xec: {  	[tilespmem:s7+$0xFFFFFEF0] =	vst v2;
	v3 =	vld [tilespmem:s9+$0xFFFFFF70]  }
0xed: {  	[tilespmem:s10+$0xFFFFFFC0] =	vst v4;
	v4 =	vld [tilespmem:s9+$0xFFFFFE80]  }
0xee: {  	[tilespmem:s10+$0xFFFFFEC0] =	vst v5;
	v5 =	vld [tilespmem:s15+$0xFFFFFFD0]  }
0xef: {  	v6 =	vld [tilespmem:s15+$0xFFFFFED0];
	[tilespmem:s10+$0xFFFFFF40] =	vst v0  }
0xf0: {  	[tilespmem:s10+$0xFFFFFE40] =	vst v1;
	v7 =	vld [tilespmem:s15+$0xFFFFFF50]  }
.Ltmp1:
0xf1: {  	v2 =	vld [tilespmem:s15+$0xFFFFFE50];
	[tilespmem:s7+$0xFFFFFF70] =	vst v3;
	(pc) =	sbr.rel @p1 .LBB2_5-.Ltmp1, $4  }
0xf2: {  	[tilespmem:s7+$0xFFFFFE80] =	vst v4;
	v0 =	vld [tilespmem:s9+$0xFFFFFF00]  }
0xf3: {  	[tilespmem:s10+$0xFFFFFFD0] =	vst v5;
	v1 =	vld [tilespmem:s9+$0xFFFFFF80];
	s9 =	smov.u32 s15  }
0xf4: {  	[tilespmem:s10+$0xFFFFFED0] =	vst v6;
	v4 =	vld [tilespmem:s15+$0xFFFFFFE0]  }
0xf5: {  	s15 =	sadd.s32 $0x200, s15;
	v3 =	vld [tilespmem:s9+$0xFFFFFEE0];
	[tilespmem:s10+$0xFFFFFF50] =	vst v7  }
0xf6: {  	[tilespmem:s10+$0xFFFFFE50] =	vst v2;
	v5 =	vld [tilespmem:s9+$0xFFFFFF60]  }
0xf7: {  	v2 =	vld [tilespmem:s9+$0xFFFFFE60];
	_ =	sdelay $0x1  }
0xf8: {  	[tilespmem:s10+$0xFFFFFFE0] =	vst v4  }
0xf9: {  	v4 =	vld [tilespmem:s9+$0xFFFFFFF0];
	[tilespmem:s10+$0xFFFFFEE0] =	vst v3  }
0xfa: {  	[tilespmem:s10+$0xFFFFFF60] =	vst v5;
	v3 =	vld [tilespmem:s9+$0xFFFFFEF0]  }
0xfb: {  	[tilespmem:s10+$0xFFFFFE60] =	vst v2;
	v5 =	vld [tilespmem:s9+$0xFFFFFF70]  }
0xfc: {  	v2 =	vld [tilespmem:s9+$0xFFFFFE70]  }
0xfd: {  	[tilespmem:s7+$0xFFFFFF00] =	vst v0  }
0xfe: {  	[tilespmem:s10+$0xFFFFFFF0] =	vst v4  }
0xff: {  	v4 =	vld [tilespmem:s9+$0x0];
	[tilespmem:s10+$0xFFFFFEF0] =	vst v3  }
0x100: {  	[tilespmem:s10+$0xFFFFFF70] =	vst v5;
	v3 =	vld [tilespmem:s9+$0xFFFFFF00]  }
0x101: {  	[tilespmem:s10+$0xFFFFFE70] =	vst v2;
	v0 =	vld [tilespmem:s9+$0xFFFFFF80]  }
0x102: {  	v2 =	vld [tilespmem:s9+$0xFFFFFE80]  }
0x103: {  	[tilespmem:s7+$0xFFFFFF80] =	vst v1  }
0x104: {  	[tilespmem:s10+$0x0] =	vst v4  }
0x105: {  	[tilespmem:s10+$0xFFFFFF00] =	vst v3  }
0x106: {  	[tilespmem:s10+$0xFFFFFF80] =	vst v0  }
0x107: {  	s15 =	sadd.s32 $0x80, s14;
	s7 =	simm.s32 @!p0 $0x7;
	[tilespmem:s10+$0xFFFFFE80] =	vst v2  }
0x108: {  	[tilespmem:s19], [sflag:$0x2] =	stream.indirect.gather.add.f32 [hbm:s1], $0x80, s15, s17, $0xb8;
	[tilespmem:$0x17C00] =	vst v63  }
0x109: {  	_ =	swait.ge @!p0 [sflag:s7], $0x1400  }
0x10a: {  	s9 =	sadd.s32 @!p0 $0x1400, s16;
	[sflag:s7] =	ssyncset.done @!p0 $0x0  }
0x10b: {  	[sflag:s7] =	ssyncadd.s32 @!p0 $0xFFFFEC00;
	s7 =	sshrl.u32 @!p0 s9, $0x3  }
0x10c: {  	s10 =	simm.s32 @!p0 $0x12C00;
	s9 =	simm.s32 @!p0 $0x0;
	s7 =	sadd.s32 @!p0 s4, s7  }
0x10d: {  	[hbm4b:s7+s9] =	stream.linear.scatter @!p0 [tilespmem:s10], [sflag:$0x11], $0x1400, $0x38;
	[tilespmem:$0x17C00] =	vst v63  }
0x10e: {  	s7 =	simm.s32 @!p0 $0xD  }
0x10f: {  	_ =	swait.ge @!p0 [sflag:s7], $0x1400  }
0x110: {  	[sflag:s7] =	ssyncset.done @!p0 $0x0  }
0x111: {  	s11 =	simm.s32 $0x79F0;
	[sflag:s7] =	ssyncadd.s32 @!p0 $0xFFFFEC00  }
0x112: {  	v0 =	vld [tilespmem:s11+$0xFFFFFF90]  }
0x113: {  	v2 =	vld [tilespmem:s11+$0xFFFFFF10]  }
0x114: {  	v1 =	vld [tilespmem:s11+$0xFFFFFE90]  }
0x115: {  	v3 =	vld [tilespmem:s11+$0xFFFFFE10]  }
0x116: {  	s7 =	simm.s32 $0xDDF0  }
0x117: {  	[tilespmem:s7+$0xFFFFFF90] =	vst v0  }
0x118: {  	[tilespmem:s7+$0xFFFFFF10] =	vst v2;
	v0 =	vld [tilespmem:s11+$0xFFFFFFA0]  }
0x119: {  	[tilespmem:s7+$0xFFFFFE90] =	vst v1;
	v2 =	vld [tilespmem:s11+$0xFFFFFF20]  }
0x11a: {  	[tilespmem:s7+$0xFFFFFE10] =	vst v3;
	v1 =	vld [tilespmem:s11+$0xFFFFFEA0]  }
0x11b: {  	v3 =	vld [tilespmem:s11+$0xFFFFFE20];
	_ =	sdelay $0x1  }
0x11c: {  	[tilespmem:s7+$0xFFFFFFA0] =	vst v0  }
0x11d: {  	[tilespmem:s7+$0xFFFFFF20] =	vst v2;
	v0 =	vld [tilespmem:s11+$0xFFFFFFB0]  }
0x11e: {  	[tilespmem:s7+$0xFFFFFEA0] =	vst v1;
	v2 =	vld [tilespmem:s11+$0xFFFFFF30]  }
0x11f: {  	[tilespmem:s7+$0xFFFFFE20] =	vst v3;
	v1 =	vld [tilespmem:s11+$0xFFFFFEB0]  }
0x120: {  	v3 =	vld [tilespmem:s11+$0xFFFFFE30];
	_ =	sdelay $0x1  }
0x121: {  	[tilespmem:s7+$0xFFFFFFB0] =	vst v0  }
0x122: {  	[tilespmem:s7+$0xFFFFFF30] =	vst v2;
	v0 =	vld [tilespmem:s11+$0xFFFFFFC0]  }
0x123: {  	[tilespmem:s7+$0xFFFFFEB0] =	vst v1;
	v2 =	vld [tilespmem:s11+$0xFFFFFF40]  }
0x124: {  	[tilespmem:s7+$0xFFFFFE30] =	vst v3;
	v1 =	vld [tilespmem:s11+$0xFFFFFEC0]  }
0x125: {  	v3 =	vld [tilespmem:s11+$0xFFFFFE40];
	_ =	sdelay $0x1  }
0x126: {  	[tilespmem:s7+$0xFFFFFFC0] =	vst v0  }
0x127: {  	[tilespmem:s7+$0xFFFFFF40] =	vst v2;
	v0 =	vld [tilespmem:s11+$0xFFFFFFD0]  }
0x128: {  	[tilespmem:s7+$0xFFFFFEC0] =	vst v1;
	v2 =	vld [tilespmem:s11+$0xFFFFFF50]  }
0x129: {  	[tilespmem:s7+$0xFFFFFE40] =	vst v3;
	v1 =	vld [tilespmem:s11+$0xFFFFFED0]  }
0x12a: {  	v3 =	vld [tilespmem:s11+$0xFFFFFE50]  }
0x12b: {  	s9 =	simm.s32 $0x7BF0  }
0x12c: {  	v4 =	vld [tilespmem:s9+$0xFFFFFF90];
	[tilespmem:s7+$0xFFFFFFD0] =	vst v0  }
0x12d: {  	[tilespmem:s7+$0xFFFFFF50] =	vst v2;
	v2 =	vld [tilespmem:s9+$0xFFFFFE90]  }
0x12e: {  	[tilespmem:s7+$0xFFFFFED0] =	vst v1;
	v0 =	vld [tilespmem:s11+$0xFFFFFFE0]  }
0x12f: {  	[tilespmem:s7+$0xFFFFFE50] =	vst v3;
	v3 =	vld [tilespmem:s9+$0xFFFFFF10]  }
0x130: {  	s10 =	simm.s32 $0xDFF0;
	v1 =	vld [tilespmem:s11+$0xFFFFFEE0]  }
0x131: {  	v5 =	vld [tilespmem:s9+$0xFFFFFE10];
	[tilespmem:s10+$0xFFFFFF90] =	vst v4  }
0x132: {  	[tilespmem:s10+$0xFFFFFE90] =	vst v2;
	v2 =	vld [tilespmem:s9+$0xFFFFFFA0]  }
0x133: {  	[tilespmem:s7+$0xFFFFFFE0] =	vst v0;
	v4 =	vld [tilespmem:s9+$0xFFFFFEA0]  }
0x134: {  	[tilespmem:s10+$0xFFFFFF10] =	vst v3;
	v0 =	vld [tilespmem:s11+$0xFFFFFFF0]  }
0x135: {  	[tilespmem:s7+$0xFFFFFEE0] =	vst v1;
	v1 =	vld [tilespmem:s11+$0xFFFFFE60]  }
0x136: {  	[tilespmem:s10+$0xFFFFFE10] =	vst v5;
	v3 =	vld [tilespmem:s9+$0xFFFFFF20]  }
0x137: {  	v5 =	vld [tilespmem:s9+$0xFFFFFE20];
	[tilespmem:s10+$0xFFFFFFA0] =	vst v2  }
0x138: {  	[tilespmem:s10+$0xFFFFFEA0] =	vst v4;
	v2 =	vld [tilespmem:s9+$0xFFFFFFB0]  }
0x139: {  	[tilespmem:s7+$0xFFFFFFF0] =	vst v0;
	v4 =	vld [tilespmem:s9+$0xFFFFFEB0]  }
0x13a: {  	[tilespmem:s7+$0xFFFFFE60] =	vst v1;
	v0 =	vld [tilespmem:s11+$0x0]  }
0x13b: {  	v1 =	vld [tilespmem:s11+$0xFFFFFF60];
	[tilespmem:s10+$0xFFFFFF20] =	vst v3  }
0x13c: {  	[tilespmem:s10+$0xFFFFFE20] =	vst v5;
	v3 =	vld [tilespmem:s9+$0xFFFFFF30]  }
0x13d: {  	v5 =	vld [tilespmem:s9+$0xFFFFFE30];
	[tilespmem:s10+$0xFFFFFFB0] =	vst v2  }
0x13e: {  	[tilespmem:s10+$0xFFFFFEB0] =	vst v4;
	v2 =	vld [tilespmem:s9+$0xFFFFFFC0]  }
0x13f: {  	[tilespmem:s7+$0x0] =	vst v0;
	v0 =	vld [tilespmem:s11+$0xFFFFFE70]  }
0x140: {  	[tilespmem:s7+$0xFFFFFF60] =	vst v1;
	v4 =	vld [tilespmem:s9+$0xFFFFFEC0]  }
0x141: {  	v1 =	vld [tilespmem:s11+$0xFFFFFEF0];
	[tilespmem:s10+$0xFFFFFF30] =	vst v3  }
0x142: {  	[tilespmem:s10+$0xFFFFFE30] =	vst v5;
	v3 =	vld [tilespmem:s9+$0xFFFFFF40]  }
0x143: {  	v5 =	vld [tilespmem:s9+$0xFFFFFE40];
	[tilespmem:s10+$0xFFFFFFC0] =	vst v2  }
0x144: {  	[tilespmem:s7+$0xFFFFFE70] =	vst v0;
	v0 =	vld [tilespmem:s11+$0xFFFFFF70]  }
0x145: {  	[tilespmem:s10+$0xFFFFFEC0] =	vst v4;
	v4 =	vld [tilespmem:s9+$0xFFFFFFD0]  }
0x146: {  	[tilespmem:s7+$0xFFFFFEF0] =	vst v1;
	v1 =	vld [tilespmem:s11+$0xFFFFFE80]  }
0x147: {  	[tilespmem:s10+$0xFFFFFF40] =	vst v3;
	v6 =	vld [tilespmem:s9+$0xFFFFFED0]  }
0x148: {  	[tilespmem:s10+$0xFFFFFE40] =	vst v5;
	v5 =	vld [tilespmem:s9+$0xFFFFFF50]  }
0x149: {  	v2 =	vld [tilespmem:s9+$0xFFFFFE50];
	[tilespmem:s7+$0xFFFFFF70] =	vst v0  }
0x14a: {  	v0 =	vld [tilespmem:s11+$0xFFFFFF00];
	[tilespmem:s10+$0xFFFFFFD0] =	vst v4  }
0x14b: {  	[tilespmem:s7+$0xFFFFFE80] =	vst v1;
	v1 =	vld [tilespmem:s11+$0xFFFFFF80]  }
0x14c: {  	[tilespmem:s10+$0xFFFFFED0] =	vst v6;
	v4 =	vld [tilespmem:s9+$0xFFFFFFE0]  }
0x14d: {  	s15 =	simm.s32 $0x7DF0;
	s11 =	simm.s32 $0x4;
	[tilespmem:s10+$0xFFFFFF50] =	vst v5;
	v3 =	vld [tilespmem:s9+$0xFFFFFEE0]  }
.LBB2_7:
0x14e: {  	v5 =	vld [tilespmem:s15+$0xFFFFFF90];
	s11 =	sadd.s32 $0x4, s11;
	[tilespmem:s10+$0xFFFFFE50] =	vst v2  }
0x14f: {  	v2 =	vld [tilespmem:s15+$0xFFFFFE90];
	p1 =	slt.u32 s11, $0x24;
	[tilespmem:s7+$0xFFFFFF00] =	vst v0  }
0x150: {  	v0 =	vld [tilespmem:s15+$0xFFFFFF10];
	[tilespmem:s7+$0xFFFFFF80] =	vst v1;
	s7 =	smov.u32 s10  }
0x151: {  	v1 =	vld [tilespmem:s15+$0xFFFFFE10];
	[tilespmem:s10+$0xFFFFFFE0] =	vst v4  }
0x152: {  	s10 =	sadd.s32 $0x200, s10;
	[tilespmem:s7+$0xFFFFFEE0] =	vst v3;
	v3 =	vld [tilespmem:s9+$0xFFFFFFF0]  }
0x153: {  	[tilespmem:s10+$0xFFFFFF90] =	vst v5;
	v4 =	vld [tilespmem:s9+$0xFFFFFE60]  }
0x154: {  	[tilespmem:s10+$0xFFFFFE90] =	vst v2;
	v2 =	vld [tilespmem:s15+$0xFFFFFFA0]  }
0x155: {  	v5 =	vld [tilespmem:s15+$0xFFFFFEA0];
	[tilespmem:s10+$0xFFFFFF10] =	vst v0  }
0x156: {  	[tilespmem:s10+$0xFFFFFE10] =	vst v1;
	v0 =	vld [tilespmem:s15+$0xFFFFFF20]  }
0x157: {  	v1 =	vld [tilespmem:s15+$0xFFFFFE20];
	[tilespmem:s7+$0xFFFFFFF0] =	vst v3  }
0x158: {  	[tilespmem:s7+$0xFFFFFE60] =	vst v4;
	v3 =	vld [tilespmem:s9+$0x0]  }
0x159: {  	[tilespmem:s10+$0xFFFFFFA0] =	vst v2;
	v2 =	vld [tilespmem:s9+$0xFFFFFF60]  }
0x15a: {  	[tilespmem:s10+$0xFFFFFEA0] =	vst v5;
	v4 =	vld [tilespmem:s15+$0xFFFFFFB0]  }
0x15b: {  	v5 =	vld [tilespmem:s15+$0xFFFFFEB0];
	[tilespmem:s10+$0xFFFFFF20] =	vst v0  }
0x15c: {  	[tilespmem:s10+$0xFFFFFE20] =	vst v1;
	v0 =	vld [tilespmem:s15+$0xFFFFFF30]  }
0x15d: {  	v1 =	vld [tilespmem:s15+$0xFFFFFE30];
	[tilespmem:s7+$0x0] =	vst v3  }
0x15e: {  	v3 =	vld [tilespmem:s9+$0xFFFFFE70];
	[tilespmem:s7+$0xFFFFFF60] =	vst v2  }
0x15f: {  	[tilespmem:s10+$0xFFFFFFB0] =	vst v4;
	v2 =	vld [tilespmem:s9+$0xFFFFFEF0]  }
0x160: {  	[tilespmem:s10+$0xFFFFFEB0] =	vst v5;
	v4 =	vld [tilespmem:s15+$0xFFFFFFC0]  }
0x161: {  	v5 =	vld [tilespmem:s15+$0xFFFFFEC0];
	[tilespmem:s10+$0xFFFFFF30] =	vst v0  }
0x162: {  	[tilespmem:s10+$0xFFFFFE30] =	vst v1;
	v0 =	vld [tilespmem:s15+$0xFFFFFF40]  }
0x163: {  	v1 =	vld [tilespmem:s15+$0xFFFFFE40];
	[tilespmem:s7+$0xFFFFFE70] =	vst v3  }
0x164: {  	[tilespmem:s7+$0xFFFFFEF0] =	vst v2;
	v3 =	vld [tilespmem:s9+$0xFFFFFF70]  }
0x165: {  	[tilespmem:s10+$0xFFFFFFC0] =	vst v4;
	v4 =	vld [tilespmem:s9+$0xFFFFFE80]  }
0x166: {  	[tilespmem:s10+$0xFFFFFEC0] =	vst v5;
	v5 =	vld [tilespmem:s15+$0xFFFFFFD0]  }
0x167: {  	v6 =	vld [tilespmem:s15+$0xFFFFFED0];
	[tilespmem:s10+$0xFFFFFF40] =	vst v0  }
0x168: {  	[tilespmem:s10+$0xFFFFFE40] =	vst v1;
	v7 =	vld [tilespmem:s15+$0xFFFFFF50]  }
.Ltmp2:
0x169: {  	v2 =	vld [tilespmem:s15+$0xFFFFFE50];
	[tilespmem:s7+$0xFFFFFF70] =	vst v3;
	(pc) =	sbr.rel @p1 .LBB2_7-.Ltmp2, $4  }
0x16a: {  	[tilespmem:s7+$0xFFFFFE80] =	vst v4;
	v0 =	vld [tilespmem:s9+$0xFFFFFF00]  }
0x16b: {  	[tilespmem:s10+$0xFFFFFFD0] =	vst v5;
	v1 =	vld [tilespmem:s9+$0xFFFFFF80];
	s9 =	smov.u32 s15  }
0x16c: {  	[tilespmem:s10+$0xFFFFFED0] =	vst v6;
	v4 =	vld [tilespmem:s15+$0xFFFFFFE0]  }
0x16d: {  	s15 =	sadd.s32 $0x200, s15;
	v3 =	vld [tilespmem:s9+$0xFFFFFEE0];
	[tilespmem:s10+$0xFFFFFF50] =	vst v7  }
0x16e: {  	[tilespmem:s10+$0xFFFFFE50] =	vst v2;
	v5 =	vld [tilespmem:s9+$0xFFFFFF60]  }
0x16f: {  	v2 =	vld [tilespmem:s9+$0xFFFFFE60];
	_ =	sdelay $0x1  }
0x170: {  	[tilespmem:s10+$0xFFFFFFE0] =	vst v4  }
0x171: {  	v4 =	vld [tilespmem:s9+$0xFFFFFFF0];
	[tilespmem:s10+$0xFFFFFEE0] =	vst v3  }
0x172: {  	[tilespmem:s10+$0xFFFFFF60] =	vst v5;
	v3 =	vld [tilespmem:s9+$0xFFFFFEF0]  }
0x173: {  	[tilespmem:s10+$0xFFFFFE60] =	vst v2;
	v5 =	vld [tilespmem:s9+$0xFFFFFF70]  }
0x174: {  	v2 =	vld [tilespmem:s9+$0xFFFFFE70]  }
0x175: {  	[tilespmem:s7+$0xFFFFFF00] =	vst v0  }
0x176: {  	[tilespmem:s10+$0xFFFFFFF0] =	vst v4  }
0x177: {  	v4 =	vld [tilespmem:s9+$0x0];
	[tilespmem:s10+$0xFFFFFEF0] =	vst v3  }
0x178: {  	[tilespmem:s10+$0xFFFFFF70] =	vst v5;
	v3 =	vld [tilespmem:s9+$0xFFFFFF00]  }
0x179: {  	[tilespmem:s10+$0xFFFFFE70] =	vst v2;
	v0 =	vld [tilespmem:s9+$0xFFFFFF80]  }
0x17a: {  	v2 =	vld [tilespmem:s9+$0xFFFFFE80]  }
0x17b: {  	[tilespmem:s7+$0xFFFFFF80] =	vst v1  }
0x17c: {  	[tilespmem:s10+$0x0] =	vst v4  }
0x17d: {  	[tilespmem:s10+$0xFFFFFF00] =	vst v3  }
0x17e: {  	[tilespmem:s10+$0xFFFFFF80] =	vst v0  }
0x17f: {  	s15 =	sadd.s32 $0x100, s14;
	s7 =	simm.s32 @!p0 $0x8;
	[tilespmem:s10+$0xFFFFFE80] =	vst v2  }
0x180: {  	[tilespmem:s20], [sflag:$0x3] =	stream.indirect.gather.add.f32 [hbm:s1], $0x80, s15, s17, $0xb8;
	[tilespmem:$0x17C00] =	vst v63  }
0x181: {  	_ =	swait.ge @!p0 [sflag:s7], $0x1400  }
0x182: {  	s9 =	sadd.s32 @!p0 $0x2800, s16;
	[sflag:s7] =	ssyncset.done @!p0 $0x0  }
0x183: {  	[sflag:s7] =	ssyncadd.s32 @!p0 $0xFFFFEC00;
	s7 =	sshrl.u32 @!p0 s9, $0x3  }
0x184: {  	s10 =	simm.s32 @!p0 $0x14000;
	s9 =	simm.s32 @!p0 $0x0;
	s7 =	sadd.s32 @!p0 s4, s7  }
0x185: {  	[hbm4b:s7+s9] =	stream.linear.scatter @!p0 [tilespmem:s10], [sflag:$0x12], $0x1400, $0x38;
	[tilespmem:$0x17C00] =	vst v63  }
0x186: {  	s7 =	simm.s32 @!p0 $0xE  }
0x187: {  	_ =	swait.ge @!p0 [sflag:s7], $0x1400  }
0x188: {  	[sflag:s7] =	ssyncset.done @!p0 $0x0  }
0x189: {  	s11 =	simm.s32 $0x8DF0;
	[sflag:s7] =	ssyncadd.s32 @!p0 $0xFFFFEC00  }
0x18a: {  	v0 =	vld [tilespmem:s11+$0xFFFFFF90]  }
0x18b: {  	v2 =	vld [tilespmem:s11+$0xFFFFFF10]  }
0x18c: {  	v1 =	vld [tilespmem:s11+$0xFFFFFE90]  }
0x18d: {  	v3 =	vld [tilespmem:s11+$0xFFFFFE10]  }
0x18e: {  	s7 =	simm.s32 $0xF1F0  }
0x18f: {  	[tilespmem:s7+$0xFFFFFF90] =	vst v0  }
0x190: {  	[tilespmem:s7+$0xFFFFFF10] =	vst v2;
	v0 =	vld [tilespmem:s11+$0xFFFFFFA0]  }
0x191: {  	[tilespmem:s7+$0xFFFFFE90] =	vst v1;
	v2 =	vld [tilespmem:s11+$0xFFFFFF20]  }
0x192: {  	[tilespmem:s7+$0xFFFFFE10] =	vst v3;
	v1 =	vld [tilespmem:s11+$0xFFFFFEA0]  }
0x193: {  	v3 =	vld [tilespmem:s11+$0xFFFFFE20];
	_ =	sdelay $0x1  }
0x194: {  	[tilespmem:s7+$0xFFFFFFA0] =	vst v0  }
0x195: {  	[tilespmem:s7+$0xFFFFFF20] =	vst v2;
	v0 =	vld [tilespmem:s11+$0xFFFFFFB0]  }
0x196: {  	[tilespmem:s7+$0xFFFFFEA0] =	vst v1;
	v2 =	vld [tilespmem:s11+$0xFFFFFF30]  }
0x197: {  	[tilespmem:s7+$0xFFFFFE20] =	vst v3;
	v1 =	vld [tilespmem:s11+$0xFFFFFEB0]  }
0x198: {  	v3 =	vld [tilespmem:s11+$0xFFFFFE30];
	_ =	sdelay $0x1  }
0x199: {  	[tilespmem:s7+$0xFFFFFFB0] =	vst v0  }
0x19a: {  	[tilespmem:s7+$0xFFFFFF30] =	vst v2;
	v0 =	vld [tilespmem:s11+$0xFFFFFFC0]  }
0x19b: {  	[tilespmem:s7+$0xFFFFFEB0] =	vst v1;
	v2 =	vld [tilespmem:s11+$0xFFFFFF40]  }
0x19c: {  	[tilespmem:s7+$0xFFFFFE30] =	vst v3;
	v1 =	vld [tilespmem:s11+$0xFFFFFEC0]  }
0x19d: {  	v3 =	vld [tilespmem:s11+$0xFFFFFE40];
	_ =	sdelay $0x1  }
0x19e: {  	[tilespmem:s7+$0xFFFFFFC0] =	vst v0  }
0x19f: {  	[tilespmem:s7+$0xFFFFFF40] =	vst v2;
	v0 =	vld [tilespmem:s11+$0xFFFFFFD0]  }
0x1a0: {  	[tilespmem:s7+$0xFFFFFEC0] =	vst v1;
	v2 =	vld [tilespmem:s11+$0xFFFFFF50]  }
0x1a1: {  	[tilespmem:s7+$0xFFFFFE40] =	vst v3;
	v1 =	vld [tilespmem:s11+$0xFFFFFED0]  }
0x1a2: {  	v3 =	vld [tilespmem:s11+$0xFFFFFE50]  }
0x1a3: {  	s9 =	simm.s32 $0x8FF0  }
0x1a4: {  	v4 =	vld [tilespmem:s9+$0xFFFFFF90];
	[tilespmem:s7+$0xFFFFFFD0] =	vst v0  }
0x1a5: {  	[tilespmem:s7+$0xFFFFFF50] =	vst v2;
	v2 =	vld [tilespmem:s9+$0xFFFFFE90]  }
0x1a6: {  	[tilespmem:s7+$0xFFFFFED0] =	vst v1;
	v0 =	vld [tilespmem:s11+$0xFFFFFFE0]  }
0x1a7: {  	[tilespmem:s7+$0xFFFFFE50] =	vst v3;
	v3 =	vld [tilespmem:s9+$0xFFFFFF10]  }
0x1a8: {  	s10 =	simm.s32 $0xF3F0;
	v1 =	vld [tilespmem:s11+$0xFFFFFEE0]  }
0x1a9: {  	v5 =	vld [tilespmem:s9+$0xFFFFFE10];
	[tilespmem:s10+$0xFFFFFF90] =	vst v4  }
0x1aa: {  	[tilespmem:s10+$0xFFFFFE90] =	vst v2;
	v2 =	vld [tilespmem:s9+$0xFFFFFFA0]  }
0x1ab: {  	[tilespmem:s7+$0xFFFFFFE0] =	vst v0;
	v4 =	vld [tilespmem:s9+$0xFFFFFEA0]  }
0x1ac: {  	[tilespmem:s10+$0xFFFFFF10] =	vst v3;
	v0 =	vld [tilespmem:s11+$0xFFFFFFF0]  }
0x1ad: {  	[tilespmem:s7+$0xFFFFFEE0] =	vst v1;
	v1 =	vld [tilespmem:s11+$0xFFFFFE60]  }
0x1ae: {  	[tilespmem:s10+$0xFFFFFE10] =	vst v5;
	v3 =	vld [tilespmem:s9+$0xFFFFFF20]  }
0x1af: {  	v5 =	vld [tilespmem:s9+$0xFFFFFE20];
	[tilespmem:s10+$0xFFFFFFA0] =	vst v2  }
0x1b0: {  	[tilespmem:s10+$0xFFFFFEA0] =	vst v4;
	v2 =	vld [tilespmem:s9+$0xFFFFFFB0]  }
0x1b1: {  	[tilespmem:s7+$0xFFFFFFF0] =	vst v0;
	v4 =	vld [tilespmem:s9+$0xFFFFFEB0]  }
0x1b2: {  	[tilespmem:s7+$0xFFFFFE60] =	vst v1;
	v0 =	vld [tilespmem:s11+$0x0]  }
0x1b3: {  	v1 =	vld [tilespmem:s11+$0xFFFFFF60];
	[tilespmem:s10+$0xFFFFFF20] =	vst v3  }
0x1b4: {  	[tilespmem:s10+$0xFFFFFE20] =	vst v5;
	v3 =	vld [tilespmem:s9+$0xFFFFFF30]  }
0x1b5: {  	v5 =	vld [tilespmem:s9+$0xFFFFFE30];
	[tilespmem:s10+$0xFFFFFFB0] =	vst v2  }
0x1b6: {  	[tilespmem:s10+$0xFFFFFEB0] =	vst v4;
	v2 =	vld [tilespmem:s9+$0xFFFFFFC0]  }
0x1b7: {  	[tilespmem:s7+$0x0] =	vst v0;
	v0 =	vld [tilespmem:s11+$0xFFFFFE70]  }
0x1b8: {  	[tilespmem:s7+$0xFFFFFF60] =	vst v1;
	v4 =	vld [tilespmem:s9+$0xFFFFFEC0]  }
0x1b9: {  	v1 =	vld [tilespmem:s11+$0xFFFFFEF0];
	[tilespmem:s10+$0xFFFFFF30] =	vst v3  }
0x1ba: {  	[tilespmem:s10+$0xFFFFFE30] =	vst v5;
	v3 =	vld [tilespmem:s9+$0xFFFFFF40]  }
0x1bb: {  	v5 =	vld [tilespmem:s9+$0xFFFFFE40];
	[tilespmem:s10+$0xFFFFFFC0] =	vst v2  }
0x1bc: {  	[tilespmem:s7+$0xFFFFFE70] =	vst v0;
	v0 =	vld [tilespmem:s11+$0xFFFFFF70]  }
0x1bd: {  	[tilespmem:s10+$0xFFFFFEC0] =	vst v4;
	v4 =	vld [tilespmem:s9+$0xFFFFFFD0]  }
0x1be: {  	[tilespmem:s7+$0xFFFFFEF0] =	vst v1;
	v1 =	vld [tilespmem:s11+$0xFFFFFE80]  }
0x1bf: {  	[tilespmem:s10+$0xFFFFFF40] =	vst v3;
	v6 =	vld [tilespmem:s9+$0xFFFFFED0]  }
0x1c0: {  	[tilespmem:s10+$0xFFFFFE40] =	vst v5;
	v5 =	vld [tilespmem:s9+$0xFFFFFF50]  }
0x1c1: {  	v2 =	vld [tilespmem:s9+$0xFFFFFE50];
	[tilespmem:s7+$0xFFFFFF70] =	vst v0  }
0x1c2: {  	v0 =	vld [tilespmem:s11+$0xFFFFFF00];
	[tilespmem:s10+$0xFFFFFFD0] =	vst v4  }
0x1c3: {  	[tilespmem:s7+$0xFFFFFE80] =	vst v1;
	v1 =	vld [tilespmem:s11+$0xFFFFFF80]  }
0x1c4: {  	[tilespmem:s10+$0xFFFFFED0] =	vst v6;
	v4 =	vld [tilespmem:s9+$0xFFFFFFE0]  }
0x1c5: {  	s15 =	simm.s32 $0x91F0;
	s11 =	simm.s32 $0x4;
	[tilespmem:s10+$0xFFFFFF50] =	vst v5;
	v3 =	vld [tilespmem:s9+$0xFFFFFEE0]  }
.LBB2_9:
0x1c6: {  	v5 =	vld [tilespmem:s15+$0xFFFFFF90];
	s11 =	sadd.s32 $0x4, s11;
	[tilespmem:s10+$0xFFFFFE50] =	vst v2  }
0x1c7: {  	v2 =	vld [tilespmem:s15+$0xFFFFFE90];
	p1 =	slt.u32 s11, $0x24;
	[tilespmem:s7+$0xFFFFFF00] =	vst v0  }
0x1c8: {  	v0 =	vld [tilespmem:s15+$0xFFFFFF10];
	[tilespmem:s7+$0xFFFFFF80] =	vst v1;
	s7 =	smov.u32 s10  }
0x1c9: {  	v1 =	vld [tilespmem:s15+$0xFFFFFE10];
	[tilespmem:s10+$0xFFFFFFE0] =	vst v4  }
0x1ca: {  	s10 =	sadd.s32 $0x200, s10;
	[tilespmem:s7+$0xFFFFFEE0] =	vst v3;
	v3 =	vld [tilespmem:s9+$0xFFFFFFF0]  }
0x1cb: {  	[tilespmem:s10+$0xFFFFFF90] =	vst v5;
	v4 =	vld [tilespmem:s9+$0xFFFFFE60]  }
0x1cc: {  	[tilespmem:s10+$0xFFFFFE90] =	vst v2;
	v2 =	vld [tilespmem:s15+$0xFFFFFFA0]  }
0x1cd: {  	v5 =	vld [tilespmem:s15+$0xFFFFFEA0];
	[tilespmem:s10+$0xFFFFFF10] =	vst v0  }
0x1ce: {  	[tilespmem:s10+$0xFFFFFE10] =	vst v1;
	v0 =	vld [tilespmem:s15+$0xFFFFFF20]  }
0x1cf: {  	v1 =	vld [tilespmem:s15+$0xFFFFFE20];
	[tilespmem:s7+$0xFFFFFFF0] =	vst v3  }
0x1d0: {  	[tilespmem:s7+$0xFFFFFE60] =	vst v4;
	v3 =	vld [tilespmem:s9+$0x0]  }
0x1d1: {  	[tilespmem:s10+$0xFFFFFFA0] =	vst v2;
	v2 =	vld [tilespmem:s9+$0xFFFFFF60]  }
0x1d2: {  	[tilespmem:s10+$0xFFFFFEA0] =	vst v5;
	v4 =	vld [tilespmem:s15+$0xFFFFFFB0]  }
0x1d3: {  	v5 =	vld [tilespmem:s15+$0xFFFFFEB0];
	[tilespmem:s10+$0xFFFFFF20] =	vst v0  }
0x1d4: {  	[tilespmem:s10+$0xFFFFFE20] =	vst v1;
	v0 =	vld [tilespmem:s15+$0xFFFFFF30]  }
0x1d5: {  	v1 =	vld [tilespmem:s15+$0xFFFFFE30];
	[tilespmem:s7+$0x0] =	vst v3  }
0x1d6: {  	v3 =	vld [tilespmem:s9+$0xFFFFFE70];
	[tilespmem:s7+$0xFFFFFF60] =	vst v2  }
0x1d7: {  	[tilespmem:s10+$0xFFFFFFB0] =	vst v4;
	v2 =	vld [tilespmem:s9+$0xFFFFFEF0]  }
0x1d8: {  	[tilespmem:s10+$0xFFFFFEB0] =	vst v5;
	v4 =	vld [tilespmem:s15+$0xFFFFFFC0]  }
0x1d9: {  	v5 =	vld [tilespmem:s15+$0xFFFFFEC0];
	[tilespmem:s10+$0xFFFFFF30] =	vst v0  }
0x1da: {  	[tilespmem:s10+$0xFFFFFE30] =	vst v1;
	v0 =	vld [tilespmem:s15+$0xFFFFFF40]  }
0x1db: {  	v1 =	vld [tilespmem:s15+$0xFFFFFE40];
	[tilespmem:s7+$0xFFFFFE70] =	vst v3  }
0x1dc: {  	[tilespmem:s7+$0xFFFFFEF0] =	vst v2;
	v3 =	vld [tilespmem:s9+$0xFFFFFF70]  }
0x1dd: {  	[tilespmem:s10+$0xFFFFFFC0] =	vst v4;
	v4 =	vld [tilespmem:s9+$0xFFFFFE80]  }
0x1de: {  	[tilespmem:s10+$0xFFFFFEC0] =	vst v5;
	v5 =	vld [tilespmem:s15+$0xFFFFFFD0]  }
0x1df: {  	v6 =	vld [tilespmem:s15+$0xFFFFFED0];
	[tilespmem:s10+$0xFFFFFF40] =	vst v0  }
0x1e0: {  	[tilespmem:s10+$0xFFFFFE40] =	vst v1;
	v7 =	vld [tilespmem:s15+$0xFFFFFF50]  }
.Ltmp3:
0x1e1: {  	v2 =	vld [tilespmem:s15+$0xFFFFFE50];
	[tilespmem:s7+$0xFFFFFF70] =	vst v3;
	(pc) =	sbr.rel @p1 .LBB2_9-.Ltmp3, $4  }
0x1e2: {  	[tilespmem:s7+$0xFFFFFE80] =	vst v4;
	v0 =	vld [tilespmem:s9+$0xFFFFFF00]  }
0x1e3: {  	[tilespmem:s10+$0xFFFFFFD0] =	vst v5;
	v1 =	vld [tilespmem:s9+$0xFFFFFF80];
	s9 =	smov.u32 s15  }
0x1e4: {  	[tilespmem:s10+$0xFFFFFED0] =	vst v6;
	v4 =	vld [tilespmem:s15+$0xFFFFFFE0]  }
0x1e5: {  	s15 =	sadd.s32 $0x200, s15;
	v3 =	vld [tilespmem:s9+$0xFFFFFEE0];
	[tilespmem:s10+$0xFFFFFF50] =	vst v7  }
0x1e6: {  	[tilespmem:s10+$0xFFFFFE50] =	vst v2;
	v5 =	vld [tilespmem:s9+$0xFFFFFF60]  }
0x1e7: {  	v2 =	vld [tilespmem:s9+$0xFFFFFE60];
	_ =	sdelay $0x1  }
0x1e8: {  	[tilespmem:s10+$0xFFFFFFE0] =	vst v4  }
0x1e9: {  	v4 =	vld [tilespmem:s9+$0xFFFFFFF0];
	[tilespmem:s10+$0xFFFFFEE0] =	vst v3  }
0x1ea: {  	[tilespmem:s10+$0xFFFFFF60] =	vst v5;
	v3 =	vld [tilespmem:s9+$0xFFFFFEF0]  }
0x1eb: {  	[tilespmem:s10+$0xFFFFFE60] =	vst v2;
	v5 =	vld [tilespmem:s9+$0xFFFFFF70]  }
0x1ec: {  	v2 =	vld [tilespmem:s9+$0xFFFFFE70]  }
0x1ed: {  	[tilespmem:s7+$0xFFFFFF00] =	vst v0  }
0x1ee: {  	[tilespmem:s10+$0xFFFFFFF0] =	vst v4  }
0x1ef: {  	v4 =	vld [tilespmem:s9+$0x0];
	[tilespmem:s10+$0xFFFFFEF0] =	vst v3  }
0x1f0: {  	[tilespmem:s10+$0xFFFFFF70] =	vst v5;
	v3 =	vld [tilespmem:s9+$0xFFFFFF00]  }
0x1f1: {  	[tilespmem:s10+$0xFFFFFE70] =	vst v2;
	v0 =	vld [tilespmem:s9+$0xFFFFFF80]  }
0x1f2: {  	v2 =	vld [tilespmem:s9+$0xFFFFFE80]  }
0x1f3: {  	[tilespmem:s7+$0xFFFFFF80] =	vst v1  }
0x1f4: {  	[tilespmem:s10+$0x0] =	vst v4  }
0x1f5: {  	[tilespmem:s10+$0xFFFFFF00] =	vst v3  }
0x1f6: {  	[tilespmem:s10+$0xFFFFFF80] =	vst v0  }
0x1f7: {  	s15 =	sadd.s32 $0x180, s14;
	s7 =	simm.s32 @!p0 $0x9;
	[tilespmem:s10+$0xFFFFFE80] =	vst v2  }
0x1f8: {  	[tilespmem:s21], [sflag:$0x4] =	stream.indirect.gather.add.f32 [hbm:s1], $0x80, s15, s17, $0xb8;
	[tilespmem:$0x17C00] =	vst v63  }
0x1f9: {  	_ =	swait.ge @!p0 [sflag:s7], $0x1400  }
0x1fa: {  	s9 =	sadd.s32 @!p0 $0x3C00, s16;
	[sflag:s7] =	ssyncset.done @!p0 $0x0  }
0x1fb: {  	[sflag:s7] =	ssyncadd.s32 @!p0 $0xFFFFEC00;
	s7 =	sshrl.u32 @!p0 s9, $0x3  }
0x1fc: {  	s10 =	simm.s32 @!p0 $0x15400;
	s9 =	simm.s32 @!p0 $0x0;
	s7 =	sadd.s32 @!p0 s4, s7  }
0x1fd: {  	[hbm4b:s7+s9] =	stream.linear.scatter @!p0 [tilespmem:s10], [sflag:$0x13], $0x1400, $0x38;
	[tilespmem:$0x17C00] =	vst v63  }
0x1fe: {  	s7 =	simm.s32 @!p0 $0xF  }
0x1ff: {  	_ =	swait.ge @!p0 [sflag:s7], $0x1400  }
0x200: {  	[sflag:s7] =	ssyncset.done @!p0 $0x0  }
0x201: {  	[sflag:s7] =	ssyncadd.s32 @!p0 $0xFFFFEC00;
	s7 =	simm.s32 $0x0  }
0x202: {  	v0 =	vld [tilespmem:s7+$0xA1F0]  }
0x203: {  	v1 =	vld [tilespmem:s7+$0xA000]  }
0x204: {  	v6 =	vld [tilespmem:s7+$0xA080]  }
0x205: {  	v2 =	vld [tilespmem:s7+$0xA010]  }
0x206: {  	v7 =	vld [tilespmem:s7+$0xA090]  }
0x207: {  	v3 =	vld [tilespmem:s7+$0xA020];
	[tilespmem:s7+$0x105F0] =	vst v0  }
0x208: {  	v8 =	vld [tilespmem:s7+$0xA0A0];
	[tilespmem:s7+$0x10400] =	vst v1  }
0x209: {  	v4 =	vld [tilespmem:s7+$0xA030];
	[tilespmem:s7+$0x10480] =	vst v6  }
0x20a: {  	v5 =	vld [tilespmem:s7+$0xA040];
	[tilespmem:s7+$0x10410] =	vst v2  }
0x20b: {  	v62 =	vld [tilespmem:s7+$0xA070];
	[tilespmem:s7+$0x10490] =	vst v7  }
0x20c: {  	v63 =	vld [tilespmem:s7+$0xA130];
	[tilespmem:s7+$0x10420] =	vst v3  }
0x20d: {  	v6 =	vld [tilespmem:s7+$0xA050];
	[tilespmem:s7+$0x104A0] =	vst v8  }
0x20e: {  	v7 =	vld [tilespmem:s7+$0xA060];
	[tilespmem:s7+$0x10430] =	vst v4  }
0x20f: {  	v0 =	vld [tilespmem:s7+$0xA0B0];
	[tilespmem:s7+$0x10440] =	vst v5  }
0x210: {  	v5 =	vld [tilespmem:s7+$0xA100];
	[tilespmem:s7+$0x10470] =	vst v62  }
0x211: {  	v1 =	vld [tilespmem:s7+$0xA0C0];
	[tilespmem:s7+$0x10530] =	vst v63  }
0x212: {  	v2 =	vld [tilespmem:s7+$0xA0D0];
	[tilespmem:s7+$0x10450] =	vst v6  }
0x213: {  	v3 =	vld [tilespmem:s7+$0xA0E0];
	[tilespmem:s7+$0x10460] =	vst v7  }
0x214: {  	v4 =	vld [tilespmem:s7+$0xA0F0];
	[tilespmem:s7+$0x104B0] =	vst v0  }
0x215: {  	v6 =	vld [tilespmem:s7+$0xA110];
	[tilespmem:s7+$0x10500] =	vst v5  }
0x216: {  	v7 =	vld [tilespmem:s7+$0xA120];
	[tilespmem:s7+$0x104C0] =	vst v1  }
0x217: {  	v0 =	vld [tilespmem:s7+$0xA140];
	[tilespmem:s7+$0x104D0] =	vst v2  }
0x218: {  	v1 =	vld [tilespmem:s7+$0xA150];
	[tilespmem:s7+$0x104E0] =	vst v3  }
0x219: {  	v5 =	vld [tilespmem:s7+$0xA160];
	[tilespmem:s7+$0x104F0] =	vst v4  }
0x21a: {  	v4 =	vld [tilespmem:s7+$0xA180];
	[tilespmem:s7+$0x10510] =	vst v6  }
0x21b: {  	[tilespmem:s7+$0x10520] =	vst v7;
	v6 =	vld [tilespmem:s7+$0xA170]  }
0x21c: {  	v2 =	vld [tilespmem:s7+$0xA190];
	[tilespmem:s7+$0x10540] =	vst v0  }
0x21d: {  	v0 =	vld [tilespmem:s7+$0xA1A0];
	[tilespmem:s7+$0x10550] =	vst v1  }
0x21e: {  	v1 =	vld [tilespmem:s7+$0xA1B0];
	[tilespmem:s7+$0x10560] =	vst v5  }
0x21f: {  	v3 =	vld [tilespmem:s7+$0xA1C0];
	[tilespmem:s7+$0x10580] =	vst v4  }
0x220: {  	s9 =	simm.s32 $0x0;
	s10 =	simm.s32 $0x800;
	v4 =	vld [tilespmem:s7+$0xA1D0];
	[tilespmem:s7+$0x10570] =	vst v6  }
.LBB2_11:
0x221: {  	s11 =	sshra.s32 s10, $0x2;
	s9 =	sadd.s32 $0x4, s9;
	[tilespmem:s7+$0x10590] =	vst v2;
	v2 =	vld [tilespmem:s7+$0xA1E0]  }
0x222: {  	v5 =	vld [tilespmem:s11+$0xA1F0];
	p1 =	slt.u32 s9, $0x24;
	[tilespmem:s7+$0x105A0] =	vst v0  }
0x223: {  	v0 =	vld [tilespmem:s11+$0xA000];
	[tilespmem:s7+$0x105B0] =	vst v1  }
0x224: {  	v1 =	vld [tilespmem:s11+$0xA010];
	[tilespmem:s7+$0x105C0] =	vst v3  }
0x225: {  	v3 =	vld [tilespmem:s11+$0xA020];
	[tilespmem:s7+$0x105D0] =	vst v4  }
0x226: {  	v4 =	vld [tilespmem:s11+$0xA030];
	[tilespmem:s7+$0x105E0] =	vst v2;
	s7 =	smov.u32 s11  }
0x227: {  	v2 =	vld [tilespmem:s7+$0xA040];
	[tilespmem:s7+$0x105F0] =	vst v5  }
0x228: {  	[tilespmem:s7+$0x10400] =	vst v0;
	v0 =	vld [tilespmem:s7+$0xA050]  }
0x229: {  	[tilespmem:s7+$0x10410] =	vst v1;
	v1 =	vld [tilespmem:s7+$0xA060]  }
0x22a: {  	[tilespmem:s7+$0x10420] =	vst v3;
	v3 =	vld [tilespmem:s7+$0xA070]  }
0x22b: {  	[tilespmem:s7+$0x10430] =	vst v4;
	v4 =	vld [tilespmem:s7+$0xA080]  }
0x22c: {  	[tilespmem:s7+$0x10440] =	vst v2;
	v2 =	vld [tilespmem:s7+$0xA090]  }
0x22d: {  	[tilespmem:s7+$0x10450] =	vst v0;
	v0 =	vld [tilespmem:s7+$0xA0A0]  }
0x22e: {  	[tilespmem:s7+$0x10460] =	vst v1;
	v1 =	vld [tilespmem:s7+$0xA0B0]  }
0x22f: {  	[tilespmem:s7+$0x10470] =	vst v3;
	v3 =	vld [tilespmem:s7+$0xA0C0]  }
0x230: {  	[tilespmem:s7+$0x10480] =	vst v4;
	v4 =	vld [tilespmem:s7+$0xA0D0]  }
0x231: {  	[tilespmem:s7+$0x10490] =	vst v2;
	v2 =	vld [tilespmem:s7+$0xA0E0]  }
0x232: {  	[tilespmem:s7+$0x104A0] =	vst v0;
	v0 =	vld [tilespmem:s7+$0xA0F0]  }
0x233: {  	[tilespmem:s7+$0x104B0] =	vst v1;
	v1 =	vld [tilespmem:s7+$0xA100]  }
0x234: {  	[tilespmem:s7+$0x104C0] =	vst v3;
	v3 =	vld [tilespmem:s7+$0xA110]  }
0x235: {  	[tilespmem:s7+$0x104D0] =	vst v4;
	v4 =	vld [tilespmem:s7+$0xA120]  }
0x236: {  	[tilespmem:s7+$0x104E0] =	vst v2;
	v2 =	vld [tilespmem:s7+$0xA130]  }
0x237: {  	[tilespmem:s7+$0x104F0] =	vst v0;
	v0 =	vld [tilespmem:s7+$0xA140]  }
0x238: {  	[tilespmem:s7+$0x10500] =	vst v1;
	v1 =	vld [tilespmem:s7+$0xA150]  }
0x239: {  	[tilespmem:s7+$0x10510] =	vst v3;
	v3 =	vld [tilespmem:s7+$0xA160]  }
0x23a: {  	[tilespmem:s7+$0x10520] =	vst v4;
	v4 =	vld [tilespmem:s7+$0xA170]  }
0x23b: {  	[tilespmem:s7+$0x10530] =	vst v2;
	v5 =	vld [tilespmem:s7+$0xA180]  }
.Ltmp4:
0x23c: {  	[tilespmem:s7+$0x10540] =	vst v0;
	v2 =	vld [tilespmem:s7+$0xA190];
	(pc) =	sbr.rel @p1 .LBB2_11-.Ltmp4, $4  }
0x23d: {  	[tilespmem:s7+$0x10550] =	vst v1;
	v0 =	vld [tilespmem:s7+$0xA1A0]  }
0x23e: {  	[tilespmem:s7+$0x10560] =	vst v3;
	v1 =	vld [tilespmem:s7+$0xA1B0]  }
0x23f: {  	[tilespmem:s7+$0x10570] =	vst v4;
	v3 =	vld [tilespmem:s7+$0xA1C0]  }
0x240: {  	s10 =	sadd.s32 $0x800, s10;
	[tilespmem:s7+$0x10580] =	vst v5;
	v4 =	vld [tilespmem:s7+$0xA1D0]  }
0x241: {  	[tilespmem:s7+$0x10590] =	vst v2;
	v2 =	vld [tilespmem:s7+$0xA1E0]  }
0x242: {  	[tilespmem:s7+$0x105A0] =	vst v0  }
0x243: {  	[tilespmem:s7+$0x105B0] =	vst v1  }
0x244: {  	[tilespmem:s7+$0x105C0] =	vst v3  }
0x245: {  	[tilespmem:s7+$0x105D0] =	vst v4  }
0x246: {  	s15 =	sadd.s32 $0x200, s14;
	[tilespmem:s7+$0x105E0] =	vst v2;
	s7 =	simm.s32 @!p0 $0xA  }
0x247: {  	[tilespmem:s22], [sflag:$0x5] =	stream.indirect.gather.add.f32 [hbm:s1], $0x80, s15, s17, $0xb8;
	[tilespmem:$0x17C00] =	vst v63  }
0x248: {  	_ =	swait.ge @!p0 [sflag:s7], $0x1400  }
0x249: {  	s9 =	sadd.s32 @!p0 $0x5000, s16;
	[sflag:s7] =	ssyncset.done @!p0 $0x0  }
0x24a: {  	[sflag:s7] =	ssyncadd.s32 @!p0 $0xFFFFEC00;
	s7 =	sshrl.u32 @!p0 s9, $0x3  }
0x24b: {  	s10 =	simm.s32 @!p0 $0x16800;
	s9 =	simm.s32 @!p0 $0x0;
	s7 =	sadd.s32 @!p0 s4, s7  }
0x24c: {  	[hbm4b:s7+s9] =	stream.linear.scatter @!p0 [tilespmem:s10], [sflag:$0x14], $0x1400, $0x38;
	[tilespmem:$0x17C00] =	vst v63  }
0x24d: {  	s7 =	simm.s32 @!p0 $0x10  }
0x24e: {  	_ =	swait.ge @!p0 [sflag:s7], $0x1400  }
0x24f: {  	[sflag:s7] =	ssyncset.done @!p0 $0x0  }
0x250: {  	[sflag:s7] =	ssyncadd.s32 @!p0 $0xFFFFEC00;
	s7 =	simm.s32 $0x0  }
0x251: {  	v0 =	vld [tilespmem:s7+$0x51F0]  }
0x252: {  	v1 =	vld [tilespmem:s7+$0x5000]  }
0x253: {  	v6 =	vld [tilespmem:s7+$0x5080]  }
0x254: {  	v2 =	vld [tilespmem:s7+$0x5010]  }
0x255: {  	v7 =	vld [tilespmem:s7+$0x5090]  }
0x256: {  	v3 =	vld [tilespmem:s7+$0x5020];
	[tilespmem:s7+$0x119F0] =	vst v0  }
0x257: {  	v8 =	vld [tilespmem:s7+$0x50A0];
	[tilespmem:s7+$0x11800] =	vst v1  }
0x258: {  	v4 =	vld [tilespmem:s7+$0x5030];
	[tilespmem:s7+$0x11880] =	vst v6  }
0x259: {  	v5 =	vld [tilespmem:s7+$0x5040];
	[tilespmem:s7+$0x11810] =	vst v2  }
0x25a: {  	v62 =	vld [tilespmem:s7+$0x5070];
	[tilespmem:s7+$0x11890] =	vst v7  }
0x25b: {  	v63 =	vld [tilespmem:s7+$0x5130];
	[tilespmem:s7+$0x11820] =	vst v3  }
0x25c: {  	v6 =	vld [tilespmem:s7+$0x5050];
	[tilespmem:s7+$0x118A0] =	vst v8  }
0x25d: {  	v7 =	vld [tilespmem:s7+$0x5060];
	[tilespmem:s7+$0x11830] =	vst v4  }
0x25e: {  	v0 =	vld [tilespmem:s7+$0x50B0];
	[tilespmem:s7+$0x11840] =	vst v5  }
0x25f: {  	v5 =	vld [tilespmem:s7+$0x5100];
	[tilespmem:s7+$0x11870] =	vst v62  }
0x260: {  	v1 =	vld [tilespmem:s7+$0x50C0];
	[tilespmem:s7+$0x11930] =	vst v63  }
0x261: {  	v2 =	vld [tilespmem:s7+$0x50D0];
	[tilespmem:s7+$0x11850] =	vst v6  }
0x262: {  	v3 =	vld [tilespmem:s7+$0x50E0];
	[tilespmem:s7+$0x11860] =	vst v7  }
0x263: {  	v4 =	vld [tilespmem:s7+$0x50F0];
	[tilespmem:s7+$0x118B0] =	vst v0  }
0x264: {  	v6 =	vld [tilespmem:s7+$0x5110];
	[tilespmem:s7+$0x11900] =	vst v5  }
0x265: {  	v7 =	vld [tilespmem:s7+$0x5120];
	[tilespmem:s7+$0x118C0] =	vst v1  }
0x266: {  	v0 =	vld [tilespmem:s7+$0x5140];
	[tilespmem:s7+$0x118D0] =	vst v2  }
0x267: {  	v1 =	vld [tilespmem:s7+$0x5150];
	[tilespmem:s7+$0x118E0] =	vst v3  }
0x268: {  	v5 =	vld [tilespmem:s7+$0x5160];
	[tilespmem:s7+$0x118F0] =	vst v4  }
0x269: {  	v4 =	vld [tilespmem:s7+$0x5180];
	[tilespmem:s7+$0x11910] =	vst v6  }
0x26a: {  	[tilespmem:s7+$0x11920] =	vst v7;
	v6 =	vld [tilespmem:s7+$0x5170]  }
0x26b: {  	v2 =	vld [tilespmem:s7+$0x5190];
	[tilespmem:s7+$0x11940] =	vst v0  }
0x26c: {  	v0 =	vld [tilespmem:s7+$0x51A0];
	[tilespmem:s7+$0x11950] =	vst v1  }
0x26d: {  	v1 =	vld [tilespmem:s7+$0x51B0];
	[tilespmem:s7+$0x11960] =	vst v5  }
0x26e: {  	v3 =	vld [tilespmem:s7+$0x51C0];
	[tilespmem:s7+$0x11980] =	vst v4  }
0x26f: {  	s9 =	simm.s32 $0x0;
	s10 =	simm.s32 $0x800;
	v4 =	vld [tilespmem:s7+$0x51D0];
	[tilespmem:s7+$0x11970] =	vst v6  }
.LBB2_13:
0x270: {  	s11 =	sshra.s32 s10, $0x2;
	s9 =	sadd.s32 $0x4, s9;
	[tilespmem:s7+$0x11990] =	vst v2;
	v2 =	vld [tilespmem:s7+$0x51E0]  }
0x271: {  	v5 =	vld [tilespmem:s11+$0x51F0];
	p1 =	slt.u32 s9, $0x24;
	[tilespmem:s7+$0x119A0] =	vst v0  }
0x272: {  	v0 =	vld [tilespmem:s11+$0x5000];
	[tilespmem:s7+$0x119B0] =	vst v1  }
0x273: {  	v1 =	vld [tilespmem:s11+$0x5010];
	[tilespmem:s7+$0x119C0] =	vst v3  }
0x274: {  	v3 =	vld [tilespmem:s11+$0x5020];
	[tilespmem:s7+$0x119D0] =	vst v4  }
0x275: {  	v4 =	vld [tilespmem:s11+$0x5030];
	[tilespmem:s7+$0x119E0] =	vst v2;
	s7 =	smov.u32 s11  }
0x276: {  	v2 =	vld [tilespmem:s7+$0x5040];
	[tilespmem:s7+$0x119F0] =	vst v5  }
0x277: {  	[tilespmem:s7+$0x11800] =	vst v0;
	v0 =	vld [tilespmem:s7+$0x5050]  }
0x278: {  	[tilespmem:s7+$0x11810] =	vst v1;
	v1 =	vld [tilespmem:s7+$0x5060]  }
0x279: {  	[tilespmem:s7+$0x11820] =	vst v3;
	v3 =	vld [tilespmem:s7+$0x5070]  }
0x27a: {  	[tilespmem:s7+$0x11830] =	vst v4;
	v4 =	vld [tilespmem:s7+$0x5080]  }
0x27b: {  	[tilespmem:s7+$0x11840] =	vst v2;
	v2 =	vld [tilespmem:s7+$0x5090]  }
0x27c: {  	[tilespmem:s7+$0x11850] =	vst v0;
	v0 =	vld [tilespmem:s7+$0x50A0]  }
0x27d: {  	[tilespmem:s7+$0x11860] =	vst v1;
	v1 =	vld [tilespmem:s7+$0x50B0]  }
0x27e: {  	[tilespmem:s7+$0x11870] =	vst v3;
	v3 =	vld [tilespmem:s7+$0x50C0]  }
0x27f: {  	[tilespmem:s7+$0x11880] =	vst v4;
	v4 =	vld [tilespmem:s7+$0x50D0]  }
0x280: {  	[tilespmem:s7+$0x11890] =	vst v2;
	v2 =	vld [tilespmem:s7+$0x50E0]  }
0x281: {  	[tilespmem:s7+$0x118A0] =	vst v0;
	v0 =	vld [tilespmem:s7+$0x50F0]  }
0x282: {  	[tilespmem:s7+$0x118B0] =	vst v1;
	v1 =	vld [tilespmem:s7+$0x5100]  }
0x283: {  	[tilespmem:s7+$0x118C0] =	vst v3;
	v3 =	vld [tilespmem:s7+$0x5110]  }
0x284: {  	[tilespmem:s7+$0x118D0] =	vst v4;
	v4 =	vld [tilespmem:s7+$0x5120]  }
0x285: {  	[tilespmem:s7+$0x118E0] =	vst v2;
	v2 =	vld [tilespmem:s7+$0x5130]  }
0x286: {  	[tilespmem:s7+$0x118F0] =	vst v0;
	v0 =	vld [tilespmem:s7+$0x5140]  }
0x287: {  	[tilespmem:s7+$0x11900] =	vst v1;
	v1 =	vld [tilespmem:s7+$0x5150]  }
0x288: {  	[tilespmem:s7+$0x11910] =	vst v3;
	v3 =	vld [tilespmem:s7+$0x5160]  }
0x289: {  	[tilespmem:s7+$0x11920] =	vst v4;
	v4 =	vld [tilespmem:s7+$0x5170]  }
0x28a: {  	[tilespmem:s7+$0x11930] =	vst v2;
	v5 =	vld [tilespmem:s7+$0x5180]  }
.Ltmp5:
0x28b: {  	[tilespmem:s7+$0x11940] =	vst v0;
	v2 =	vld [tilespmem:s7+$0x5190];
	(pc) =	sbr.rel @p1 .LBB2_13-.Ltmp5, $4  }
0x28c: {  	[tilespmem:s7+$0x11950] =	vst v1;
	v0 =	vld [tilespmem:s7+$0x51A0]  }
0x28d: {  	[tilespmem:s7+$0x11960] =	vst v3;
	v1 =	vld [tilespmem:s7+$0x51B0]  }
0x28e: {  	[tilespmem:s7+$0x11970] =	vst v4;
	v3 =	vld [tilespmem:s7+$0x51C0]  }
0x28f: {  	s10 =	sadd.s32 $0x800, s10;
	[tilespmem:s7+$0x11980] =	vst v5;
	v4 =	vld [tilespmem:s7+$0x51D0]  }
0x290: {  	[tilespmem:s7+$0x11990] =	vst v2;
	v2 =	vld [tilespmem:s7+$0x51E0]  }
0x291: {  	[tilespmem:s7+$0x119A0] =	vst v0  }
0x292: {  	[tilespmem:s7+$0x119B0] =	vst v1  }
0x293: {  	[tilespmem:s7+$0x119C0] =	vst v3  }
0x294: {  	s3 =	sor.u32 s6, s3;
	[tilespmem:s7+$0x119D0] =	vst v4  }
0x295: {  	s16 =	sadd.s32 $0x280, s14;
	s3 =	smul.u32 $0x6400, s3;
	[tilespmem:s7+$0x119E0] =	vst v2  }
0x296: {  	[tilespmem:s23], [sflag:$0x6] =	stream.indirect.gather.add.f32 [hbm:s1], $0x80, s16, s17, $0xb8;
	[tilespmem:$0x17C00] =	vst v63  }
0x297: {  	_ =	swait.ge [sflag:s24], $0x1400  }
0x298: {  	s3 =	sshrl.u32 s3, $0x3;
	[sflag:s24] =	ssyncset.done $0x0  }
0x299: {  	s3 =	sadd.s32 s4, s3;
	s7 =	simm.s32 @!p0 $0x11;
	[sflag:s24] =	ssyncadd.s32 $0xFFFFEC00  }
0x29a: {  	[hbm4b:s3+s5] =	stream.linear.scatter [tilespmem:s18], [sflag:$0xB], $0x1400, $0x38;
	[tilespmem:$0x17C00] =	vst v63  }
0x29b: {  	_ =	swait.ge @!p0 [sflag:s7], $0x1400  }
0x29c: {  	[sflag:s7] =	ssyncset.done @!p0 $0x0  }
0x29d: {  	[sflag:s7] =	ssyncadd.s32 @!p0 $0xFFFFEC00;
	s7 =	simm.s32 $0x0  }
0x29e: {  	v0 =	vld [tilespmem:s7+$0x65F0]  }
0x29f: {  	v1 =	vld [tilespmem:s7+$0x6400]  }
0x2a0: {  	v6 =	vld [tilespmem:s7+$0x6480]  }
0x2a1: {  	v2 =	vld [tilespmem:s7+$0x6410]  }
0x2a2: {  	v7 =	vld [tilespmem:s7+$0x6490]  }
0x2a3: {  	v3 =	vld [tilespmem:s7+$0x6420];
	[tilespmem:s7+$0x12DF0] =	vst v0  }
0x2a4: {  	v8 =	vld [tilespmem:s7+$0x64A0];
	[tilespmem:s7+$0x12C00] =	vst v1  }
0x2a5: {  	v4 =	vld [tilespmem:s7+$0x6430];
	[tilespmem:s7+$0x12C80] =	vst v6  }
0x2a6: {  	v5 =	vld [tilespmem:s7+$0x6440];
	[tilespmem:s7+$0x12C10] =	vst v2  }
0x2a7: {  	v62 =	vld [tilespmem:s7+$0x6470];
	[tilespmem:s7+$0x12C90] =	vst v7  }
0x2a8: {  	v63 =	vld [tilespmem:s7+$0x6530];
	[tilespmem:s7+$0x12C20] =	vst v3  }
0x2a9: {  	v6 =	vld [tilespmem:s7+$0x6450];
	[tilespmem:s7+$0x12CA0] =	vst v8  }
0x2aa: {  	v7 =	vld [tilespmem:s7+$0x6460];
	[tilespmem:s7+$0x12C30] =	vst v4  }
0x2ab: {  	v0 =	vld [tilespmem:s7+$0x64B0];
	[tilespmem:s7+$0x12C40] =	vst v5  }
0x2ac: {  	v5 =	vld [tilespmem:s7+$0x6500];
	[tilespmem:s7+$0x12C70] =	vst v62  }
0x2ad: {  	v1 =	vld [tilespmem:s7+$0x64C0];
	[tilespmem:s7+$0x12D30] =	vst v63  }
0x2ae: {  	v2 =	vld [tilespmem:s7+$0x64D0];
	[tilespmem:s7+$0x12C50] =	vst v6  }
0x2af: {  	v3 =	vld [tilespmem:s7+$0x64E0];
	[tilespmem:s7+$0x12C60] =	vst v7  }
0x2b0: {  	v4 =	vld [tilespmem:s7+$0x64F0];
	[tilespmem:s7+$0x12CB0] =	vst v0  }
0x2b1: {  	v6 =	vld [tilespmem:s7+$0x6510];
	[tilespmem:s7+$0x12D00] =	vst v5  }
0x2b2: {  	v7 =	vld [tilespmem:s7+$0x6520];
	[tilespmem:s7+$0x12CC0] =	vst v1  }
0x2b3: {  	v0 =	vld [tilespmem:s7+$0x6540];
	[tilespmem:s7+$0x12CD0] =	vst v2  }
0x2b4: {  	v1 =	vld [tilespmem:s7+$0x6550];
	[tilespmem:s7+$0x12CE0] =	vst v3  }
0x2b5: {  	v5 =	vld [tilespmem:s7+$0x6560];
	[tilespmem:s7+$0x12CF0] =	vst v4  }
0x2b6: {  	v4 =	vld [tilespmem:s7+$0x6580];
	[tilespmem:s7+$0x12D10] =	vst v6  }
0x2b7: {  	[tilespmem:s7+$0x12D20] =	vst v7;
	v6 =	vld [tilespmem:s7+$0x6570]  }
0x2b8: {  	v2 =	vld [tilespmem:s7+$0x6590];
	[tilespmem:s7+$0x12D40] =	vst v0  }
0x2b9: {  	v0 =	vld [tilespmem:s7+$0x65A0];
	[tilespmem:s7+$0x12D50] =	vst v1  }
0x2ba: {  	v1 =	vld [tilespmem:s7+$0x65B0];
	[tilespmem:s7+$0x12D60] =	vst v5  }
0x2bb: {  	v3 =	vld [tilespmem:s7+$0x65C0];
	[tilespmem:s7+$0x12D80] =	vst v4  }
0x2bc: {  	s9 =	simm.s32 $0x0;
	s10 =	simm.s32 $0x800;
	v4 =	vld [tilespmem:s7+$0x65D0];
	[tilespmem:s7+$0x12D70] =	vst v6  }
.LBB2_15:
0x2bd: {  	s11 =	sshra.s32 s10, $0x2;
	s9 =	sadd.s32 $0x4, s9;
	[tilespmem:s7+$0x12D90] =	vst v2;
	v2 =	vld [tilespmem:s7+$0x65E0]  }
0x2be: {  	v5 =	vld [tilespmem:s11+$0x65F0];
	p1 =	slt.u32 s9, $0x24;
	[tilespmem:s7+$0x12DA0] =	vst v0  }
0x2bf: {  	v0 =	vld [tilespmem:s11+$0x6400];
	[tilespmem:s7+$0x12DB0] =	vst v1  }
0x2c0: {  	v1 =	vld [tilespmem:s11+$0x6410];
	[tilespmem:s7+$0x12DC0] =	vst v3  }
0x2c1: {  	v3 =	vld [tilespmem:s11+$0x6420];
	[tilespmem:s7+$0x12DD0] =	vst v4  }
0x2c2: {  	v4 =	vld [tilespmem:s11+$0x6430];
	[tilespmem:s7+$0x12DE0] =	vst v2;
	s7 =	smov.u32 s11  }
0x2c3: {  	v2 =	vld [tilespmem:s7+$0x6440];
	[tilespmem:s7+$0x12DF0] =	vst v5  }
0x2c4: {  	[tilespmem:s7+$0x12C00] =	vst v0;
	v0 =	vld [tilespmem:s7+$0x6450]  }
0x2c5: {  	[tilespmem:s7+$0x12C10] =	vst v1;
	v1 =	vld [tilespmem:s7+$0x6460]  }
0x2c6: {  	[tilespmem:s7+$0x12C20] =	vst v3;
	v3 =	vld [tilespmem:s7+$0x6470]  }
0x2c7: {  	[tilespmem:s7+$0x12C30] =	vst v4;
	v4 =	vld [tilespmem:s7+$0x6480]  }
0x2c8: {  	[tilespmem:s7+$0x12C40] =	vst v2;
	v2 =	vld [tilespmem:s7+$0x6490]  }
0x2c9: {  	[tilespmem:s7+$0x12C50] =	vst v0;
	v0 =	vld [tilespmem:s7+$0x64A0]  }
0x2ca: {  	[tilespmem:s7+$0x12C60] =	vst v1;
	v1 =	vld [tilespmem:s7+$0x64B0]  }
0x2cb: {  	[tilespmem:s7+$0x12C70] =	vst v3;
	v3 =	vld [tilespmem:s7+$0x64C0]  }
0x2cc: {  	[tilespmem:s7+$0x12C80] =	vst v4;
	v4 =	vld [tilespmem:s7+$0x64D0]  }
0x2cd: {  	[tilespmem:s7+$0x12C90] =	vst v2;
	v2 =	vld [tilespmem:s7+$0x64E0]  }
0x2ce: {  	[tilespmem:s7+$0x12CA0] =	vst v0;
	v0 =	vld [tilespmem:s7+$0x64F0]  }
0x2cf: {  	[tilespmem:s7+$0x12CB0] =	vst v1;
	v1 =	vld [tilespmem:s7+$0x6500]  }
0x2d0: {  	[tilespmem:s7+$0x12CC0] =	vst v3;
	v3 =	vld [tilespmem:s7+$0x6510]  }
0x2d1: {  	[tilespmem:s7+$0x12CD0] =	vst v4;
	v4 =	vld [tilespmem:s7+$0x6520]  }
0x2d2: {  	[tilespmem:s7+$0x12CE0] =	vst v2;
	v2 =	vld [tilespmem:s7+$0x6530]  }
0x2d3: {  	[tilespmem:s7+$0x12CF0] =	vst v0;
	v0 =	vld [tilespmem:s7+$0x6540]  }
0x2d4: {  	[tilespmem:s7+$0x12D00] =	vst v1;
	v1 =	vld [tilespmem:s7+$0x6550]  }
0x2d5: {  	[tilespmem:s7+$0x12D10] =	vst v3;
	v3 =	vld [tilespmem:s7+$0x6560]  }
0x2d6: {  	[tilespmem:s7+$0x12D20] =	vst v4;
	v4 =	vld [tilespmem:s7+$0x6570]  }
0x2d7: {  	[tilespmem:s7+$0x12D30] =	vst v2;
	v5 =	vld [tilespmem:s7+$0x6580]  }
.Ltmp6:
0x2d8: {  	[tilespmem:s7+$0x12D40] =	vst v0;
	v2 =	vld [tilespmem:s7+$0x6590];
	(pc) =	sbr.rel @p1 .LBB2_15-.Ltmp6, $4  }
0x2d9: {  	[tilespmem:s7+$0x12D50] =	vst v1;
	v0 =	vld [tilespmem:s7+$0x65A0]  }
0x2da: {  	[tilespmem:s7+$0x12D60] =	vst v3;
	v1 =	vld [tilespmem:s7+$0x65B0]  }
0x2db: {  	[tilespmem:s7+$0x12D70] =	vst v4;
	v3 =	vld [tilespmem:s7+$0x65C0]  }
0x2dc: {  	s10 =	sadd.s32 $0x800, s10;
	[tilespmem:s7+$0x12D80] =	vst v5;
	v4 =	vld [tilespmem:s7+$0x65D0]  }
0x2dd: {  	[tilespmem:s7+$0x12D90] =	vst v2;
	v2 =	vld [tilespmem:s7+$0x65E0]  }
0x2de: {  	[tilespmem:s7+$0x12DA0] =	vst v0  }
0x2df: {  	[tilespmem:s7+$0x12DB0] =	vst v1  }
0x2e0: {  	[tilespmem:s7+$0x12DC0] =	vst v3  }
0x2e1: {  	[tilespmem:s7+$0x12DD0] =	vst v4  }
0x2e2: {  	s15 =	sadd.s32 $0x300, s14;
	[tilespmem:s7+$0x12DE0] =	vst v2  }
0x2e3: {  	[tilespmem:s25], [sflag:$0x7] =	stream.indirect.gather.add.f32 [hbm:s1], $0x80, s15, s17, $0xb8;
	[tilespmem:$0x17C00] =	vst v63  }
0x2e4: {  	_ =	swait.ge [sflag:s26], $0x1400  }
0x2e5: {  	[sflag:s26] =	ssyncset.done $0x0  }
0x2e6: {  	s16 =	sadd.s32 $0x280, s3;
	s7 =	simm.s32 @!p0 $0x12;
	[sflag:s26] =	ssyncadd.s32 $0xFFFFEC00  }
0x2e7: {  	[hbm4b:s16+s5] =	stream.linear.scatter [tilespmem:s19], [sflag:$0xC], $0x1400, $0x38;
	[tilespmem:$0x17C00] =	vst v63  }
0x2e8: {  	_ =	swait.ge @!p0 [sflag:s7], $0x1400  }
0x2e9: {  	[sflag:s7] =	ssyncset.done @!p0 $0x0  }
0x2ea: {  	[sflag:s7] =	ssyncadd.s32 @!p0 $0xFFFFEC00;
	s7 =	simm.s32 $0x0  }
0x2eb: {  	v0 =	vld [tilespmem:s7+$0x79F0]  }
0x2ec: {  	v1 =	vld [tilespmem:s7+$0x7800]  }
0x2ed: {  	v6 =	vld [tilespmem:s7+$0x7880]  }
0x2ee: {  	v2 =	vld [tilespmem:s7+$0x7810]  }
0x2ef: {  	v7 =	vld [tilespmem:s7+$0x7890]  }
0x2f0: {  	v3 =	vld [tilespmem:s7+$0x7820];
	[tilespmem:s7+$0x141F0] =	vst v0  }
0x2f1: {  	v8 =	vld [tilespmem:s7+$0x78A0];
	[tilespmem:s7+$0x14000] =	vst v1  }
0x2f2: {  	v4 =	vld [tilespmem:s7+$0x7830];
	[tilespmem:s7+$0x14080] =	vst v6  }
0x2f3: {  	v5 =	vld [tilespmem:s7+$0x7840];
	[tilespmem:s7+$0x14010] =	vst v2  }
0x2f4: {  	v62 =	vld [tilespmem:s7+$0x7870];
	[tilespmem:s7+$0x14090] =	vst v7  }
0x2f5: {  	v63 =	vld [tilespmem:s7+$0x7930];
	[tilespmem:s7+$0x14020] =	vst v3  }
0x2f6: {  	v6 =	vld [tilespmem:s7+$0x7850];
	[tilespmem:s7+$0x140A0] =	vst v8  }
0x2f7: {  	v7 =	vld [tilespmem:s7+$0x7860];
	[tilespmem:s7+$0x14030] =	vst v4  }
0x2f8: {  	v0 =	vld [tilespmem:s7+$0x78B0];
	[tilespmem:s7+$0x14040] =	vst v5  }
0x2f9: {  	v5 =	vld [tilespmem:s7+$0x7900];
	[tilespmem:s7+$0x14070] =	vst v62  }
0x2fa: {  	v1 =	vld [tilespmem:s7+$0x78C0];
	[tilespmem:s7+$0x14130] =	vst v63  }
0x2fb: {  	v2 =	vld [tilespmem:s7+$0x78D0];
	[tilespmem:s7+$0x14050] =	vst v6  }
0x2fc: {  	v3 =	vld [tilespmem:s7+$0x78E0];
	[tilespmem:s7+$0x14060] =	vst v7  }
0x2fd: {  	v4 =	vld [tilespmem:s7+$0x78F0];
	[tilespmem:s7+$0x140B0] =	vst v0  }
0x2fe: {  	v6 =	vld [tilespmem:s7+$0x7910];
	[tilespmem:s7+$0x14100] =	vst v5  }
0x2ff: {  	v7 =	vld [tilespmem:s7+$0x7920];
	[tilespmem:s7+$0x140C0] =	vst v1  }
0x300: {  	v0 =	vld [tilespmem:s7+$0x7940];
	[tilespmem:s7+$0x140D0] =	vst v2  }
0x301: {  	v1 =	vld [tilespmem:s7+$0x7950];
	[tilespmem:s7+$0x140E0] =	vst v3  }
0x302: {  	v5 =	vld [tilespmem:s7+$0x7960];
	[tilespmem:s7+$0x140F0] =	vst v4  }
0x303: {  	v4 =	vld [tilespmem:s7+$0x7980];
	[tilespmem:s7+$0x14110] =	vst v6  }
0x304: {  	[tilespmem:s7+$0x14120] =	vst v7;
	v6 =	vld [tilespmem:s7+$0x7970]  }
0x305: {  	v2 =	vld [tilespmem:s7+$0x7990];
	[tilespmem:s7+$0x14140] =	vst v0  }
0x306: {  	v0 =	vld [tilespmem:s7+$0x79A0];
	[tilespmem:s7+$0x14150] =	vst v1  }
0x307: {  	v1 =	vld [tilespmem:s7+$0x79B0];
	[tilespmem:s7+$0x14160] =	vst v5  }
0x308: {  	v3 =	vld [tilespmem:s7+$0x79C0];
	[tilespmem:s7+$0x14180] =	vst v4  }
0x309: {  	s9 =	simm.s32 $0x0;
	s10 =	simm.s32 $0x800;
	v4 =	vld [tilespmem:s7+$0x79D0];
	[tilespmem:s7+$0x14170] =	vst v6  }
.LBB2_17:
0x30a: {  	s11 =	sshra.s32 s10, $0x2;
	s9 =	sadd.s32 $0x4, s9;
	[tilespmem:s7+$0x14190] =	vst v2;
	v2 =	vld [tilespmem:s7+$0x79E0]  }
0x30b: {  	v5 =	vld [tilespmem:s11+$0x79F0];
	p1 =	slt.u32 s9, $0x24;
	[tilespmem:s7+$0x141A0] =	vst v0  }
0x30c: {  	v0 =	vld [tilespmem:s11+$0x7800];
	[tilespmem:s7+$0x141B0] =	vst v1  }
0x30d: {  	v1 =	vld [tilespmem:s11+$0x7810];
	[tilespmem:s7+$0x141C0] =	vst v3  }
0x30e: {  	v3 =	vld [tilespmem:s11+$0x7820];
	[tilespmem:s7+$0x141D0] =	vst v4  }
0x30f: {  	v4 =	vld [tilespmem:s11+$0x7830];
	[tilespmem:s7+$0x141E0] =	vst v2;
	s7 =	smov.u32 s11  }
0x310: {  	v2 =	vld [tilespmem:s7+$0x7840];
	[tilespmem:s7+$0x141F0] =	vst v5  }
0x311: {  	[tilespmem:s7+$0x14000] =	vst v0;
	v0 =	vld [tilespmem:s7+$0x7850]  }
0x312: {  	[tilespmem:s7+$0x14010] =	vst v1;
	v1 =	vld [tilespmem:s7+$0x7860]  }
0x313: {  	[tilespmem:s7+$0x14020] =	vst v3;
	v3 =	vld [tilespmem:s7+$0x7870]  }
0x314: {  	[tilespmem:s7+$0x14030] =	vst v4;
	v4 =	vld [tilespmem:s7+$0x7880]  }
0x315: {  	[tilespmem:s7+$0x14040] =	vst v2;
	v2 =	vld [tilespmem:s7+$0x7890]  }
0x316: {  	[tilespmem:s7+$0x14050] =	vst v0;
	v0 =	vld [tilespmem:s7+$0x78A0]  }
0x317: {  	[tilespmem:s7+$0x14060] =	vst v1;
	v1 =	vld [tilespmem:s7+$0x78B0]  }
0x318: {  	[tilespmem:s7+$0x14070] =	vst v3;
	v3 =	vld [tilespmem:s7+$0x78C0]  }
0x319: {  	[tilespmem:s7+$0x14080] =	vst v4;
	v4 =	vld [tilespmem:s7+$0x78D0]  }
0x31a: {  	[tilespmem:s7+$0x14090] =	vst v2;
	v2 =	vld [tilespmem:s7+$0x78E0]  }
0x31b: {  	[tilespmem:s7+$0x140A0] =	vst v0;
	v0 =	vld [tilespmem:s7+$0x78F0]  }
0x31c: {  	[tilespmem:s7+$0x140B0] =	vst v1;
	v1 =	vld [tilespmem:s7+$0x7900]  }
0x31d: {  	[tilespmem:s7+$0x140C0] =	vst v3;
	v3 =	vld [tilespmem:s7+$0x7910]  }
0x31e: {  	[tilespmem:s7+$0x140D0] =	vst v4;
	v4 =	vld [tilespmem:s7+$0x7920]  }
0x31f: {  	[tilespmem:s7+$0x140E0] =	vst v2;
	v2 =	vld [tilespmem:s7+$0x7930]  }
0x320: {  	[tilespmem:s7+$0x140F0] =	vst v0;
	v0 =	vld [tilespmem:s7+$0x7940]  }
0x321: {  	[tilespmem:s7+$0x14100] =	vst v1;
	v1 =	vld [tilespmem:s7+$0x7950]  }
0x322: {  	[tilespmem:s7+$0x14110] =	vst v3;
	v3 =	vld [tilespmem:s7+$0x7960]  }
0x323: {  	[tilespmem:s7+$0x14120] =	vst v4;
	v4 =	vld [tilespmem:s7+$0x7970]  }
0x324: {  	[tilespmem:s7+$0x14130] =	vst v2;
	v5 =	vld [tilespmem:s7+$0x7980]  }
.Ltmp7:
0x325: {  	[tilespmem:s7+$0x14140] =	vst v0;
	v2 =	vld [tilespmem:s7+$0x7990];
	(pc) =	sbr.rel @p1 .LBB2_17-.Ltmp7, $4  }
0x326: {  	[tilespmem:s7+$0x14150] =	vst v1;
	v0 =	vld [tilespmem:s7+$0x79A0]  }
0x327: {  	[tilespmem:s7+$0x14160] =	vst v3;
	v1 =	vld [tilespmem:s7+$0x79B0]  }
0x328: {  	[tilespmem:s7+$0x14170] =	vst v4;
	v3 =	vld [tilespmem:s7+$0x79C0]  }
0x329: {  	s10 =	sadd.s32 $0x800, s10;
	[tilespmem:s7+$0x14180] =	vst v5;
	v4 =	vld [tilespmem:s7+$0x79D0]  }
0x32a: {  	[tilespmem:s7+$0x14190] =	vst v2;
	v2 =	vld [tilespmem:s7+$0x79E0]  }
0x32b: {  	[tilespmem:s7+$0x141A0] =	vst v0  }
0x32c: {  	[tilespmem:s7+$0x141B0] =	vst v1  }
0x32d: {  	[tilespmem:s7+$0x141C0] =	vst v3  }
0x32e: {  	[tilespmem:s7+$0x141D0] =	vst v4  }
0x32f: {  	s15 =	sadd.s32 $0x380, s14;
	[tilespmem:s7+$0x141E0] =	vst v2  }
0x330: {  	[tilespmem:s28], [sflag:$0x8] =	stream.indirect.gather.add.f32 [hbm:s1], $0x80, s15, s17, $0xb8;
	[tilespmem:$0x17C00] =	vst v63  }
0x331: {  	_ =	swait.ge [sflag:s29], $0x1400  }
0x332: {  	[sflag:s29] =	ssyncset.done $0x0  }
0x333: {  	s16 =	sadd.s32 $0x500, s3;
	s7 =	simm.s32 @!p0 $0x13;
	[sflag:s29] =	ssyncadd.s32 $0xFFFFEC00  }
0x334: {  	[hbm4b:s16+s5] =	stream.linear.scatter [tilespmem:s20], [sflag:$0xD], $0x1400, $0x38;
	[tilespmem:$0x17C00] =	vst v63  }
0x335: {  	_ =	swait.ge @!p0 [sflag:s7], $0x1400  }
0x336: {  	[sflag:s7] =	ssyncset.done @!p0 $0x0  }
0x337: {  	[sflag:s7] =	ssyncadd.s32 @!p0 $0xFFFFEC00;
	s7 =	simm.s32 $0x0  }
0x338: {  	v0 =	vld [tilespmem:s7+$0x8DF0]  }
0x339: {  	v1 =	vld [tilespmem:s7+$0x8C00]  }
0x33a: {  	v6 =	vld [tilespmem:s7+$0x8C80]  }
0x33b: {  	v2 =	vld [tilespmem:s7+$0x8C10]  }
0x33c: {  	v7 =	vld [tilespmem:s7+$0x8C90]  }
0x33d: {  	v3 =	vld [tilespmem:s7+$0x8C20];
	[tilespmem:s7+$0x155F0] =	vst v0  }
0x33e: {  	v8 =	vld [tilespmem:s7+$0x8CA0];
	[tilespmem:s7+$0x15400] =	vst v1  }
0x33f: {  	v4 =	vld [tilespmem:s7+$0x8C30];
	[tilespmem:s7+$0x15480] =	vst v6  }
0x340: {  	v5 =	vld [tilespmem:s7+$0x8C40];
	[tilespmem:s7+$0x15410] =	vst v2  }
0x341: {  	v62 =	vld [tilespmem:s7+$0x8C70];
	[tilespmem:s7+$0x15490] =	vst v7  }
0x342: {  	v63 =	vld [tilespmem:s7+$0x8D30];
	[tilespmem:s7+$0x15420] =	vst v3  }
0x343: {  	v6 =	vld [tilespmem:s7+$0x8C50];
	[tilespmem:s7+$0x154A0] =	vst v8  }
0x344: {  	v7 =	vld [tilespmem:s7+$0x8C60];
	[tilespmem:s7+$0x15430] =	vst v4  }
0x345: {  	v0 =	vld [tilespmem:s7+$0x8CB0];
	[tilespmem:s7+$0x15440] =	vst v5  }
0x346: {  	v5 =	vld [tilespmem:s7+$0x8D00];
	[tilespmem:s7+$0x15470] =	vst v62  }
0x347: {  	v1 =	vld [tilespmem:s7+$0x8CC0];
	[tilespmem:s7+$0x15530] =	vst v63  }
0x348: {  	v2 =	vld [tilespmem:s7+$0x8CD0];
	[tilespmem:s7+$0x15450] =	vst v6  }
0x349: {  	v3 =	vld [tilespmem:s7+$0x8CE0];
	[tilespmem:s7+$0x15460] =	vst v7  }
0x34a: {  	v4 =	vld [tilespmem:s7+$0x8CF0];
	[tilespmem:s7+$0x154B0] =	vst v0  }
0x34b: {  	v6 =	vld [tilespmem:s7+$0x8D10];
	[tilespmem:s7+$0x15500] =	vst v5  }
0x34c: {  	v7 =	vld [tilespmem:s7+$0x8D20];
	[tilespmem:s7+$0x154C0] =	vst v1  }
0x34d: {  	v0 =	vld [tilespmem:s7+$0x8D40];
	[tilespmem:s7+$0x154D0] =	vst v2  }
0x34e: {  	v1 =	vld [tilespmem:s7+$0x8D50];
	[tilespmem:s7+$0x154E0] =	vst v3  }
0x34f: {  	v5 =	vld [tilespmem:s7+$0x8D60];
	[tilespmem:s7+$0x154F0] =	vst v4  }
0x350: {  	v4 =	vld [tilespmem:s7+$0x8D80];
	[tilespmem:s7+$0x15510] =	vst v6  }
0x351: {  	[tilespmem:s7+$0x15520] =	vst v7;
	v6 =	vld [tilespmem:s7+$0x8D70]  }
0x352: {  	v2 =	vld [tilespmem:s7+$0x8D90];
	[tilespmem:s7+$0x15540] =	vst v0  }
0x353: {  	v0 =	vld [tilespmem:s7+$0x8DA0];
	[tilespmem:s7+$0x15550] =	vst v1  }
0x354: {  	v1 =	vld [tilespmem:s7+$0x8DB0];
	[tilespmem:s7+$0x15560] =	vst v5  }
0x355: {  	v3 =	vld [tilespmem:s7+$0x8DC0];
	[tilespmem:s7+$0x15580] =	vst v4  }
0x356: {  	s9 =	simm.s32 $0x0;
	s10 =	simm.s32 $0x800;
	v4 =	vld [tilespmem:s7+$0x8DD0];
	[tilespmem:s7+$0x15570] =	vst v6  }
.LBB2_19:
0x357: {  	s11 =	sshra.s32 s10, $0x2;
	s9 =	sadd.s32 $0x4, s9;
	[tilespmem:s7+$0x15590] =	vst v2;
	v2 =	vld [tilespmem:s7+$0x8DE0]  }
0x358: {  	v5 =	vld [tilespmem:s11+$0x8DF0];
	p1 =	slt.u32 s9, $0x24;
	[tilespmem:s7+$0x155A0] =	vst v0  }
0x359: {  	v0 =	vld [tilespmem:s11+$0x8C00];
	[tilespmem:s7+$0x155B0] =	vst v1  }
0x35a: {  	v1 =	vld [tilespmem:s11+$0x8C10];
	[tilespmem:s7+$0x155C0] =	vst v3  }
0x35b: {  	v3 =	vld [tilespmem:s11+$0x8C20];
	[tilespmem:s7+$0x155D0] =	vst v4  }
0x35c: {  	v4 =	vld [tilespmem:s11+$0x8C30];
	[tilespmem:s7+$0x155E0] =	vst v2;
	s7 =	smov.u32 s11  }
0x35d: {  	v2 =	vld [tilespmem:s7+$0x8C40];
	[tilespmem:s7+$0x155F0] =	vst v5  }
0x35e: {  	[tilespmem:s7+$0x15400] =	vst v0;
	v0 =	vld [tilespmem:s7+$0x8C50]  }
0x35f: {  	[tilespmem:s7+$0x15410] =	vst v1;
	v1 =	vld [tilespmem:s7+$0x8C60]  }
0x360: {  	[tilespmem:s7+$0x15420] =	vst v3;
	v3 =	vld [tilespmem:s7+$0x8C70]  }
0x361: {  	[tilespmem:s7+$0x15430] =	vst v4;
	v4 =	vld [tilespmem:s7+$0x8C80]  }
0x362: {  	[tilespmem:s7+$0x15440] =	vst v2;
	v2 =	vld [tilespmem:s7+$0x8C90]  }
0x363: {  	[tilespmem:s7+$0x15450] =	vst v0;
	v0 =	vld [tilespmem:s7+$0x8CA0]  }
0x364: {  	[tilespmem:s7+$0x15460] =	vst v1;
	v1 =	vld [tilespmem:s7+$0x8CB0]  }
0x365: {  	[tilespmem:s7+$0x15470] =	vst v3;
	v3 =	vld [tilespmem:s7+$0x8CC0]  }
0x366: {  	[tilespmem:s7+$0x15480] =	vst v4;
	v4 =	vld [tilespmem:s7+$0x8CD0]  }
0x367: {  	[tilespmem:s7+$0x15490] =	vst v2;
	v2 =	vld [tilespmem:s7+$0x8CE0]  }
0x368: {  	[tilespmem:s7+$0x154A0] =	vst v0;
	v0 =	vld [tilespmem:s7+$0x8CF0]  }
0x369: {  	[tilespmem:s7+$0x154B0] =	vst v1;
	v1 =	vld [tilespmem:s7+$0x8D00]  }
0x36a: {  	[tilespmem:s7+$0x154C0] =	vst v3;
	v3 =	vld [tilespmem:s7+$0x8D10]  }
0x36b: {  	[tilespmem:s7+$0x154D0] =	vst v4;
	v4 =	vld [tilespmem:s7+$0x8D20]  }
0x36c: {  	[tilespmem:s7+$0x154E0] =	vst v2;
	v2 =	vld [tilespmem:s7+$0x8D30]  }
0x36d: {  	[tilespmem:s7+$0x154F0] =	vst v0;
	v0 =	vld [tilespmem:s7+$0x8D40]  }
0x36e: {  	[tilespmem:s7+$0x15500] =	vst v1;
	v1 =	vld [tilespmem:s7+$0x8D50]  }
0x36f: {  	[tilespmem:s7+$0x15510] =	vst v3;
	v3 =	vld [tilespmem:s7+$0x8D60]  }
0x370: {  	[tilespmem:s7+$0x15520] =	vst v4;
	v4 =	vld [tilespmem:s7+$0x8D70]  }
0x371: {  	[tilespmem:s7+$0x15530] =	vst v2;
	v5 =	vld [tilespmem:s7+$0x8D80]  }
.Ltmp8:
0x372: {  	[tilespmem:s7+$0x15540] =	vst v0;
	v2 =	vld [tilespmem:s7+$0x8D90];
	(pc) =	sbr.rel @p1 .LBB2_19-.Ltmp8, $4  }
0x373: {  	[tilespmem:s7+$0x15550] =	vst v1;
	v0 =	vld [tilespmem:s7+$0x8DA0]  }
0x374: {  	[tilespmem:s7+$0x15560] =	vst v3;
	v1 =	vld [tilespmem:s7+$0x8DB0]  }
0x375: {  	[tilespmem:s7+$0x15570] =	vst v4;
	v3 =	vld [tilespmem:s7+$0x8DC0]  }
0x376: {  	s10 =	sadd.s32 $0x800, s10;
	[tilespmem:s7+$0x15580] =	vst v5;
	v4 =	vld [tilespmem:s7+$0x8DD0]  }
0x377: {  	[tilespmem:s7+$0x15590] =	vst v2;
	v2 =	vld [tilespmem:s7+$0x8DE0]  }
0x378: {  	[tilespmem:s7+$0x155A0] =	vst v0  }
0x379: {  	[tilespmem:s7+$0x155B0] =	vst v1  }
0x37a: {  	[tilespmem:s7+$0x155C0] =	vst v3  }
0x37b: {  	[tilespmem:s7+$0x155D0] =	vst v4  }
0x37c: {  	s15 =	sadd.s32 $0x400, s14;
	[tilespmem:s7+$0x155E0] =	vst v2  }
0x37d: {  	[tilespmem:s30], [sflag:$0x9] =	stream.indirect.gather.add.f32 [hbm:s1], $0x80, s15, s17, $0xb8;
	[tilespmem:$0x17C00] =	vst v63  }
0x37e: {  	_ =	swait.ge [sflag:s31], $0x1400  }
0x37f: {  	[sflag:s31] =	ssyncset.done $0x0  }
0x380: {  	s16 =	sadd.s32 $0x780, s3;
	s7 =	simm.s32 @!p0 $0x14;
	[sflag:s31] =	ssyncadd.s32 $0xFFFFEC00  }
0x381: {  	[hbm4b:s16+s5] =	stream.linear.scatter [tilespmem:s21], [sflag:$0xE], $0x1400, $0x38;
	[tilespmem:$0x17C00] =	vst v63  }
0x382: {  	_ =	swait.ge @!p0 [sflag:s7], $0x1400  }
0x383: {  	[sflag:s7] =	ssyncset.done @!p0 $0x0  }
0x384: {  	[sflag:s7] =	ssyncadd.s32 @!p0 $0xFFFFEC00;
	s7 =	simm.s32 $0x0  }
0x385: {  	v0 =	vld [tilespmem:s7+$0xA1F0]  }
0x386: {  	v1 =	vld [tilespmem:s7+$0xA000]  }
0x387: {  	v6 =	vld [tilespmem:s7+$0xA080]  }
0x388: {  	v2 =	vld [tilespmem:s7+$0xA010]  }
0x389: {  	v7 =	vld [tilespmem:s7+$0xA090]  }
0x38a: {  	v3 =	vld [tilespmem:s7+$0xA020];
	[tilespmem:s7+$0x169F0] =	vst v0  }
0x38b: {  	v8 =	vld [tilespmem:s7+$0xA0A0];
	[tilespmem:s7+$0x16800] =	vst v1  }
0x38c: {  	v4 =	vld [tilespmem:s7+$0xA030];
	[tilespmem:s7+$0x16880] =	vst v6  }
0x38d: {  	v5 =	vld [tilespmem:s7+$0xA040];
	[tilespmem:s7+$0x16810] =	vst v2  }
0x38e: {  	v62 =	vld [tilespmem:s7+$0xA070];
	[tilespmem:s7+$0x16890] =	vst v7  }
0x38f: {  	v63 =	vld [tilespmem:s7+$0xA130];
	[tilespmem:s7+$0x16820] =	vst v3  }
0x390: {  	v6 =	vld [tilespmem:s7+$0xA050];
	[tilespmem:s7+$0x168A0] =	vst v8  }
0x391: {  	v7 =	vld [tilespmem:s7+$0xA060];
	[tilespmem:s7+$0x16830] =	vst v4  }
0x392: {  	v0 =	vld [tilespmem:s7+$0xA0B0];
	[tilespmem:s7+$0x16840] =	vst v5  }
0x393: {  	v5 =	vld [tilespmem:s7+$0xA100];
	[tilespmem:s7+$0x16870] =	vst v62  }
0x394: {  	v1 =	vld [tilespmem:s7+$0xA0C0];
	[tilespmem:s7+$0x16930] =	vst v63  }
0x395: {  	v2 =	vld [tilespmem:s7+$0xA0D0];
	[tilespmem:s7+$0x16850] =	vst v6  }
0x396: {  	v3 =	vld [tilespmem:s7+$0xA0E0];
	[tilespmem:s7+$0x16860] =	vst v7  }
0x397: {  	v4 =	vld [tilespmem:s7+$0xA0F0];
	[tilespmem:s7+$0x168B0] =	vst v0  }
0x398: {  	v6 =	vld [tilespmem:s7+$0xA110];
	[tilespmem:s7+$0x16900] =	vst v5  }
0x399: {  	v7 =	vld [tilespmem:s7+$0xA120];
	[tilespmem:s7+$0x168C0] =	vst v1  }
0x39a: {  	v0 =	vld [tilespmem:s7+$0xA140];
	[tilespmem:s7+$0x168D0] =	vst v2  }
0x39b: {  	v1 =	vld [tilespmem:s7+$0xA150];
	[tilespmem:s7+$0x168E0] =	vst v3  }
0x39c: {  	v5 =	vld [tilespmem:s7+$0xA160];
	[tilespmem:s7+$0x168F0] =	vst v4  }
0x39d: {  	v4 =	vld [tilespmem:s7+$0xA180];
	[tilespmem:s7+$0x16910] =	vst v6  }
0x39e: {  	[tilespmem:s7+$0x16920] =	vst v7;
	v6 =	vld [tilespmem:s7+$0xA170]  }
0x39f: {  	v2 =	vld [tilespmem:s7+$0xA190];
	[tilespmem:s7+$0x16940] =	vst v0  }
0x3a0: {  	v0 =	vld [tilespmem:s7+$0xA1A0];
	[tilespmem:s7+$0x16950] =	vst v1  }
0x3a1: {  	v1 =	vld [tilespmem:s7+$0xA1B0];
	[tilespmem:s7+$0x16960] =	vst v5  }
0x3a2: {  	v3 =	vld [tilespmem:s7+$0xA1C0];
	[tilespmem:s7+$0x16980] =	vst v4  }
0x3a3: {  	s9 =	simm.s32 $0x0;
	s10 =	simm.s32 $0x800;
	v4 =	vld [tilespmem:s7+$0xA1D0];
	[tilespmem:s7+$0x16970] =	vst v6  }
.LBB2_21:
0x3a4: {  	s11 =	sshra.s32 s10, $0x2;
	s9 =	sadd.s32 $0x4, s9;
	[tilespmem:s7+$0x16990] =	vst v2;
	v2 =	vld [tilespmem:s7+$0xA1E0]  }
0x3a5: {  	v5 =	vld [tilespmem:s11+$0xA1F0];
	p0 =	slt.u32 s9, $0x24;
	[tilespmem:s7+$0x169A0] =	vst v0  }
0x3a6: {  	v0 =	vld [tilespmem:s11+$0xA000];
	[tilespmem:s7+$0x169B0] =	vst v1  }
0x3a7: {  	v1 =	vld [tilespmem:s11+$0xA010];
	[tilespmem:s7+$0x169C0] =	vst v3  }
0x3a8: {  	v3 =	vld [tilespmem:s11+$0xA020];
	[tilespmem:s7+$0x169D0] =	vst v4  }
0x3a9: {  	v4 =	vld [tilespmem:s11+$0xA030];
	[tilespmem:s7+$0x169E0] =	vst v2;
	s7 =	smov.u32 s11  }
0x3aa: {  	v2 =	vld [tilespmem:s7+$0xA040];
	[tilespmem:s7+$0x169F0] =	vst v5  }
0x3ab: {  	[tilespmem:s7+$0x16800] =	vst v0;
	v0 =	vld [tilespmem:s7+$0xA050]  }
0x3ac: {  	[tilespmem:s7+$0x16810] =	vst v1;
	v1 =	vld [tilespmem:s7+$0xA060]  }
0x3ad: {  	[tilespmem:s7+$0x16820] =	vst v3;
	v3 =	vld [tilespmem:s7+$0xA070]  }
0x3ae: {  	[tilespmem:s7+$0x16830] =	vst v4;
	v4 =	vld [tilespmem:s7+$0xA080]  }
0x3af: {  	[tilespmem:s7+$0x16840] =	vst v2;
	v2 =	vld [tilespmem:s7+$0xA090]  }
0x3b0: {  	[tilespmem:s7+$0x16850] =	vst v0;
	v0 =	vld [tilespmem:s7+$0xA0A0]  }
0x3b1: {  	[tilespmem:s7+$0x16860] =	vst v1;
	v1 =	vld [tilespmem:s7+$0xA0B0]  }
0x3b2: {  	[tilespmem:s7+$0x16870] =	vst v3;
	v3 =	vld [tilespmem:s7+$0xA0C0]  }
0x3b3: {  	[tilespmem:s7+$0x16880] =	vst v4;
	v4 =	vld [tilespmem:s7+$0xA0D0]  }
0x3b4: {  	[tilespmem:s7+$0x16890] =	vst v2;
	v2 =	vld [tilespmem:s7+$0xA0E0]  }
0x3b5: {  	[tilespmem:s7+$0x168A0] =	vst v0;
	v0 =	vld [tilespmem:s7+$0xA0F0]  }
0x3b6: {  	[tilespmem:s7+$0x168B0] =	vst v1;
	v1 =	vld [tilespmem:s7+$0xA100]  }
0x3b7: {  	[tilespmem:s7+$0x168C0] =	vst v3;
	v3 =	vld [tilespmem:s7+$0xA110]  }
0x3b8: {  	[tilespmem:s7+$0x168D0] =	vst v4;
	v4 =	vld [tilespmem:s7+$0xA120]  }
0x3b9: {  	[tilespmem:s7+$0x168E0] =	vst v2;
	v2 =	vld [tilespmem:s7+$0xA130]  }
0x3ba: {  	[tilespmem:s7+$0x168F0] =	vst v0;
	v0 =	vld [tilespmem:s7+$0xA140]  }
0x3bb: {  	[tilespmem:s7+$0x16900] =	vst v1;
	v1 =	vld [tilespmem:s7+$0xA150]  }
0x3bc: {  	[tilespmem:s7+$0x16910] =	vst v3;
	v3 =	vld [tilespmem:s7+$0xA160]  }
0x3bd: {  	[tilespmem:s7+$0x16920] =	vst v4;
	v4 =	vld [tilespmem:s7+$0xA170]  }
0x3be: {  	[tilespmem:s7+$0x16930] =	vst v2;
	v5 =	vld [tilespmem:s7+$0xA180]  }
.Ltmp9:
0x3bf: {  	[tilespmem:s7+$0x16940] =	vst v0;
	v2 =	vld [tilespmem:s7+$0xA190];
	(pc) =	sbr.rel @p0 .LBB2_21-.Ltmp9, $4  }
0x3c0: {  	[tilespmem:s7+$0x16950] =	vst v1;
	v0 =	vld [tilespmem:s7+$0xA1A0]  }
0x3c1: {  	[tilespmem:s7+$0x16960] =	vst v3;
	v1 =	vld [tilespmem:s7+$0xA1B0]  }
0x3c2: {  	[tilespmem:s7+$0x16970] =	vst v4;
	v3 =	vld [tilespmem:s7+$0xA1C0]  }
0x3c3: {  	s10 =	sadd.s32 $0x800, s10;
	[tilespmem:s7+$0x16980] =	vst v5;
	v4 =	vld [tilespmem:s7+$0xA1D0]  }
0x3c4: {  	[tilespmem:s7+$0x16990] =	vst v2;
	v63 =	vld [tilespmem:s7+$0xA1E0]  }
0x3c5: {  	[tilespmem:s7+$0x169A0] =	vst v0  }
0x3c6: {  	[tilespmem:s7+$0x169B0] =	vst v1  }
0x3c7: {  	[tilespmem:s7+$0x169C0] =	vst v3  }
0x3c8: {  	s13 =	sadd.s32 $0x1, s13;
	[tilespmem:s7+$0x169D0] =	vst v4  }
0x3c9: {  	s16 =	sadd.s32 $0x480, s14;
	p0 =	sne.s32 s13, $0x10;
	[tilespmem:s7+$0x169E0] =	vst v63  }
0x3ca: {  	[tilespmem:s2], [sflag:$0xA] =	stream.indirect.gather.add.f32 [hbm:s1], $0x80, s16, s17, $0xb8;
	[tilespmem:$0x17C00] =	vst v63  }
.Ltmp10:
0x3cb: {  	_ = 	snop;
	(pc) =	sbr.rel @p0 .LBB2_2-.Ltmp10, $4  }
0x3cc: {  	_ =	swait.ge [sflag:s0], $0x1400  }
0x3cd: {  	[sflag:s0] =	ssyncset.done $0x0  }
0x3ce: {  	s3 =	sadd.s32 $0xA00, s3;
	[sflag:s0] =	ssyncadd.s32 $0xFFFFEC00  }
0x3cf: {  	[hbm4b:s3+s5] =	stream.linear.scatter [tilespmem:s22], [sflag:$0xF], $0x1400, $0x38;
	[tilespmem:$0x17C00] =	vst v63  }
0x3d0: {  	s3 =	simm.s32 $0x6  }
0x3d1: {  	_ =	swait.ge [sflag:s3], $0x1400  }
0x3d2: {  	[sflag:s3] =	ssyncset.done $0x0  }
0x3d3: {  	s15 =	simm.s32 $0x7;
	s14 =	rddreg [dreg:$0x6];
	[sflag:s3] =	ssyncadd.s32 $0xFFFFEC00  }
0x3d4: {  	[hbm4b:s14+s5] =	stream.linear.scatter [tilespmem:s23], [sflag:$0x10], $0x1400, $0x38;
	[tilespmem:$0x17C00] =	vst v63  }
0x3d5: {  	_ =	swait.ge [sflag:s15], $0x1400  }
0x3d6: {  	[sflag:s15] =	ssyncset.done $0x0  }
0x3d7: {  	s7 =	simm.s32 $0x8;
	s16 =	rddreg [dreg:$0x7];
	[sflag:s15] =	ssyncadd.s32 $0xFFFFEC00  }
0x3d8: {  	[hbm4b:s16+s5] =	stream.linear.scatter [tilespmem:s25], [sflag:$0x11], $0x1400, $0x38;
	[tilespmem:$0x17C00] =	vst v63  }
0x3d9: {  	_ =	swait.ge [sflag:s7], $0x1400  }
0x3da: {  	[sflag:s7] =	ssyncset.done $0x0  }
0x3db: {  	s10 =	simm.s32 $0x9;
	s9 =	rddreg [dreg:$0x8];
	[sflag:s7] =	ssyncadd.s32 $0xFFFFEC00  }
0x3dc: {  	[hbm4b:s9+s5] =	stream.linear.scatter [tilespmem:s28], [sflag:$0x12], $0x1400, $0x38;
	[tilespmem:$0x17C00] =	vst v63  }
0x3dd: {  	_ =	swait.ge [sflag:s10], $0x1400  }
0x3de: {  	[sflag:s10] =	ssyncset.done $0x0  }
0x3df: {  	s13 =	simm.s32 $0xA;
	s11 =	rddreg [dreg:$0x9];
	[sflag:s10] =	ssyncadd.s32 $0xFFFFEC00  }
0x3e0: {  	[hbm4b:s11+s5] =	stream.linear.scatter [tilespmem:s30], [sflag:$0x13], $0x1400, $0x38;
	[tilespmem:$0x17C00] =	vst v63  }
0x3e1: {  	_ =	swait.ge [sflag:s13], $0x1400  }
0x3e2: {  	[sflag:s13] =	ssyncset.done $0x0  }
0x3e3: {  	s15 =	simm.s32 $0xB;
	s14 =	rddreg [dreg:$0xa];
	[sflag:s13] =	ssyncadd.s32 $0xFFFFEC00  }
0x3e4: {  	[hbm4b:s14+s5] =	stream.linear.scatter [tilespmem:s2], [sflag:$0x14], $0x1400, $0x38;
	[tilespmem:$0x17C00] =	vst v63  }
0x3e5: {  	_ =	swait.ge [sflag:s15], $0x1400  }
0x3e6: {  	[sflag:s15] =	ssyncset.done $0x0  }
0x3e7: {  	s16 =	simm.s32 $0xC;
	[sflag:s15] =	ssyncadd.s32 $0xFFFFEC00  }
0x3e8: {  	_ =	swait.ge [sflag:s16], $0x1400  }
0x3e9: {  	[sflag:s16] =	ssyncset.done $0x0  }
0x3ea: {  	s7 =	simm.s32 $0xD;
	[sflag:s16] =	ssyncadd.s32 $0xFFFFEC00  }
0x3eb: {  	_ =	swait.ge [sflag:s7], $0x1400  }
0x3ec: {  	[sflag:s7] =	ssyncset.done $0x0  }
0x3ed: {  	s9 =	simm.s32 $0xE;
	[sflag:s7] =	ssyncadd.s32 $0xFFFFEC00  }
0x3ee: {  	_ =	swait.ge [sflag:s9], $0x1400  }
0x3ef: {  	[sflag:s9] =	ssyncset.done $0x0  }
0x3f0: {  	s10 =	simm.s32 $0xF;
	[sflag:s9] =	ssyncadd.s32 $0xFFFFEC00  }
0x3f1: {  	_ =	swait.ge [sflag:s10], $0x1400  }
0x3f2: {  	[sflag:s10] =	ssyncset.done $0x0  }
0x3f3: {  	s11 =	simm.s32 $0x10;
	[sflag:s10] =	ssyncadd.s32 $0xFFFFEC00  }
0x3f4: {  	_ =	swait.ge [sflag:s11], $0x1400  }
0x3f5: {  	[sflag:s11] =	ssyncset.done $0x0  }
0x3f6: {  	s13 =	simm.s32 $0x11;
	[sflag:s11] =	ssyncadd.s32 $0xFFFFEC00  }
0x3f7: {  	_ =	swait.ge [sflag:s13], $0x1400  }
0x3f8: {  	[sflag:s13] =	ssyncset.done $0x0  }
0x3f9: {  	s14 =	simm.s32 $0x12;
	[sflag:s13] =	ssyncadd.s32 $0xFFFFEC00  }
0x3fa: {  	_ =	swait.ge [sflag:s14], $0x1400  }
0x3fb: {  	[sflag:s14] =	ssyncset.done $0x0  }
0x3fc: {  	s15 =	simm.s32 $0x13;
	[sflag:s14] =	ssyncadd.s32 $0xFFFFEC00  }
0x3fd: {  	_ =	swait.ge [sflag:s15], $0x1400  }
0x3fe: {  	[sflag:s15] =	ssyncset.done $0x0  }
0x3ff: {  	s7 =	simm.s32 $0x14;
	[sflag:s15] =	ssyncadd.s32 $0xFFFFEC00  }
0x400: {  	_ =	swait.ge [sflag:s7], $0x1400  }
0x401: {  	s12 =	sadd.s32 $0x1, s12;
	s16 =	rddreg [dreg:$0xb]  }
0x402: {  	p0 =	sne.s32 s12, s16  }
.Ltmp11:
0x403: {  	_ = 	snop;
	(pc) =	sbr.rel @p0 .LBB2_1-.Ltmp11, $3  }
0x404: {  	_ =	sdelay $0x1  }
0x405: {  	[sflag:s7] =	ssyncset.done $0x0  }
0x406: {  	[sflag:s7] =	ssyncadd.s32 $0xFFFFEC00  }
0x407: {  	_ =	sfence.sel $0x180000  }
0x408: {  	[bflag:$0x0] =	sbarrier.arrive $0xFFFF  }
0x409: {  	_ =	strace $0x90000047  }
0x40a: {  	s0 =	stileid.u32;
	[bflag:$0x2] =	sbarrier.arrive $0xFFFF  }
0x40b: {  	p0 =	sne.s32 s0, $0x0;
	s0 =	rddreg [dreg:$0x4]  }
0x40c: {  	s0 =	sadd.s32 @!p0 $0x100000, s0  }
0x40d: {  	[sflag:s0] =	ssyncadd.tile.s32 @!p0 $0x1;
	_ =	shalt  }
.Lfunc_end2:
_tile_overlayer_lowered:
.L_overlay_start_2:
0x40e: {  	(tag) =	ssettag $0x2  }
0x40f: {  	s0 =	rddreg [dreg:$0x0];
	s2 =	stileid.u32  }
0x410: {  	s1 =	rddreg [dreg:$0x1];
	p0 =	sne.s32 s2, $0x0  }
0x411: {  	s3 =	rddreg [dreg:$0x2];
	[bflag:$0x3] =	sbarrier.arrive $0xFFFF;
	s2 =	simm.s32 @!p0 $0x1C15  }
0x412: {  	[timem:s3], [sflag:s2] =	dma.local @!p0 [hbm:s0], s1  }
0x413: {  	s0 =	simm.s32 @!p0 $0x15  }
0x414: {  	_ =	swait.ge @!p0 [sflag:s0], s1  }
0x415: {  	s1 =	ssub.s32 @!p0 $0x0, s1;
	[sflag:s0] =	ssyncset.done @!p0 $0x0  }
0x416: {  	[sflag:s0] =	ssyncadd.s32 @!p0 s1  }
0x417: {  	[bflag:$0x3] =	sbarrier.arrive $0xFFFF  }
0x418: {  	_ =	shalt  }

</sc_bundles>
